<compile_context>
chip_gen: v7x
topology: tpu7x:2x2x1
jax: 0.10.2.dev20260603
libtpu: 0.0.44.dev20260713+nightly
codegen_flags: <defaults>
</compile_context>

<pallas_src>
import jax
import jax.numpy as jnp
from jax import lax
from jax.experimental import pallas as pl
from jax.experimental.pallas import tpu as pltpu, tpu_sc as plsc

NC = 2
NS = 16
NW = NC * NS
L = 16

M = 500000
D = 64
B = 65536
DP = 128

ROWS_MAIN = 15616
ROWS_LAST = M - (NW - 1) * ROWS_MAIN
W = 488
NWIN = ROWS_MAIN // W
TAIL = ROWS_LAST - ROWS_MAIN
MAPN = ROWS_LAST
P1_BUF = 2048
GB = 16
LISTN = W + GB

_mesh = plsc.VectorSubcoreMesh(core_axis_name="c", subcore_axis_name="s")


def _apply_updates(win_v, stag_v, listr, listw, n_upd, valp_h, sem_g):
    nb = lax.div(n_upd + (GB - 1), GB)

    @pl.loop(0, nb)
    def _super(sb):
        pltpu.async_copy(
            valp_h.at[listw.at[pl.ds(sb * GB, GB)]], stag_v, sem_g
        ).wait()
        for g in range(GB // L):
            r16 = listr[pl.ds(sb * GB + g * L, L)]
            for lane in range(L):
                r = r16[lane]
                u = g * L + lane
                for t in range(D // L):
                    sl = pl.ds(t * L, L)
                    win_v[r, sl] = 0.5 * (win_v[r, sl] + stag_v[u, sl])


def _sc_body(mem_h, idx_h, valp_h, out_h, map_v, idx_buf, win_v, stag_v,
             listr, listw, sem_in, sem_out, sem_g):
    s = lax.axis_index("s")
    c = lax.axis_index("c")
    wid = s * NC + c
    last = wid == (NW - 1)
    lo = wid * ROWS_MAIN
    span = jnp.where(last, ROWS_LAST, ROWS_MAIN)

    @pl.loop(0, MAPN // L)
    def _init(j):
        map_v[pl.ds(j * L, L)] = jnp.full((L,), -1, jnp.int32)

    @pl.loop(0, B // P1_BUF)
    def _scan(o):
        pltpu.sync_copy(idx_h.at[pl.ds(o * P1_BUF, P1_BUF)], idx_buf)

        @pl.loop(0, P1_BUF // L)
        def _vec(j):
            iv = idx_buf[pl.ds(j * L, L)]
            pos = o * P1_BUF + j * L + lax.iota(jnp.int32, L)
            local = iv - lo
            mask = (local >= 0) & (local < span)
            safe = jnp.where(mask, local, 0)
            cur = plsc.load_gather(map_v, [safe], mask=mask)
            plsc.store_scatter(map_v, [safe], jnp.maximum(cur, pos), mask=mask)

    def _do_window(w0, wlen, nvec):
        pltpu.async_copy(
            mem_h.at[pl.ds(lo + w0, wlen)], win_v.at[pl.ds(0, wlen)], sem_in
        ).wait()

        def _compact(j, cur):
            w16 = map_v[pl.ds(w0 + j * L, L)]
            r16 = j * L + lax.iota(jnp.int32, L)
            mask = (w16 >= 0) & (r16 < wlen)
            plsc.store_compressed(listw.at[pl.ds(cur, L)], w16, mask=mask)
            plsc.store_compressed(listr.at[pl.ds(cur, L)], r16, mask=mask)
            return cur + jnp.sum(mask.astype(jnp.int32))

        n_upd = lax.fori_loop(0, nvec, _compact, jnp.int32(0))

        dummy = jnp.full((L,), W, jnp.int32)
        for t in range(GB // L):
            spread = wid * (B // NW) + t * L + lax.iota(jnp.int32, L)
            listw[pl.ds(n_upd + t * L, L)] = spread
            listr[pl.ds(n_upd + t * L, L)] = dummy

        _apply_updates(win_v, stag_v, listr, listw, n_upd, valp_h, sem_g)

        pltpu.async_copy(
            win_v.at[pl.ds(0, wlen)], out_h.at[pl.ds(lo + w0, wlen)], sem_out
        ).wait()

    @pl.loop(0, NWIN)
    def _win(k):
        _do_window(k * W, W, -(-W // L))

    @pl.when(last)
    def _tail():
        _do_window(NWIN * W, TAIL, -(-TAIL // L))



_sc_unpool = pl.kernel(
    _sc_body,
    out_type=jax.ShapeDtypeStruct((M, D), jnp.float32),
    mesh=_mesh,
    compiler_params=pltpu.CompilerParams(needs_layout_passes=False),
    scratch_types=[
        pltpu.VMEM((MAPN,), jnp.int32),
        pltpu.VMEM((P1_BUF,), jnp.int32),
        pltpu.VMEM((W + 1, D), jnp.float32),
        pltpu.VMEM((GB, DP), jnp.float32),
        pltpu.VMEM((LISTN,), jnp.int32),
        pltpu.VMEM((LISTN,), jnp.int32),
        pltpu.SemaphoreType.DMA,
        pltpu.SemaphoreType.DMA,
        pltpu.SemaphoreType.DMA,
    ],
)


def kernel(mem, idx, val):
    idx32 = idx.astype(jnp.int32)
    valp = jnp.pad(val, ((0, 0), (0, DP - D)))
    return _sc_unpool(mem, idx32, valp)

# --- scband reference (transcript-rebuilt; emitter-appended) ---
"""Pipeline reference for scband-mesh-un-pool-memory-86474871537965 (READ-ONLY COPY).

The authoritative reference and input builder live on the scoring server;
editing this copy changes nothing except your own understanding.
"""

import jax, jax.numpy as jnp
import numpy as np

M = 500000
D = 64
B = 65536

def setup_inputs(seed: int = 0) -> dict:
    key = jax.random.key(seed)
    k1, k2, k3 = jax.random.split(key, 3)
    mem = jax.random.normal(k1, (M, D), dtype=jnp.float32)
    idx = jax.random.randint(k2, (B,), 0, M, dtype=jnp.int64)
    val = jax.random.normal(k3, (B, D), dtype=jnp.float32)
    return {"mem": mem, "idx": idx, "val": val}

def reference(mem, idx, val):
    # MeshUnPool: restore connectivity by copying parent-face features back into
    # the restored faces (gather), then update_features_of_restored_faces blends
    # the restored value with the prior face-feature memory and scatters the
    # result back into the full face-feature array (scatter-overwrite).
    gathered = jnp.take(mem, idx, axis=0)          # gather prior features of restored faces
    new_vals = 0.5 * (val + gathered)              # update features of restored faces
    out = mem.at[idx].set(new_vals)                # scatter-overwrite into face memory
    return out

if __name__ == "__main__":
    import jax
    _d = setup_inputs()
    print(jax.jit(kernel)(*tuple(_d.values())))

</pallas_src>

<mosaic_0001>
#map = affine_map<(d0, d1) -> (0, 0)>
#map1 = affine_map<(d0, d1) -> (0)>
module attributes {stable_mosaic.version = 14 : i64} {
  func.func @_sc_body(%arg0: i32, %arg1: i32, %arg2: memref<500000x64xf32, #tpu.memory_space<hbm>>, %arg3: memref<65536xi32, #tpu.memory_space<hbm>>, %arg4: memref<65536x128xf32, #tpu.memory_space<hbm>>, %arg5: memref<500000x64xf32, #tpu.memory_space<hbm>>, %arg6: memref<15904xi32, #tpu.memory_space<vmem>>, %arg7: memref<2048xi32, #tpu.memory_space<vmem>>, %arg8: memref<489x64xf32, #tpu.memory_space<vmem>>, %arg9: memref<16x128xf32, #tpu.memory_space<vmem>>, %arg10: memref<504xi32, #tpu.memory_space<vmem>>, %arg11: memref<504xi32, #tpu.memory_space<vmem>>, %arg12: memref<!tpu.dma_semaphore, #tpu.memory_space<semaphore_mem>>, %arg13: memref<!tpu.dma_semaphore, #tpu.memory_space<semaphore_mem>>, %arg14: memref<!tpu.dma_semaphore, #tpu.memory_space<semaphore_mem>>) attributes {dimension_semantics = [#tpu.dimension_semantics<core_parallel>, #tpu.dimension_semantics<subcore_parallel>], iteration_bounds = array<i64: 2, 16>, scalar_prefetch = 0 : i64, scratch_operands = 9 : i64, tpu.core_type = #tpu.core_type<sc_vector_subcore>, window_params = [{transform_indices = #map}, {transform_indices = #map1}, {transform_indices = #map}, {transform_indices = #map}]} {
    %mul3A = arith.constant 2 : i32
    %mul3A_0 = arith.muli %arg1, %mul3A : i32
    %add3A = arith.addi %mul3A_0, %arg0 : i32
    %eq3A = arith.constant 31 : i32
    %eq3A_1 = arith.cmpi eq, %add3A, %eq3A : i32
    %mul3A_2 = arith.constant 15616 : i32
    %mul3A_3 = arith.muli %add3A, %mul3A_2 : i32
    %jit3A = arith.constant 15904 : i32
    %jit3A_4 = arith.constant 15616 : i32
    %select_n3A = arith.select %eq3A_1, %jit3A, %jit3A_4 : i32
    %scan3A = arith.constant 0 : i32
    %scan3A_5 = arith.constant 994 : i32
    %scan3A_6 = arith.addi %scan3A, %scan3A_5 : i32
    %scan3A_7 = arith.constant 1 : i32
    scf.for %scan3A_20 = %scan3A to %scan3A_6 step %scan3A_7  : i32 {
      %mul3A_21 = arith.constant 1 : i32
      %mul3A_22 = arith.muli %scan3A_20, %mul3A_21 : i32
      %add3A_23 = arith.constant 0 : i32
      %add3A_24 = arith.addi %add3A_23, %mul3A_22 : i32
      %broadcast_in_dim3A = arith.constant -1 : i32
      %broadcast_in_dim3A_25 = vector.broadcast %broadcast_in_dim3A : i32 to vector<16xi32>
      %mul3A_26 = arith.constant 16 : i32
      %mul3A_27 = arith.muli %add3A_24, %mul3A_26 : i32
      %swap3A = arith.index_cast %mul3A_27 : i32 to index
      %swap3A_28 = tpu.vector_load %arg6[%swap3A] {strides = array<i32>} : memref<15904xi32, #tpu.memory_space<vmem>>, vector<16xi32>,
      tpu.vector_store %arg6[%swap3A], %broadcast_in_dim3A_25 {strides = array<i32>} : memref<15904xi32, #tpu.memory_space<vmem>>, vector<16xi32>,
    }
    %scan3A_8 = arith.constant 994 : i32
    %scan3A_9 = arith.constant 0 : i32
    %scan3A_10 = arith.constant 32 : i32
    %scan3A_11 = arith.addi %scan3A_9, %scan3A_10 : i32
    %scan3A_12 = arith.constant 1 : i32
    scf.for %scan3A_20 = %scan3A_9 to %scan3A_11 step %scan3A_12  : i32 {
      %mul3A_21 = arith.constant 1 : i32
      %mul3A_22 = arith.muli %scan3A_20, %mul3A_21 : i32
      %add3A_23 = arith.constant 0 : i32
      %add3A_24 = arith.addi %add3A_23, %mul3A_22 : i32
      %mul3A_25 = arith.constant 2048 : i32
      %mul3A_26 = arith.muli %add3A_24, %mul3A_25 : i32
      "tpu.region"() ({
        %run_scoped3A = tpu.sem_alloc : memref<!tpu.dma_semaphore, #tpu.memory_space<semaphore_mem>>
        %dma_start3A = tpu.memref_slice %arg3[%mul3A_26] : memref<65536xi32, #tpu.memory_space<hbm>> -> memref<2048xi32, #tpu.memory_space<hbm>>
        %dma_start3A_32 = tpu.memref_slice %arg3[%mul3A_26] : memref<65536xi32, #tpu.memory_space<hbm>> -> memref<2048xi32, #tpu.memory_space<hbm>>
        tpu.enqueue_dma source(%dma_start3A_32 : memref<2048xi32, #tpu.memory_space<hbm>>) target(%arg7 : memref<2048xi32, #tpu.memory_space<vmem>>) target_semaphore(%run_scoped3A : memref<!tpu.dma_semaphore, #tpu.memory_space<semaphore_mem>>)
        %dma_wait3A = tpu.memref_slice %arg3[%mul3A_26] : memref<65536xi32, #tpu.memory_space<hbm>> -> memref<2048xi32, #tpu.memory_space<hbm>>
        %dma_wait3A_33 = tpu.memref_slice %arg3[%mul3A_26] : memref<65536xi32, #tpu.memory_space<hbm>> -> memref<2048xi32, #tpu.memory_space<hbm>>
        tpu.wait_dma2 semaphore(%run_scoped3A : memref<!tpu.dma_semaphore, #tpu.memory_space<semaphore_mem>>) src(%dma_wait3A_33 : memref<2048xi32, #tpu.memory_space<hbm>>) dst(%arg7 : memref<2048xi32, #tpu.memory_space<vmem>>)
        tpu.yield
      }) : () -> ()
      %scan3A_27 = arith.constant 0 : i32
      %scan3A_28 = arith.constant 128 : i32
      %scan3A_29 = arith.addi %scan3A_27, %scan3A_28 : i32
      %scan3A_30 = arith.constant 1 : i32
      scf.for %scan3A_32 = %scan3A_27 to %scan3A_29 step %scan3A_30  : i32 {
        %mul3A_33 = arith.constant 1 : i32
        %mul3A_34 = arith.muli %scan3A_32, %mul3A_33 : i32
        %add3A_35 = arith.constant 0 : i32
        %add3A_36 = arith.addi %add3A_35, %mul3A_34 : i32
        %mul3A_37 = arith.constant 16 : i32
        %mul3A_38 = arith.muli %add3A_36, %mul3A_37 : i32
        %get3A = arith.index_cast %mul3A_38 : i32 to index
        %get3A_39 = tpu.vector_load %arg7[%get3A] {strides = array<i32>} : memref<2048xi32, #tpu.memory_space<vmem>>, vector<16xi32>,
        %mul3A_40 = arith.constant 2048 : i32
        %mul3A_41 = arith.muli %add3A_24, %mul3A_40 : i32
        %mul3A_42 = arith.constant 16 : i32
        %mul3A_43 = arith.muli %add3A_36, %mul3A_42 : i32
        %add3A_44 = arith.addi %mul3A_41, %mul3A_43 : i32
        %iota3A = tpu.iota {dimensions = array<i32: 0>} : vector<16xi32>
        %add3A_45 = vector.broadcast %add3A_44 : i32 to vector<16xi32>
        %add3A_46 = arith.addi %add3A_45, %iota3A : vector<16xi32>
        %sub3A = vector.broadcast %mul3A_3 : i32 to vector<16xi32>
        %sub3A_47 = arith.subi %get3A_39, %sub3A : vector<16xi32>
        %ge3A = arith.constant 0 : i32
        %ge3A_48 = vector.broadcast %ge3A : i32 to vector<16xi32>
        %ge3A_49 = arith.cmpi sge, %sub3A_47, %ge3A_48 : vector<16xi32>
        %lt3A = vector.broadcast %select_n3A : i32 to vector<16xi32>
        %lt3A_50 = arith.cmpi slt, %sub3A_47, %lt3A : vector<16xi32>
        %and3A = arith.andi %ge3A_49, %lt3A_50 : vector<16xi1>
        %jit3A_51 = arith.constant 0 : i32
        %broadcast_in_dim3A = vector.broadcast %jit3A_51 : i32 to vector<16xi32>
        %select_n3A_52 = arith.select %and3A, %sub3A_47, %broadcast_in_dim3A : vector<16xi1>, vector<16xi32>
        %gather3A = tpu.vector_load_idx %arg6[%select_n3A_52] masked %and3A : memref<15904xi32, #tpu.memory_space<vmem>>[vector<16xi32>], vector<16xi32>, vector<16xi1>
        %max3A = arith.maxsi %gather3A, %add3A_46 : vector<16xi32>
        tpu.vector_store_idx %arg6[%select_n3A_52], %max3A masked %and3A : memref<15904xi32, #tpu.memory_space<vmem>>[vector<16xi32>], vector<16xi32>, vector<16xi1>
      }
      %scan3A_31 = arith.constant 128 : i32
    }
    %scan3A_13 = arith.constant 32 : i32
    %scan3A_14 = arith.constant 0 : i32
    %scan3A_15 = arith.constant 32 : i32
    %scan3A_16 = arith.addi %scan3A_14, %scan3A_15 : i32
    %scan3A_17 = arith.constant 1 : i32
    scf.for %scan3A_20 = %scan3A_14 to %scan3A_16 step %scan3A_17  : i32 {
      %mul3A_21 = arith.constant 1 : i32
      %mul3A_22 = arith.muli %scan3A_20, %mul3A_21 : i32
      %add3A_23 = arith.constant 0 : i32
      %add3A_24 = arith.addi %add3A_23, %mul3A_22 : i32
      %mul3A_25 = arith.constant 488 : i32
      %mul3A_26 = arith.muli %add3A_24, %mul3A_25 : i32
      %add3A_27 = arith.addi %mul3A_3, %mul3A_26 : i32
      %dma_start3A = arith.constant 0 : i32
      %dma_start3A_28 = arith.constant 0 : i32
      %dma_start3A_29 = tpu.memref_slice %arg8[%dma_start3A, %dma_start3A_28] : memref<489x64xf32, #tpu.memory_space<vmem>> -> memref<488x64xf32, #tpu.memory_space<vmem>>
      %dma_start3A_30 = arith.constant 0 : i32
      %dma_start3A_31 = tpu.memref_slice %arg2[%add3A_27, %dma_start3A_30] : memref<500000x64xf32, #tpu.memory_space<hbm>> -> memref<488x64xf32, #tpu.memory_space<hbm>>
      %dma_start3A_32 = arith.constant 0 : i32
      %dma_start3A_33 = arith.constant 0 : i32
      %dma_start3A_34 = tpu.memref_slice %arg8[%dma_start3A_32, %dma_start3A_33] : memref<489x64xf32, #tpu.memory_space<vmem>> -> memref<488x64xf32, #tpu.memory_space<vmem>>
      %dma_start3A_35 = arith.constant 0 : i32
      %dma_start3A_36 = tpu.memref_slice %arg2[%add3A_27, %dma_start3A_35] : memref<500000x64xf32, #tpu.memory_space<hbm>> -> memref<488x64xf32, #tpu.memory_space<hbm>>
      tpu.enqueue_dma source(%dma_start3A_36 : memref<488x64xf32, #tpu.memory_space<hbm>>) target(%dma_start3A_34 : memref<488x64xf32, #tpu.memory_space<vmem>>) target_semaphore(%arg12 : memref<!tpu.dma_semaphore, #tpu.memory_space<semaphore_mem>>)
      %dma_wait3A = arith.constant 0 : i32
      %dma_wait3A_37 = arith.constant 0 : i32
      %dma_wait3A_38 = tpu.memref_slice %arg8[%dma_wait3A, %dma_wait3A_37] : memref<489x64xf32, #tpu.memory_space<vmem>> -> memref<488x64xf32, #tpu.memory_space<vmem>>
      %dma_wait3A_39 = arith.constant 0 : i32
      %dma_wait3A_40 = tpu.memref_slice %arg2[%add3A_27, %dma_wait3A_39] : memref<500000x64xf32, #tpu.memory_space<hbm>> -> memref<488x64xf32, #tpu.memory_space<hbm>>
      %dma_wait3A_41 = arith.constant 0 : i32
      %dma_wait3A_42 = arith.constant 0 : i32
      %dma_wait3A_43 = tpu.memref_slice %arg8[%dma_wait3A_41, %dma_wait3A_42] : memref<489x64xf32, #tpu.memory_space<vmem>> -> memref<488x64xf32, #tpu.memory_space<vmem>>
      %dma_wait3A_44 = arith.constant 0 : i32
      %dma_wait3A_45 = tpu.memref_slice %arg2[%add3A_27, %dma_wait3A_44] : memref<500000x64xf32, #tpu.memory_space<hbm>> -> memref<488x64xf32, #tpu.memory_space<hbm>>
      tpu.wait_dma2 semaphore(%arg12 : memref<!tpu.dma_semaphore, #tpu.memory_space<semaphore_mem>>) src(%dma_wait3A_45 : memref<488x64xf32, #tpu.memory_space<hbm>>) dst(%dma_wait3A_43 : memref<488x64xf32, #tpu.memory_space<vmem>>)
      %scan3A_46 = arith.constant 0 : i32
      %scan3A_47 = arith.constant 0 : i32
      %scan3A_48 = arith.constant 31 : i32
      %scan3A_49 = arith.addi %scan3A_47, %scan3A_48 : i32
      %scan3A_50 = arith.constant 1 : i32
      %scan3A_51 = scf.for %scan3A_108 = %scan3A_47 to %scan3A_49 step %scan3A_50 iter_args(%scan3A_109 = %scan3A_46) -> (i32)  : i32 {
        %mul3A_110 = arith.constant 16 : i32
        %mul3A_111 = arith.muli %scan3A_108, %mul3A_110 : i32
        %add3A_112 = arith.addi %mul3A_26, %mul3A_111 : i32
        %get3A = arith.index_cast %add3A_112 : i32 to index
        %get3A_113 = tpu.vector_load %arg6[%get3A] {strides = array<i32>} : memref<15904xi32, #tpu.memory_space<vmem>>, vector<16xi32>,
        %mul3A_114 = arith.constant 16 : i32
        %mul3A_115 = arith.muli %scan3A_108, %mul3A_114 : i32
        %iota3A_116 = tpu.iota {dimensions = array<i32: 0>} : vector<16xi32>
        %add3A_117 = vector.broadcast %mul3A_115 : i32 to vector<16xi32>
        %add3A_118 = arith.addi %add3A_117, %iota3A_116 : vector<16xi32>
        %ge3A = arith.constant 0 : i32
        %ge3A_119 = vector.broadcast %ge3A : i32 to vector<16xi32>
        %ge3A_120 = arith.cmpi sge, %get3A_113, %ge3A_119 : vector<16xi32>
        %lt3A = arith.constant 488 : i32
        %lt3A_121 = vector.broadcast %lt3A : i32 to vector<16xi32>
        %lt3A_122 = arith.cmpi slt, %add3A_118, %lt3A_121 : vector<16xi32>
        %and3A = arith.andi %ge3A_120, %lt3A_122 : vector<16xi1>
        %swap3A_123 = arith.index_cast %scan3A_109 : i32 to index
        %swap3A_124 = tpu.vector_load %arg11[%swap3A_123] masked %and3A {strides = array<i32>} : memref<504xi32, #tpu.memory_space<vmem>>, vector<16xi32>, vector<16xi1>
        tpu.vector_store %arg11[%swap3A_123], %get3A_113 masked %and3A {strides = array<i32>} : memref<504xi32, #tpu.memory_space<vmem>>, vector<16xi32>, vector<16xi1>
        %swap3A_125 = arith.index_cast %scan3A_109 : i32 to index
        %swap3A_126 = tpu.vector_load %arg10[%swap3A_125] masked %and3A {strides = array<i32>} : memref<504xi32, #tpu.memory_space<vmem>>, vector<16xi32>, vector<16xi1>
        tpu.vector_store %arg10[%swap3A_125], %add3A_118 masked %and3A {strides = array<i32>} : memref<504xi32, #tpu.memory_space<vmem>>, vector<16xi32>, vector<16xi1>
        %convert_element_type3A_127 = arith.extui %and3A : vector<16xi1> to vector<16xi32>
        %reduce_sum3A = arith.constant true
        %reduce_sum3A_128 = vector.broadcast %reduce_sum3A : i1 to vector<16xi1>
        %reduce_sum3A_129 = tpu.scan <sum>, %convert_element_type3A_127 masked %reduce_sum3A_128 : vector<16xi32>, vector<16xi1> -> vector<16xi32>
        %reduce_sum3A_130 = vector.extract %reduce_sum3A_129[15] : i32 from vector<16xi32>
        %add3A_131 = arith.addi %scan3A_109, %reduce_sum3A_130 : i32
        scf.yield %add3A_131 : i32
      }
      %scan3A_52 = arith.constant 31 : i32
      %broadcast_in_dim3A = arith.constant 488 : i32
      %broadcast_in_dim3A_53 = vector.broadcast %broadcast_in_dim3A : i32 to vector<16xi32>
      %mul3A_54 = arith.constant 2048 : i32
      %mul3A_55 = arith.muli %add3A, %mul3A_54 : i32
      %add3A_56 = arith.constant 0 : i32
      %add3A_57 = arith.addi %mul3A_55, %add3A_56 : i32
      %iota3A = tpu.iota {dimensions = array<i32: 0>} : vector<16xi32>
      %add3A_58 = vector.broadcast %add3A_57 : i32 to vector<16xi32>
      %add3A_59 = arith.addi %add3A_58, %iota3A : vector<16xi32>
      %add3A_60 = arith.constant 0 : i32
      %add3A_61 = arith.addi %scan3A_51, %add3A_60 : i32
      %swap3A = arith.index_cast %add3A_61 : i32 to index
      %swap3A_62 = tpu.vector_load %arg11[%swap3A] {strides = array<i32>} : memref<504xi32, #tpu.memory_space<vmem>>, vector<16xi32>,
      tpu.vector_store %arg11[%swap3A], %add3A_59 {strides = array<i32>} : memref<504xi32, #tpu.memory_space<vmem>>, vector<16xi32>,
      %add3A_63 = arith.constant 0 : i32
      %add3A_64 = arith.addi %scan3A_51, %add3A_63 : i32
      %swap3A_65 = arith.index_cast %add3A_64 : i32 to index
      %swap3A_66 = tpu.vector_load %arg10[%swap3A_65] {strides = array<i32>} : memref<504xi32, #tpu.memory_space<vmem>>, vector<16xi32>,
      tpu.vector_store %arg10[%swap3A_65], %broadcast_in_dim3A_53 {strides = array<i32>} : memref<504xi32, #tpu.memory_space<vmem>>, vector<16xi32>,
      %add3A_67 = arith.constant 15 : i32
      %add3A_68 = arith.addi %scan3A_51, %add3A_67 : i32
      %div3A = arith.constant 16 : i32
      %div3A_69 = arith.divsi %add3A_68, %div3A : i32
      %sub3A = arith.constant 0 : i32
      %sub3A_70 = arith.subi %div3A_69, %sub3A : i32
      %sub3A_71 = arith.constant 1 : i32
      %sub3A_72 = arith.constant 1 : i32
      %sub3A_73 = arith.subi %sub3A_71, %sub3A_72 : i32
      %add3A_74 = arith.addi %sub3A_70, %sub3A_73 : i32
      %div3A_75 = arith.constant 1 : i32
      %div3A_76 = arith.divsi %add3A_74, %div3A_75 : i32
      %while3A = arith.constant 1 : i32
      %while3A_77 = arith.constant 0 : i32
      %while3A_78 = arith.constant 0 : i32
      %while3A_79 = arith.subi %div3A_76, %while3A_78 : i32
      %while3A_80 = arith.addi %while3A_78, %while3A_79 : i32
      %while3A_81 = arith.constant 1 : i32
      %while3A_82 = arith.divsi %while3A_79, %while3A_81 : i32
      %while3A_83 = arith.muli %while3A_82, %while3A_81 : i32
      %while3A_84 = arith.addi %while3A_78, %while3A_83 : i32
      %while3A_85 = arith.constant 1 : i32
      scf.for %while3A_108 = %while3A_78 to %while3A_84 step %while3A_85  : i32 {
        %mul3A_109 = arith.muli %while3A_108, %while3A : i32
        %add3A_110 = arith.addi %while3A_77, %mul3A_109 : i32
        %mul3A_111 = arith.constant 16 : i32
        %mul3A_112 = arith.muli %add3A_110, %mul3A_111 : i32
        %dma_start3A_113 = tpu.memref_slice %arg11[%mul3A_112] : memref<504xi32, #tpu.memory_space<vmem>> -> memref<16xi32, #tpu.memory_space<vmem>>
        %dma_start3A_114 = arith.constant 0 : i32
        %dma_start3A_115 = arith.constant 0 : i32
        %dma_start3A_116 = tpu.memref_slice %arg4[%dma_start3A_114, %dma_start3A_115] : memref<65536x128xf32, #tpu.memory_space<hbm>> -> memref<65536x128xf32, #tpu.memory_space<hbm>>
        tpu.enqueue_indirect_dma source(%dma_start3A_116 : memref<65536x128xf32, #tpu.memory_space<hbm>>) target(%arg9 : memref<16x128xf32, #tpu.memory_space<vmem>>) offsets(%dma_start3A_113 : memref<16xi32, #tpu.memory_space<vmem>>) semaphore(%arg14 : memref<!tpu.dma_semaphore, #tpu.memory_space<semaphore_mem>>)
        %dma_wait3A_117 = tpu.memref_slice %arg11[%mul3A_112] : memref<504xi32, #tpu.memory_space<vmem>> -> memref<16xi32, #tpu.memory_space<vmem>>
        %dma_wait3A_118 = arith.constant 0 : i32
        %dma_wait3A_119 = arith.constant 0 : i32
        %dma_wait3A_120 = tpu.memref_slice %arg4[%dma_wait3A_118, %dma_wait3A_119] : memref<65536x128xf32, #tpu.memory_space<hbm>> -> memref<65536x128xf32, #tpu.memory_space<hbm>>
        tpu.wait_indirect_dma semaphore(%arg14 : memref<!tpu.dma_semaphore, #tpu.memory_space<semaphore_mem>>) src(%dma_wait3A_120 : memref<65536x128xf32, #tpu.memory_space<hbm>>) dst(%arg9 : memref<16x128xf32, #tpu.memory_space<vmem>>)
        %mul3A_121 = arith.constant 16 : i32
        %mul3A_122 = arith.muli %add3A_110, %mul3A_121 : i32
        %add3A_123 = arith.constant 0 : i32
        %add3A_124 = arith.addi %mul3A_122, %add3A_123 : i32
        %get3A = arith.index_cast %add3A_124 : i32 to index
        %get3A_125 = tpu.vector_load %arg10[%get3A] {strides = array<i32>} : memref<504xi32, #tpu.memory_space<vmem>>, vector<16xi32>,
        %slice3A = vector.extract_strided_slice %get3A_125 {offsets = [0], sizes = [1], strides = [1]} : vector<16xi32> to vector<1xi32>
        %squeeze3A = vector.extract %slice3A[0] : i32 from vector<1xi32>
        %get3A_126 = arith.index_cast %squeeze3A : i32 to index
        %get3A_127 = arith.constant 0 : index
        %get3A_128 = tpu.vector_load %arg8[%get3A_126, %get3A_127] {strides = array<i32>} : memref<489x64xf32, #tpu.memory_space<vmem>>, vector<16xf32>,
        %get3A_129 = arith.constant 0 : i32
        %get3A_130 = arith.index_cast %get3A_129 : i32 to index
        %get3A_131 = arith.constant 0 : index
        %get3A_132 = tpu.vector_load %arg9[%get3A_130, %get3A_131] {strides = array<i32>} : memref<16x128xf32, #tpu.memory_space<vmem>>, vector<16xf32>,
        %add3A_133 = arith.addf %get3A_128, %get3A_132 : vector<16xf32>
        %mul3A_134 = arith.constant 5.000000e-01 : f32
        %mul3A_135 = vector.broadcast %mul3A_134 : f32 to vector<16xf32>
        %mul3A_136 = arith.mulf %mul3A_135, %add3A_133 : vector<16xf32>
        %swap3A_137 = arith.index_cast %squeeze3A : i32 to index
        %swap3A_138 = arith.constant 0 : index
        %swap3A_139 = tpu.vector_load %arg8[%swap3A_137, %swap3A_138] {strides = array<i32>} : memref<489x64xf32, #tpu.memory_space<vmem>>, vector<16xf32>,
        tpu.vector_store %arg8[%swap3A_137, %swap3A_138], %mul3A_136 {strides = array<i32>} : memref<489x64xf32, #tpu.memory_space<vmem>>, vector<16xf32>,
        %get3A_140 = arith.index_cast %squeeze3A : i32 to index
        %get3A_141 = arith.constant 16 : index
        %get3A_142 = tpu.vector_load %arg8[%get3A_140, %get3A_141] {strides = array<i32>} : memref<489x64xf32, #tpu.memory_space<vmem>>, vector<16xf32>,
        %get3A_143 = arith.constant 0 : i32
        %get3A_144 = arith.index_cast %get3A_143 : i32 to index
        %get3A_145 = arith.constant 16 : index
        %get3A_146 = tpu.vector_load %arg9[%get3A_144, %get3A_145] {strides = array<i32>} : memref<16x128xf32, #tpu.memory_space<vmem>>, vector<16xf32>,
        %add3A_147 = arith.addf %get3A_142, %get3A_146 : vector<16xf32>
        %mul3A_148 = arith.constant 5.000000e-01 : f32
        %mul3A_149 = vector.broadcast %mul3A_148 : f32 to vector<16xf32>
        %mul3A_150 = arith.mulf %mul3A_149, %add3A_147 : vector<16xf32>
        %swap3A_151 = arith.index_cast %squeeze3A : i32 to index
        %swap3A_152 = arith.constant 16 : index
        %swap3A_153 = tpu.vector_load %arg8[%swap3A_151, %swap3A_152] {strides = array<i32>} : memref<489x64xf32, #tpu.memory_space<vmem>>, vector<16xf32>,
        tpu.vector_store %arg8[%swap3A_151, %swap3A_152], %mul3A_150 {strides = array<i32>} : memref<489x64xf32, #tpu.memory_space<vmem>>, vector<16xf32>,
        %get3A_154 = arith.index_cast %squeeze3A : i32 to index
        %get3A_155 = arith.constant 32 : index
        %get3A_156 = tpu.vector_load %arg8[%get3A_154, %get3A_155] {strides = array<i32>} : memref<489x64xf32, #tpu.memory_space<vmem>>, vector<16xf32>,
        %get3A_157 = arith.constant 0 : i32
        %get3A_158 = arith.index_cast %get3A_157 : i32 to index
        %get3A_159 = arith.constant 32 : index
        %get3A_160 = tpu.vector_load %arg9[%get3A_158, %get3A_159] {strides = array<i32>} : memref<16x128xf32, #tpu.memory_space<vmem>>, vector<16xf32>,
        %add3A_161 = arith.addf %get3A_156, %get3A_160 : vector<16xf32>
        %mul3A_162 = arith.constant 5.000000e-01 : f32
        %mul3A_163 = vector.broadcast %mul3A_162 : f32 to vector<16xf32>
        %mul3A_164 = arith.mulf %mul3A_163, %add3A_161 : vector<16xf32>
        %swap3A_165 = arith.index_cast %squeeze3A : i32 to index
        %swap3A_166 = arith.constant 32 : index
        %swap3A_167 = tpu.vector_load %arg8[%swap3A_165, %swap3A_166] {strides = array<i32>} : memref<489x64xf32, #tpu.memory_space<vmem>>, vector<16xf32>,
        tpu.vector_store %arg8[%swap3A_165, %swap3A_166], %mul3A_164 {strides = array<i32>} : memref<489x64xf32, #tpu.memory_space<vmem>>, vector<16xf32>,
        %get3A_168 = arith.index_cast %squeeze3A : i32 to index
        %get3A_169 = arith.constant 48 : index
        %get3A_170 = tpu.vector_load %arg8[%get3A_168, %get3A_169] {strides = array<i32>} : memref<489x64xf32, #tpu.memory_space<vmem>>, vector<16xf32>,
        %get3A_171 = arith.constant 0 : i32
        %get3A_172 = arith.index_cast %get3A_171 : i32 to index
        %get3A_173 = arith.constant 48 : index
        %get3A_174 = tpu.vector_load %arg9[%get3A_172, %get3A_173] {strides = array<i32>} : memref<16x128xf32, #tpu.memory_space<vmem>>, vector<16xf32>,
        %add3A_175 = arith.addf %get3A_170, %get3A_174 : vector<16xf32>
        %mul3A_176 = arith.constant 5.000000e-01 : f32
        %mul3A_177 = vector.broadcast %mul3A_176 : f32 to vector<16xf32>
        %mul3A_178 = arith.mulf %mul3A_177, %add3A_175 : vector<16xf32>
        %swap3A_179 = arith.index_cast %squeeze3A : i32 to index
        %swap3A_180 = arith.constant 48 : index
        %swap3A_181 = tpu.vector_load %arg8[%swap3A_179, %swap3A_180] {strides = array<i32>} : memref<489x64xf32, #tpu.memory_space<vmem>>, vector<16xf32>,
        tpu.vector_store %arg8[%swap3A_179, %swap3A_180], %mul3A_178 {strides = array<i32>} : memref<489x64xf32, #tpu.memory_space<vmem>>, vector<16xf32>,
        %slice3A_182 = vector.extract_strided_slice %get3A_125 {offsets = [1], sizes = [1], strides = [1]} : vector<16xi32> to vector<1xi32>
        %squeeze3A_183 = vector.extract %slice3A_182[0] : i32 from vector<1xi32>
        %get3A_184 = arith.index_cast %squeeze3A_183 : i32 to index
        %get3A_185 = arith.constant 0 : index
        %get3A_186 = tpu.vector_load %arg8[%get3A_184, %get3A_185] {strides = array<i32>} : memref<489x64xf32, #tpu.memory_space<vmem>>, vector<16xf32>,
        %get3A_187 = arith.constant 1 : i32
        %get3A_188 = arith.index_cast %get3A_187 : i32 to index
        %get3A_189 = arith.constant 0 : index
        %get3A_190 = tpu.vector_load %arg9[%get3A_188, %get3A_189] {strides = array<i32>} : memref<16x128xf32, #tpu.memory_space<vmem>>, vector<16xf32>,
        %add3A_191 = arith.addf %get3A_186, %get3A_190 : vector<16xf32>
        %mul3A_192 = arith.constant 5.000000e-01 : f32
        %mul3A_193 = vector.broadcast %mul3A_192 : f32 to vector<16xf32>
        %mul3A_194 = arith.mulf %mul3A_193, %add3A_191 : vector<16xf32>
        %swap3A_195 = arith.index_cast %squeeze3A_183 : i32 to index
        %swap3A_196 = arith.constant 0 : index
        %swap3A_197 = tpu.vector_load %arg8[%swap3A_195, %swap3A_196] {strides = array<i32>} : memref<489x64xf32, #tpu.memory_space<vmem>>, vector<16xf32>,
        tpu.vector_store %arg8[%swap3A_195, %swap3A_196], %mul3A_194 {strides = array<i32>} : memref<489x64xf32, #tpu.memory_space<vmem>>, vector<16xf32>,
        %get3A_198 = arith.index_cast %squeeze3A_183 : i32 to index
        %get3A_199 = arith.constant 16 : index
        %get3A_200 = tpu.vector_load %arg8[%get3A_198, %get3A_199] {strides = array<i32>} : memref<489x64xf32, #tpu.memory_space<vmem>>, vector<16xf32>,
        %get3A_201 = arith.constant 1 : i32
        %get3A_202 = arith.index_cast %get3A_201 : i32 to index
        %get3A_203 = arith.constant 16 : index
        %get3A_204 = tpu.vector_load %arg9[%get3A_202, %get3A_203] {strides = array<i32>} : memref<16x128xf32, #tpu.memory_space<vmem>>, vector<16xf32>,
        %add3A_205 = arith.addf %get3A_200, %get3A_204 : vector<16xf32>
        %mul3A_206 = arith.constant 5.000000e-01 : f32
        %mul3A_207 = vector.broadcast %mul3A_206 : f32 to vector<16xf32>
        %mul3A_208 = arith.mulf %mul3A_207, %add3A_205 : vector<16xf32>
        %swap3A_209 = arith.index_cast %squeeze3A_183 : i32 to index
        %swap3A_210 = arith.constant 16 : index
        %swap3A_211 = tpu.vector_load %arg8[%swap3A_209, %swap3A_210] {strides = array<i32>} : memref<489x64xf32, #tpu.memory_space<vmem>>, vector<16xf32>,
        tpu.vector_store %arg8[%swap3A_209, %swap3A_210], %mul3A_208 {strides = array<i32>} : memref<489x64xf32, #tpu.memory_space<vmem>>, vector<16xf32>,
        %get3A_212 = arith.index_cast %squeeze3A_183 : i32 to index
        %get3A_213 = arith.constant 32 : index
        %get3A_214 = tpu.vector_load %arg8[%get3A_212, %get3A_213] {strides = array<i32>} : memref<489x64xf32, #tpu.memory_space<vmem>>, vector<16xf32>,
        %get3A_215 = arith.constant 1 : i32
        %get3A_216 = arith.index_cast %get3A_215 : i32 to index
        %get3A_217 = arith.constant 32 : index
        %get3A_218 = tpu.vector_load %arg9[%get3A_216, %get3A_217] {strides = array<i32>} : memref<16x128xf32, #tpu.memory_space<vmem>>, vector<16xf32>,
        %add3A_219 = arith.addf %get3A_214, %get3A_218 : vector<16xf32>
        %mul3A_220 = arith.constant 5.000000e-01 : f32
        %mul3A_221 = vector.broadcast %mul3A_220 : f32 to vector<16xf32>
        %mul3A_222 = arith.mulf %mul3A_221, %add3A_219 : vector<16xf32>
        %swap3A_223 = arith.index_cast %squeeze3A_183 : i32 to index
        %swap3A_224 = arith.constant 32 : index
        %swap3A_225 = tpu.vector_load %arg8[%swap3A_223, %swap3A_224] {strides = array<i32>} : memref<489x64xf32, #tpu.memory_space<vmem>>, vector<16xf32>,
        tpu.vector_store %arg8[%swap3A_223, %swap3A_224], %mul3A_222 {strides = array<i32>} : memref<489x64xf32, #tpu.memory_space<vmem>>, vector<16xf32>,
        %get3A_226 = arith.index_cast %squeeze3A_183 : i32 to index
        %get3A_227 = arith.constant 48 : index
        %get3A_228 = tpu.vector_load %arg8[%get3A_226, %get3A_227] {strides = array<i32>} : memref<489x64xf32, #tpu.memory_space<vmem>>, vector<16xf32>,
        %get3A_229 = arith.constant 1 : i32
        %get3A_230 = arith.index_cast %get3A_229 : i32 to index
        %get3A_231 = arith.constant 48 : index
        %get3A_232 = tpu.vector_load %arg9[%get3A_230, %get3A_231] {strides = array<i32>} : memref<16x128xf32, #tpu.memory_space<vmem>>, vector<16xf32>,
        %add3A_233 = arith.addf %get3A_228, %get3A_232 : vector<16xf32>
        %mul3A_234 = arith.constant 5.000000e-01 : f32
        %mul3A_235 = vector.broadcast %mul3A_234 : f32 to vector<16xf32>
        %mul3A_236 = arith.mulf %mul3A_235, %add3A_233 : vector<16xf32>
        %swap3A_237 = arith.index_cast %squeeze3A_183 : i32 to index
        %swap3A_238 = arith.constant 48 : index
        %swap3A_239 = tpu.vector_load %arg8[%swap3A_237, %swap3A_238] {strides = array<i32>} : memref<489x64xf32, #tpu.memory_space<vmem>>, vector<16xf32>,
        tpu.vector_store %arg8[%swap3A_237, %swap3A_238], %mul3A_236 {strides = array<i32>} : memref<489x64xf32, #tpu.memory_space<vmem>>, vector<16xf32>,
        %slice3A_240 = vector.extract_strided_slice %get3A_125 {offsets = [2], sizes = [1], strides = [1]} : vector<16xi32> to vector<1xi32>
        %squeeze3A_241 = vector.extract %slice3A_240[0] : i32 from vector<1xi32>
        %get3A_242 = arith.index_cast %squeeze3A_241 : i32 to index
        %get3A_243 = arith.constant 0 : index
        %get3A_244 = tpu.vector_load %arg8[%get3A_242, %get3A_243] {strides = array<i32>} : memref<489x64xf32, #tpu.memory_space<vmem>>, vector<16xf32>,
        %get3A_245 = arith.constant 2 : i32
        %get3A_246 = arith.index_cast %get3A_245 : i32 to index
        %get3A_247 = arith.constant 0 : index
        %get3A_248 = tpu.vector_load %arg9[%get3A_246, %get3A_247] {strides = array<i32>} : memref<16x128xf32, #tpu.memory_space<vmem>>, vector<16xf32>,
        %add3A_249 = arith.addf %get3A_244, %get3A_248 : vector<16xf32>
        %mul3A_250 = arith.constant 5.000000e-01 : f32
        %mul3A_251 = vector.broadcast %mul3A_250 : f32 to vector<16xf32>
        %mul3A_252 = arith.mulf %mul3A_251, %add3A_249 : vector<16xf32>
        %swap3A_253 = arith.index_cast %squeeze3A_241 : i32 to index
        %swap3A_254 = arith.constant 0 : index
        %swap3A_255 = tpu.vector_load %arg8[%swap3A_253, %swap3A_254] {strides = array<i32>} : memref<489x64xf32, #tpu.memory_space<vmem>>, vector<16xf32>,
        tpu.vector_store %arg8[%swap3A_253, %swap3A_254], %mul3A_252 {strides = array<i32>} : memref<489x64xf32, #tpu.memory_space<vmem>>, vector<16xf32>,
        %get3A_256 = arith.index_cast %squeeze3A_241 : i32 to index
        %get3A_257 = arith.constant 16 : index
        %get3A_258 = tpu.vector_load %arg8[%get3A_256, %get3A_257] {strides = array<i32>} : memref<489x64xf32, #tpu.memory_space<vmem>>, vector<16xf32>,
        %get3A_259 = arith.constant 2 : i32
        %get3A_260 = arith.index_cast %get3A_259 : i32 to index
        %get3A_261 = arith.constant 16 : index
        %get3A_262 = tpu.vector_load %arg9[%get3A_260, %get3A_261] {strides = array<i32>} : memref<16x128xf32, #tpu.memory_space<vmem>>, vector<16xf32>,
        %add3A_263 = arith.addf %get3A_258, %get3A_262 : vector<16xf32>
        %mul3A_264 = arith.constant 5.000000e-01 : f32
        %mul3A_265 = vector.broadcast %mul3A_264 : f32 to vector<16xf32>
        %mul3A_266 = arith.mulf %mul3A_265, %add3A_263 : vector<16xf32>
        %swap3A_267 = arith.index_cast %squeeze3A_241 : i32 to index
        %swap3A_268 = arith.constant 16 : index
        %swap3A_269 = tpu.vector_load %arg8[%swap3A_267, %swap3A_268] {strides = array<i32>} : memref<489x64xf32, #tpu.memory_space<vmem>>, vector<16xf32>,
        tpu.vector_store %arg8[%swap3A_267, %swap3A_268], %mul3A_266 {strides = array<i32>} : memref<489x64xf32, #tpu.memory_space<vmem>>, vector<16xf32>,
        %get3A_270 = arith.index_cast %squeeze3A_241 : i32 to index
        %get3A_271 = arith.constant 32 : index
        %get3A_272 = tpu.vector_load %arg8[%get3A_270, %get3A_271] {strides = array<i32>} : memref<489x64xf32, #tpu.memory_space<vmem>>, vector<16xf32>,
        %get3A_273 = arith.constant 2 : i32
        %get3A_274 = arith.index_cast %get3A_273 : i32 to index
        %get3A_275 = arith.constant 32 : index
        %get3A_276 = tpu.vector_load %arg9[%get3A_274, %get3A_275] {strides = array<i32>} : memref<16x128xf32, #tpu.memory_space<vmem>>, vector<16xf32>,
        %add3A_277 = arith.addf %get3A_272, %get3A_276 : vector<16xf32>
        %mul3A_278 = arith.constant 5.000000e-01 : f32
        %mul3A_279 = vector.broadcast %mul3A_278 : f32 to vector<16xf32>
        %mul3A_280 = arith.mulf %mul3A_279, %add3A_277 : vector<16xf32>
        %swap3A_281 = arith.index_cast %squeeze3A_241 : i32 to index
        %swap3A_282 = arith.constant 32 : index
        %swap3A_283 = tpu.vector_load %arg8[%swap3A_281, %swap3A_282] {strides = array<i32>} : memref<489x64xf32, #tpu.memory_space<vmem>>, vector<16xf32>,
        tpu.vector_store %arg8[%swap3A_281, %swap3A_282], %mul3A_280 {strides = array<i32>} : memref<489x64xf32, #tpu.memory_space<vmem>>, vector<16xf32>,
        %get3A_284 = arith.index_cast %squeeze3A_241 : i32 to index
        %get3A_285 = arith.constant 48 : index
        %get3A_286 = tpu.vector_load %arg8[%get3A_284, %get3A_285] {strides = array<i32>} : memref<489x64xf32, #tpu.memory_space<vmem>>, vector<16xf32>,
        %get3A_287 = arith.constant 2 : i32
        %get3A_288 = arith.index_cast %get3A_287 : i32 to index
        %get3A_289 = arith.constant 48 : index
        %get3A_290 = tpu.vector_load %arg9[%get3A_288, %get3A_289] {strides = array<i32>} : memref<16x128xf32, #tpu.memory_space<vmem>>, vector<16xf32>,
        %add3A_291 = arith.addf %get3A_286, %get3A_290 : vector<16xf32>
        %mul3A_292 = arith.constant 5.000000e-01 : f32
        %mul3A_293 = vector.broadcast %mul3A_292 : f32 to vector<16xf32>
        %mul3A_294 = arith.mulf %mul3A_293, %add3A_291 : vector<16xf32>
        %swap3A_295 = arith.index_cast %squeeze3A_241 : i32 to index
        %swap3A_296 = arith.constant 48 : index
        %swap3A_297 = tpu.vector_load %arg8[%swap3A_295, %swap3A_296] {strides = array<i32>} : memref<489x64xf32, #tpu.memory_space<vmem>>, vector<16xf32>,
        tpu.vector_store %arg8[%swap3A_295, %swap3A_296], %mul3A_294 {strides = array<i32>} : memref<489x64xf32, #tpu.memory_space<vmem>>, vector<16xf32>,
        %slice3A_298 = vector.extract_strided_slice %get3A_125 {offsets = [3], sizes = [1], strides = [1]} : vector<16xi32> to vector<1xi32>
        %squeeze3A_299 = vector.extract %slice3A_298[0] : i32 from vector<1xi32>
        %get3A_300 = arith.index_cast %squeeze3A_299 : i32 to index
        %get3A_301 = arith.constant 0 : index
        %get3A_302 = tpu.vector_load %arg8[%get3A_300, %get3A_301] {strides = array<i32>} : memref<489x64xf32, #tpu.memory_space<vmem>>, vector<16xf32>,
        %get3A_303 = arith.constant 3 : i32
        %get3A_304 = arith.index_cast %get3A_303 : i32 to index
        %get3A_305 = arith.constant 0 : index
        %get3A_306 = tpu.vector_load %arg9[%get3A_304, %get3A_305] {strides = array<i32>} : memref<16x128xf32, #tpu.memory_space<vmem>>, vector<16xf32>,
        %add3A_307 = arith.addf %get3A_302, %get3A_306 : vector<16xf32>
        %mul3A_308 = arith.constant 5.000000e-01 : f32
        %mul3A_309 = vector.broadcast %mul3A_308 : f32 to vector<16xf32>
        %mul3A_310 = arith.mulf %mul3A_309, %add3A_307 : vector<16xf32>
        %swap3A_311 = arith.index_cast %squeeze3A_299 : i32 to index
        %swap3A_312 = arith.constant 0 : index
        %swap3A_313 = tpu.vector_load %arg8[%swap3A_311, %swap3A_312] {strides = array<i32>} : memref<489x64xf32, #tpu.memory_space<vmem>>, vector<16xf32>,
        tpu.vector_store %arg8[%swap3A_311, %swap3A_312], %mul3A_310 {strides = array<i32>} : memref<489x64xf32, #tpu.memory_space<vmem>>, vector<16xf32>,
        %get3A_314 = arith.index_cast %squeeze3A_299 : i32 to index
        %get3A_315 = arith.constant 16 : index
        %get3A_316 = tpu.vector_load %arg8[%get3A_314, %get3A_315] {strides = array<i32>} : memref<489x64xf32, #tpu.memory_space<vmem>>, vector<16xf32>,
        %get3A_317 = arith.constant 3 : i32
        %get3A_318 = arith.index_cast %get3A_317 : i32 to index
        %get3A_319 = arith.constant 16 : index
        %get3A_320 = tpu.vector_load %arg9[%get3A_318, %get3A_319] {strides = array<i32>} : memref<16x128xf32, #tpu.memory_space<vmem>>, vector<16xf32>,
        %add3A_321 = arith.addf %get3A_316, %get3A_320 : vector<16xf32>
        %mul3A_322 = arith.constant 5.000000e-01 : f32
        %mul3A_323 = vector.broadcast %mul3A_322 : f32 to vector<16xf32>
        %mul3A_324 = arith.mulf %mul3A_323, %add3A_321 : vector<16xf32>
        %swap3A_325 = arith.index_cast %squeeze3A_299 : i32 to index
        %swap3A_326 = arith.constant 16 : index
        %swap3A_327 = tpu.vector_load %arg8[%swap3A_325, %swap3A_326] {strides = array<i32>} : memref<489x64xf32, #tpu.memory_space<vmem>>, vector<16xf32>,
        tpu.vector_store %arg8[%swap3A_325, %swap3A_326], %mul3A_324 {strides = array<i32>} : memref<489x64xf32, #tpu.memory_space<vmem>>, vector<16xf32>,
        %get3A_328 = arith.index_cast %squeeze3A_299 : i32 to index
        %get3A_329 = arith.constant 32 : index
        %get3A_330 = tpu.vector_load %arg8[%get3A_328, %get3A_329] {strides = array<i32>} : memref<489x64xf32, #tpu.memory_space<vmem>>, vector<16xf32>,
        %get3A_331 = arith.constant 3 : i32
        %get3A_332 = arith.index_cast %get3A_331 : i32 to index
        %get3A_333 = arith.constant 32 : index
        %get3A_334 = tpu.vector_load %arg9[%get3A_332, %get3A_333] {strides = array<i32>} : memref<16x128xf32, #tpu.memory_space<vmem>>, vector<16xf32>,
        %add3A_335 = arith.addf %get3A_330, %get3A_334 : vector<16xf32>
        %mul3A_336 = arith.constant 5.000000e-01 : f32
        %mul3A_337 = vector.broadcast %mul3A_336 : f32 to vector<16xf32>
        %mul3A_338 = arith.mulf %mul3A_337, %add3A_335 : vector<16xf32>
        %swap3A_339 = arith.index_cast %squeeze3A_299 : i32 to index
        %swap3A_340 = arith.constant 32 : index
        %swap3A_341 = tpu.vector_load %arg8[%swap3A_339, %swap3A_340] {strides = array<i32>} : memref<489x64xf32, #tpu.memory_space<vmem>>, vector<16xf32>,
        tpu.vector_store %arg8[%swap3A_339, %swap3A_340], %mul3A_338 {strides = array<i32>} : memref<489x64xf32, #tpu.memory_space<vmem>>, vector<16xf32>,
        %get3A_342 = arith.index_cast %squeeze3A_299 : i32 to index
        %get3A_343 = arith.constant 48 : index
        %get3A_344 = tpu.vector_load %arg8[%get3A_342, %get3A_343] {strides = array<i32>} : memref<489x64xf32, #tpu.memory_space<vmem>>, vector<16xf32>,
        %get3A_345 = arith.constant 3 : i32
        %get3A_346 = arith.index_cast %get3A_345 : i32 to index
        %get3A_347 = arith.constant 48 : index
        %get3A_348 = tpu.vector_load %arg9[%get3A_346, %get3A_347] {strides = array<i32>} : memref<16x128xf32, #tpu.memory_space<vmem>>, vector<16xf32>,
        %add3A_349 = arith.addf %get3A_344, %get3A_348 : vector<16xf32>
        %mul3A_350 = arith.constant 5.000000e-01 : f32
        %mul3A_351 = vector.broadcast %mul3A_350 : f32 to vector<16xf32>
        %mul3A_352 = arith.mulf %mul3A_351, %add3A_349 : vector<16xf32>
        %swap3A_353 = arith.index_cast %squeeze3A_299 : i32 to index
        %swap3A_354 = arith.constant 48 : index
        %swap3A_355 = tpu.vector_load %arg8[%swap3A_353, %swap3A_354] {strides = array<i32>} : memref<489x64xf32, #tpu.memory_space<vmem>>, vector<16xf32>,
        tpu.vector_store %arg8[%swap3A_353, %swap3A_354], %mul3A_352 {strides = array<i32>} : memref<489x64xf32, #tpu.memory_space<vmem>>, vector<16xf32>,
        %slice3A_356 = vector.extract_strided_slice %get3A_125 {offsets = [4], sizes = [1], strides = [1]} : vector<16xi32> to vector<1xi32>
        %squeeze3A_357 = vector.extract %slice3A_356[0] : i32 from vector<1xi32>
        %get3A_358 = arith.index_cast %squeeze3A_357 : i32 to index
        %get3A_359 = arith.constant 0 : index
        %get3A_360 = tpu.vector_load %arg8[%get3A_358, %get3A_359] {strides = array<i32>} : memref<489x64xf32, #tpu.memory_space<vmem>>, vector<16xf32>,
        %get3A_361 = arith.constant 4 : i32
        %get3A_362 = arith.index_cast %get3A_361 : i32 to index
        %get3A_363 = arith.constant 0 : index
        %get3A_364 = tpu.vector_load %arg9[%get3A_362, %get3A_363] {strides = array<i32>} : memref<16x128xf32, #tpu.memory_space<vmem>>, vector<16xf32>,
        %add3A_365 = arith.addf %get3A_360, %get3A_364 : vector<16xf32>
        %mul3A_366 = arith.constant 5.000000e-01 : f32
        %mul3A_367 = vector.broadcast %mul3A_366 : f32 to vector<16xf32>
        %mul3A_368 = arith.mulf %mul3A_367, %add3A_365 : vector<16xf32>
        %swap3A_369 = arith.index_cast %squeeze3A_357 : i32 to index
        %swap3A_370 = arith.constant 0 : index
        %swap3A_371 = tpu.vector_load %arg8[%swap3A_369, %swap3A_370] {strides = array<i32>} : memref<489x64xf32, #tpu.memory_space<vmem>>, vector<16xf32>,
        tpu.vector_store %arg8[%swap3A_369, %swap3A_370], %mul3A_368 {strides = array<i32>} : memref<489x64xf32, #tpu.memory_space<vmem>>, vector<16xf32>,
        %get3A_372 = arith.index_cast %squeeze3A_357 : i32 to index
        %get3A_373 = arith.constant 16 : index
        %get3A_374 = tpu.vector_load %arg8[%get3A_372, %get3A_373] {strides = array<i32>} : memref<489x64xf32, #tpu.memory_space<vmem>>, vector<16xf32>,
        %get3A_375 = arith.constant 4 : i32
        %get3A_376 = arith.index_cast %get3A_375 : i32 to index
        %get3A_377 = arith.constant 16 : index
        %get3A_378 = tpu.vector_load %arg9[%get3A_376, %get3A_377] {strides = array<i32>} : memref<16x128xf32, #tpu.memory_space<vmem>>, vector<16xf32>,
        %add3A_379 = arith.addf %get3A_374, %get3A_378 : vector<16xf32>
        %mul3A_380 = arith.constant 5.000000e-01 : f32
        %mul3A_381 = vector.broadcast %mul3A_380 : f32 to vector<16xf32>
        %mul3A_382 = arith.mulf %mul3A_381, %add3A_379 : vector<16xf32>
        %swap3A_383 = arith.index_cast %squeeze3A_357 : i32 to index
        %swap3A_384 = arith.constant 16 : index
        %swap3A_385 = tpu.vector_load %arg8[%swap3A_383, %swap3A_384] {strides = array<i32>} : memref<489x64xf32, #tpu.memory_space<vmem>>, vector<16xf32>,
        tpu.vector_store %arg8[%swap3A_383, %swap3A_384], %mul3A_382 {strides = array<i32>} : memref<489x64xf32, #tpu.memory_space<vmem>>, vector<16xf32>,
        %get3A_386 = arith.index_cast %squeeze3A_357 : i32 to index
        %get3A_387 = arith.constant 32 : index
        %get3A_388 = tpu.vector_load %arg8[%get3A_386, %get3A_387] {strides = array<i32>} : memref<489x64xf32, #tpu.memory_space<vmem>>, vector<16xf32>,
        %get3A_389 = arith.constant 4 : i32
        %get3A_390 = arith.index_cast %get3A_389 : i32 to index
        %get3A_391 = arith.constant 32 : index
        %get3A_392 = tpu.vector_load %arg9[%get3A_390, %get3A_391] {strides = array<i32>} : memref<16x128xf32, #tpu.memory_space<vmem>>, vector<16xf32>,
        %add3A_393 = arith.addf %get3A_388, %get3A_392 : vector<16xf32>
        %mul3A_394 = arith.constant 5.000000e-01 : f32
        %mul3A_395 = vector.broadcast %mul3A_394 : f32 to vector<16xf32>
        %mul3A_396 = arith.mulf %mul3A_395, %add3A_393 : vector<16xf32>
        %swap3A_397 = arith.index_cast %squeeze3A_357 : i32 to index
        %swap3A_398 = arith.constant 32 : index
        %swap3A_399 = tpu.vector_load %arg8[%swap3A_397, %swap3A_398] {strides = array<i32>} : memref<489x64xf32, #tpu.memory_space<vmem>>, vector<16xf32>,
        tpu.vector_store %arg8[%swap3A_397, %swap3A_398], %mul3A_396 {strides = array<i32>} : memref<489x64xf32, #tpu.memory_space<vmem>>, vector<16xf32>,
        %get3A_400 = arith.index_cast %squeeze3A_357 : i32 to index
        %get3A_401 = arith.constant 48 : index
        %get3A_402 = tpu.vector_load %arg8[%get3A_400, %get3A_401] {strides = array<i32>} : memref<489x64xf32, #tpu.memory_space<vmem>>, vector<16xf32>,
        %get3A_403 = arith.constant 4 : i32
        %get3A_404 = arith.index_cast %get3A_403 : i32 to index
        %get3A_405 = arith.constant 48 : index
        %get3A_406 = tpu.vector_load %arg9[%get3A_404, %get3A_405] {strides = array<i32>} : memref<16x128xf32, #tpu.memory_space<vmem>>, vector<16xf32>,
        %add3A_407 = arith.addf %get3A_402, %get3A_406 : vector<16xf32>
        %mul3A_408 = arith.constant 5.000000e-01 : f32
        %mul3A_409 = vector.broadcast %mul3A_408 : f32 to vector<16xf32>
        %mul3A_410 = arith.mulf %mul3A_409, %add3A_407 : vector<16xf32>
        %swap3A_411 = arith.index_cast %squeeze3A_357 : i32 to index
        %swap3A_412 = arith.constant 48 : index
        %swap3A_413 = tpu.vector_load %arg8[%swap3A_411, %swap3A_412] {strides = array<i32>} : memref<489x64xf32, #tpu.memory_space<vmem>>, vector<16xf32>,
        tpu.vector_store %arg8[%swap3A_411, %swap3A_412], %mul3A_410 {strides = array<i32>} : memref<489x64xf32, #tpu.memory_space<vmem>>, vector<16xf32>,
        %slice3A_414 = vector.extract_strided_slice %get3A_125 {offsets = [5], sizes = [1], strides = [1]} : vector<16xi32> to vector<1xi32>
        %squeeze3A_415 = vector.extract %slice3A_414[0] : i32 from vector<1xi32>
        %get3A_416 = arith.index_cast %squeeze3A_415 : i32 to index
        %get3A_417 = arith.constant 0 : index
        %get3A_418 = tpu.vector_load %arg8[%get3A_416, %get3A_417] {strides = array<i32>} : memref<489x64xf32, #tpu.memory_space<vmem>>, vector<16xf32>,
        %get3A_419 = arith.constant 5 : i32
        %get3A_420 = arith.index_cast %get3A_419 : i32 to index
        %get3A_421 = arith.constant 0 : index
        %get3A_422 = tpu.vector_load %arg9[%get3A_420, %get3A_421] {strides = array<i32>} : memref<16x128xf32, #tpu.memory_space<vmem>>, vector<16xf32>,
        %add3A_423 = arith.addf %get3A_418, %get3A_422 : vector<16xf32>
        %mul3A_424 = arith.constant 5.000000e-01 : f32
        %mul3A_425 = vector.broadcast %mul3A_424 : f32 to vector<16xf32>
        %mul3A_426 = arith.mulf %mul3A_425, %add3A_423 : vector<16xf32>
        %swap3A_427 = arith.index_cast %squeeze3A_415 : i32 to index
        %swap3A_428 = arith.constant 0 : index
        %swap3A_429 = tpu.vector_load %arg8[%swap3A_427, %swap3A_428] {strides = array<i32>} : memref<489x64xf32, #tpu.memory_space<vmem>>, vector<16xf32>,
        tpu.vector_store %arg8[%swap3A_427, %swap3A_428], %mul3A_426 {strides = array<i32>} : memref<489x64xf32, #tpu.memory_space<vmem>>, vector<16xf32>,
        %get3A_430 = arith.index_cast %squeeze3A_415 : i32 to index
        %get3A_431 = arith.constant 16 : index
        %get3A_432 = tpu.vector_load %arg8[%get3A_430, %get3A_431] {strides = array<i32>} : memref<489x64xf32, #tpu.memory_space<vmem>>, vector<16xf32>,
        %get3A_433 = arith.constant 5 : i32
        %get3A_434 = arith.index_cast %get3A_433 : i32 to index
        %get3A_435 = arith.constant 16 : index
        %get3A_436 = tpu.vector_load %arg9[%get3A_434, %get3A_435] {strides = array<i32>} : memref<16x128xf32, #tpu.memory_space<vmem>>, vector<16xf32>,
        %add3A_437 = arith.addf %get3A_432, %get3A_436 : vector<16xf32>
        %mul3A_438 = arith.constant 5.000000e-01 : f32
        %mul3A_439 = vector.broadcast %mul3A_438 : f32 to vector<16xf32>
        %mul3A_440 = arith.mulf %mul3A_439, %add3A_437 : vector<16xf32>
        %swap3A_441 = arith.index_cast %squeeze3A_415 : i32 to index
        %swap3A_442 = arith.constant 16 : index
        %swap3A_443 = tpu.vector_load %arg8[%swap3A_441, %swap3A_442] {strides = array<i32>} : memref<489x64xf32, #tpu.memory_space<vmem>>, vector<16xf32>,
        tpu.vector_store %arg8[%swap3A_441, %swap3A_442], %mul3A_440 {strides = array<i32>} : memref<489x64xf32, #tpu.memory_space<vmem>>, vector<16xf32>,
        %get3A_444 = arith.index_cast %squeeze3A_415 : i32 to index
        %get3A_445 = arith.constant 32 : index
        %get3A_446 = tpu.vector_load %arg8[%get3A_444, %get3A_445] {strides = array<i32>} : memref<489x64xf32, #tpu.memory_space<vmem>>, vector<16xf32>,
        %get3A_447 = arith.constant 5 : i32
        %get3A_448 = arith.index_cast %get3A_447 : i32 to index
        %get3A_449 = arith.constant 32 : index
        %get3A_450 = tpu.vector_load %arg9[%get3A_448, %get3A_449] {strides = array<i32>} : memref<16x128xf32, #tpu.memory_space<vmem>>, vector<16xf32>,
        %add3A_451 = arith.addf %get3A_446, %get3A_450 : vector<16xf32>
        %mul3A_452 = arith.constant 5.000000e-01 : f32
        %mul3A_453 = vector.broadcast %mul3A_452 : f32 to vector<16xf32>
        %mul3A_454 = arith.mulf %mul3A_453, %add3A_451 : vector<16xf32>
        %swap3A_455 = arith.index_cast %squeeze3A_415 : i32 to index
        %swap3A_456 = arith.constant 32 : index
        %swap3A_457 = tpu.vector_load %arg8[%swap3A_455, %swap3A_456] {strides = array<i32>} : memref<489x64xf32, #tpu.memory_space<vmem>>, vector<16xf32>,
        tpu.vector_store %arg8[%swap3A_455, %swap3A_456], %mul3A_454 {strides = array<i32>} : memref<489x64xf32, #tpu.memory_space<vmem>>, vector<16xf32>,
        %get3A_458 = arith.index_cast %squeeze3A_415 : i32 to index
        %get3A_459 = arith.constant 48 : index
        %get3A_460 = tpu.vector_load %arg8[%get3A_458, %get3A_459] {strides = array<i32>} : memref<489x64xf32, #tpu.memory_space<vmem>>, vector<16xf32>,
        %get3A_461 = arith.constant 5 : i32
        %get3A_462 = arith.index_cast %get3A_461 : i32 to index
        %get3A_463 = arith.constant 48 : index
        %get3A_464 = tpu.vector_load %arg9[%get3A_462, %get3A_463] {strides = array<i32>} : memref<16x128xf32, #tpu.memory_space<vmem>>, vector<16xf32>,
        %add3A_465 = arith.addf %get3A_460, %get3A_464 : vector<16xf32>
        %mul3A_466 = arith.constant 5.000000e-01 : f32
        %mul3A_467 = vector.broadcast %mul3A_466 : f32 to vector<16xf32>
        %mul3A_468 = arith.mulf %mul3A_467, %add3A_465 : vector<16xf32>
        %swap3A_469 = arith.index_cast %squeeze3A_415 : i32 to index
        %swap3A_470 = arith.constant 48 : index
        %swap3A_471 = tpu.vector_load %arg8[%swap3A_469, %swap3A_470] {strides = array<i32>} : memref<489x64xf32, #tpu.memory_space<vmem>>, vector<16xf32>,
        tpu.vector_store %arg8[%swap3A_469, %swap3A_470], %mul3A_468 {strides = array<i32>} : memref<489x64xf32, #tpu.memory_space<vmem>>, vector<16xf32>,
        %slice3A_472 = vector.extract_strided_slice %get3A_125 {offsets = [6], sizes = [1], strides = [1]} : vector<16xi32> to vector<1xi32>
        %squeeze3A_473 = vector.extract %slice3A_472[0] : i32 from vector<1xi32>
        %get3A_474 = arith.index_cast %squeeze3A_473 : i32 to index
        %get3A_475 = arith.constant 0 : index
        %get3A_476 = tpu.vector_load %arg8[%get3A_474, %get3A_475] {strides = array<i32>} : memref<489x64xf32, #tpu.memory_space<vmem>>, vector<16xf32>,
        %get3A_477 = arith.constant 6 : i32
        %get3A_478 = arith.index_cast %get3A_477 : i32 to index
        %get3A_479 = arith.constant 0 : index
        %get3A_480 = tpu.vector_load %arg9[%get3A_478, %get3A_479] {strides = array<i32>} : memref<16x128xf32, #tpu.memory_space<vmem>>, vector<16xf32>,
        %add3A_481 = arith.addf %get3A_476, %get3A_480 : vector<16xf32>
        %mul3A_482 = arith.constant 5.000000e-01 : f32
        %mul3A_483 = vector.broadcast %mul3A_482 : f32 to vector<16xf32>
        %mul3A_484 = arith.mulf %mul3A_483, %add3A_481 : vector<16xf32>
        %swap3A_485 = arith.index_cast %squeeze3A_473 : i32 to index
        %swap3A_486 = arith.constant 0 : index
        %swap3A_487 = tpu.vector_load %arg8[%swap3A_485, %swap3A_486] {strides = array<i32>} : memref<489x64xf32, #tpu.memory_space<vmem>>, vector<16xf32>,
        tpu.vector_store %arg8[%swap3A_485, %swap3A_486], %mul3A_484 {strides = array<i32>} : memref<489x64xf32, #tpu.memory_space<vmem>>, vector<16xf32>,
        %get3A_488 = arith.index_cast %squeeze3A_473 : i32 to index
        %get3A_489 = arith.constant 16 : index
        %get3A_490 = tpu.vector_load %arg8[%get3A_488, %get3A_489] {strides = array<i32>} : memref<489x64xf32, #tpu.memory_space<vmem>>, vector<16xf32>,
        %get3A_491 = arith.constant 6 : i32
        %get3A_492 = arith.index_cast %get3A_491 : i32 to index
        %get3A_493 = arith.constant 16 : index
        %get3A_494 = tpu.vector_load %arg9[%get3A_492, %get3A_493] {strides = array<i32>} : memref<16x128xf32, #tpu.memory_space<vmem>>, vector<16xf32>,
        %add3A_495 = arith.addf %get3A_490, %get3A_494 : vector<16xf32>
        %mul3A_496 = arith.constant 5.000000e-01 : f32
        %mul3A_497 = vector.broadcast %mul3A_496 : f32 to vector<16xf32>
        %mul3A_498 = arith.mulf %mul3A_497, %add3A_495 : vector<16xf32>
        %swap3A_499 = arith.index_cast %squeeze3A_473 : i32 to index
        %swap3A_500 = arith.constant 16 : index
        %swap3A_501 = tpu.vector_load %arg8[%swap3A_499, %swap3A_500] {strides = array<i32>} : memref<489x64xf32, #tpu.memory_space<vmem>>, vector<16xf32>,
        tpu.vector_store %arg8[%swap3A_499, %swap3A_500], %mul3A_498 {strides = array<i32>} : memref<489x64xf32, #tpu.memory_space<vmem>>, vector<16xf32>,
        %get3A_502 = arith.index_cast %squeeze3A_473 : i32 to index
        %get3A_503 = arith.constant 32 : index
        %get3A_504 = tpu.vector_load %arg8[%get3A_502, %get3A_503] {strides = array<i32>} : memref<489x64xf32, #tpu.memory_space<vmem>>, vector<16xf32>,
        %get3A_505 = arith.constant 6 : i32
        %get3A_506 = arith.index_cast %get3A_505 : i32 to index
        %get3A_507 = arith.constant 32 : index
        %get3A_508 = tpu.vector_load %arg9[%get3A_506, %get3A_507] {strides = array<i32>} : memref<16x128xf32, #tpu.memory_space<vmem>>, vector<16xf32>,
        %add3A_509 = arith.addf %get3A_504, %get3A_508 : vector<16xf32>
        %mul3A_510 = arith.constant 5.000000e-01 : f32
        %mul3A_511 = vector.broadcast %mul3A_510 : f32 to vector<16xf32>
        %mul3A_512 = arith.mulf %mul3A_511, %add3A_509 : vector<16xf32>
        %swap3A_513 = arith.index_cast %squeeze3A_473 : i32 to index
        %swap3A_514 = arith.constant 32 : index
        %swap3A_515 = tpu.vector_load %arg8[%swap3A_513, %swap3A_514] {strides = array<i32>} : memref<489x64xf32, #tpu.memory_space<vmem>>, vector<16xf32>,
        tpu.vector_store %arg8[%swap3A_513, %swap3A_514], %mul3A_512 {strides = array<i32>} : memref<489x64xf32, #tpu.memory_space<vmem>>, vector<16xf32>,
        %get3A_516 = arith.index_cast %squeeze3A_473 : i32 to index
        %get3A_517 = arith.constant 48 : index
        %get3A_518 = tpu.vector_load %arg8[%get3A_516, %get3A_517] {strides = array<i32>} : memref<489x64xf32, #tpu.memory_space<vmem>>, vector<16xf32>,
        %get3A_519 = arith.constant 6 : i32
        %get3A_520 = arith.index_cast %get3A_519 : i32 to index
        %get3A_521 = arith.constant 48 : index
        %get3A_522 = tpu.vector_load %arg9[%get3A_520, %get3A_521] {strides = array<i32>} : memref<16x128xf32, #tpu.memory_space<vmem>>, vector<16xf32>,
        %add3A_523 = arith.addf %get3A_518, %get3A_522 : vector<16xf32>
        %mul3A_524 = arith.constant 5.000000e-01 : f32
        %mul3A_525 = vector.broadcast %mul3A_524 : f32 to vector<16xf32>
        %mul3A_526 = arith.mulf %mul3A_525, %add3A_523 : vector<16xf32>
        %swap3A_527 = arith.index_cast %squeeze3A_473 : i32 to index
        %swap3A_528 = arith.constant 48 : index
        %swap3A_529 = tpu.vector_load %arg8[%swap3A_527, %swap3A_528] {strides = array<i32>} : memref<489x64xf32, #tpu.memory_space<vmem>>, vector<16xf32>,
        tpu.vector_store %arg8[%swap3A_527, %swap3A_528], %mul3A_526 {strides = array<i32>} : memref<489x64xf32, #tpu.memory_space<vmem>>, vector<16xf32>,
        %slice3A_530 = vector.extract_strided_slice %get3A_125 {offsets = [7], sizes = [1], strides = [1]} : vector<16xi32> to vector<1xi32>
        %squeeze3A_531 = vector.extract %slice3A_530[0] : i32 from vector<1xi32>
        %get3A_532 = arith.index_cast %squeeze3A_531 : i32 to index
        %get3A_533 = arith.constant 0 : index
        %get3A_534 = tpu.vector_load %arg8[%get3A_532, %get3A_533] {strides = array<i32>} : memref<489x64xf32, #tpu.memory_space<vmem>>, vector<16xf32>,
        %get3A_535 = arith.constant 7 : i32
        %get3A_536 = arith.index_cast %get3A_535 : i32 to index
        %get3A_537 = arith.constant 0 : index
        %get3A_538 = tpu.vector_load %arg9[%get3A_536, %get3A_537] {strides = array<i32>} : memref<16x128xf32, #tpu.memory_space<vmem>>, vector<16xf32>,
        %add3A_539 = arith.addf %get3A_534, %get3A_538 : vector<16xf32>
        %mul3A_540 = arith.constant 5.000000e-01 : f32
        %mul3A_541 = vector.broadcast %mul3A_540 : f32 to vector<16xf32>
        %mul3A_542 = arith.mulf %mul3A_541, %add3A_539 : vector<16xf32>
        %swap3A_543 = arith.index_cast %squeeze3A_531 : i32 to index
        %swap3A_544 = arith.constant 0 : index
        %swap3A_545 = tpu.vector_load %arg8[%swap3A_543, %swap3A_544] {strides = array<i32>} : memref<489x64xf32, #tpu.memory_space<vmem>>, vector<16xf32>,
        tpu.vector_store %arg8[%swap3A_543, %swap3A_544], %mul3A_542 {strides = array<i32>} : memref<489x64xf32, #tpu.memory_space<vmem>>, vector<16xf32>,
        %get3A_546 = arith.index_cast %squeeze3A_531 : i32 to index
        %get3A_547 = arith.constant 16 : index
        %get3A_548 = tpu.vector_load %arg8[%get3A_546, %get3A_547] {strides = array<i32>} : memref<489x64xf32, #tpu.memory_space<vmem>>, vector<16xf32>,
        %get3A_549 = arith.constant 7 : i32
        %get3A_550 = arith.index_cast %get3A_549 : i32 to index
        %get3A_551 = arith.constant 16 : index
        %get3A_552 = tpu.vector_load %arg9[%get3A_550, %get3A_551] {strides = array<i32>} : memref<16x128xf32, #tpu.memory_space<vmem>>, vector<16xf32>,
        %add3A_553 = arith.addf %get3A_548, %get3A_552 : vector<16xf32>
        %mul3A_554 = arith.constant 5.000000e-01 : f32
        %mul3A_555 = vector.broadcast %mul3A_554 : f32 to vector<16xf32>
        %mul3A_556 = arith.mulf %mul3A_555, %add3A_553 : vector<16xf32>
        %swap3A_557 = arith.index_cast %squeeze3A_531 : i32 to index
        %swap3A_558 = arith.constant 16 : index
        %swap3A_559 = tpu.vector_load %arg8[%swap3A_557, %swap3A_558] {strides = array<i32>} : memref<489x64xf32, #tpu.memory_space<vmem>>, vector<16xf32>,
        tpu.vector_store %arg8[%swap3A_557, %swap3A_558], %mul3A_556 {strides = array<i32>} : memref<489x64xf32, #tpu.memory_space<vmem>>, vector<16xf32>,
        %get3A_560 = arith.index_cast %squeeze3A_531 : i32 to index
        %get3A_561 = arith.constant 32 : index
        %get3A_562 = tpu.vector_load %arg8[%get3A_560, %get3A_561] {strides = array<i32>} : memref<489x64xf32, #tpu.memory_space<vmem>>, vector<16xf32>,
        %get3A_563 = arith.constant 7 : i32
        %get3A_564 = arith.index_cast %get3A_563 : i32 to index
        %get3A_565 = arith.constant 32 : index
        %get3A_566 = tpu.vector_load %arg9[%get3A_564, %get3A_565] {strides = array<i32>} : memref<16x128xf32, #tpu.memory_space<vmem>>, vector<16xf32>,
        %add3A_567 = arith.addf %get3A_562, %get3A_566 : vector<16xf32>
        %mul3A_568 = arith.constant 5.000000e-01 : f32
        %mul3A_569 = vector.broadcast %mul3A_568 : f32 to vector<16xf32>
        %mul3A_570 = arith.mulf %mul3A_569, %add3A_567 : vector<16xf32>
        %swap3A_571 = arith.index_cast %squeeze3A_531 : i32 to index
        %swap3A_572 = arith.constant 32 : index
        %swap3A_573 = tpu.vector_load %arg8[%swap3A_571, %swap3A_572] {strides = array<i32>} : memref<489x64xf32, #tpu.memory_space<vmem>>, vector<16xf32>,
        tpu.vector_store %arg8[%swap3A_571, %swap3A_572], %mul3A_570 {strides = array<i32>} : memref<489x64xf32, #tpu.memory_space<vmem>>, vector<16xf32>,
        %get3A_574 = arith.index_cast %squeeze3A_531 : i32 to index
        %get3A_575 = arith.constant 48 : index
        %get3A_576 = tpu.vector_load %arg8[%get3A_574, %get3A_575] {strides = array<i32>} : memref<489x64xf32, #tpu.memory_space<vmem>>, vector<16xf32>,
        %get3A_577 = arith.constant 7 : i32
        %get3A_578 = arith.index_cast %get3A_577 : i32 to index
        %get3A_579 = arith.constant 48 : index
        %get3A_580 = tpu.vector_load %arg9[%get3A_578, %get3A_579] {strides = array<i32>} : memref<16x128xf32, #tpu.memory_space<vmem>>, vector<16xf32>,
        %add3A_581 = arith.addf %get3A_576, %get3A_580 : vector<16xf32>
        %mul3A_582 = arith.constant 5.000000e-01 : f32
        %mul3A_583 = vector.broadcast %mul3A_582 : f32 to vector<16xf32>
        %mul3A_584 = arith.mulf %mul3A_583, %add3A_581 : vector<16xf32>
        %swap3A_585 = arith.index_cast %squeeze3A_531 : i32 to index
        %swap3A_586 = arith.constant 48 : index
        %swap3A_587 = tpu.vector_load %arg8[%swap3A_585, %swap3A_586] {strides = array<i32>} : memref<489x64xf32, #tpu.memory_space<vmem>>, vector<16xf32>,
        tpu.vector_store %arg8[%swap3A_585, %swap3A_586], %mul3A_584 {strides = array<i32>} : memref<489x64xf32, #tpu.memory_space<vmem>>, vector<16xf32>,
        %slice3A_588 = vector.extract_strided_slice %get3A_125 {offsets = [8], sizes = [1], strides = [1]} : vector<16xi32> to vector<1xi32>
        %squeeze3A_589 = vector.extract %slice3A_588[0] : i32 from vector<1xi32>
        %get3A_590 = arith.index_cast %squeeze3A_589 : i32 to index
        %get3A_591 = arith.constant 0 : index
        %get3A_592 = tpu.vector_load %arg8[%get3A_590, %get3A_591] {strides = array<i32>} : memref<489x64xf32, #tpu.memory_space<vmem>>, vector<16xf32>,
        %get3A_593 = arith.constant 8 : i32
        %get3A_594 = arith.index_cast %get3A_593 : i32 to index
        %get3A_595 = arith.constant 0 : index
        %get3A_596 = tpu.vector_load %arg9[%get3A_594, %get3A_595] {strides = array<i32>} : memref<16x128xf32, #tpu.memory_space<vmem>>, vector<16xf32>,
        %add3A_597 = arith.addf %get3A_592, %get3A_596 : vector<16xf32>
        %mul3A_598 = arith.constant 5.000000e-01 : f32
        %mul3A_599 = vector.broadcast %mul3A_598 : f32 to vector<16xf32>
        %mul3A_600 = arith.mulf %mul3A_599, %add3A_597 : vector<16xf32>
        %swap3A_601 = arith.index_cast %squeeze3A_589 : i32 to index
        %swap3A_602 = arith.constant 0 : index
        %swap3A_603 = tpu.vector_load %arg8[%swap3A_601, %swap3A_602] {strides = array<i32>} : memref<489x64xf32, #tpu.memory_space<vmem>>, vector<16xf32>,
        tpu.vector_store %arg8[%swap3A_601, %swap3A_602], %mul3A_600 {strides = array<i32>} : memref<489x64xf32, #tpu.memory_space<vmem>>, vector<16xf32>,
        %get3A_604 = arith.index_cast %squeeze3A_589 : i32 to index
        %get3A_605 = arith.constant 16 : index
        %get3A_606 = tpu.vector_load %arg8[%get3A_604, %get3A_605] {strides = array<i32>} : memref<489x64xf32, #tpu.memory_space<vmem>>, vector<16xf32>,
        %get3A_607 = arith.constant 8 : i32
        %get3A_608 = arith.index_cast %get3A_607 : i32 to index
        %get3A_609 = arith.constant 16 : index
        %get3A_610 = tpu.vector_load %arg9[%get3A_608, %get3A_609] {strides = array<i32>} : memref<16x128xf32, #tpu.memory_space<vmem>>, vector<16xf32>,
        %add3A_611 = arith.addf %get3A_606, %get3A_610 : vector<16xf32>
        %mul3A_612 = arith.constant 5.000000e-01 : f32
        %mul3A_613 = vector.broadcast %mul3A_612 : f32 to vector<16xf32>
        %mul3A_614 = arith.mulf %mul3A_613, %add3A_611 : vector<16xf32>
        %swap3A_615 = arith.index_cast %squeeze3A_589 : i32 to index
        %swap3A_616 = arith.constant 16 : index
        %swap3A_617 = tpu.vector_load %arg8[%swap3A_615, %swap3A_616] {strides = array<i32>} : memref<489x64xf32, #tpu.memory_space<vmem>>, vector<16xf32>,
        tpu.vector_store %arg8[%swap3A_615, %swap3A_616], %mul3A_614 {strides = array<i32>} : memref<489x64xf32, #tpu.memory_space<vmem>>, vector<16xf32>,
        %get3A_618 = arith.index_cast %squeeze3A_589 : i32 to index
        %get3A_619 = arith.constant 32 : index
        %get3A_620 = tpu.vector_load %arg8[%get3A_618, %get3A_619] {strides = array<i32>} : memref<489x64xf32, #tpu.memory_space<vmem>>, vector<16xf32>,
        %get3A_621 = arith.constant 8 : i32
        %get3A_622 = arith.index_cast %get3A_621 : i32 to index
        %get3A_623 = arith.constant 32 : index
        %get3A_624 = tpu.vector_load %arg9[%get3A_622, %get3A_623] {strides = array<i32>} : memref<16x128xf32, #tpu.memory_space<vmem>>, vector<16xf32>,
        %add3A_625 = arith.addf %get3A_620, %get3A_624 : vector<16xf32>
        %mul3A_626 = arith.constant 5.000000e-01 : f32
        %mul3A_627 = vector.broadcast %mul3A_626 : f32 to vector<16xf32>
        %mul3A_628 = arith.mulf %mul3A_627, %add3A_625 : vector<16xf32>
        %swap3A_629 = arith.index_cast %squeeze3A_589 : i32 to index
        %swap3A_630 = arith.constant 32 : index
        %swap3A_631 = tpu.vector_load %arg8[%swap3A_629, %swap3A_630] {strides = array<i32>} : memref<489x64xf32, #tpu.memory_space<vmem>>, vector<16xf32>,
        tpu.vector_store %arg8[%swap3A_629, %swap3A_630], %mul3A_628 {strides = array<i32>} : memref<489x64xf32, #tpu.memory_space<vmem>>, vector<16xf32>,
        %get3A_632 = arith.index_cast %squeeze3A_589 : i32 to index
        %get3A_633 = arith.constant 48 : index
        %get3A_634 = tpu.vector_load %arg8[%get3A_632, %get3A_633] {strides = array<i32>} : memref<489x64xf32, #tpu.memory_space<vmem>>, vector<16xf32>,
        %get3A_635 = arith.constant 8 : i32
        %get3A_636 = arith.index_cast %get3A_635 : i32 to index
        %get3A_637 = arith.constant 48 : index
        %get3A_638 = tpu.vector_load %arg9[%get3A_636, %get3A_637] {strides = array<i32>} : memref<16x128xf32, #tpu.memory_space<vmem>>, vector<16xf32>,
        %add3A_639 = arith.addf %get3A_634, %get3A_638 : vector<16xf32>
        %mul3A_640 = arith.constant 5.000000e-01 : f32
        %mul3A_641 = vector.broadcast %mul3A_640 : f32 to vector<16xf32>
        %mul3A_642 = arith.mulf %mul3A_641, %add3A_639 : vector<16xf32>
        %swap3A_643 = arith.index_cast %squeeze3A_589 : i32 to index
        %swap3A_644 = arith.constant 48 : index
        %swap3A_645 = tpu.vector_load %arg8[%swap3A_643, %swap3A_644] {strides = array<i32>} : memref<489x64xf32, #tpu.memory_space<vmem>>, vector<16xf32>,
        tpu.vector_store %arg8[%swap3A_643, %swap3A_644], %mul3A_642 {strides = array<i32>} : memref<489x64xf32, #tpu.memory_space<vmem>>, vector<16xf32>,
        %slice3A_646 = vector.extract_strided_slice %get3A_125 {offsets = [9], sizes = [1], strides = [1]} : vector<16xi32> to vector<1xi32>
        %squeeze3A_647 = vector.extract %slice3A_646[0] : i32 from vector<1xi32>
        %get3A_648 = arith.index_cast %squeeze3A_647 : i32 to index
        %get3A_649 = arith.constant 0 : index
        %get3A_650 = tpu.vector_load %arg8[%get3A_648, %get3A_649] {strides = array<i32>} : memref<489x64xf32, #tpu.memory_space<vmem>>, vector<16xf32>,
        %get3A_651 = arith.constant 9 : i32
        %get3A_652 = arith.index_cast %get3A_651 : i32 to index
        %get3A_653 = arith.constant 0 : index
        %get3A_654 = tpu.vector_load %arg9[%get3A_652, %get3A_653] {strides = array<i32>} : memref<16x128xf32, #tpu.memory_space<vmem>>, vector<16xf32>,
        %add3A_655 = arith.addf %get3A_650, %get3A_654 : vector<16xf32>
        %mul3A_656 = arith.constant 5.000000e-01 : f32
        %mul3A_657 = vector.broadcast %mul3A_656 : f32 to vector<16xf32>
        %mul3A_658 = arith.mulf %mul3A_657, %add3A_655 : vector<16xf32>
        %swap3A_659 = arith.index_cast %squeeze3A_647 : i32 to index
        %swap3A_660 = arith.constant 0 : index
        %swap3A_661 = tpu.vector_load %arg8[%swap3A_659, %swap3A_660] {strides = array<i32>} : memref<489x64xf32, #tpu.memory_space<vmem>>, vector<16xf32>,
        tpu.vector_store %arg8[%swap3A_659, %swap3A_660], %mul3A_658 {strides = array<i32>} : memref<489x64xf32, #tpu.memory_space<vmem>>, vector<16xf32>,
        %get3A_662 = arith.index_cast %squeeze3A_647 : i32 to index
        %get3A_663 = arith.constant 16 : index
        %get3A_664 = tpu.vector_load %arg8[%get3A_662, %get3A_663] {strides = array<i32>} : memref<489x64xf32, #tpu.memory_space<vmem>>, vector<16xf32>,
        %get3A_665 = arith.constant 9 : i32
        %get3A_666 = arith.index_cast %get3A_665 : i32 to index
        %get3A_667 = arith.constant 16 : index
        %get3A_668 = tpu.vector_load %arg9[%get3A_666, %get3A_667] {strides = array<i32>} : memref<16x128xf32, #tpu.memory_space<vmem>>, vector<16xf32>,
        %add3A_669 = arith.addf %get3A_664, %get3A_668 : vector<16xf32>
        %mul3A_670 = arith.constant 5.000000e-01 : f32
        %mul3A_671 = vector.broadcast %mul3A_670 : f32 to vector<16xf32>
        %mul3A_672 = arith.mulf %mul3A_671, %add3A_669 : vector<16xf32>
        %swap3A_673 = arith.index_cast %squeeze3A_647 : i32 to index
        %swap3A_674 = arith.constant 16 : index
        %swap3A_675 = tpu.vector_load %arg8[%swap3A_673, %swap3A_674] {strides = array<i32>} : memref<489x64xf32, #tpu.memory_space<vmem>>, vector<16xf32>,
        tpu.vector_store %arg8[%swap3A_673, %swap3A_674], %mul3A_672 {strides = array<i32>} : memref<489x64xf32, #tpu.memory_space<vmem>>, vector<16xf32>,
        %get3A_676 = arith.index_cast %squeeze3A_647 : i32 to index
        %get3A_677 = arith.constant 32 : index
        %get3A_678 = tpu.vector_load %arg8[%get3A_676, %get3A_677] {strides = array<i32>} : memref<489x64xf32, #tpu.memory_space<vmem>>, vector<16xf32>,
        %get3A_679 = arith.constant 9 : i32
        %get3A_680 = arith.index_cast %get3A_679 : i32 to index
        %get3A_681 = arith.constant 32 : index
        %get3A_682 = tpu.vector_load %arg9[%get3A_680, %get3A_681] {strides = array<i32>} : memref<16x128xf32, #tpu.memory_space<vmem>>, vector<16xf32>,
        %add3A_683 = arith.addf %get3A_678, %get3A_682 : vector<16xf32>
        %mul3A_684 = arith.constant 5.000000e-01 : f32
        %mul3A_685 = vector.broadcast %mul3A_684 : f32 to vector<16xf32>
        %mul3A_686 = arith.mulf %mul3A_685, %add3A_683 : vector<16xf32>
        %swap3A_687 = arith.index_cast %squeeze3A_647 : i32 to index
        %swap3A_688 = arith.constant 32 : index
        %swap3A_689 = tpu.vector_load %arg8[%swap3A_687, %swap3A_688] {strides = array<i32>} : memref<489x64xf32, #tpu.memory_space<vmem>>, vector<16xf32>,
        tpu.vector_store %arg8[%swap3A_687, %swap3A_688], %mul3A_686 {strides = array<i32>} : memref<489x64xf32, #tpu.memory_space<vmem>>, vector<16xf32>,
        %get3A_690 = arith.index_cast %squeeze3A_647 : i32 to index
        %get3A_691 = arith.constant 48 : index
        %get3A_692 = tpu.vector_load %arg8[%get3A_690, %get3A_691] {strides = array<i32>} : memref<489x64xf32, #tpu.memory_space<vmem>>, vector<16xf32>,
        %get3A_693 = arith.constant 9 : i32
        %get3A_694 = arith.index_cast %get3A_693 : i32 to index
        %get3A_695 = arith.constant 48 : index
        %get3A_696 = tpu.vector_load %arg9[%get3A_694, %get3A_695] {strides = array<i32>} : memref<16x128xf32, #tpu.memory_space<vmem>>, vector<16xf32>,
        %add3A_697 = arith.addf %get3A_692, %get3A_696 : vector<16xf32>
        %mul3A_698 = arith.constant 5.000000e-01 : f32
        %mul3A_699 = vector.broadcast %mul3A_698 : f32 to vector<16xf32>
        %mul3A_700 = arith.mulf %mul3A_699, %add3A_697 : vector<16xf32>
        %swap3A_701 = arith.index_cast %squeeze3A_647 : i32 to index
        %swap3A_702 = arith.constant 48 : index
        %swap3A_703 = tpu.vector_load %arg8[%swap3A_701, %swap3A_702] {strides = array<i32>} : memref<489x64xf32, #tpu.memory_space<vmem>>, vector<16xf32>,
        tpu.vector_store %arg8[%swap3A_701, %swap3A_702], %mul3A_700 {strides = array<i32>} : memref<489x64xf32, #tpu.memory_space<vmem>>, vector<16xf32>,
        %slice3A_704 = vector.extract_strided_slice %get3A_125 {offsets = [10], sizes = [1], strides = [1]} : vector<16xi32> to vector<1xi32>
        %squeeze3A_705 = vector.extract %slice3A_704[0] : i32 from vector<1xi32>
        %get3A_706 = arith.index_cast %squeeze3A_705 : i32 to index
        %get3A_707 = arith.constant 0 : index
        %get3A_708 = tpu.vector_load %arg8[%get3A_706, %get3A_707] {strides = array<i32>} : memref<489x64xf32, #tpu.memory_space<vmem>>, vector<16xf32>,
        %get3A_709 = arith.constant 10 : i32
        %get3A_710 = arith.index_cast %get3A_709 : i32 to index
        %get3A_711 = arith.constant 0 : index
        %get3A_712 = tpu.vector_load %arg9[%get3A_710, %get3A_711] {strides = array<i32>} : memref<16x128xf32, #tpu.memory_space<vmem>>, vector<16xf32>,
        %add3A_713 = arith.addf %get3A_708, %get3A_712 : vector<16xf32>
        %mul3A_714 = arith.constant 5.000000e-01 : f32
        %mul3A_715 = vector.broadcast %mul3A_714 : f32 to vector<16xf32>
        %mul3A_716 = arith.mulf %mul3A_715, %add3A_713 : vector<16xf32>
        %swap3A_717 = arith.index_cast %squeeze3A_705 : i32 to index
        %swap3A_718 = arith.constant 0 : index
        %swap3A_719 = tpu.vector_load %arg8[%swap3A_717, %swap3A_718] {strides = array<i32>} : memref<489x64xf32, #tpu.memory_space<vmem>>, vector<16xf32>,
        tpu.vector_store %arg8[%swap3A_717, %swap3A_718], %mul3A_716 {strides = array<i32>} : memref<489x64xf32, #tpu.memory_space<vmem>>, vector<16xf32>,
        %get3A_720 = arith.index_cast %squeeze3A_705 : i32 to index
        %get3A_721 = arith.constant 16 : index
        %get3A_722 = tpu.vector_load %arg8[%get3A_720, %get3A_721] {strides = array<i32>} : memref<489x64xf32, #tpu.memory_space<vmem>>, vector<16xf32>,
        %get3A_723 = arith.constant 10 : i32
        %get3A_724 = arith.index_cast %get3A_723 : i32 to index
        %get3A_725 = arith.constant 16 : index
        %get3A_726 = tpu.vector_load %arg9[%get3A_724, %get3A_725] {strides = array<i32>} : memref<16x128xf32, #tpu.memory_space<vmem>>, vector<16xf32>,
        %add3A_727 = arith.addf %get3A_722, %get3A_726 : vector<16xf32>
        %mul3A_728 = arith.constant 5.000000e-01 : f32
        %mul3A_729 = vector.broadcast %mul3A_728 : f32 to vector<16xf32>
        %mul3A_730 = arith.mulf %mul3A_729, %add3A_727 : vector<16xf32>
        %swap3A_731 = arith.index_cast %squeeze3A_705 : i32 to index
        %swap3A_732 = arith.constant 16 : index
        %swap3A_733 = tpu.vector_load %arg8[%swap3A_731, %swap3A_732] {strides = array<i32>} : memref<489x64xf32, #tpu.memory_space<vmem>>, vector<16xf32>,
        tpu.vector_store %arg8[%swap3A_731, %swap3A_732], %mul3A_730 {strides = array<i32>} : memref<489x64xf32, #tpu.memory_space<vmem>>, vector<16xf32>,
        %get3A_734 = arith.index_cast %squeeze3A_705 : i32 to index
        %get3A_735 = arith.constant 32 : index
        %get3A_736 = tpu.vector_load %arg8[%get3A_734, %get3A_735] {strides = array<i32>} : memref<489x64xf32, #tpu.memory_space<vmem>>, vector<16xf32>,
        %get3A_737 = arith.constant 10 : i32
        %get3A_738 = arith.index_cast %get3A_737 : i32 to index
        %get3A_739 = arith.constant 32 : index
        %get3A_740 = tpu.vector_load %arg9[%get3A_738, %get3A_739] {strides = array<i32>} : memref<16x128xf32, #tpu.memory_space<vmem>>, vector<16xf32>,
        %add3A_741 = arith.addf %get3A_736, %get3A_740 : vector<16xf32>
        %mul3A_742 = arith.constant 5.000000e-01 : f32
        %mul3A_743 = vector.broadcast %mul3A_742 : f32 to vector<16xf32>
        %mul3A_744 = arith.mulf %mul3A_743, %add3A_741 : vector<16xf32>
        %swap3A_745 = arith.index_cast %squeeze3A_705 : i32 to index
        %swap3A_746 = arith.constant 32 : index
        %swap3A_747 = tpu.vector_load %arg8[%swap3A_745, %swap3A_746] {strides = array<i32>} : memref<489x64xf32, #tpu.memory_space<vmem>>, vector<16xf32>,
        tpu.vector_store %arg8[%swap3A_745, %swap3A_746], %mul3A_744 {strides = array<i32>} : memref<489x64xf32, #tpu.memory_space<vmem>>, vector<16xf32>,
        %get3A_748 = arith.index_cast %squeeze3A_705 : i32 to index
        %get3A_749 = arith.constant 48 : index
        %get3A_750 = tpu.vector_load %arg8[%get3A_748, %get3A_749] {strides = array<i32>} : memref<489x64xf32, #tpu.memory_space<vmem>>, vector<16xf32>,
        %get3A_751 = arith.constant 10 : i32
        %get3A_752 = arith.index_cast %get3A_751 : i32 to index
        %get3A_753 = arith.constant 48 : index
        %get3A_754 = tpu.vector_load %arg9[%get3A_752, %get3A_753] {strides = array<i32>} : memref<16x128xf32, #tpu.memory_space<vmem>>, vector<16xf32>,
        %add3A_755 = arith.addf %get3A_750, %get3A_754 : vector<16xf32>
        %mul3A_756 = arith.constant 5.000000e-01 : f32
        %mul3A_757 = vector.broadcast %mul3A_756 : f32 to vector<16xf32>
        %mul3A_758 = arith.mulf %mul3A_757, %add3A_755 : vector<16xf32>
        %swap3A_759 = arith.index_cast %squeeze3A_705 : i32 to index
        %swap3A_760 = arith.constant 48 : index
        %swap3A_761 = tpu.vector_load %arg8[%swap3A_759, %swap3A_760] {strides = array<i32>} : memref<489x64xf32, #tpu.memory_space<vmem>>, vector<16xf32>,
        tpu.vector_store %arg8[%swap3A_759, %swap3A_760], %mul3A_758 {strides = array<i32>} : memref<489x64xf32, #tpu.memory_space<vmem>>, vector<16xf32>,
        %slice3A_762 = vector.extract_strided_slice %get3A_125 {offsets = [11], sizes = [1], strides = [1]} : vector<16xi32> to vector<1xi32>
        %squeeze3A_763 = vector.extract %slice3A_762[0] : i32 from vector<1xi32>
        %get3A_764 = arith.index_cast %squeeze3A_763 : i32 to index
        %get3A_765 = arith.constant 0 : index
        %get3A_766 = tpu.vector_load %arg8[%get3A_764, %get3A_765] {strides = array<i32>} : memref<489x64xf32, #tpu.memory_space<vmem>>, vector<16xf32>,
        %get3A_767 = arith.constant 11 : i32
        %get3A_768 = arith.index_cast %get3A_767 : i32 to index
        %get3A_769 = arith.constant 0 : index
        %get3A_770 = tpu.vector_load %arg9[%get3A_768, %get3A_769] {strides = array<i32>} : memref<16x128xf32, #tpu.memory_space<vmem>>, vector<16xf32>,
        %add3A_771 = arith.addf %get3A_766, %get3A_770 : vector<16xf32>
        %mul3A_772 = arith.constant 5.000000e-01 : f32
        %mul3A_773 = vector.broadcast %mul3A_772 : f32 to vector<16xf32>
        %mul3A_774 = arith.mulf %mul3A_773, %add3A_771 : vector<16xf32>
        %swap3A_775 = arith.index_cast %squeeze3A_763 : i32 to index
        %swap3A_776 = arith.constant 0 : index
        %swap3A_777 = tpu.vector_load %arg8[%swap3A_775, %swap3A_776] {strides = array<i32>} : memref<489x64xf32, #tpu.memory_space<vmem>>, vector<16xf32>,
        tpu.vector_store %arg8[%swap3A_775, %swap3A_776], %mul3A_774 {strides = array<i32>} : memref<489x64xf32, #tpu.memory_space<vmem>>, vector<16xf32>,
        %get3A_778 = arith.index_cast %squeeze3A_763 : i32 to index
        %get3A_779 = arith.constant 16 : index
        %get3A_780 = tpu.vector_load %arg8[%get3A_778, %get3A_779] {strides = array<i32>} : memref<489x64xf32, #tpu.memory_space<vmem>>, vector<16xf32>,
        %get3A_781 = arith.constant 11 : i32
        %get3A_782 = arith.index_cast %get3A_781 : i32 to index
        %get3A_783 = arith.constant 16 : index
        %get3A_784 = tpu.vector_load %arg9[%get3A_782, %get3A_783] {strides = array<i32>} : memref<16x128xf32, #tpu.memory_space<vmem>>, vector<16xf32>,
        %add3A_785 = arith.addf %get3A_780, %get3A_784 : vector<16xf32>
        %mul3A_786 = arith.constant 5.000000e-01 : f32
        %mul3A_787 = vector.broadcast %mul3A_786 : f32 to vector<16xf32>
        %mul3A_788 = arith.mulf %mul3A_787, %add3A_785 : vector<16xf32>
        %swap3A_789 = arith.index_cast %squeeze3A_763 : i32 to index
        %swap3A_790 = arith.constant 16 : index
        %swap3A_791 = tpu.vector_load %arg8[%swap3A_789, %swap3A_790] {strides = array<i32>} : memref<489x64xf32, #tpu.memory_space<vmem>>, vector<16xf32>,
        tpu.vector_store %arg8[%swap3A_789, %swap3A_790], %mul3A_788 {strides = array<i32>} : memref<489x64xf32, #tpu.memory_space<vmem>>, vector<16xf32>,
        %get3A_792 = arith.index_cast %squeeze3A_763 : i32 to index
        %get3A_793 = arith.constant 32 : index
        %get3A_794 = tpu.vector_load %arg8[%get3A_792, %get3A_793] {strides = array<i32>} : memref<489x64xf32, #tpu.memory_space<vmem>>, vector<16xf32>,
        %get3A_795 = arith.constant 11 : i32
        %get3A_796 = arith.index_cast %get3A_795 : i32 to index
        %get3A_797 = arith.constant 32 : index
        %get3A_798 = tpu.vector_load %arg9[%get3A_796, %get3A_797] {strides = array<i32>} : memref<16x128xf32, #tpu.memory_space<vmem>>, vector<16xf32>,
        %add3A_799 = arith.addf %get3A_794, %get3A_798 : vector<16xf32>
        %mul3A_800 = arith.constant 5.000000e-01 : f32
        %mul3A_801 = vector.broadcast %mul3A_800 : f32 to vector<16xf32>
        %mul3A_802 = arith.mulf %mul3A_801, %add3A_799 : vector<16xf32>
        %swap3A_803 = arith.index_cast %squeeze3A_763 : i32 to index
        %swap3A_804 = arith.constant 32 : index
        %swap3A_805 = tpu.vector_load %arg8[%swap3A_803, %swap3A_804] {strides = array<i32>} : memref<489x64xf32, #tpu.memory_space<vmem>>, vector<16xf32>,
        tpu.vector_store %arg8[%swap3A_803, %swap3A_804], %mul3A_802 {strides = array<i32>} : memref<489x64xf32, #tpu.memory_space<vmem>>, vector<16xf32>,
        %get3A_806 = arith.index_cast %squeeze3A_763 : i32 to index
        %get3A_807 = arith.constant 48 : index
        %get3A_808 = tpu.vector_load %arg8[%get3A_806, %get3A_807] {strides = array<i32>} : memref<489x64xf32, #tpu.memory_space<vmem>>, vector<16xf32>,
        %get3A_809 = arith.constant 11 : i32
        %get3A_810 = arith.index_cast %get3A_809 : i32 to index
        %get3A_811 = arith.constant 48 : index
        %get3A_812 = tpu.vector_load %arg9[%get3A_810, %get3A_811] {strides = array<i32>} : memref<16x128xf32, #tpu.memory_space<vmem>>, vector<16xf32>,
        %add3A_813 = arith.addf %get3A_808, %get3A_812 : vector<16xf32>
        %mul3A_814 = arith.constant 5.000000e-01 : f32
        %mul3A_815 = vector.broadcast %mul3A_814 : f32 to vector<16xf32>
        %mul3A_816 = arith.mulf %mul3A_815, %add3A_813 : vector<16xf32>
        %swap3A_817 = arith.index_cast %squeeze3A_763 : i32 to index
        %swap3A_818 = arith.constant 48 : index
        %swap3A_819 = tpu.vector_load %arg8[%swap3A_817, %swap3A_818] {strides = array<i32>} : memref<489x64xf32, #tpu.memory_space<vmem>>, vector<16xf32>,
        tpu.vector_store %arg8[%swap3A_817, %swap3A_818], %mul3A_816 {strides = array<i32>} : memref<489x64xf32, #tpu.memory_space<vmem>>, vector<16xf32>,
        %slice3A_820 = vector.extract_strided_slice %get3A_125 {offsets = [12], sizes = [1], strides = [1]} : vector<16xi32> to vector<1xi32>
        %squeeze3A_821 = vector.extract %slice3A_820[0] : i32 from vector<1xi32>
        %get3A_822 = arith.index_cast %squeeze3A_821 : i32 to index
        %get3A_823 = arith.constant 0 : index
        %get3A_824 = tpu.vector_load %arg8[%get3A_822, %get3A_823] {strides = array<i32>} : memref<489x64xf32, #tpu.memory_space<vmem>>, vector<16xf32>,
        %get3A_825 = arith.constant 12 : i32
        %get3A_826 = arith.index_cast %get3A_825 : i32 to index
        %get3A_827 = arith.constant 0 : index
        %get3A_828 = tpu.vector_load %arg9[%get3A_826, %get3A_827] {strides = array<i32>} : memref<16x128xf32, #tpu.memory_space<vmem>>, vector<16xf32>,
        %add3A_829 = arith.addf %get3A_824, %get3A_828 : vector<16xf32>
        %mul3A_830 = arith.constant 5.000000e-01 : f32
        %mul3A_831 = vector.broadcast %mul3A_830 : f32 to vector<16xf32>
        %mul3A_832 = arith.mulf %mul3A_831, %add3A_829 : vector<16xf32>
        %swap3A_833 = arith.index_cast %squeeze3A_821 : i32 to index
        %swap3A_834 = arith.constant 0 : index
        %swap3A_835 = tpu.vector_load %arg8[%swap3A_833, %swap3A_834] {strides = array<i32>} : memref<489x64xf32, #tpu.memory_space<vmem>>, vector<16xf32>,
        tpu.vector_store %arg8[%swap3A_833, %swap3A_834], %mul3A_832 {strides = array<i32>} : memref<489x64xf32, #tpu.memory_space<vmem>>, vector<16xf32>,
        %get3A_836 = arith.index_cast %squeeze3A_821 : i32 to index
        %get3A_837 = arith.constant 16 : index
        %get3A_838 = tpu.vector_load %arg8[%get3A_836, %get3A_837] {strides = array<i32>} : memref<489x64xf32, #tpu.memory_space<vmem>>, vector<16xf32>,
        %get3A_839 = arith.constant 12 : i32
        %get3A_840 = arith.index_cast %get3A_839 : i32 to index
        %get3A_841 = arith.constant 16 : index
        %get3A_842 = tpu.vector_load %arg9[%get3A_840, %get3A_841] {strides = array<i32>} : memref<16x128xf32, #tpu.memory_space<vmem>>, vector<16xf32>,
        %add3A_843 = arith.addf %get3A_838, %get3A_842 : vector<16xf32>
        %mul3A_844 = arith.constant 5.000000e-01 : f32
        %mul3A_845 = vector.broadcast %mul3A_844 : f32 to vector<16xf32>
        %mul3A_846 = arith.mulf %mul3A_845, %add3A_843 : vector<16xf32>
        %swap3A_847 = arith.index_cast %squeeze3A_821 : i32 to index
        %swap3A_848 = arith.constant 16 : index
        %swap3A_849 = tpu.vector_load %arg8[%swap3A_847, %swap3A_848] {strides = array<i32>} : memref<489x64xf32, #tpu.memory_space<vmem>>, vector<16xf32>,
        tpu.vector_store %arg8[%swap3A_847, %swap3A_848], %mul3A_846 {strides = array<i32>} : memref<489x64xf32, #tpu.memory_space<vmem>>, vector<16xf32>,
        %get3A_850 = arith.index_cast %squeeze3A_821 : i32 to index
        %get3A_851 = arith.constant 32 : index
        %get3A_852 = tpu.vector_load %arg8[%get3A_850, %get3A_851] {strides = array<i32>} : memref<489x64xf32, #tpu.memory_space<vmem>>, vector<16xf32>,
        %get3A_853 = arith.constant 12 : i32
        %get3A_854 = arith.index_cast %get3A_853 : i32 to index
        %get3A_855 = arith.constant 32 : index
        %get3A_856 = tpu.vector_load %arg9[%get3A_854, %get3A_855] {strides = array<i32>} : memref<16x128xf32, #tpu.memory_space<vmem>>, vector<16xf32>,
        %add3A_857 = arith.addf %get3A_852, %get3A_856 : vector<16xf32>
        %mul3A_858 = arith.constant 5.000000e-01 : f32
        %mul3A_859 = vector.broadcast %mul3A_858 : f32 to vector<16xf32>
        %mul3A_860 = arith.mulf %mul3A_859, %add3A_857 : vector<16xf32>
        %swap3A_861 = arith.index_cast %squeeze3A_821 : i32 to index
        %swap3A_862 = arith.constant 32 : index
        %swap3A_863 = tpu.vector_load %arg8[%swap3A_861, %swap3A_862] {strides = array<i32>} : memref<489x64xf32, #tpu.memory_space<vmem>>, vector<16xf32>,
        tpu.vector_store %arg8[%swap3A_861, %swap3A_862], %mul3A_860 {strides = array<i32>} : memref<489x64xf32, #tpu.memory_space<vmem>>, vector<16xf32>,
        %get3A_864 = arith.index_cast %squeeze3A_821 : i32 to index
        %get3A_865 = arith.constant 48 : index
        %get3A_866 = tpu.vector_load %arg8[%get3A_864, %get3A_865] {strides = array<i32>} : memref<489x64xf32, #tpu.memory_space<vmem>>, vector<16xf32>,
        %get3A_867 = arith.constant 12 : i32
        %get3A_868 = arith.index_cast %get3A_867 : i32 to index
        %get3A_869 = arith.constant 48 : index
        %get3A_870 = tpu.vector_load %arg9[%get3A_868, %get3A_869] {strides = array<i32>} : memref<16x128xf32, #tpu.memory_space<vmem>>, vector<16xf32>,
        %add3A_871 = arith.addf %get3A_866, %get3A_870 : vector<16xf32>
        %mul3A_872 = arith.constant 5.000000e-01 : f32
        %mul3A_873 = vector.broadcast %mul3A_872 : f32 to vector<16xf32>
        %mul3A_874 = arith.mulf %mul3A_873, %add3A_871 : vector<16xf32>
        %swap3A_875 = arith.index_cast %squeeze3A_821 : i32 to index
        %swap3A_876 = arith.constant 48 : index
        %swap3A_877 = tpu.vector_load %arg8[%swap3A_875, %swap3A_876] {strides = array<i32>} : memref<489x64xf32, #tpu.memory_space<vmem>>, vector<16xf32>,
        tpu.vector_store %arg8[%swap3A_875, %swap3A_876], %mul3A_874 {strides = array<i32>} : memref<489x64xf32, #tpu.memory_space<vmem>>, vector<16xf32>,
        %slice3A_878 = vector.extract_strided_slice %get3A_125 {offsets = [13], sizes = [1], strides = [1]} : vector<16xi32> to vector<1xi32>
        %squeeze3A_879 = vector.extract %slice3A_878[0] : i32 from vector<1xi32>
        %get3A_880 = arith.index_cast %squeeze3A_879 : i32 to index
        %get3A_881 = arith.constant 0 : index
        %get3A_882 = tpu.vector_load %arg8[%get3A_880, %get3A_881] {strides = array<i32>} : memref<489x64xf32, #tpu.memory_space<vmem>>, vector<16xf32>,
        %get3A_883 = arith.constant 13 : i32
        %get3A_884 = arith.index_cast %get3A_883 : i32 to index
        %get3A_885 = arith.constant 0 : index
        %get3A_886 = tpu.vector_load %arg9[%get3A_884, %get3A_885] {strides = array<i32>} : memref<16x128xf32, #tpu.memory_space<vmem>>, vector<16xf32>,
        %add3A_887 = arith.addf %get3A_882, %get3A_886 : vector<16xf32>
        %mul3A_888 = arith.constant 5.000000e-01 : f32
        %mul3A_889 = vector.broadcast %mul3A_888 : f32 to vector<16xf32>
        %mul3A_890 = arith.mulf %mul3A_889, %add3A_887 : vector<16xf32>
        %swap3A_891 = arith.index_cast %squeeze3A_879 : i32 to index
        %swap3A_892 = arith.constant 0 : index
        %swap3A_893 = tpu.vector_load %arg8[%swap3A_891, %swap3A_892] {strides = array<i32>} : memref<489x64xf32, #tpu.memory_space<vmem>>, vector<16xf32>,
        tpu.vector_store %arg8[%swap3A_891, %swap3A_892], %mul3A_890 {strides = array<i32>} : memref<489x64xf32, #tpu.memory_space<vmem>>, vector<16xf32>,
        %get3A_894 = arith.index_cast %squeeze3A_879 : i32 to index
        %get3A_895 = arith.constant 16 : index
        %get3A_896 = tpu.vector_load %arg8[%get3A_894, %get3A_895] {strides = array<i32>} : memref<489x64xf32, #tpu.memory_space<vmem>>, vector<16xf32>,
        %get3A_897 = arith.constant 13 : i32
        %get3A_898 = arith.index_cast %get3A_897 : i32 to index
        %get3A_899 = arith.constant 16 : index
        %get3A_900 = tpu.vector_load %arg9[%get3A_898, %get3A_899] {strides = array<i32>} : memref<16x128xf32, #tpu.memory_space<vmem>>, vector<16xf32>,
        %add3A_901 = arith.addf %get3A_896, %get3A_900 : vector<16xf32>
        %mul3A_902 = arith.constant 5.000000e-01 : f32
        %mul3A_903 = vector.broadcast %mul3A_902 : f32 to vector<16xf32>
        %mul3A_904 = arith.mulf %mul3A_903, %add3A_901 : vector<16xf32>
        %swap3A_905 = arith.index_cast %squeeze3A_879 : i32 to index
        %swap3A_906 = arith.constant 16 : index
        %swap3A_907 = tpu.vector_load %arg8[%swap3A_905, %swap3A_906] {strides = array<i32>} : memref<489x64xf32, #tpu.memory_space<vmem>>, vector<16xf32>,
        tpu.vector_store %arg8[%swap3A_905, %swap3A_906], %mul3A_904 {strides = array<i32>} : memref<489x64xf32, #tpu.memory_space<vmem>>, vector<16xf32>,
        %get3A_908 = arith.index_cast %squeeze3A_879 : i32 to index
        %get3A_909 = arith.constant 32 : index
        %get3A_910 = tpu.vector_load %arg8[%get3A_908, %get3A_909] {strides = array<i32>} : memref<489x64xf32, #tpu.memory_space<vmem>>, vector<16xf32>,
        %get3A_911 = arith.constant 13 : i32
        %get3A_912 = arith.index_cast %get3A_911 : i32 to index
        %get3A_913 = arith.constant 32 : index
        %get3A_914 = tpu.vector_load %arg9[%get3A_912, %get3A_913] {strides = array<i32>} : memref<16x128xf32, #tpu.memory_space<vmem>>, vector<16xf32>,
        %add3A_915 = arith.addf %get3A_910, %get3A_914 : vector<16xf32>
        %mul3A_916 = arith.constant 5.000000e-01 : f32
        %mul3A_917 = vector.broadcast %mul3A_916 : f32 to vector<16xf32>
        %mul3A_918 = arith.mulf %mul3A_917, %add3A_915 : vector<16xf32>
        %swap3A_919 = arith.index_cast %squeeze3A_879 : i32 to index
        %swap3A_920 = arith.constant 32 : index
        %swap3A_921 = tpu.vector_load %arg8[%swap3A_919, %swap3A_920] {strides = array<i32>} : memref<489x64xf32, #tpu.memory_space<vmem>>, vector<16xf32>,
        tpu.vector_store %arg8[%swap3A_919, %swap3A_920], %mul3A_918 {strides = array<i32>} : memref<489x64xf32, #tpu.memory_space<vmem>>, vector<16xf32>,
        %get3A_922 = arith.index_cast %squeeze3A_879 : i32 to index
        %get3A_923 = arith.constant 48 : index
        %get3A_924 = tpu.vector_load %arg8[%get3A_922, %get3A_923] {strides = array<i32>} : memref<489x64xf32, #tpu.memory_space<vmem>>, vector<16xf32>,
        %get3A_925 = arith.constant 13 : i32
        %get3A_926 = arith.index_cast %get3A_925 : i32 to index
        %get3A_927 = arith.constant 48 : index
        %get3A_928 = tpu.vector_load %arg9[%get3A_926, %get3A_927] {strides = array<i32>} : memref<16x128xf32, #tpu.memory_space<vmem>>, vector<16xf32>,
        %add3A_929 = arith.addf %get3A_924, %get3A_928 : vector<16xf32>
        %mul3A_930 = arith.constant 5.000000e-01 : f32
        %mul3A_931 = vector.broadcast %mul3A_930 : f32 to vector<16xf32>
        %mul3A_932 = arith.mulf %mul3A_931, %add3A_929 : vector<16xf32>
        %swap3A_933 = arith.index_cast %squeeze3A_879 : i32 to index
        %swap3A_934 = arith.constant 48 : index
        %swap3A_935 = tpu.vector_load %arg8[%swap3A_933, %swap3A_934] {strides = array<i32>} : memref<489x64xf32, #tpu.memory_space<vmem>>, vector<16xf32>,
        tpu.vector_store %arg8[%swap3A_933, %swap3A_934], %mul3A_932 {strides = array<i32>} : memref<489x64xf32, #tpu.memory_space<vmem>>, vector<16xf32>,
        %slice3A_936 = vector.extract_strided_slice %get3A_125 {offsets = [14], sizes = [1], strides = [1]} : vector<16xi32> to vector<1xi32>
        %squeeze3A_937 = vector.extract %slice3A_936[0] : i32 from vector<1xi32>
        %get3A_938 = arith.index_cast %squeeze3A_937 : i32 to index
        %get3A_939 = arith.constant 0 : index
        %get3A_940 = tpu.vector_load %arg8[%get3A_938, %get3A_939] {strides = array<i32>} : memref<489x64xf32, #tpu.memory_space<vmem>>, vector<16xf32>,
        %get3A_941 = arith.constant 14 : i32
        %get3A_942 = arith.index_cast %get3A_941 : i32 to index
        %get3A_943 = arith.constant 0 : index
        %get3A_944 = tpu.vector_load %arg9[%get3A_942, %get3A_943] {strides = array<i32>} : memref<16x128xf32, #tpu.memory_space<vmem>>, vector<16xf32>,
        %add3A_945 = arith.addf %get3A_940, %get3A_944 : vector<16xf32>
        %mul3A_946 = arith.constant 5.000000e-01 : f32
        %mul3A_947 = vector.broadcast %mul3A_946 : f32 to vector<16xf32>
        %mul3A_948 = arith.mulf %mul3A_947, %add3A_945 : vector<16xf32>
        %swap3A_949 = arith.index_cast %squeeze3A_937 : i32 to index
        %swap3A_950 = arith.constant 0 : index
        %swap3A_951 = tpu.vector_load %arg8[%swap3A_949, %swap3A_950] {strides = array<i32>} : memref<489x64xf32, #tpu.memory_space<vmem>>, vector<16xf32>,
        tpu.vector_store %arg8[%swap3A_949, %swap3A_950], %mul3A_948 {strides = array<i32>} : memref<489x64xf32, #tpu.memory_space<vmem>>, vector<16xf32>,
        %get3A_952 = arith.index_cast %squeeze3A_937 : i32 to index
        %get3A_953 = arith.constant 16 : index
        %get3A_954 = tpu.vector_load %arg8[%get3A_952, %get3A_953] {strides = array<i32>} : memref<489x64xf32, #tpu.memory_space<vmem>>, vector<16xf32>,
        %get3A_955 = arith.constant 14 : i32
        %get3A_956 = arith.index_cast %get3A_955 : i32 to index
        %get3A_957 = arith.constant 16 : index
        %get3A_958 = tpu.vector_load %arg9[%get3A_956, %get3A_957] {strides = array<i32>} : memref<16x128xf32, #tpu.memory_space<vmem>>, vector<16xf32>,
        %add3A_959 = arith.addf %get3A_954, %get3A_958 : vector<16xf32>
        %mul3A_960 = arith.constant 5.000000e-01 : f32
        %mul3A_961 = vector.broadcast %mul3A_960 : f32 to vector<16xf32>
        %mul3A_962 = arith.mulf %mul3A_961, %add3A_959 : vector<16xf32>
        %swap3A_963 = arith.index_cast %squeeze3A_937 : i32 to index
        %swap3A_964 = arith.constant 16 : index
        %swap3A_965 = tpu.vector_load %arg8[%swap3A_963, %swap3A_964] {strides = array<i32>} : memref<489x64xf32, #tpu.memory_space<vmem>>, vector<16xf32>,
        tpu.vector_store %arg8[%swap3A_963, %swap3A_964], %mul3A_962 {strides = array<i32>} : memref<489x64xf32, #tpu.memory_space<vmem>>, vector<16xf32>,
        %get3A_966 = arith.index_cast %squeeze3A_937 : i32 to index
        %get3A_967 = arith.constant 32 : index
        %get3A_968 = tpu.vector_load %arg8[%get3A_966, %get3A_967] {strides = array<i32>} : memref<489x64xf32, #tpu.memory_space<vmem>>, vector<16xf32>,
        %get3A_969 = arith.constant 14 : i32
        %get3A_970 = arith.index_cast %get3A_969 : i32 to index
        %get3A_971 = arith.constant 32 : index
        %get3A_972 = tpu.vector_load %arg9[%get3A_970, %get3A_971] {strides = array<i32>} : memref<16x128xf32, #tpu.memory_space<vmem>>, vector<16xf32>,
        %add3A_973 = arith.addf %get3A_968, %get3A_972 : vector<16xf32>
        %mul3A_974 = arith.constant 5.000000e-01 : f32
        %mul3A_975 = vector.broadcast %mul3A_974 : f32 to vector<16xf32>
        %mul3A_976 = arith.mulf %mul3A_975, %add3A_973 : vector<16xf32>
        %swap3A_977 = arith.index_cast %squeeze3A_937 : i32 to index
        %swap3A_978 = arith.constant 32 : index
        %swap3A_979 = tpu.vector_load %arg8[%swap3A_977, %swap3A_978] {strides = array<i32>} : memref<489x64xf32, #tpu.memory_space<vmem>>, vector<16xf32>,
        tpu.vector_store %arg8[%swap3A_977, %swap3A_978], %mul3A_976 {strides = array<i32>} : memref<489x64xf32, #tpu.memory_space<vmem>>, vector<16xf32>,
        %get3A_980 = arith.index_cast %squeeze3A_937 : i32 to index
        %get3A_981 = arith.constant 48 : index
        %get3A_982 = tpu.vector_load %arg8[%get3A_980, %get3A_981] {strides = array<i32>} : memref<489x64xf32, #tpu.memory_space<vmem>>, vector<16xf32>,
        %get3A_983 = arith.constant 14 : i32
        %get3A_984 = arith.index_cast %get3A_983 : i32 to index
        %get3A_985 = arith.constant 48 : index
        %get3A_986 = tpu.vector_load %arg9[%get3A_984, %get3A_985] {strides = array<i32>} : memref<16x128xf32, #tpu.memory_space<vmem>>, vector<16xf32>,
        %add3A_987 = arith.addf %get3A_982, %get3A_986 : vector<16xf32>
        %mul3A_988 = arith.constant 5.000000e-01 : f32
        %mul3A_989 = vector.broadcast %mul3A_988 : f32 to vector<16xf32>
        %mul3A_990 = arith.mulf %mul3A_989, %add3A_987 : vector<16xf32>
        %swap3A_991 = arith.index_cast %squeeze3A_937 : i32 to index
        %swap3A_992 = arith.constant 48 : index
        %swap3A_993 = tpu.vector_load %arg8[%swap3A_991, %swap3A_992] {strides = array<i32>} : memref<489x64xf32, #tpu.memory_space<vmem>>, vector<16xf32>,
        tpu.vector_store %arg8[%swap3A_991, %swap3A_992], %mul3A_990 {strides = array<i32>} : memref<489x64xf32, #tpu.memory_space<vmem>>, vector<16xf32>,
        %slice3A_994 = vector.extract_strided_slice %get3A_125 {offsets = [15], sizes = [1], strides = [1]} : vector<16xi32> to vector<1xi32>
        %squeeze3A_995 = vector.extract %slice3A_994[0] : i32 from vector<1xi32>
        %get3A_996 = arith.index_cast %squeeze3A_995 : i32 to index
        %get3A_997 = arith.constant 0 : index
        %get3A_998 = tpu.vector_load %arg8[%get3A_996, %get3A_997] {strides = array<i32>} : memref<489x64xf32, #tpu.memory_space<vmem>>, vector<16xf32>,
        %get3A_999 = arith.constant 15 : i32
        %get3A_1000 = arith.index_cast %get3A_999 : i32 to index
        %get3A_1001 = arith.constant 0 : index
        %get3A_1002 = tpu.vector_load %arg9[%get3A_1000, %get3A_1001] {strides = array<i32>} : memref<16x128xf32, #tpu.memory_space<vmem>>, vector<16xf32>,
        %add3A_1003 = arith.addf %get3A_998, %get3A_1002 : vector<16xf32>
        %mul3A_1004 = arith.constant 5.000000e-01 : f32
        %mul3A_1005 = vector.broadcast %mul3A_1004 : f32 to vector<16xf32>
        %mul3A_1006 = arith.mulf %mul3A_1005, %add3A_1003 : vector<16xf32>
        %swap3A_1007 = arith.index_cast %squeeze3A_995 : i32 to index
        %swap3A_1008 = arith.constant 0 : index
        %swap3A_1009 = tpu.vector_load %arg8[%swap3A_1007, %swap3A_1008] {strides = array<i32>} : memref<489x64xf32, #tpu.memory_space<vmem>>, vector<16xf32>,
        tpu.vector_store %arg8[%swap3A_1007, %swap3A_1008], %mul3A_1006 {strides = array<i32>} : memref<489x64xf32, #tpu.memory_space<vmem>>, vector<16xf32>,
        %get3A_1010 = arith.index_cast %squeeze3A_995 : i32 to index
        %get3A_1011 = arith.constant 16 : index
        %get3A_1012 = tpu.vector_load %arg8[%get3A_1010, %get3A_1011] {strides = array<i32>} : memref<489x64xf32, #tpu.memory_space<vmem>>, vector<16xf32>,
        %get3A_1013 = arith.constant 15 : i32
        %get3A_1014 = arith.index_cast %get3A_1013 : i32 to index
        %get3A_1015 = arith.constant 16 : index
        %get3A_1016 = tpu.vector_load %arg9[%get3A_1014, %get3A_1015] {strides = array<i32>} : memref<16x128xf32, #tpu.memory_space<vmem>>, vector<16xf32>,
        %add3A_1017 = arith.addf %get3A_1012, %get3A_1016 : vector<16xf32>
        %mul3A_1018 = arith.constant 5.000000e-01 : f32
        %mul3A_1019 = vector.broadcast %mul3A_1018 : f32 to vector<16xf32>
        %mul3A_1020 = arith.mulf %mul3A_1019, %add3A_1017 : vector<16xf32>
        %swap3A_1021 = arith.index_cast %squeeze3A_995 : i32 to index
        %swap3A_1022 = arith.constant 16 : index
        %swap3A_1023 = tpu.vector_load %arg8[%swap3A_1021, %swap3A_1022] {strides = array<i32>} : memref<489x64xf32, #tpu.memory_space<vmem>>, vector<16xf32>,
        tpu.vector_store %arg8[%swap3A_1021, %swap3A_1022], %mul3A_1020 {strides = array<i32>} : memref<489x64xf32, #tpu.memory_space<vmem>>, vector<16xf32>,
        %get3A_1024 = arith.index_cast %squeeze3A_995 : i32 to index
        %get3A_1025 = arith.constant 32 : index
        %get3A_1026 = tpu.vector_load %arg8[%get3A_1024, %get3A_1025] {strides = array<i32>} : memref<489x64xf32, #tpu.memory_space<vmem>>, vector<16xf32>,
        %get3A_1027 = arith.constant 15 : i32
        %get3A_1028 = arith.index_cast %get3A_1027 : i32 to index
        %get3A_1029 = arith.constant 32 : index
        %get3A_1030 = tpu.vector_load %arg9[%get3A_1028, %get3A_1029] {strides = array<i32>} : memref<16x128xf32, #tpu.memory_space<vmem>>, vector<16xf32>,
        %add3A_1031 = arith.addf %get3A_1026, %get3A_1030 : vector<16xf32>
        %mul3A_1032 = arith.constant 5.000000e-01 : f32
        %mul3A_1033 = vector.broadcast %mul3A_1032 : f32 to vector<16xf32>
        %mul3A_1034 = arith.mulf %mul3A_1033, %add3A_1031 : vector<16xf32>
        %swap3A_1035 = arith.index_cast %squeeze3A_995 : i32 to index
        %swap3A_1036 = arith.constant 32 : index
        %swap3A_1037 = tpu.vector_load %arg8[%swap3A_1035, %swap3A_1036] {strides = array<i32>} : memref<489x64xf32, #tpu.memory_space<vmem>>, vector<16xf32>,
        tpu.vector_store %arg8[%swap3A_1035, %swap3A_1036], %mul3A_1034 {strides = array<i32>} : memref<489x64xf32, #tpu.memory_space<vmem>>, vector<16xf32>,
        %get3A_1038 = arith.index_cast %squeeze3A_995 : i32 to index
        %get3A_1039 = arith.constant 48 : index
        %get3A_1040 = tpu.vector_load %arg8[%get3A_1038, %get3A_1039] {strides = array<i32>} : memref<489x64xf32, #tpu.memory_space<vmem>>, vector<16xf32>,
        %get3A_1041 = arith.constant 15 : i32
        %get3A_1042 = arith.index_cast %get3A_1041 : i32 to index
        %get3A_1043 = arith.constant 48 : index
        %get3A_1044 = tpu.vector_load %arg9[%get3A_1042, %get3A_1043] {strides = array<i32>} : memref<16x128xf32, #tpu.memory_space<vmem>>, vector<16xf32>,
        %add3A_1045 = arith.addf %get3A_1040, %get3A_1044 : vector<16xf32>
        %mul3A_1046 = arith.constant 5.000000e-01 : f32
        %mul3A_1047 = vector.broadcast %mul3A_1046 : f32 to vector<16xf32>
        %mul3A_1048 = arith.mulf %mul3A_1047, %add3A_1045 : vector<16xf32>
        %swap3A_1049 = arith.index_cast %squeeze3A_995 : i32 to index
        %swap3A_1050 = arith.constant 48 : index
        %swap3A_1051 = tpu.vector_load %arg8[%swap3A_1049, %swap3A_1050] {strides = array<i32>} : memref<489x64xf32, #tpu.memory_space<vmem>>, vector<16xf32>,
        tpu.vector_store %arg8[%swap3A_1049, %swap3A_1050], %mul3A_1048 {strides = array<i32>} : memref<489x64xf32, #tpu.memory_space<vmem>>, vector<16xf32>,
      }
      %while3A_86 = arith.constant 1 : i32
      scf.for %while3A_108 = %while3A_84 to %while3A_80 step %while3A_86  : i32 {
        %mul3A_109 = arith.muli %while3A_108, %while3A : i32
        %add3A_110 = arith.addi %while3A_77, %mul3A_109 : i32
        %mul3A_111 = arith.constant 16 : i32
        %mul3A_112 = arith.muli %add3A_110, %mul3A_111 : i32
        %dma_start3A_113 = tpu.memref_slice %arg11[%mul3A_112] : memref<504xi32, #tpu.memory_space<vmem>> -> memref<16xi32, #tpu.memory_space<vmem>>
        %dma_start3A_114 = arith.constant 0 : i32
        %dma_start3A_115 = arith.constant 0 : i32
        %dma_start3A_116 = tpu.memref_slice %arg4[%dma_start3A_114, %dma_start3A_115] : memref<65536x128xf32, #tpu.memory_space<hbm>> -> memref<65536x128xf32, #tpu.memory_space<hbm>>
        tpu.enqueue_indirect_dma source(%dma_start3A_116 : memref<65536x128xf32, #tpu.memory_space<hbm>>) target(%arg9 : memref<16x128xf32, #tpu.memory_space<vmem>>) offsets(%dma_start3A_113 : memref<16xi32, #tpu.memory_space<vmem>>) semaphore(%arg14 : memref<!tpu.dma_semaphore, #tpu.memory_space<semaphore_mem>>)
        %dma_wait3A_117 = tpu.memref_slice %arg11[%mul3A_112] : memref<504xi32, #tpu.memory_space<vmem>> -> memref<16xi32, #tpu.memory_space<vmem>>
        %dma_wait3A_118 = arith.constant 0 : i32
        %dma_wait3A_119 = arith.constant 0 : i32
        %dma_wait3A_120 = tpu.memref_slice %arg4[%dma_wait3A_118, %dma_wait3A_119] : memref<65536x128xf32, #tpu.memory_space<hbm>> -> memref<65536x128xf32, #tpu.memory_space<hbm>>
        tpu.wait_indirect_dma semaphore(%arg14 : memref<!tpu.dma_semaphore, #tpu.memory_space<semaphore_mem>>) src(%dma_wait3A_120 : memref<65536x128xf32, #tpu.memory_space<hbm>>) dst(%arg9 : memref<16x128xf32, #tpu.memory_space<vmem>>)
        %mul3A_121 = arith.constant 16 : i32
        %mul3A_122 = arith.muli %add3A_110, %mul3A_121 : i32
        %add3A_123 = arith.constant 0 : i32
        %add3A_124 = arith.addi %mul3A_122, %add3A_123 : i32
        %get3A = arith.index_cast %add3A_124 : i32 to index
        %get3A_125 = tpu.vector_load %arg10[%get3A] {strides = array<i32>} : memref<504xi32, #tpu.memory_space<vmem>>, vector<16xi32>,
        %slice3A = vector.extract_strided_slice %get3A_125 {offsets = [0], sizes = [1], strides = [1]} : vector<16xi32> to vector<1xi32>
        %squeeze3A = vector.extract %slice3A[0] : i32 from vector<1xi32>
        %get3A_126 = arith.index_cast %squeeze3A : i32 to index
        %get3A_127 = arith.constant 0 : index
        %get3A_128 = tpu.vector_load %arg8[%get3A_126, %get3A_127] {strides = array<i32>} : memref<489x64xf32, #tpu.memory_space<vmem>>, vector<16xf32>,
        %get3A_129 = arith.constant 0 : i32
        %get3A_130 = arith.index_cast %get3A_129 : i32 to index
        %get3A_131 = arith.constant 0 : index
        %get3A_132 = tpu.vector_load %arg9[%get3A_130, %get3A_131] {strides = array<i32>} : memref<16x128xf32, #tpu.memory_space<vmem>>, vector<16xf32>,
        %add3A_133 = arith.addf %get3A_128, %get3A_132 : vector<16xf32>
        %mul3A_134 = arith.constant 5.000000e-01 : f32
        %mul3A_135 = vector.broadcast %mul3A_134 : f32 to vector<16xf32>
        %mul3A_136 = arith.mulf %mul3A_135, %add3A_133 : vector<16xf32>
        %swap3A_137 = arith.index_cast %squeeze3A : i32 to index
        %swap3A_138 = arith.constant 0 : index
        %swap3A_139 = tpu.vector_load %arg8[%swap3A_137, %swap3A_138] {strides = array<i32>} : memref<489x64xf32, #tpu.memory_space<vmem>>, vector<16xf32>,
        tpu.vector_store %arg8[%swap3A_137, %swap3A_138], %mul3A_136 {strides = array<i32>} : memref<489x64xf32, #tpu.memory_space<vmem>>, vector<16xf32>,
        %get3A_140 = arith.index_cast %squeeze3A : i32 to index
        %get3A_141 = arith.constant 16 : index
        %get3A_142 = tpu.vector_load %arg8[%get3A_140, %get3A_141] {strides = array<i32>} : memref<489x64xf32, #tpu.memory_space<vmem>>, vector<16xf32>,
        %get3A_143 = arith.constant 0 : i32
        %get3A_144 = arith.index_cast %get3A_143 : i32 to index
        %get3A_145 = arith.constant 16 : index
        %get3A_146 = tpu.vector_load %arg9[%get3A_144, %get3A_145] {strides = array<i32>} : memref<16x128xf32, #tpu.memory_space<vmem>>, vector<16xf32>,
        %add3A_147 = arith.addf %get3A_142, %get3A_146 : vector<16xf32>
        %mul3A_148 = arith.constant 5.000000e-01 : f32
        %mul3A_149 = vector.broadcast %mul3A_148 : f32 to vector<16xf32>
        %mul3A_150 = arith.mulf %mul3A_149, %add3A_147 : vector<16xf32>
        %swap3A_151 = arith.index_cast %squeeze3A : i32 to index
        %swap3A_152 = arith.constant 16 : index
        %swap3A_153 = tpu.vector_load %arg8[%swap3A_151, %swap3A_152] {strides = array<i32>} : memref<489x64xf32, #tpu.memory_space<vmem>>, vector<16xf32>,
        tpu.vector_store %arg8[%swap3A_151, %swap3A_152], %mul3A_150 {strides = array<i32>} : memref<489x64xf32, #tpu.memory_space<vmem>>, vector<16xf32>,
        %get3A_154 = arith.index_cast %squeeze3A : i32 to index
        %get3A_155 = arith.constant 32 : index
        %get3A_156 = tpu.vector_load %arg8[%get3A_154, %get3A_155] {strides = array<i32>} : memref<489x64xf32, #tpu.memory_space<vmem>>, vector<16xf32>,
        %get3A_157 = arith.constant 0 : i32
        %get3A_158 = arith.index_cast %get3A_157 : i32 to index
        %get3A_159 = arith.constant 32 : index
        %get3A_160 = tpu.vector_load %arg9[%get3A_158, %get3A_159] {strides = array<i32>} : memref<16x128xf32, #tpu.memory_space<vmem>>, vector<16xf32>,
        %add3A_161 = arith.addf %get3A_156, %get3A_160 : vector<16xf32>
        %mul3A_162 = arith.constant 5.000000e-01 : f32
        %mul3A_163 = vector.broadcast %mul3A_162 : f32 to vector<16xf32>
        %mul3A_164 = arith.mulf %mul3A_163, %add3A_161 : vector<16xf32>
        %swap3A_165 = arith.index_cast %squeeze3A : i32 to index
        %swap3A_166 = arith.constant 32 : index
        %swap3A_167 = tpu.vector_load %arg8[%swap3A_165, %swap3A_166] {strides = array<i32>} : memref<489x64xf32, #tpu.memory_space<vmem>>, vector<16xf32>,
        tpu.vector_store %arg8[%swap3A_165, %swap3A_166], %mul3A_164 {strides = array<i32>} : memref<489x64xf32, #tpu.memory_space<vmem>>, vector<16xf32>,
        %get3A_168 = arith.index_cast %squeeze3A : i32 to index
        %get3A_169 = arith.constant 48 : index
        %get3A_170 = tpu.vector_load %arg8[%get3A_168, %get3A_169] {strides = array<i32>} : memref<489x64xf32, #tpu.memory_space<vmem>>, vector<16xf32>,
        %get3A_171 = arith.constant 0 : i32
        %get3A_172 = arith.index_cast %get3A_171 : i32 to index
        %get3A_173 = arith.constant 48 : index
        %get3A_174 = tpu.vector_load %arg9[%get3A_172, %get3A_173] {strides = array<i32>} : memref<16x128xf32, #tpu.memory_space<vmem>>, vector<16xf32>,
        %add3A_175 = arith.addf %get3A_170, %get3A_174 : vector<16xf32>
        %mul3A_176 = arith.constant 5.000000e-01 : f32
        %mul3A_177 = vector.broadcast %mul3A_176 : f32 to vector<16xf32>
        %mul3A_178 = arith.mulf %mul3A_177, %add3A_175 : vector<16xf32>
        %swap3A_179 = arith.index_cast %squeeze3A : i32 to index
        %swap3A_180 = arith.constant 48 : index
        %swap3A_181 = tpu.vector_load %arg8[%swap3A_179, %swap3A_180] {strides = array<i32>} : memref<489x64xf32, #tpu.memory_space<vmem>>, vector<16xf32>,
        tpu.vector_store %arg8[%swap3A_179, %swap3A_180], %mul3A_178 {strides = array<i32>} : memref<489x64xf32, #tpu.memory_space<vmem>>, vector<16xf32>,
        %slice3A_182 = vector.extract_strided_slice %get3A_125 {offsets = [1], sizes = [1], strides = [1]} : vector<16xi32> to vector<1xi32>
        %squeeze3A_183 = vector.extract %slice3A_182[0] : i32 from vector<1xi32>
        %get3A_184 = arith.index_cast %squeeze3A_183 : i32 to index
        %get3A_185 = arith.constant 0 : index
        %get3A_186 = tpu.vector_load %arg8[%get3A_184, %get3A_185] {strides = array<i32>} : memref<489x64xf32, #tpu.memory_space<vmem>>, vector<16xf32>,
        %get3A_187 = arith.constant 1 : i32
        %get3A_188 = arith.index_cast %get3A_187 : i32 to index
        %get3A_189 = arith.constant 0 : index
        %get3A_190 = tpu.vector_load %arg9[%get3A_188, %get3A_189] {strides = array<i32>} : memref<16x128xf32, #tpu.memory_space<vmem>>, vector<16xf32>,
        %add3A_191 = arith.addf %get3A_186, %get3A_190 : vector<16xf32>
        %mul3A_192 = arith.constant 5.000000e-01 : f32
        %mul3A_193 = vector.broadcast %mul3A_192 : f32 to vector<16xf32>
        %mul3A_194 = arith.mulf %mul3A_193, %add3A_191 : vector<16xf32>
        %swap3A_195 = arith.index_cast %squeeze3A_183 : i32 to index
        %swap3A_196 = arith.constant 0 : index
        %swap3A_197 = tpu.vector_load %arg8[%swap3A_195, %swap3A_196] {strides = array<i32>} : memref<489x64xf32, #tpu.memory_space<vmem>>, vector<16xf32>,
        tpu.vector_store %arg8[%swap3A_195, %swap3A_196], %mul3A_194 {strides = array<i32>} : memref<489x64xf32, #tpu.memory_space<vmem>>, vector<16xf32>,
        %get3A_198 = arith.index_cast %squeeze3A_183 : i32 to index
        %get3A_199 = arith.constant 16 : index
        %get3A_200 = tpu.vector_load %arg8[%get3A_198, %get3A_199] {strides = array<i32>} : memref<489x64xf32, #tpu.memory_space<vmem>>, vector<16xf32>,
        %get3A_201 = arith.constant 1 : i32
        %get3A_202 = arith.index_cast %get3A_201 : i32 to index
        %get3A_203 = arith.constant 16 : index
        %get3A_204 = tpu.vector_load %arg9[%get3A_202, %get3A_203] {strides = array<i32>} : memref<16x128xf32, #tpu.memory_space<vmem>>, vector<16xf32>,
        %add3A_205 = arith.addf %get3A_200, %get3A_204 : vector<16xf32>
        %mul3A_206 = arith.constant 5.000000e-01 : f32
        %mul3A_207 = vector.broadcast %mul3A_206 : f32 to vector<16xf32>
        %mul3A_208 = arith.mulf %mul3A_207, %add3A_205 : vector<16xf32>
        %swap3A_209 = arith.index_cast %squeeze3A_183 : i32 to index
        %swap3A_210 = arith.constant 16 : index
        %swap3A_211 = tpu.vector_load %arg8[%swap3A_209, %swap3A_210] {strides = array<i32>} : memref<489x64xf32, #tpu.memory_space<vmem>>, vector<16xf32>,
        tpu.vector_store %arg8[%swap3A_209, %swap3A_210], %mul3A_208 {strides = array<i32>} : memref<489x64xf32, #tpu.memory_space<vmem>>, vector<16xf32>,
        %get3A_212 = arith.index_cast %squeeze3A_183 : i32 to index
        %get3A_213 = arith.constant 32 : index
        %get3A_214 = tpu.vector_load %arg8[%get3A_212, %get3A_213] {strides = array<i32>} : memref<489x64xf32, #tpu.memory_space<vmem>>, vector<16xf32>,
        %get3A_215 = arith.constant 1 : i32
        %get3A_216 = arith.index_cast %get3A_215 : i32 to index
        %get3A_217 = arith.constant 32 : index
        %get3A_218 = tpu.vector_load %arg9[%get3A_216, %get3A_217] {strides = array<i32>} : memref<16x128xf32, #tpu.memory_space<vmem>>, vector<16xf32>,
        %add3A_219 = arith.addf %get3A_214, %get3A_218 : vector<16xf32>
        %mul3A_220 = arith.constant 5.000000e-01 : f32
        %mul3A_221 = vector.broadcast %mul3A_220 : f32 to vector<16xf32>
        %mul3A_222 = arith.mulf %mul3A_221, %add3A_219 : vector<16xf32>
        %swap3A_223 = arith.index_cast %squeeze3A_183 : i32 to index
        %swap3A_224 = arith.constant 32 : index
        %swap3A_225 = tpu.vector_load %arg8[%swap3A_223, %swap3A_224] {strides = array<i32>} : memref<489x64xf32, #tpu.memory_space<vmem>>, vector<16xf32>,
        tpu.vector_store %arg8[%swap3A_223, %swap3A_224], %mul3A_222 {strides = array<i32>} : memref<489x64xf32, #tpu.memory_space<vmem>>, vector<16xf32>,
        %get3A_226 = arith.index_cast %squeeze3A_183 : i32 to index
        %get3A_227 = arith.constant 48 : index
        %get3A_228 = tpu.vector_load %arg8[%get3A_226, %get3A_227] {strides = array<i32>} : memref<489x64xf32, #tpu.memory_space<vmem>>, vector<16xf32>,
        %get3A_229 = arith.constant 1 : i32
        %get3A_230 = arith.index_cast %get3A_229 : i32 to index
        %get3A_231 = arith.constant 48 : index
        %get3A_232 = tpu.vector_load %arg9[%get3A_230, %get3A_231] {strides = array<i32>} : memref<16x128xf32, #tpu.memory_space<vmem>>, vector<16xf32>,
        %add3A_233 = arith.addf %get3A_228, %get3A_232 : vector<16xf32>
        %mul3A_234 = arith.constant 5.000000e-01 : f32
        %mul3A_235 = vector.broadcast %mul3A_234 : f32 to vector<16xf32>
        %mul3A_236 = arith.mulf %mul3A_235, %add3A_233 : vector<16xf32>
        %swap3A_237 = arith.index_cast %squeeze3A_183 : i32 to index
        %swap3A_238 = arith.constant 48 : index
        %swap3A_239 = tpu.vector_load %arg8[%swap3A_237, %swap3A_238] {strides = array<i32>} : memref<489x64xf32, #tpu.memory_space<vmem>>, vector<16xf32>,
        tpu.vector_store %arg8[%swap3A_237, %swap3A_238], %mul3A_236 {strides = array<i32>} : memref<489x64xf32, #tpu.memory_space<vmem>>, vector<16xf32>,
        %slice3A_240 = vector.extract_strided_slice %get3A_125 {offsets = [2], sizes = [1], strides = [1]} : vector<16xi32> to vector<1xi32>
        %squeeze3A_241 = vector.extract %slice3A_240[0] : i32 from vector<1xi32>
        %get3A_242 = arith.index_cast %squeeze3A_241 : i32 to index
        %get3A_243 = arith.constant 0 : index
        %get3A_244 = tpu.vector_load %arg8[%get3A_242, %get3A_243] {strides = array<i32>} : memref<489x64xf32, #tpu.memory_space<vmem>>, vector<16xf32>,
        %get3A_245 = arith.constant 2 : i32
        %get3A_246 = arith.index_cast %get3A_245 : i32 to index
        %get3A_247 = arith.constant 0 : index
        %get3A_248 = tpu.vector_load %arg9[%get3A_246, %get3A_247] {strides = array<i32>} : memref<16x128xf32, #tpu.memory_space<vmem>>, vector<16xf32>,
        %add3A_249 = arith.addf %get3A_244, %get3A_248 : vector<16xf32>
        %mul3A_250 = arith.constant 5.000000e-01 : f32
        %mul3A_251 = vector.broadcast %mul3A_250 : f32 to vector<16xf32>
        %mul3A_252 = arith.mulf %mul3A_251, %add3A_249 : vector<16xf32>
        %swap3A_253 = arith.index_cast %squeeze3A_241 : i32 to index
        %swap3A_254 = arith.constant 0 : index
        %swap3A_255 = tpu.vector_load %arg8[%swap3A_253, %swap3A_254] {strides = array<i32>} : memref<489x64xf32, #tpu.memory_space<vmem>>, vector<16xf32>,
        tpu.vector_store %arg8[%swap3A_253, %swap3A_254], %mul3A_252 {strides = array<i32>} : memref<489x64xf32, #tpu.memory_space<vmem>>, vector<16xf32>,
        %get3A_256 = arith.index_cast %squeeze3A_241 : i32 to index
        %get3A_257 = arith.constant 16 : index
        %get3A_258 = tpu.vector_load %arg8[%get3A_256, %get3A_257] {strides = array<i32>} : memref<489x64xf32, #tpu.memory_space<vmem>>, vector<16xf32>,
        %get3A_259 = arith.constant 2 : i32
        %get3A_260 = arith.index_cast %get3A_259 : i32 to index
        %get3A_261 = arith.constant 16 : index
        %get3A_262 = tpu.vector_load %arg9[%get3A_260, %get3A_261] {strides = array<i32>} : memref<16x128xf32, #tpu.memory_space<vmem>>, vector<16xf32>,
        %add3A_263 = arith.addf %get3A_258, %get3A_262 : vector<16xf32>
        %mul3A_264 = arith.constant 5.000000e-01 : f32
        %mul3A_265 = vector.broadcast %mul3A_264 : f32 to vector<16xf32>
        %mul3A_266 = arith.mulf %mul3A_265, %add3A_263 : vector<16xf32>
        %swap3A_267 = arith.index_cast %squeeze3A_241 : i32 to index
        %swap3A_268 = arith.constant 16 : index
        %swap3A_269 = tpu.vector_load %arg8[%swap3A_267, %swap3A_268] {strides = array<i32>} : memref<489x64xf32, #tpu.memory_space<vmem>>, vector<16xf32>,
        tpu.vector_store %arg8[%swap3A_267, %swap3A_268], %mul3A_266 {strides = array<i32>} : memref<489x64xf32, #tpu.memory_space<vmem>>, vector<16xf32>,
        %get3A_270 = arith.index_cast %squeeze3A_241 : i32 to index
        %get3A_271 = arith.constant 32 : index
        %get3A_272 = tpu.vector_load %arg8[%get3A_270, %get3A_271] {strides = array<i32>} : memref<489x64xf32, #tpu.memory_space<vmem>>, vector<16xf32>,
        %get3A_273 = arith.constant 2 : i32
        %get3A_274 = arith.index_cast %get3A_273 : i32 to index
        %get3A_275 = arith.constant 32 : index
        %get3A_276 = tpu.vector_load %arg9[%get3A_274, %get3A_275] {strides = array<i32>} : memref<16x128xf32, #tpu.memory_space<vmem>>, vector<16xf32>,
        %add3A_277 = arith.addf %get3A_272, %get3A_276 : vector<16xf32>
        %mul3A_278 = arith.constant 5.000000e-01 : f32
        %mul3A_279 = vector.broadcast %mul3A_278 : f32 to vector<16xf32>
        %mul3A_280 = arith.mulf %mul3A_279, %add3A_277 : vector<16xf32>
        %swap3A_281 = arith.index_cast %squeeze3A_241 : i32 to index
        %swap3A_282 = arith.constant 32 : index
        %swap3A_283 = tpu.vector_load %arg8[%swap3A_281, %swap3A_282] {strides = array<i32>} : memref<489x64xf32, #tpu.memory_space<vmem>>, vector<16xf32>,
        tpu.vector_store %arg8[%swap3A_281, %swap3A_282], %mul3A_280 {strides = array<i32>} : memref<489x64xf32, #tpu.memory_space<vmem>>, vector<16xf32>,
        %get3A_284 = arith.index_cast %squeeze3A_241 : i32 to index
        %get3A_285 = arith.constant 48 : index
        %get3A_286 = tpu.vector_load %arg8[%get3A_284, %get3A_285] {strides = array<i32>} : memref<489x64xf32, #tpu.memory_space<vmem>>, vector<16xf32>,
        %get3A_287 = arith.constant 2 : i32
        %get3A_288 = arith.index_cast %get3A_287 : i32 to index
        %get3A_289 = arith.constant 48 : index
        %get3A_290 = tpu.vector_load %arg9[%get3A_288, %get3A_289] {strides = array<i32>} : memref<16x128xf32, #tpu.memory_space<vmem>>, vector<16xf32>,
        %add3A_291 = arith.addf %get3A_286, %get3A_290 : vector<16xf32>
        %mul3A_292 = arith.constant 5.000000e-01 : f32
        %mul3A_293 = vector.broadcast %mul3A_292 : f32 to vector<16xf32>
        %mul3A_294 = arith.mulf %mul3A_293, %add3A_291 : vector<16xf32>
        %swap3A_295 = arith.index_cast %squeeze3A_241 : i32 to index
        %swap3A_296 = arith.constant 48 : index
        %swap3A_297 = tpu.vector_load %arg8[%swap3A_295, %swap3A_296] {strides = array<i32>} : memref<489x64xf32, #tpu.memory_space<vmem>>, vector<16xf32>,
        tpu.vector_store %arg8[%swap3A_295, %swap3A_296], %mul3A_294 {strides = array<i32>} : memref<489x64xf32, #tpu.memory_space<vmem>>, vector<16xf32>,
        %slice3A_298 = vector.extract_strided_slice %get3A_125 {offsets = [3], sizes = [1], strides = [1]} : vector<16xi32> to vector<1xi32>
        %squeeze3A_299 = vector.extract %slice3A_298[0] : i32 from vector<1xi32>
        %get3A_300 = arith.index_cast %squeeze3A_299 : i32 to index
        %get3A_301 = arith.constant 0 : index
        %get3A_302 = tpu.vector_load %arg8[%get3A_300, %get3A_301] {strides = array<i32>} : memref<489x64xf32, #tpu.memory_space<vmem>>, vector<16xf32>,
        %get3A_303 = arith.constant 3 : i32
        %get3A_304 = arith.index_cast %get3A_303 : i32 to index
        %get3A_305 = arith.constant 0 : index
        %get3A_306 = tpu.vector_load %arg9[%get3A_304, %get3A_305] {strides = array<i32>} : memref<16x128xf32, #tpu.memory_space<vmem>>, vector<16xf32>,
        %add3A_307 = arith.addf %get3A_302, %get3A_306 : vector<16xf32>
        %mul3A_308 = arith.constant 5.000000e-01 : f32
        %mul3A_309 = vector.broadcast %mul3A_308 : f32 to vector<16xf32>
        %mul3A_310 = arith.mulf %mul3A_309, %add3A_307 : vector<16xf32>
        %swap3A_311 = arith.index_cast %squeeze3A_299 : i32 to index
        %swap3A_312 = arith.constant 0 : index
        %swap3A_313 = tpu.vector_load %arg8[%swap3A_311, %swap3A_312] {strides = array<i32>} : memref<489x64xf32, #tpu.memory_space<vmem>>, vector<16xf32>,
        tpu.vector_store %arg8[%swap3A_311, %swap3A_312], %mul3A_310 {strides = array<i32>} : memref<489x64xf32, #tpu.memory_space<vmem>>, vector<16xf32>,
        %get3A_314 = arith.index_cast %squeeze3A_299 : i32 to index
        %get3A_315 = arith.constant 16 : index
        %get3A_316 = tpu.vector_load %arg8[%get3A_314, %get3A_315] {strides = array<i32>} : memref<489x64xf32, #tpu.memory_space<vmem>>, vector<16xf32>,
        %get3A_317 = arith.constant 3 : i32
        %get3A_318 = arith.index_cast %get3A_317 : i32 to index
        %get3A_319 = arith.constant 16 : index
        %get3A_320 = tpu.vector_load %arg9[%get3A_318, %get3A_319] {strides = array<i32>} : memref<16x128xf32, #tpu.memory_space<vmem>>, vector<16xf32>,
        %add3A_321 = arith.addf %get3A_316, %get3A_320 : vector<16xf32>
        %mul3A_322 = arith.constant 5.000000e-01 : f32
        %mul3A_323 = vector.broadcast %mul3A_322 : f32 to vector<16xf32>
        %mul3A_324 = arith.mulf %mul3A_323, %add3A_321 : vector<16xf32>
        %swap3A_325 = arith.index_cast %squeeze3A_299 : i32 to index
        %swap3A_326 = arith.constant 16 : index
        %swap3A_327 = tpu.vector_load %arg8[%swap3A_325, %swap3A_326] {strides = array<i32>} : memref<489x64xf32, #tpu.memory_space<vmem>>, vector<16xf32>,
        tpu.vector_store %arg8[%swap3A_325, %swap3A_326], %mul3A_324 {strides = array<i32>} : memref<489x64xf32, #tpu.memory_space<vmem>>, vector<16xf32>,
        %get3A_328 = arith.index_cast %squeeze3A_299 : i32 to index
        %get3A_329 = arith.constant 32 : index
        %get3A_330 = tpu.vector_load %arg8[%get3A_328, %get3A_329] {strides = array<i32>} : memref<489x64xf32, #tpu.memory_space<vmem>>, vector<16xf32>,
        %get3A_331 = arith.constant 3 : i32
        %get3A_332 = arith.index_cast %get3A_331 : i32 to index
        %get3A_333 = arith.constant 32 : index
        %get3A_334 = tpu.vector_load %arg9[%get3A_332, %get3A_333] {strides = array<i32>} : memref<16x128xf32, #tpu.memory_space<vmem>>, vector<16xf32>,
        %add3A_335 = arith.addf %get3A_330, %get3A_334 : vector<16xf32>
        %mul3A_336 = arith.constant 5.000000e-01 : f32
        %mul3A_337 = vector.broadcast %mul3A_336 : f32 to vector<16xf32>
        %mul3A_338 = arith.mulf %mul3A_337, %add3A_335 : vector<16xf32>
        %swap3A_339 = arith.index_cast %squeeze3A_299 : i32 to index
        %swap3A_340 = arith.constant 32 : index
        %swap3A_341 = tpu.vector_load %arg8[%swap3A_339, %swap3A_340] {strides = array<i32>} : memref<489x64xf32, #tpu.memory_space<vmem>>, vector<16xf32>,
        tpu.vector_store %arg8[%swap3A_339, %swap3A_340], %mul3A_338 {strides = array<i32>} : memref<489x64xf32, #tpu.memory_space<vmem>>, vector<16xf32>,
        %get3A_342 = arith.index_cast %squeeze3A_299 : i32 to index
        %get3A_343 = arith.constant 48 : index
        %get3A_344 = tpu.vector_load %arg8[%get3A_342, %get3A_343] {strides = array<i32>} : memref<489x64xf32, #tpu.memory_space<vmem>>, vector<16xf32>,
        %get3A_345 = arith.constant 3 : i32
        %get3A_346 = arith.index_cast %get3A_345 : i32 to index
        %get3A_347 = arith.constant 48 : index
        %get3A_348 = tpu.vector_load %arg9[%get3A_346, %get3A_347] {strides = array<i32>} : memref<16x128xf32, #tpu.memory_space<vmem>>, vector<16xf32>,
        %add3A_349 = arith.addf %get3A_344, %get3A_348 : vector<16xf32>
        %mul3A_350 = arith.constant 5.000000e-01 : f32
        %mul3A_351 = vector.broadcast %mul3A_350 : f32 to vector<16xf32>
        %mul3A_352 = arith.mulf %mul3A_351, %add3A_349 : vector<16xf32>
        %swap3A_353 = arith.index_cast %squeeze3A_299 : i32 to index
        %swap3A_354 = arith.constant 48 : index
        %swap3A_355 = tpu.vector_load %arg8[%swap3A_353, %swap3A_354] {strides = array<i32>} : memref<489x64xf32, #tpu.memory_space<vmem>>, vector<16xf32>,
        tpu.vector_store %arg8[%swap3A_353, %swap3A_354], %mul3A_352 {strides = array<i32>} : memref<489x64xf32, #tpu.memory_space<vmem>>, vector<16xf32>,
        %slice3A_356 = vector.extract_strided_slice %get3A_125 {offsets = [4], sizes = [1], strides = [1]} : vector<16xi32> to vector<1xi32>
        %squeeze3A_357 = vector.extract %slice3A_356[0] : i32 from vector<1xi32>
        %get3A_358 = arith.index_cast %squeeze3A_357 : i32 to index
        %get3A_359 = arith.constant 0 : index
        %get3A_360 = tpu.vector_load %arg8[%get3A_358, %get3A_359] {strides = array<i32>} : memref<489x64xf32, #tpu.memory_space<vmem>>, vector<16xf32>,
        %get3A_361 = arith.constant 4 : i32
        %get3A_362 = arith.index_cast %get3A_361 : i32 to index
        %get3A_363 = arith.constant 0 : index
        %get3A_364 = tpu.vector_load %arg9[%get3A_362, %get3A_363] {strides = array<i32>} : memref<16x128xf32, #tpu.memory_space<vmem>>, vector<16xf32>,
        %add3A_365 = arith.addf %get3A_360, %get3A_364 : vector<16xf32>
        %mul3A_366 = arith.constant 5.000000e-01 : f32
        %mul3A_367 = vector.broadcast %mul3A_366 : f32 to vector<16xf32>
        %mul3A_368 = arith.mulf %mul3A_367, %add3A_365 : vector<16xf32>
        %swap3A_369 = arith.index_cast %squeeze3A_357 : i32 to index
        %swap3A_370 = arith.constant 0 : index
        %swap3A_371 = tpu.vector_load %arg8[%swap3A_369, %swap3A_370] {strides = array<i32>} : memref<489x64xf32, #tpu.memory_space<vmem>>, vector<16xf32>,
        tpu.vector_store %arg8[%swap3A_369, %swap3A_370], %mul3A_368 {strides = array<i32>} : memref<489x64xf32, #tpu.memory_space<vmem>>, vector<16xf32>,
        %get3A_372 = arith.index_cast %squeeze3A_357 : i32 to index
        %get3A_373 = arith.constant 16 : index
        %get3A_374 = tpu.vector_load %arg8[%get3A_372, %get3A_373] {strides = array<i32>} : memref<489x64xf32, #tpu.memory_space<vmem>>, vector<16xf32>,
        %get3A_375 = arith.constant 4 : i32
        %get3A_376 = arith.index_cast %get3A_375 : i32 to index
        %get3A_377 = arith.constant 16 : index
        %get3A_378 = tpu.vector_load %arg9[%get3A_376, %get3A_377] {strides = array<i32>} : memref<16x128xf32, #tpu.memory_space<vmem>>, vector<16xf32>,
        %add3A_379 = arith.addf %get3A_374, %get3A_378 : vector<16xf32>
        %mul3A_380 = arith.constant 5.000000e-01 : f32
        %mul3A_381 = vector.broadcast %mul3A_380 : f32 to vector<16xf32>
        %mul3A_382 = arith.mulf %mul3A_381, %add3A_379 : vector<16xf32>
        %swap3A_383 = arith.index_cast %squeeze3A_357 : i32 to index
        %swap3A_384 = arith.constant 16 : index
        %swap3A_385 = tpu.vector_load %arg8[%swap3A_383, %swap3A_384] {strides = array<i32>} : memref<489x64xf32, #tpu.memory_space<vmem>>, vector<16xf32>,
        tpu.vector_store %arg8[%swap3A_383, %swap3A_384], %mul3A_382 {strides = array<i32>} : memref<489x64xf32, #tpu.memory_space<vmem>>, vector<16xf32>,
        %get3A_386 = arith.index_cast %squeeze3A_357 : i32 to index
        %get3A_387 = arith.constant 32 : index
        %get3A_388 = tpu.vector_load %arg8[%get3A_386, %get3A_387] {strides = array<i32>} : memref<489x64xf32, #tpu.memory_space<vmem>>, vector<16xf32>,
        %get3A_389 = arith.constant 4 : i32
        %get3A_390 = arith.index_cast %get3A_389 : i32 to index
        %get3A_391 = arith.constant 32 : index
        %get3A_392 = tpu.vector_load %arg9[%get3A_390, %get3A_391] {strides = array<i32>} : memref<16x128xf32, #tpu.memory_space<vmem>>, vector<16xf32>,
        %add3A_393 = arith.addf %get3A_388, %get3A_392 : vector<16xf32>
        %mul3A_394 = arith.constant 5.000000e-01 : f32
        %mul3A_395 = vector.broadcast %mul3A_394 : f32 to vector<16xf32>
        %mul3A_396 = arith.mulf %mul3A_395, %add3A_393 : vector<16xf32>
        %swap3A_397 = arith.index_cast %squeeze3A_357 : i32 to index
        %swap3A_398 = arith.constant 32 : index
        %swap3A_399 = tpu.vector_load %arg8[%swap3A_397, %swap3A_398] {strides = array<i32>} : memref<489x64xf32, #tpu.memory_space<vmem>>, vector<16xf32>,
        tpu.vector_store %arg8[%swap3A_397, %swap3A_398], %mul3A_396 {strides = array<i32>} : memref<489x64xf32, #tpu.memory_space<vmem>>, vector<16xf32>,
        %get3A_400 = arith.index_cast %squeeze3A_357 : i32 to index
        %get3A_401 = arith.constant 48 : index
        %get3A_402 = tpu.vector_load %arg8[%get3A_400, %get3A_401] {strides = array<i32>} : memref<489x64xf32, #tpu.memory_space<vmem>>, vector<16xf32>,
        %get3A_403 = arith.constant 4 : i32
        %get3A_404 = arith.index_cast %get3A_403 : i32 to index
        %get3A_405 = arith.constant 48 : index
        %get3A_406 = tpu.vector_load %arg9[%get3A_404, %get3A_405] {strides = array<i32>} : memref<16x128xf32, #tpu.memory_space<vmem>>, vector<16xf32>,
        %add3A_407 = arith.addf %get3A_402, %get3A_406 : vector<16xf32>
        %mul3A_408 = arith.constant 5.000000e-01 : f32
        %mul3A_409 = vector.broadcast %mul3A_408 : f32 to vector<16xf32>
        %mul3A_410 = arith.mulf %mul3A_409, %add3A_407 : vector<16xf32>
        %swap3A_411 = arith.index_cast %squeeze3A_357 : i32 to index
        %swap3A_412 = arith.constant 48 : index
        %swap3A_413 = tpu.vector_load %arg8[%swap3A_411, %swap3A_412] {strides = array<i32>} : memref<489x64xf32, #tpu.memory_space<vmem>>, vector<16xf32>,
        tpu.vector_store %arg8[%swap3A_411, %swap3A_412], %mul3A_410 {strides = array<i32>} : memref<489x64xf32, #tpu.memory_space<vmem>>, vector<16xf32>,
        %slice3A_414 = vector.extract_strided_slice %get3A_125 {offsets = [5], sizes = [1], strides = [1]} : vector<16xi32> to vector<1xi32>
        %squeeze3A_415 = vector.extract %slice3A_414[0] : i32 from vector<1xi32>
        %get3A_416 = arith.index_cast %squeeze3A_415 : i32 to index
        %get3A_417 = arith.constant 0 : index
        %get3A_418 = tpu.vector_load %arg8[%get3A_416, %get3A_417] {strides = array<i32>} : memref<489x64xf32, #tpu.memory_space<vmem>>, vector<16xf32>,
        %get3A_419 = arith.constant 5 : i32
        %get3A_420 = arith.index_cast %get3A_419 : i32 to index
        %get3A_421 = arith.constant 0 : index
        %get3A_422 = tpu.vector_load %arg9[%get3A_420, %get3A_421] {strides = array<i32>} : memref<16x128xf32, #tpu.memory_space<vmem>>, vector<16xf32>,
        %add3A_423 = arith.addf %get3A_418, %get3A_422 : vector<16xf32>
        %mul3A_424 = arith.constant 5.000000e-01 : f32
        %mul3A_425 = vector.broadcast %mul3A_424 : f32 to vector<16xf32>
        %mul3A_426 = arith.mulf %mul3A_425, %add3A_423 : vector<16xf32>
        %swap3A_427 = arith.index_cast %squeeze3A_415 : i32 to index
        %swap3A_428 = arith.constant 0 : index
        %swap3A_429 = tpu.vector_load %arg8[%swap3A_427, %swap3A_428] {strides = array<i32>} : memref<489x64xf32, #tpu.memory_space<vmem>>, vector<16xf32>,
        tpu.vector_store %arg8[%swap3A_427, %swap3A_428], %mul3A_426 {strides = array<i32>} : memref<489x64xf32, #tpu.memory_space<vmem>>, vector<16xf32>,
        %get3A_430 = arith.index_cast %squeeze3A_415 : i32 to index
        %get3A_431 = arith.constant 16 : index
        %get3A_432 = tpu.vector_load %arg8[%get3A_430, %get3A_431] {strides = array<i32>} : memref<489x64xf32, #tpu.memory_space<vmem>>, vector<16xf32>,
        %get3A_433 = arith.constant 5 : i32
        %get3A_434 = arith.index_cast %get3A_433 : i32 to index
        %get3A_435 = arith.constant 16 : index
        %get3A_436 = tpu.vector_load %arg9[%get3A_434, %get3A_435] {strides = array<i32>} : memref<16x128xf32, #tpu.memory_space<vmem>>, vector<16xf32>,
        %add3A_437 = arith.addf %get3A_432, %get3A_436 : vector<16xf32>
        %mul3A_438 = arith.constant 5.000000e-01 : f32
        %mul3A_439 = vector.broadcast %mul3A_438 : f32 to vector<16xf32>
        %mul3A_440 = arith.mulf %mul3A_439, %add3A_437 : vector<16xf32>
        %swap3A_441 = arith.index_cast %squeeze3A_415 : i32 to index
        %swap3A_442 = arith.constant 16 : index
        %swap3A_443 = tpu.vector_load %arg8[%swap3A_441, %swap3A_442] {strides = array<i32>} : memref<489x64xf32, #tpu.memory_space<vmem>>, vector<16xf32>,
        tpu.vector_store %arg8[%swap3A_441, %swap3A_442], %mul3A_440 {strides = array<i32>} : memref<489x64xf32, #tpu.memory_space<vmem>>, vector<16xf32>,
        %get3A_444 = arith.index_cast %squeeze3A_415 : i32 to index
        %get3A_445 = arith.constant 32 : index
        %get3A_446 = tpu.vector_load %arg8[%get3A_444, %get3A_445] {strides = array<i32>} : memref<489x64xf32, #tpu.memory_space<vmem>>, vector<16xf32>,
        %get3A_447 = arith.constant 5 : i32
        %get3A_448 = arith.index_cast %get3A_447 : i32 to index
        %get3A_449 = arith.constant 32 : index
        %get3A_450 = tpu.vector_load %arg9[%get3A_448, %get3A_449] {strides = array<i32>} : memref<16x128xf32, #tpu.memory_space<vmem>>, vector<16xf32>,
        %add3A_451 = arith.addf %get3A_446, %get3A_450 : vector<16xf32>
        %mul3A_452 = arith.constant 5.000000e-01 : f32
        %mul3A_453 = vector.broadcast %mul3A_452 : f32 to vector<16xf32>
        %mul3A_454 = arith.mulf %mul3A_453, %add3A_451 : vector<16xf32>
        %swap3A_455 = arith.index_cast %squeeze3A_415 : i32 to index
        %swap3A_456 = arith.constant 32 : index
        %swap3A_457 = tpu.vector_load %arg8[%swap3A_455, %swap3A_456] {strides = array<i32>} : memref<489x64xf32, #tpu.memory_space<vmem>>, vector<16xf32>,
        tpu.vector_store %arg8[%swap3A_455, %swap3A_456], %mul3A_454 {strides = array<i32>} : memref<489x64xf32, #tpu.memory_space<vmem>>, vector<16xf32>,
        %get3A_458 = arith.index_cast %squeeze3A_415 : i32 to index
        %get3A_459 = arith.constant 48 : index
        %get3A_460 = tpu.vector_load %arg8[%get3A_458, %get3A_459] {strides = array<i32>} : memref<489x64xf32, #tpu.memory_space<vmem>>, vector<16xf32>,
        %get3A_461 = arith.constant 5 : i32
        %get3A_462 = arith.index_cast %get3A_461 : i32 to index
        %get3A_463 = arith.constant 48 : index
        %get3A_464 = tpu.vector_load %arg9[%get3A_462, %get3A_463] {strides = array<i32>} : memref<16x128xf32, #tpu.memory_space<vmem>>, vector<16xf32>,
        %add3A_465 = arith.addf %get3A_460, %get3A_464 : vector<16xf32>
        %mul3A_466 = arith.constant 5.000000e-01 : f32
        %mul3A_467 = vector.broadcast %mul3A_466 : f32 to vector<16xf32>
        %mul3A_468 = arith.mulf %mul3A_467, %add3A_465 : vector<16xf32>
        %swap3A_469 = arith.index_cast %squeeze3A_415 : i32 to index
        %swap3A_470 = arith.constant 48 : index
        %swap3A_471 = tpu.vector_load %arg8[%swap3A_469, %swap3A_470] {strides = array<i32>} : memref<489x64xf32, #tpu.memory_space<vmem>>, vector<16xf32>,
        tpu.vector_store %arg8[%swap3A_469, %swap3A_470], %mul3A_468 {strides = array<i32>} : memref<489x64xf32, #tpu.memory_space<vmem>>, vector<16xf32>,
        %slice3A_472 = vector.extract_strided_slice %get3A_125 {offsets = [6], sizes = [1], strides = [1]} : vector<16xi32> to vector<1xi32>
        %squeeze3A_473 = vector.extract %slice3A_472[0] : i32 from vector<1xi32>
        %get3A_474 = arith.index_cast %squeeze3A_473 : i32 to index
        %get3A_475 = arith.constant 0 : index
        %get3A_476 = tpu.vector_load %arg8[%get3A_474, %get3A_475] {strides = array<i32>} : memref<489x64xf32, #tpu.memory_space<vmem>>, vector<16xf32>,
        %get3A_477 = arith.constant 6 : i32
        %get3A_478 = arith.index_cast %get3A_477 : i32 to index
        %get3A_479 = arith.constant 0 : index
        %get3A_480 = tpu.vector_load %arg9[%get3A_478, %get3A_479] {strides = array<i32>} : memref<16x128xf32, #tpu.memory_space<vmem>>, vector<16xf32>,
        %add3A_481 = arith.addf %get3A_476, %get3A_480 : vector<16xf32>
        %mul3A_482 = arith.constant 5.000000e-01 : f32
        %mul3A_483 = vector.broadcast %mul3A_482 : f32 to vector<16xf32>
        %mul3A_484 = arith.mulf %mul3A_483, %add3A_481 : vector<16xf32>
        %swap3A_485 = arith.index_cast %squeeze3A_473 : i32 to index
        %swap3A_486 = arith.constant 0 : index
        %swap3A_487 = tpu.vector_load %arg8[%swap3A_485, %swap3A_486] {strides = array<i32>} : memref<489x64xf32, #tpu.memory_space<vmem>>, vector<16xf32>,
        tpu.vector_store %arg8[%swap3A_485, %swap3A_486], %mul3A_484 {strides = array<i32>} : memref<489x64xf32, #tpu.memory_space<vmem>>, vector<16xf32>,
        %get3A_488 = arith.index_cast %squeeze3A_473 : i32 to index
        %get3A_489 = arith.constant 16 : index
        %get3A_490 = tpu.vector_load %arg8[%get3A_488, %get3A_489] {strides = array<i32>} : memref<489x64xf32, #tpu.memory_space<vmem>>, vector<16xf32>,
        %get3A_491 = arith.constant 6 : i32
        %get3A_492 = arith.index_cast %get3A_491 : i32 to index
        %get3A_493 = arith.constant 16 : index
        %get3A_494 = tpu.vector_load %arg9[%get3A_492, %get3A_493] {strides = array<i32>} : memref<16x128xf32, #tpu.memory_space<vmem>>, vector<16xf32>,
        %add3A_495 = arith.addf %get3A_490, %get3A_494 : vector<16xf32>
        %mul3A_496 = arith.constant 5.000000e-01 : f32
        %mul3A_497 = vector.broadcast %mul3A_496 : f32 to vector<16xf32>
        %mul3A_498 = arith.mulf %mul3A_497, %add3A_495 : vector<16xf32>
        %swap3A_499 = arith.index_cast %squeeze3A_473 : i32 to index
        %swap3A_500 = arith.constant 16 : index
        %swap3A_501 = tpu.vector_load %arg8[%swap3A_499, %swap3A_500] {strides = array<i32>} : memref<489x64xf32, #tpu.memory_space<vmem>>, vector<16xf32>,
        tpu.vector_store %arg8[%swap3A_499, %swap3A_500], %mul3A_498 {strides = array<i32>} : memref<489x64xf32, #tpu.memory_space<vmem>>, vector<16xf32>,
        %get3A_502 = arith.index_cast %squeeze3A_473 : i32 to index
        %get3A_503 = arith.constant 32 : index
        %get3A_504 = tpu.vector_load %arg8[%get3A_502, %get3A_503] {strides = array<i32>} : memref<489x64xf32, #tpu.memory_space<vmem>>, vector<16xf32>,
        %get3A_505 = arith.constant 6 : i32
        %get3A_506 = arith.index_cast %get3A_505 : i32 to index
        %get3A_507 = arith.constant 32 : index
        %get3A_508 = tpu.vector_load %arg9[%get3A_506, %get3A_507] {strides = array<i32>} : memref<16x128xf32, #tpu.memory_space<vmem>>, vector<16xf32>,
        %add3A_509 = arith.addf %get3A_504, %get3A_508 : vector<16xf32>
        %mul3A_510 = arith.constant 5.000000e-01 : f32
        %mul3A_511 = vector.broadcast %mul3A_510 : f32 to vector<16xf32>
        %mul3A_512 = arith.mulf %mul3A_511, %add3A_509 : vector<16xf32>
        %swap3A_513 = arith.index_cast %squeeze3A_473 : i32 to index
        %swap3A_514 = arith.constant 32 : index
        %swap3A_515 = tpu.vector_load %arg8[%swap3A_513, %swap3A_514] {strides = array<i32>} : memref<489x64xf32, #tpu.memory_space<vmem>>, vector<16xf32>,
        tpu.vector_store %arg8[%swap3A_513, %swap3A_514], %mul3A_512 {strides = array<i32>} : memref<489x64xf32, #tpu.memory_space<vmem>>, vector<16xf32>,
        %get3A_516 = arith.index_cast %squeeze3A_473 : i32 to index
        %get3A_517 = arith.constant 48 : index
        %get3A_518 = tpu.vector_load %arg8[%get3A_516, %get3A_517] {strides = array<i32>} : memref<489x64xf32, #tpu.memory_space<vmem>>, vector<16xf32>,
        %get3A_519 = arith.constant 6 : i32
        %get3A_520 = arith.index_cast %get3A_519 : i32 to index
        %get3A_521 = arith.constant 48 : index
        %get3A_522 = tpu.vector_load %arg9[%get3A_520, %get3A_521] {strides = array<i32>} : memref<16x128xf32, #tpu.memory_space<vmem>>, vector<16xf32>,
        %add3A_523 = arith.addf %get3A_518, %get3A_522 : vector<16xf32>
        %mul3A_524 = arith.constant 5.000000e-01 : f32
        %mul3A_525 = vector.broadcast %mul3A_524 : f32 to vector<16xf32>
        %mul3A_526 = arith.mulf %mul3A_525, %add3A_523 : vector<16xf32>
        %swap3A_527 = arith.index_cast %squeeze3A_473 : i32 to index
        %swap3A_528 = arith.constant 48 : index
        %swap3A_529 = tpu.vector_load %arg8[%swap3A_527, %swap3A_528] {strides = array<i32>} : memref<489x64xf32, #tpu.memory_space<vmem>>, vector<16xf32>,
        tpu.vector_store %arg8[%swap3A_527, %swap3A_528], %mul3A_526 {strides = array<i32>} : memref<489x64xf32, #tpu.memory_space<vmem>>, vector<16xf32>,
        %slice3A_530 = vector.extract_strided_slice %get3A_125 {offsets = [7], sizes = [1], strides = [1]} : vector<16xi32> to vector<1xi32>
        %squeeze3A_531 = vector.extract %slice3A_530[0] : i32 from vector<1xi32>
        %get3A_532 = arith.index_cast %squeeze3A_531 : i32 to index
        %get3A_533 = arith.constant 0 : index
        %get3A_534 = tpu.vector_load %arg8[%get3A_532, %get3A_533] {strides = array<i32>} : memref<489x64xf32, #tpu.memory_space<vmem>>, vector<16xf32>,
        %get3A_535 = arith.constant 7 : i32
        %get3A_536 = arith.index_cast %get3A_535 : i32 to index
        %get3A_537 = arith.constant 0 : index
        %get3A_538 = tpu.vector_load %arg9[%get3A_536, %get3A_537] {strides = array<i32>} : memref<16x128xf32, #tpu.memory_space<vmem>>, vector<16xf32>,
        %add3A_539 = arith.addf %get3A_534, %get3A_538 : vector<16xf32>
        %mul3A_540 = arith.constant 5.000000e-01 : f32
        %mul3A_541 = vector.broadcast %mul3A_540 : f32 to vector<16xf32>
        %mul3A_542 = arith.mulf %mul3A_541, %add3A_539 : vector<16xf32>
        %swap3A_543 = arith.index_cast %squeeze3A_531 : i32 to index
        %swap3A_544 = arith.constant 0 : index
        %swap3A_545 = tpu.vector_load %arg8[%swap3A_543, %swap3A_544] {strides = array<i32>} : memref<489x64xf32, #tpu.memory_space<vmem>>, vector<16xf32>,
        tpu.vector_store %arg8[%swap3A_543, %swap3A_544], %mul3A_542 {strides = array<i32>} : memref<489x64xf32, #tpu.memory_space<vmem>>, vector<16xf32>,
        %get3A_546 = arith.index_cast %squeeze3A_531 : i32 to index
        %get3A_547 = arith.constant 16 : index
        %get3A_548 = tpu.vector_load %arg8[%get3A_546, %get3A_547] {strides = array<i32>} : memref<489x64xf32, #tpu.memory_space<vmem>>, vector<16xf32>,
        %get3A_549 = arith.constant 7 : i32
        %get3A_550 = arith.index_cast %get3A_549 : i32 to index
        %get3A_551 = arith.constant 16 : index
        %get3A_552 = tpu.vector_load %arg9[%get3A_550, %get3A_551] {strides = array<i32>} : memref<16x128xf32, #tpu.memory_space<vmem>>, vector<16xf32>,
        %add3A_553 = arith.addf %get3A_548, %get3A_552 : vector<16xf32>
        %mul3A_554 = arith.constant 5.000000e-01 : f32
        %mul3A_555 = vector.broadcast %mul3A_554 : f32 to vector<16xf32>
        %mul3A_556 = arith.mulf %mul3A_555, %add3A_553 : vector<16xf32>
        %swap3A_557 = arith.index_cast %squeeze3A_531 : i32 to index
        %swap3A_558 = arith.constant 16 : index
        %swap3A_559 = tpu.vector_load %arg8[%swap3A_557, %swap3A_558] {strides = array<i32>} : memref<489x64xf32, #tpu.memory_space<vmem>>, vector<16xf32>,
        tpu.vector_store %arg8[%swap3A_557, %swap3A_558], %mul3A_556 {strides = array<i32>} : memref<489x64xf32, #tpu.memory_space<vmem>>, vector<16xf32>,
        %get3A_560 = arith.index_cast %squeeze3A_531 : i32 to index
        %get3A_561 = arith.constant 32 : index
        %get3A_562 = tpu.vector_load %arg8[%get3A_560, %get3A_561] {strides = array<i32>} : memref<489x64xf32, #tpu.memory_space<vmem>>, vector<16xf32>,
        %get3A_563 = arith.constant 7 : i32
        %get3A_564 = arith.index_cast %get3A_563 : i32 to index
        %get3A_565 = arith.constant 32 : index
        %get3A_566 = tpu.vector_load %arg9[%get3A_564, %get3A_565] {strides = array<i32>} : memref<16x128xf32, #tpu.memory_space<vmem>>, vector<16xf32>,
        %add3A_567 = arith.addf %get3A_562, %get3A_566 : vector<16xf32>
        %mul3A_568 = arith.constant 5.000000e-01 : f32
        %mul3A_569 = vector.broadcast %mul3A_568 : f32 to vector<16xf32>
        %mul3A_570 = arith.mulf %mul3A_569, %add3A_567 : vector<16xf32>
        %swap3A_571 = arith.index_cast %squeeze3A_531 : i32 to index
        %swap3A_572 = arith.constant 32 : index
        %swap3A_573 = tpu.vector_load %arg8[%swap3A_571, %swap3A_572] {strides = array<i32>} : memref<489x64xf32, #tpu.memory_space<vmem>>, vector<16xf32>,
        tpu.vector_store %arg8[%swap3A_571, %swap3A_572], %mul3A_570 {strides = array<i32>} : memref<489x64xf32, #tpu.memory_space<vmem>>, vector<16xf32>,
        %get3A_574 = arith.index_cast %squeeze3A_531 : i32 to index
        %get3A_575 = arith.constant 48 : index
        %get3A_576 = tpu.vector_load %arg8[%get3A_574, %get3A_575] {strides = array<i32>} : memref<489x64xf32, #tpu.memory_space<vmem>>, vector<16xf32>,
        %get3A_577 = arith.constant 7 : i32
        %get3A_578 = arith.index_cast %get3A_577 : i32 to index
        %get3A_579 = arith.constant 48 : index
        %get3A_580 = tpu.vector_load %arg9[%get3A_578, %get3A_579] {strides = array<i32>} : memref<16x128xf32, #tpu.memory_space<vmem>>, vector<16xf32>,
        %add3A_581 = arith.addf %get3A_576, %get3A_580 : vector<16xf32>
        %mul3A_582 = arith.constant 5.000000e-01 : f32
        %mul3A_583 = vector.broadcast %mul3A_582 : f32 to vector<16xf32>
        %mul3A_584 = arith.mulf %mul3A_583, %add3A_581 : vector<16xf32>
        %swap3A_585 = arith.index_cast %squeeze3A_531 : i32 to index
        %swap3A_586 = arith.constant 48 : index
        %swap3A_587 = tpu.vector_load %arg8[%swap3A_585, %swap3A_586] {strides = array<i32>} : memref<489x64xf32, #tpu.memory_space<vmem>>, vector<16xf32>,
        tpu.vector_store %arg8[%swap3A_585, %swap3A_586], %mul3A_584 {strides = array<i32>} : memref<489x64xf32, #tpu.memory_space<vmem>>, vector<16xf32>,
        %slice3A_588 = vector.extract_strided_slice %get3A_125 {offsets = [8], sizes = [1], strides = [1]} : vector<16xi32> to vector<1xi32>
        %squeeze3A_589 = vector.extract %slice3A_588[0] : i32 from vector<1xi32>
        %get3A_590 = arith.index_cast %squeeze3A_589 : i32 to index
        %get3A_591 = arith.constant 0 : index
        %get3A_592 = tpu.vector_load %arg8[%get3A_590, %get3A_591] {strides = array<i32>} : memref<489x64xf32, #tpu.memory_space<vmem>>, vector<16xf32>,
        %get3A_593 = arith.constant 8 : i32
        %get3A_594 = arith.index_cast %get3A_593 : i32 to index
        %get3A_595 = arith.constant 0 : index
        %get3A_596 = tpu.vector_load %arg9[%get3A_594, %get3A_595] {strides = array<i32>} : memref<16x128xf32, #tpu.memory_space<vmem>>, vector<16xf32>,
        %add3A_597 = arith.addf %get3A_592, %get3A_596 : vector<16xf32>
        %mul3A_598 = arith.constant 5.000000e-01 : f32
        %mul3A_599 = vector.broadcast %mul3A_598 : f32 to vector<16xf32>
        %mul3A_600 = arith.mulf %mul3A_599, %add3A_597 : vector<16xf32>
        %swap3A_601 = arith.index_cast %squeeze3A_589 : i32 to index
        %swap3A_602 = arith.constant 0 : index
        %swap3A_603 = tpu.vector_load %arg8[%swap3A_601, %swap3A_602] {strides = array<i32>} : memref<489x64xf32, #tpu.memory_space<vmem>>, vector<16xf32>,
        tpu.vector_store %arg8[%swap3A_601, %swap3A_602], %mul3A_600 {strides = array<i32>} : memref<489x64xf32, #tpu.memory_space<vmem>>, vector<16xf32>,
        %get3A_604 = arith.index_cast %squeeze3A_589 : i32 to index
        %get3A_605 = arith.constant 16 : index
        %get3A_606 = tpu.vector_load %arg8[%get3A_604, %get3A_605] {strides = array<i32>} : memref<489x64xf32, #tpu.memory_space<vmem>>, vector<16xf32>,
        %get3A_607 = arith.constant 8 : i32
        %get3A_608 = arith.index_cast %get3A_607 : i32 to index
        %get3A_609 = arith.constant 16 : index
        %get3A_610 = tpu.vector_load %arg9[%get3A_608, %get3A_609] {strides = array<i32>} : memref<16x128xf32, #tpu.memory_space<vmem>>, vector<16xf32>,
        %add3A_611 = arith.addf %get3A_606, %get3A_610 : vector<16xf32>
        %mul3A_612 = arith.constant 5.000000e-01 : f32
        %mul3A_613 = vector.broadcast %mul3A_612 : f32 to vector<16xf32>
        %mul3A_614 = arith.mulf %mul3A_613, %add3A_611 : vector<16xf32>
        %swap3A_615 = arith.index_cast %squeeze3A_589 : i32 to index
        %swap3A_616 = arith.constant 16 : index
        %swap3A_617 = tpu.vector_load %arg8[%swap3A_615, %swap3A_616] {strides = array<i32>} : memref<489x64xf32, #tpu.memory_space<vmem>>, vector<16xf32>,
        tpu.vector_store %arg8[%swap3A_615, %swap3A_616], %mul3A_614 {strides = array<i32>} : memref<489x64xf32, #tpu.memory_space<vmem>>, vector<16xf32>,
        %get3A_618 = arith.index_cast %squeeze3A_589 : i32 to index
        %get3A_619 = arith.constant 32 : index
        %get3A_620 = tpu.vector_load %arg8[%get3A_618, %get3A_619] {strides = array<i32>} : memref<489x64xf32, #tpu.memory_space<vmem>>, vector<16xf32>,
        %get3A_621 = arith.constant 8 : i32
        %get3A_622 = arith.index_cast %get3A_621 : i32 to index
        %get3A_623 = arith.constant 32 : index
        %get3A_624 = tpu.vector_load %arg9[%get3A_622, %get3A_623] {strides = array<i32>} : memref<16x128xf32, #tpu.memory_space<vmem>>, vector<16xf32>,
        %add3A_625 = arith.addf %get3A_620, %get3A_624 : vector<16xf32>
        %mul3A_626 = arith.constant 5.000000e-01 : f32
        %mul3A_627 = vector.broadcast %mul3A_626 : f32 to vector<16xf32>
        %mul3A_628 = arith.mulf %mul3A_627, %add3A_625 : vector<16xf32>
        %swap3A_629 = arith.index_cast %squeeze3A_589 : i32 to index
        %swap3A_630 = arith.constant 32 : index
        %swap3A_631 = tpu.vector_load %arg8[%swap3A_629, %swap3A_630] {strides = array<i32>} : memref<489x64xf32, #tpu.memory_space<vmem>>, vector<16xf32>,
        tpu.vector_store %arg8[%swap3A_629, %swap3A_630], %mul3A_628 {strides = array<i32>} : memref<489x64xf32, #tpu.memory_space<vmem>>, vector<16xf32>,
        %get3A_632 = arith.index_cast %squeeze3A_589 : i32 to index
        %get3A_633 = arith.constant 48 : index
        %get3A_634 = tpu.vector_load %arg8[%get3A_632, %get3A_633] {strides = array<i32>} : memref<489x64xf32, #tpu.memory_space<vmem>>, vector<16xf32>,
        %get3A_635 = arith.constant 8 : i32
        %get3A_636 = arith.index_cast %get3A_635 : i32 to index
        %get3A_637 = arith.constant 48 : index
        %get3A_638 = tpu.vector_load %arg9[%get3A_636, %get3A_637] {strides = array<i32>} : memref<16x128xf32, #tpu.memory_space<vmem>>, vector<16xf32>,
        %add3A_639 = arith.addf %get3A_634, %get3A_638 : vector<16xf32>
        %mul3A_640 = arith.constant 5.000000e-01 : f32
        %mul3A_641 = vector.broadcast %mul3A_640 : f32 to vector<16xf32>
        %mul3A_642 = arith.mulf %mul3A_641, %add3A_639 : vector<16xf32>
        %swap3A_643 = arith.index_cast %squeeze3A_589 : i32 to index
        %swap3A_644 = arith.constant 48 : index
        %swap3A_645 = tpu.vector_load %arg8[%swap3A_643, %swap3A_644] {strides = array<i32>} : memref<489x64xf32, #tpu.memory_space<vmem>>, vector<16xf32>,
        tpu.vector_store %arg8[%swap3A_643, %swap3A_644], %mul3A_642 {strides = array<i32>} : memref<489x64xf32, #tpu.memory_space<vmem>>, vector<16xf32>,
        %slice3A_646 = vector.extract_strided_slice %get3A_125 {offsets = [9], sizes = [1], strides = [1]} : vector<16xi32> to vector<1xi32>
        %squeeze3A_647 = vector.extract %slice3A_646[0] : i32 from vector<1xi32>
        %get3A_648 = arith.index_cast %squeeze3A_647 : i32 to index
        %get3A_649 = arith.constant 0 : index
        %get3A_650 = tpu.vector_load %arg8[%get3A_648, %get3A_649] {strides = array<i32>} : memref<489x64xf32, #tpu.memory_space<vmem>>, vector<16xf32>,
        %get3A_651 = arith.constant 9 : i32
        %get3A_652 = arith.index_cast %get3A_651 : i32 to index
        %get3A_653 = arith.constant 0 : index
        %get3A_654 = tpu.vector_load %arg9[%get3A_652, %get3A_653] {strides = array<i32>} : memref<16x128xf32, #tpu.memory_space<vmem>>, vector<16xf32>,
        %add3A_655 = arith.addf %get3A_650, %get3A_654 : vector<16xf32>
        %mul3A_656 = arith.constant 5.000000e-01 : f32
        %mul3A_657 = vector.broadcast %mul3A_656 : f32 to vector<16xf32>
        %mul3A_658 = arith.mulf %mul3A_657, %add3A_655 : vector<16xf32>
        %swap3A_659 = arith.index_cast %squeeze3A_647 : i32 to index
        %swap3A_660 = arith.constant 0 : index
        %swap3A_661 = tpu.vector_load %arg8[%swap3A_659, %swap3A_660] {strides = array<i32>} : memref<489x64xf32, #tpu.memory_space<vmem>>, vector<16xf32>,
        tpu.vector_store %arg8[%swap3A_659, %swap3A_660], %mul3A_658 {strides = array<i32>} : memref<489x64xf32, #tpu.memory_space<vmem>>, vector<16xf32>,
        %get3A_662 = arith.index_cast %squeeze3A_647 : i32 to index
        %get3A_663 = arith.constant 16 : index
        %get3A_664 = tpu.vector_load %arg8[%get3A_662, %get3A_663] {strides = array<i32>} : memref<489x64xf32, #tpu.memory_space<vmem>>, vector<16xf32>,
        %get3A_665 = arith.constant 9 : i32
        %get3A_666 = arith.index_cast %get3A_665 : i32 to index
        %get3A_667 = arith.constant 16 : index
        %get3A_668 = tpu.vector_load %arg9[%get3A_666, %get3A_667] {strides = array<i32>} : memref<16x128xf32, #tpu.memory_space<vmem>>, vector<16xf32>,
        %add3A_669 = arith.addf %get3A_664, %get3A_668 : vector<16xf32>
        %mul3A_670 = arith.constant 5.000000e-01 : f32
        %mul3A_671 = vector.broadcast %mul3A_670 : f32 to vector<16xf32>
        %mul3A_672 = arith.mulf %mul3A_671, %add3A_669 : vector<16xf32>
        %swap3A_673 = arith.index_cast %squeeze3A_647 : i32 to index
        %swap3A_674 = arith.constant 16 : index
        %swap3A_675 = tpu.vector_load %arg8[%swap3A_673, %swap3A_674] {strides = array<i32>} : memref<489x64xf32, #tpu.memory_space<vmem>>, vector<16xf32>,
        tpu.vector_store %arg8[%swap3A_673, %swap3A_674], %mul3A_672 {strides = array<i32>} : memref<489x64xf32, #tpu.memory_space<vmem>>, vector<16xf32>,
        %get3A_676 = arith.index_cast %squeeze3A_647 : i32 to index
        %get3A_677 = arith.constant 32 : index
        %get3A_678 = tpu.vector_load %arg8[%get3A_676, %get3A_677] {strides = array<i32>} : memref<489x64xf32, #tpu.memory_space<vmem>>, vector<16xf32>,
        %get3A_679 = arith.constant 9 : i32
        %get3A_680 = arith.index_cast %get3A_679 : i32 to index
        %get3A_681 = arith.constant 32 : index
        %get3A_682 = tpu.vector_load %arg9[%get3A_680, %get3A_681] {strides = array<i32>} : memref<16x128xf32, #tpu.memory_space<vmem>>, vector<16xf32>,
        %add3A_683 = arith.addf %get3A_678, %get3A_682 : vector<16xf32>
        %mul3A_684 = arith.constant 5.000000e-01 : f32
        %mul3A_685 = vector.broadcast %mul3A_684 : f32 to vector<16xf32>
        %mul3A_686 = arith.mulf %mul3A_685, %add3A_683 : vector<16xf32>
        %swap3A_687 = arith.index_cast %squeeze3A_647 : i32 to index
        %swap3A_688 = arith.constant 32 : index
        %swap3A_689 = tpu.vector_load %arg8[%swap3A_687, %swap3A_688] {strides = array<i32>} : memref<489x64xf32, #tpu.memory_space<vmem>>, vector<16xf32>,
        tpu.vector_store %arg8[%swap3A_687, %swap3A_688], %mul3A_686 {strides = array<i32>} : memref<489x64xf32, #tpu.memory_space<vmem>>, vector<16xf32>,
        %get3A_690 = arith.index_cast %squeeze3A_647 : i32 to index
        %get3A_691 = arith.constant 48 : index
        %get3A_692 = tpu.vector_load %arg8[%get3A_690, %get3A_691] {strides = array<i32>} : memref<489x64xf32, #tpu.memory_space<vmem>>, vector<16xf32>,
        %get3A_693 = arith.constant 9 : i32
        %get3A_694 = arith.index_cast %get3A_693 : i32 to index
        %get3A_695 = arith.constant 48 : index
        %get3A_696 = tpu.vector_load %arg9[%get3A_694, %get3A_695] {strides = array<i32>} : memref<16x128xf32, #tpu.memory_space<vmem>>, vector<16xf32>,
        %add3A_697 = arith.addf %get3A_692, %get3A_696 : vector<16xf32>
        %mul3A_698 = arith.constant 5.000000e-01 : f32
        %mul3A_699 = vector.broadcast %mul3A_698 : f32 to vector<16xf32>
        %mul3A_700 = arith.mulf %mul3A_699, %add3A_697 : vector<16xf32>
        %swap3A_701 = arith.index_cast %squeeze3A_647 : i32 to index
        %swap3A_702 = arith.constant 48 : index
        %swap3A_703 = tpu.vector_load %arg8[%swap3A_701, %swap3A_702] {strides = array<i32>} : memref<489x64xf32, #tpu.memory_space<vmem>>, vector<16xf32>,
        tpu.vector_store %arg8[%swap3A_701, %swap3A_702], %mul3A_700 {strides = array<i32>} : memref<489x64xf32, #tpu.memory_space<vmem>>, vector<16xf32>,
        %slice3A_704 = vector.extract_strided_slice %get3A_125 {offsets = [10], sizes = [1], strides = [1]} : vector<16xi32> to vector<1xi32>
        %squeeze3A_705 = vector.extract %slice3A_704[0] : i32 from vector<1xi32>
        %get3A_706 = arith.index_cast %squeeze3A_705 : i32 to index
        %get3A_707 = arith.constant 0 : index
        %get3A_708 = tpu.vector_load %arg8[%get3A_706, %get3A_707] {strides = array<i32>} : memref<489x64xf32, #tpu.memory_space<vmem>>, vector<16xf32>,
        %get3A_709 = arith.constant 10 : i32
        %get3A_710 = arith.index_cast %get3A_709 : i32 to index
        %get3A_711 = arith.constant 0 : index
        %get3A_712 = tpu.vector_load %arg9[%get3A_710, %get3A_711] {strides = array<i32>} : memref<16x128xf32, #tpu.memory_space<vmem>>, vector<16xf32>,
        %add3A_713 = arith.addf %get3A_708, %get3A_712 : vector<16xf32>
        %mul3A_714 = arith.constant 5.000000e-01 : f32
        %mul3A_715 = vector.broadcast %mul3A_714 : f32 to vector<16xf32>
        %mul3A_716 = arith.mulf %mul3A_715, %add3A_713 : vector<16xf32>
        %swap3A_717 = arith.index_cast %squeeze3A_705 : i32 to index
        %swap3A_718 = arith.constant 0 : index
        %swap3A_719 = tpu.vector_load %arg8[%swap3A_717, %swap3A_718] {strides = array<i32>} : memref<489x64xf32, #tpu.memory_space<vmem>>, vector<16xf32>,
        tpu.vector_store %arg8[%swap3A_717, %swap3A_718], %mul3A_716 {strides = array<i32>} : memref<489x64xf32, #tpu.memory_space<vmem>>, vector<16xf32>,
        %get3A_720 = arith.index_cast %squeeze3A_705 : i32 to index
        %get3A_721 = arith.constant 16 : index
        %get3A_722 = tpu.vector_load %arg8[%get3A_720, %get3A_721] {strides = array<i32>} : memref<489x64xf32, #tpu.memory_space<vmem>>, vector<16xf32>,
        %get3A_723 = arith.constant 10 : i32
        %get3A_724 = arith.index_cast %get3A_723 : i32 to index
        %get3A_725 = arith.constant 16 : index
        %get3A_726 = tpu.vector_load %arg9[%get3A_724, %get3A_725] {strides = array<i32>} : memref<16x128xf32, #tpu.memory_space<vmem>>, vector<16xf32>,
        %add3A_727 = arith.addf %get3A_722, %get3A_726 : vector<16xf32>
        %mul3A_728 = arith.constant 5.000000e-01 : f32
        %mul3A_729 = vector.broadcast %mul3A_728 : f32 to vector<16xf32>
        %mul3A_730 = arith.mulf %mul3A_729, %add3A_727 : vector<16xf32>
        %swap3A_731 = arith.index_cast %squeeze3A_705 : i32 to index
        %swap3A_732 = arith.constant 16 : index
        %swap3A_733 = tpu.vector_load %arg8[%swap3A_731, %swap3A_732] {strides = array<i32>} : memref<489x64xf32, #tpu.memory_space<vmem>>, vector<16xf32>,
        tpu.vector_store %arg8[%swap3A_731, %swap3A_732], %mul3A_730 {strides = array<i32>} : memref<489x64xf32, #tpu.memory_space<vmem>>, vector<16xf32>,
        %get3A_734 = arith.index_cast %squeeze3A_705 : i32 to index
        %get3A_735 = arith.constant 32 : index
        %get3A_736 = tpu.vector_load %arg8[%get3A_734, %get3A_735] {strides = array<i32>} : memref<489x64xf32, #tpu.memory_space<vmem>>, vector<16xf32>,
        %get3A_737 = arith.constant 10 : i32
        %get3A_738 = arith.index_cast %get3A_737 : i32 to index
        %get3A_739 = arith.constant 32 : index
        %get3A_740 = tpu.vector_load %arg9[%get3A_738, %get3A_739] {strides = array<i32>} : memref<16x128xf32, #tpu.memory_space<vmem>>, vector<16xf32>,
        %add3A_741 = arith.addf %get3A_736, %get3A_740 : vector<16xf32>
        %mul3A_742 = arith.constant 5.000000e-01 : f32
        %mul3A_743 = vector.broadcast %mul3A_742 : f32 to vector<16xf32>
        %mul3A_744 = arith.mulf %mul3A_743, %add3A_741 : vector<16xf32>
        %swap3A_745 = arith.index_cast %squeeze3A_705 : i32 to index
        %swap3A_746 = arith.constant 32 : index
        %swap3A_747 = tpu.vector_load %arg8[%swap3A_745, %swap3A_746] {strides = array<i32>} : memref<489x64xf32, #tpu.memory_space<vmem>>, vector<16xf32>,
        tpu.vector_store %arg8[%swap3A_745, %swap3A_746], %mul3A_744 {strides = array<i32>} : memref<489x64xf32, #tpu.memory_space<vmem>>, vector<16xf32>,
        %get3A_748 = arith.index_cast %squeeze3A_705 : i32 to index
        %get3A_749 = arith.constant 48 : index
        %get3A_750 = tpu.vector_load %arg8[%get3A_748, %get3A_749] {strides = array<i32>} : memref<489x64xf32, #tpu.memory_space<vmem>>, vector<16xf32>,
        %get3A_751 = arith.constant 10 : i32
        %get3A_752 = arith.index_cast %get3A_751 : i32 to index
        %get3A_753 = arith.constant 48 : index
        %get3A_754 = tpu.vector_load %arg9[%get3A_752, %get3A_753] {strides = array<i32>} : memref<16x128xf32, #tpu.memory_space<vmem>>, vector<16xf32>,
        %add3A_755 = arith.addf %get3A_750, %get3A_754 : vector<16xf32>
        %mul3A_756 = arith.constant 5.000000e-01 : f32
        %mul3A_757 = vector.broadcast %mul3A_756 : f32 to vector<16xf32>
        %mul3A_758 = arith.mulf %mul3A_757, %add3A_755 : vector<16xf32>
        %swap3A_759 = arith.index_cast %squeeze3A_705 : i32 to index
        %swap3A_760 = arith.constant 48 : index
        %swap3A_761 = tpu.vector_load %arg8[%swap3A_759, %swap3A_760] {strides = array<i32>} : memref<489x64xf32, #tpu.memory_space<vmem>>, vector<16xf32>,
        tpu.vector_store %arg8[%swap3A_759, %swap3A_760], %mul3A_758 {strides = array<i32>} : memref<489x64xf32, #tpu.memory_space<vmem>>, vector<16xf32>,
        %slice3A_762 = vector.extract_strided_slice %get3A_125 {offsets = [11], sizes = [1], strides = [1]} : vector<16xi32> to vector<1xi32>
        %squeeze3A_763 = vector.extract %slice3A_762[0] : i32 from vector<1xi32>
        %get3A_764 = arith.index_cast %squeeze3A_763 : i32 to index
        %get3A_765 = arith.constant 0 : index
        %get3A_766 = tpu.vector_load %arg8[%get3A_764, %get3A_765] {strides = array<i32>} : memref<489x64xf32, #tpu.memory_space<vmem>>, vector<16xf32>,
        %get3A_767 = arith.constant 11 : i32
        %get3A_768 = arith.index_cast %get3A_767 : i32 to index
        %get3A_769 = arith.constant 0 : index
        %get3A_770 = tpu.vector_load %arg9[%get3A_768, %get3A_769] {strides = array<i32>} : memref<16x128xf32, #tpu.memory_space<vmem>>, vector<16xf32>,
        %add3A_771 = arith.addf %get3A_766, %get3A_770 : vector<16xf32>
        %mul3A_772 = arith.constant 5.000000e-01 : f32
        %mul3A_773 = vector.broadcast %mul3A_772 : f32 to vector<16xf32>
        %mul3A_774 = arith.mulf %mul3A_773, %add3A_771 : vector<16xf32>
        %swap3A_775 = arith.index_cast %squeeze3A_763 : i32 to index
        %swap3A_776 = arith.constant 0 : index
        %swap3A_777 = tpu.vector_load %arg8[%swap3A_775, %swap3A_776] {strides = array<i32>} : memref<489x64xf32, #tpu.memory_space<vmem>>, vector<16xf32>,
        tpu.vector_store %arg8[%swap3A_775, %swap3A_776], %mul3A_774 {strides = array<i32>} : memref<489x64xf32, #tpu.memory_space<vmem>>, vector<16xf32>,
        %get3A_778 = arith.index_cast %squeeze3A_763 : i32 to index
        %get3A_779 = arith.constant 16 : index
        %get3A_780 = tpu.vector_load %arg8[%get3A_778, %get3A_779] {strides = array<i32>} : memref<489x64xf32, #tpu.memory_space<vmem>>, vector<16xf32>,
        %get3A_781 = arith.constant 11 : i32
        %get3A_782 = arith.index_cast %get3A_781 : i32 to index
        %get3A_783 = arith.constant 16 : index
        %get3A_784 = tpu.vector_load %arg9[%get3A_782, %get3A_783] {strides = array<i32>} : memref<16x128xf32, #tpu.memory_space<vmem>>, vector<16xf32>,
        %add3A_785 = arith.addf %get3A_780, %get3A_784 : vector<16xf32>
        %mul3A_786 = arith.constant 5.000000e-01 : f32
        %mul3A_787 = vector.broadcast %mul3A_786 : f32 to vector<16xf32>
        %mul3A_788 = arith.mulf %mul3A_787, %add3A_785 : vector<16xf32>
        %swap3A_789 = arith.index_cast %squeeze3A_763 : i32 to index
        %swap3A_790 = arith.constant 16 : index
        %swap3A_791 = tpu.vector_load %arg8[%swap3A_789, %swap3A_790] {strides = array<i32>} : memref<489x64xf32, #tpu.memory_space<vmem>>, vector<16xf32>,
        tpu.vector_store %arg8[%swap3A_789, %swap3A_790], %mul3A_788 {strides = array<i32>} : memref<489x64xf32, #tpu.memory_space<vmem>>, vector<16xf32>,
        %get3A_792 = arith.index_cast %squeeze3A_763 : i32 to index
        %get3A_793 = arith.constant 32 : index
        %get3A_794 = tpu.vector_load %arg8[%get3A_792, %get3A_793] {strides = array<i32>} : memref<489x64xf32, #tpu.memory_space<vmem>>, vector<16xf32>,
        %get3A_795 = arith.constant 11 : i32
        %get3A_796 = arith.index_cast %get3A_795 : i32 to index
        %get3A_797 = arith.constant 32 : index
        %get3A_798 = tpu.vector_load %arg9[%get3A_796, %get3A_797] {strides = array<i32>} : memref<16x128xf32, #tpu.memory_space<vmem>>, vector<16xf32>,
        %add3A_799 = arith.addf %get3A_794, %get3A_798 : vector<16xf32>
        %mul3A_800 = arith.constant 5.000000e-01 : f32
        %mul3A_801 = vector.broadcast %mul3A_800 : f32 to vector<16xf32>
        %mul3A_802 = arith.mulf %mul3A_801, %add3A_799 : vector<16xf32>
        %swap3A_803 = arith.index_cast %squeeze3A_763 : i32 to index
        %swap3A_804 = arith.constant 32 : index
        %swap3A_805 = tpu.vector_load %arg8[%swap3A_803, %swap3A_804] {strides = array<i32>} : memref<489x64xf32, #tpu.memory_space<vmem>>, vector<16xf32>,
        tpu.vector_store %arg8[%swap3A_803, %swap3A_804], %mul3A_802 {strides = array<i32>} : memref<489x64xf32, #tpu.memory_space<vmem>>, vector<16xf32>,
        %get3A_806 = arith.index_cast %squeeze3A_763 : i32 to index
        %get3A_807 = arith.constant 48 : index
        %get3A_808 = tpu.vector_load %arg8[%get3A_806, %get3A_807] {strides = array<i32>} : memref<489x64xf32, #tpu.memory_space<vmem>>, vector<16xf32>,
        %get3A_809 = arith.constant 11 : i32
        %get3A_810 = arith.index_cast %get3A_809 : i32 to index
        %get3A_811 = arith.constant 48 : index
        %get3A_812 = tpu.vector_load %arg9[%get3A_810, %get3A_811] {strides = array<i32>} : memref<16x128xf32, #tpu.memory_space<vmem>>, vector<16xf32>,
        %add3A_813 = arith.addf %get3A_808, %get3A_812 : vector<16xf32>
        %mul3A_814 = arith.constant 5.000000e-01 : f32
        %mul3A_815 = vector.broadcast %mul3A_814 : f32 to vector<16xf32>
        %mul3A_816 = arith.mulf %mul3A_815, %add3A_813 : vector<16xf32>
        %swap3A_817 = arith.index_cast %squeeze3A_763 : i32 to index
        %swap3A_818 = arith.constant 48 : index
        %swap3A_819 = tpu.vector_load %arg8[%swap3A_817, %swap3A_818] {strides = array<i32>} : memref<489x64xf32, #tpu.memory_space<vmem>>, vector<16xf32>,
        tpu.vector_store %arg8[%swap3A_817, %swap3A_818], %mul3A_816 {strides = array<i32>} : memref<489x64xf32, #tpu.memory_space<vmem>>, vector<16xf32>,
        %slice3A_820 = vector.extract_strided_slice %get3A_125 {offsets = [12], sizes = [1], strides = [1]} : vector<16xi32> to vector<1xi32>
        %squeeze3A_821 = vector.extract %slice3A_820[0] : i32 from vector<1xi32>
        %get3A_822 = arith.index_cast %squeeze3A_821 : i32 to index
        %get3A_823 = arith.constant 0 : index
        %get3A_824 = tpu.vector_load %arg8[%get3A_822, %get3A_823] {strides = array<i32>} : memref<489x64xf32, #tpu.memory_space<vmem>>, vector<16xf32>,
        %get3A_825 = arith.constant 12 : i32
        %get3A_826 = arith.index_cast %get3A_825 : i32 to index
        %get3A_827 = arith.constant 0 : index
        %get3A_828 = tpu.vector_load %arg9[%get3A_826, %get3A_827] {strides = array<i32>} : memref<16x128xf32, #tpu.memory_space<vmem>>, vector<16xf32>,
        %add3A_829 = arith.addf %get3A_824, %get3A_828 : vector<16xf32>
        %mul3A_830 = arith.constant 5.000000e-01 : f32
        %mul3A_831 = vector.broadcast %mul3A_830 : f32 to vector<16xf32>
        %mul3A_832 = arith.mulf %mul3A_831, %add3A_829 : vector<16xf32>
        %swap3A_833 = arith.index_cast %squeeze3A_821 : i32 to index
        %swap3A_834 = arith.constant 0 : index
        %swap3A_835 = tpu.vector_load %arg8[%swap3A_833, %swap3A_834] {strides = array<i32>} : memref<489x64xf32, #tpu.memory_space<vmem>>, vector<16xf32>,
        tpu.vector_store %arg8[%swap3A_833, %swap3A_834], %mul3A_832 {strides = array<i32>} : memref<489x64xf32, #tpu.memory_space<vmem>>, vector<16xf32>,
        %get3A_836 = arith.index_cast %squeeze3A_821 : i32 to index
        %get3A_837 = arith.constant 16 : index
        %get3A_838 = tpu.vector_load %arg8[%get3A_836, %get3A_837] {strides = array<i32>} : memref<489x64xf32, #tpu.memory_space<vmem>>, vector<16xf32>,
        %get3A_839 = arith.constant 12 : i32
        %get3A_840 = arith.index_cast %get3A_839 : i32 to index
        %get3A_841 = arith.constant 16 : index
        %get3A_842 = tpu.vector_load %arg9[%get3A_840, %get3A_841] {strides = array<i32>} : memref<16x128xf32, #tpu.memory_space<vmem>>, vector<16xf32>,
        %add3A_843 = arith.addf %get3A_838, %get3A_842 : vector<16xf32>
        %mul3A_844 = arith.constant 5.000000e-01 : f32
        %mul3A_845 = vector.broadcast %mul3A_844 : f32 to vector<16xf32>
        %mul3A_846 = arith.mulf %mul3A_845, %add3A_843 : vector<16xf32>
        %swap3A_847 = arith.index_cast %squeeze3A_821 : i32 to index
        %swap3A_848 = arith.constant 16 : index
        %swap3A_849 = tpu.vector_load %arg8[%swap3A_847, %swap3A_848] {strides = array<i32>} : memref<489x64xf32, #tpu.memory_space<vmem>>, vector<16xf32>,
        tpu.vector_store %arg8[%swap3A_847, %swap3A_848], %mul3A_846 {strides = array<i32>} : memref<489x64xf32, #tpu.memory_space<vmem>>, vector<16xf32>,
        %get3A_850 = arith.index_cast %squeeze3A_821 : i32 to index
        %get3A_851 = arith.constant 32 : index
        %get3A_852 = tpu.vector_load %arg8[%get3A_850, %get3A_851] {strides = array<i32>} : memref<489x64xf32, #tpu.memory_space<vmem>>, vector<16xf32>,
        %get3A_853 = arith.constant 12 : i32
        %get3A_854 = arith.index_cast %get3A_853 : i32 to index
        %get3A_855 = arith.constant 32 : index
        %get3A_856 = tpu.vector_load %arg9[%get3A_854, %get3A_855] {strides = array<i32>} : memref<16x128xf32, #tpu.memory_space<vmem>>, vector<16xf32>,
        %add3A_857 = arith.addf %get3A_852, %get3A_856 : vector<16xf32>
        %mul3A_858 = arith.constant 5.000000e-01 : f32
        %mul3A_859 = vector.broadcast %mul3A_858 : f32 to vector<16xf32>
        %mul3A_860 = arith.mulf %mul3A_859, %add3A_857 : vector<16xf32>
        %swap3A_861 = arith.index_cast %squeeze3A_821 : i32 to index
        %swap3A_862 = arith.constant 32 : index
        %swap3A_863 = tpu.vector_load %arg8[%swap3A_861, %swap3A_862] {strides = array<i32>} : memref<489x64xf32, #tpu.memory_space<vmem>>, vector<16xf32>,
        tpu.vector_store %arg8[%swap3A_861, %swap3A_862], %mul3A_860 {strides = array<i32>} : memref<489x64xf32, #tpu.memory_space<vmem>>, vector<16xf32>,
        %get3A_864 = arith.index_cast %squeeze3A_821 : i32 to index
        %get3A_865 = arith.constant 48 : index
        %get3A_866 = tpu.vector_load %arg8[%get3A_864, %get3A_865] {strides = array<i32>} : memref<489x64xf32, #tpu.memory_space<vmem>>, vector<16xf32>,
        %get3A_867 = arith.constant 12 : i32
        %get3A_868 = arith.index_cast %get3A_867 : i32 to index
        %get3A_869 = arith.constant 48 : index
        %get3A_870 = tpu.vector_load %arg9[%get3A_868, %get3A_869] {strides = array<i32>} : memref<16x128xf32, #tpu.memory_space<vmem>>, vector<16xf32>,
        %add3A_871 = arith.addf %get3A_866, %get3A_870 : vector<16xf32>
        %mul3A_872 = arith.constant 5.000000e-01 : f32
        %mul3A_873 = vector.broadcast %mul3A_872 : f32 to vector<16xf32>
        %mul3A_874 = arith.mulf %mul3A_873, %add3A_871 : vector<16xf32>
        %swap3A_875 = arith.index_cast %squeeze3A_821 : i32 to index
        %swap3A_876 = arith.constant 48 : index
        %swap3A_877 = tpu.vector_load %arg8[%swap3A_875, %swap3A_876] {strides = array<i32>} : memref<489x64xf32, #tpu.memory_space<vmem>>, vector<16xf32>,
        tpu.vector_store %arg8[%swap3A_875, %swap3A_876], %mul3A_874 {strides = array<i32>} : memref<489x64xf32, #tpu.memory_space<vmem>>, vector<16xf32>,
        %slice3A_878 = vector.extract_strided_slice %get3A_125 {offsets = [13], sizes = [1], strides = [1]} : vector<16xi32> to vector<1xi32>
        %squeeze3A_879 = vector.extract %slice3A_878[0] : i32 from vector<1xi32>
        %get3A_880 = arith.index_cast %squeeze3A_879 : i32 to index
        %get3A_881 = arith.constant 0 : index
        %get3A_882 = tpu.vector_load %arg8[%get3A_880, %get3A_881] {strides = array<i32>} : memref<489x64xf32, #tpu.memory_space<vmem>>, vector<16xf32>,
        %get3A_883 = arith.constant 13 : i32
        %get3A_884 = arith.index_cast %get3A_883 : i32 to index
        %get3A_885 = arith.constant 0 : index
        %get3A_886 = tpu.vector_load %arg9[%get3A_884, %get3A_885] {strides = array<i32>} : memref<16x128xf32, #tpu.memory_space<vmem>>, vector<16xf32>,
        %add3A_887 = arith.addf %get3A_882, %get3A_886 : vector<16xf32>
        %mul3A_888 = arith.constant 5.000000e-01 : f32
        %mul3A_889 = vector.broadcast %mul3A_888 : f32 to vector<16xf32>
        %mul3A_890 = arith.mulf %mul3A_889, %add3A_887 : vector<16xf32>
        %swap3A_891 = arith.index_cast %squeeze3A_879 : i32 to index
        %swap3A_892 = arith.constant 0 : index
        %swap3A_893 = tpu.vector_load %arg8[%swap3A_891, %swap3A_892] {strides = array<i32>} : memref<489x64xf32, #tpu.memory_space<vmem>>, vector<16xf32>,
        tpu.vector_store %arg8[%swap3A_891, %swap3A_892], %mul3A_890 {strides = array<i32>} : memref<489x64xf32, #tpu.memory_space<vmem>>, vector<16xf32>,
        %get3A_894 = arith.index_cast %squeeze3A_879 : i32 to index
        %get3A_895 = arith.constant 16 : index
        %get3A_896 = tpu.vector_load %arg8[%get3A_894, %get3A_895] {strides = array<i32>} : memref<489x64xf32, #tpu.memory_space<vmem>>, vector<16xf32>,
        %get3A_897 = arith.constant 13 : i32
        %get3A_898 = arith.index_cast %get3A_897 : i32 to index
        %get3A_899 = arith.constant 16 : index
        %get3A_900 = tpu.vector_load %arg9[%get3A_898, %get3A_899] {strides = array<i32>} : memref<16x128xf32, #tpu.memory_space<vmem>>, vector<16xf32>,
        %add3A_901 = arith.addf %get3A_896, %get3A_900 : vector<16xf32>
        %mul3A_902 = arith.constant 5.000000e-01 : f32
        %mul3A_903 = vector.broadcast %mul3A_902 : f32 to vector<16xf32>
        %mul3A_904 = arith.mulf %mul3A_903, %add3A_901 : vector<16xf32>
        %swap3A_905 = arith.index_cast %squeeze3A_879 : i32 to index
        %swap3A_906 = arith.constant 16 : index
        %swap3A_907 = tpu.vector_load %arg8[%swap3A_905, %swap3A_906] {strides = array<i32>} : memref<489x64xf32, #tpu.memory_space<vmem>>, vector<16xf32>,
        tpu.vector_store %arg8[%swap3A_905, %swap3A_906], %mul3A_904 {strides = array<i32>} : memref<489x64xf32, #tpu.memory_space<vmem>>, vector<16xf32>,
        %get3A_908 = arith.index_cast %squeeze3A_879 : i32 to index
        %get3A_909 = arith.constant 32 : index
        %get3A_910 = tpu.vector_load %arg8[%get3A_908, %get3A_909] {strides = array<i32>} : memref<489x64xf32, #tpu.memory_space<vmem>>, vector<16xf32>,
        %get3A_911 = arith.constant 13 : i32
        %get3A_912 = arith.index_cast %get3A_911 : i32 to index
        %get3A_913 = arith.constant 32 : index
        %get3A_914 = tpu.vector_load %arg9[%get3A_912, %get3A_913] {strides = array<i32>} : memref<16x128xf32, #tpu.memory_space<vmem>>, vector<16xf32>,
        %add3A_915 = arith.addf %get3A_910, %get3A_914 : vector<16xf32>
        %mul3A_916 = arith.constant 5.000000e-01 : f32
        %mul3A_917 = vector.broadcast %mul3A_916 : f32 to vector<16xf32>
        %mul3A_918 = arith.mulf %mul3A_917, %add3A_915 : vector<16xf32>
        %swap3A_919 = arith.index_cast %squeeze3A_879 : i32 to index
        %swap3A_920 = arith.constant 32 : index
        %swap3A_921 = tpu.vector_load %arg8[%swap3A_919, %swap3A_920] {strides = array<i32>} : memref<489x64xf32, #tpu.memory_space<vmem>>, vector<16xf32>,
        tpu.vector_store %arg8[%swap3A_919, %swap3A_920], %mul3A_918 {strides = array<i32>} : memref<489x64xf32, #tpu.memory_space<vmem>>, vector<16xf32>,
        %get3A_922 = arith.index_cast %squeeze3A_879 : i32 to index
        %get3A_923 = arith.constant 48 : index
        %get3A_924 = tpu.vector_load %arg8[%get3A_922, %get3A_923] {strides = array<i32>} : memref<489x64xf32, #tpu.memory_space<vmem>>, vector<16xf32>,
        %get3A_925 = arith.constant 13 : i32
        %get3A_926 = arith.index_cast %get3A_925 : i32 to index
        %get3A_927 = arith.constant 48 : index
        %get3A_928 = tpu.vector_load %arg9[%get3A_926, %get3A_927] {strides = array<i32>} : memref<16x128xf32, #tpu.memory_space<vmem>>, vector<16xf32>,
        %add3A_929 = arith.addf %get3A_924, %get3A_928 : vector<16xf32>
        %mul3A_930 = arith.constant 5.000000e-01 : f32
        %mul3A_931 = vector.broadcast %mul3A_930 : f32 to vector<16xf32>
        %mul3A_932 = arith.mulf %mul3A_931, %add3A_929 : vector<16xf32>
        %swap3A_933 = arith.index_cast %squeeze3A_879 : i32 to index
        %swap3A_934 = arith.constant 48 : index
        %swap3A_935 = tpu.vector_load %arg8[%swap3A_933, %swap3A_934] {strides = array<i32>} : memref<489x64xf32, #tpu.memory_space<vmem>>, vector<16xf32>,
        tpu.vector_store %arg8[%swap3A_933, %swap3A_934], %mul3A_932 {strides = array<i32>} : memref<489x64xf32, #tpu.memory_space<vmem>>, vector<16xf32>,
        %slice3A_936 = vector.extract_strided_slice %get3A_125 {offsets = [14], sizes = [1], strides = [1]} : vector<16xi32> to vector<1xi32>
        %squeeze3A_937 = vector.extract %slice3A_936[0] : i32 from vector<1xi32>
        %get3A_938 = arith.index_cast %squeeze3A_937 : i32 to index
        %get3A_939 = arith.constant 0 : index
        %get3A_940 = tpu.vector_load %arg8[%get3A_938, %get3A_939] {strides = array<i32>} : memref<489x64xf32, #tpu.memory_space<vmem>>, vector<16xf32>,
        %get3A_941 = arith.constant 14 : i32
        %get3A_942 = arith.index_cast %get3A_941 : i32 to index
        %get3A_943 = arith.constant 0 : index
        %get3A_944 = tpu.vector_load %arg9[%get3A_942, %get3A_943] {strides = array<i32>} : memref<16x128xf32, #tpu.memory_space<vmem>>, vector<16xf32>,
        %add3A_945 = arith.addf %get3A_940, %get3A_944 : vector<16xf32>
        %mul3A_946 = arith.constant 5.000000e-01 : f32
        %mul3A_947 = vector.broadcast %mul3A_946 : f32 to vector<16xf32>
        %mul3A_948 = arith.mulf %mul3A_947, %add3A_945 : vector<16xf32>
        %swap3A_949 = arith.index_cast %squeeze3A_937 : i32 to index
        %swap3A_950 = arith.constant 0 : index
        %swap3A_951 = tpu.vector_load %arg8[%swap3A_949, %swap3A_950] {strides = array<i32>} : memref<489x64xf32, #tpu.memory_space<vmem>>, vector<16xf32>,
        tpu.vector_store %arg8[%swap3A_949, %swap3A_950], %mul3A_948 {strides = array<i32>} : memref<489x64xf32, #tpu.memory_space<vmem>>, vector<16xf32>,
        %get3A_952 = arith.index_cast %squeeze3A_937 : i32 to index
        %get3A_953 = arith.constant 16 : index
        %get3A_954 = tpu.vector_load %arg8[%get3A_952, %get3A_953] {strides = array<i32>} : memref<489x64xf32, #tpu.memory_space<vmem>>, vector<16xf32>,
        %get3A_955 = arith.constant 14 : i32
        %get3A_956 = arith.index_cast %get3A_955 : i32 to index
        %get3A_957 = arith.constant 16 : index
        %get3A_958 = tpu.vector_load %arg9[%get3A_956, %get3A_957] {strides = array<i32>} : memref<16x128xf32, #tpu.memory_space<vmem>>, vector<16xf32>,
        %add3A_959 = arith.addf %get3A_954, %get3A_958 : vector<16xf32>
        %mul3A_960 = arith.constant 5.000000e-01 : f32
        %mul3A_961 = vector.broadcast %mul3A_960 : f32 to vector<16xf32>
        %mul3A_962 = arith.mulf %mul3A_961, %add3A_959 : vector<16xf32>
        %swap3A_963 = arith.index_cast %squeeze3A_937 : i32 to index
        %swap3A_964 = arith.constant 16 : index
        %swap3A_965 = tpu.vector_load %arg8[%swap3A_963, %swap3A_964] {strides = array<i32>} : memref<489x64xf32, #tpu.memory_space<vmem>>, vector<16xf32>,
        tpu.vector_store %arg8[%swap3A_963, %swap3A_964], %mul3A_962 {strides = array<i32>} : memref<489x64xf32, #tpu.memory_space<vmem>>, vector<16xf32>,
        %get3A_966 = arith.index_cast %squeeze3A_937 : i32 to index
        %get3A_967 = arith.constant 32 : index
        %get3A_968 = tpu.vector_load %arg8[%get3A_966, %get3A_967] {strides = array<i32>} : memref<489x64xf32, #tpu.memory_space<vmem>>, vector<16xf32>,
        %get3A_969 = arith.constant 14 : i32
        %get3A_970 = arith.index_cast %get3A_969 : i32 to index
        %get3A_971 = arith.constant 32 : index
        %get3A_972 = tpu.vector_load %arg9[%get3A_970, %get3A_971] {strides = array<i32>} : memref<16x128xf32, #tpu.memory_space<vmem>>, vector<16xf32>,
        %add3A_973 = arith.addf %get3A_968, %get3A_972 : vector<16xf32>
        %mul3A_974 = arith.constant 5.000000e-01 : f32
        %mul3A_975 = vector.broadcast %mul3A_974 : f32 to vector<16xf32>
        %mul3A_976 = arith.mulf %mul3A_975, %add3A_973 : vector<16xf32>
        %swap3A_977 = arith.index_cast %squeeze3A_937 : i32 to index
        %swap3A_978 = arith.constant 32 : index
        %swap3A_979 = tpu.vector_load %arg8[%swap3A_977, %swap3A_978] {strides = array<i32>} : memref<489x64xf32, #tpu.memory_space<vmem>>, vector<16xf32>,
        tpu.vector_store %arg8[%swap3A_977, %swap3A_978], %mul3A_976 {strides = array<i32>} : memref<489x64xf32, #tpu.memory_space<vmem>>, vector<16xf32>,
        %get3A_980 = arith.index_cast %squeeze3A_937 : i32 to index
        %get3A_981 = arith.constant 48 : index
        %get3A_982 = tpu.vector_load %arg8[%get3A_980, %get3A_981] {strides = array<i32>} : memref<489x64xf32, #tpu.memory_space<vmem>>, vector<16xf32>,
        %get3A_983 = arith.constant 14 : i32
        %get3A_984 = arith.index_cast %get3A_983 : i32 to index
        %get3A_985 = arith.constant 48 : index
        %get3A_986 = tpu.vector_load %arg9[%get3A_984, %get3A_985] {strides = array<i32>} : memref<16x128xf32, #tpu.memory_space<vmem>>, vector<16xf32>,
        %add3A_987 = arith.addf %get3A_982, %get3A_986 : vector<16xf32>
        %mul3A_988 = arith.constant 5.000000e-01 : f32
        %mul3A_989 = vector.broadcast %mul3A_988 : f32 to vector<16xf32>
        %mul3A_990 = arith.mulf %mul3A_989, %add3A_987 : vector<16xf32>
        %swap3A_991 = arith.index_cast %squeeze3A_937 : i32 to index
        %swap3A_992 = arith.constant 48 : index
        %swap3A_993 = tpu.vector_load %arg8[%swap3A_991, %swap3A_992] {strides = array<i32>} : memref<489x64xf32, #tpu.memory_space<vmem>>, vector<16xf32>,
        tpu.vector_store %arg8[%swap3A_991, %swap3A_992], %mul3A_990 {strides = array<i32>} : memref<489x64xf32, #tpu.memory_space<vmem>>, vector<16xf32>,
        %slice3A_994 = vector.extract_strided_slice %get3A_125 {offsets = [15], sizes = [1], strides = [1]} : vector<16xi32> to vector<1xi32>
        %squeeze3A_995 = vector.extract %slice3A_994[0] : i32 from vector<1xi32>
        %get3A_996 = arith.index_cast %squeeze3A_995 : i32 to index
        %get3A_997 = arith.constant 0 : index
        %get3A_998 = tpu.vector_load %arg8[%get3A_996, %get3A_997] {strides = array<i32>} : memref<489x64xf32, #tpu.memory_space<vmem>>, vector<16xf32>,
        %get3A_999 = arith.constant 15 : i32
        %get3A_1000 = arith.index_cast %get3A_999 : i32 to index
        %get3A_1001 = arith.constant 0 : index
        %get3A_1002 = tpu.vector_load %arg9[%get3A_1000, %get3A_1001] {strides = array<i32>} : memref<16x128xf32, #tpu.memory_space<vmem>>, vector<16xf32>,
        %add3A_1003 = arith.addf %get3A_998, %get3A_1002 : vector<16xf32>
        %mul3A_1004 = arith.constant 5.000000e-01 : f32
        %mul3A_1005 = vector.broadcast %mul3A_1004 : f32 to vector<16xf32>
        %mul3A_1006 = arith.mulf %mul3A_1005, %add3A_1003 : vector<16xf32>
        %swap3A_1007 = arith.index_cast %squeeze3A_995 : i32 to index
        %swap3A_1008 = arith.constant 0 : index
        %swap3A_1009 = tpu.vector_load %arg8[%swap3A_1007, %swap3A_1008] {strides = array<i32>} : memref<489x64xf32, #tpu.memory_space<vmem>>, vector<16xf32>,
        tpu.vector_store %arg8[%swap3A_1007, %swap3A_1008], %mul3A_1006 {strides = array<i32>} : memref<489x64xf32, #tpu.memory_space<vmem>>, vector<16xf32>,
        %get3A_1010 = arith.index_cast %squeeze3A_995 : i32 to index
        %get3A_1011 = arith.constant 16 : index
        %get3A_1012 = tpu.vector_load %arg8[%get3A_1010, %get3A_1011] {strides = array<i32>} : memref<489x64xf32, #tpu.memory_space<vmem>>, vector<16xf32>,
        %get3A_1013 = arith.constant 15 : i32
        %get3A_1014 = arith.index_cast %get3A_1013 : i32 to index
        %get3A_1015 = arith.constant 16 : index
        %get3A_1016 = tpu.vector_load %arg9[%get3A_1014, %get3A_1015] {strides = array<i32>} : memref<16x128xf32, #tpu.memory_space<vmem>>, vector<16xf32>,
        %add3A_1017 = arith.addf %get3A_1012, %get3A_1016 : vector<16xf32>
        %mul3A_1018 = arith.constant 5.000000e-01 : f32
        %mul3A_1019 = vector.broadcast %mul3A_1018 : f32 to vector<16xf32>
        %mul3A_1020 = arith.mulf %mul3A_1019, %add3A_1017 : vector<16xf32>
        %swap3A_1021 = arith.index_cast %squeeze3A_995 : i32 to index
        %swap3A_1022 = arith.constant 16 : index
        %swap3A_1023 = tpu.vector_load %arg8[%swap3A_1021, %swap3A_1022] {strides = array<i32>} : memref<489x64xf32, #tpu.memory_space<vmem>>, vector<16xf32>,
        tpu.vector_store %arg8[%swap3A_1021, %swap3A_1022], %mul3A_1020 {strides = array<i32>} : memref<489x64xf32, #tpu.memory_space<vmem>>, vector<16xf32>,
        %get3A_1024 = arith.index_cast %squeeze3A_995 : i32 to index
        %get3A_1025 = arith.constant 32 : index
        %get3A_1026 = tpu.vector_load %arg8[%get3A_1024, %get3A_1025] {strides = array<i32>} : memref<489x64xf32, #tpu.memory_space<vmem>>, vector<16xf32>,
        %get3A_1027 = arith.constant 15 : i32
        %get3A_1028 = arith.index_cast %get3A_1027 : i32 to index
        %get3A_1029 = arith.constant 32 : index
        %get3A_1030 = tpu.vector_load %arg9[%get3A_1028, %get3A_1029] {strides = array<i32>} : memref<16x128xf32, #tpu.memory_space<vmem>>, vector<16xf32>,
        %add3A_1031 = arith.addf %get3A_1026, %get3A_1030 : vector<16xf32>
        %mul3A_1032 = arith.constant 5.000000e-01 : f32
        %mul3A_1033 = vector.broadcast %mul3A_1032 : f32 to vector<16xf32>
        %mul3A_1034 = arith.mulf %mul3A_1033, %add3A_1031 : vector<16xf32>
        %swap3A_1035 = arith.index_cast %squeeze3A_995 : i32 to index
        %swap3A_1036 = arith.constant 32 : index
        %swap3A_1037 = tpu.vector_load %arg8[%swap3A_1035, %swap3A_1036] {strides = array<i32>} : memref<489x64xf32, #tpu.memory_space<vmem>>, vector<16xf32>,
        tpu.vector_store %arg8[%swap3A_1035, %swap3A_1036], %mul3A_1034 {strides = array<i32>} : memref<489x64xf32, #tpu.memory_space<vmem>>, vector<16xf32>,
        %get3A_1038 = arith.index_cast %squeeze3A_995 : i32 to index
        %get3A_1039 = arith.constant 48 : index
        %get3A_1040 = tpu.vector_load %arg8[%get3A_1038, %get3A_1039] {strides = array<i32>} : memref<489x64xf32, #tpu.memory_space<vmem>>, vector<16xf32>,
        %get3A_1041 = arith.constant 15 : i32
        %get3A_1042 = arith.index_cast %get3A_1041 : i32 to index
        %get3A_1043 = arith.constant 48 : index
        %get3A_1044 = tpu.vector_load %arg9[%get3A_1042, %get3A_1043] {strides = array<i32>} : memref<16x128xf32, #tpu.memory_space<vmem>>, vector<16xf32>,
        %add3A_1045 = arith.addf %get3A_1040, %get3A_1044 : vector<16xf32>
        %mul3A_1046 = arith.constant 5.000000e-01 : f32
        %mul3A_1047 = vector.broadcast %mul3A_1046 : f32 to vector<16xf32>
        %mul3A_1048 = arith.mulf %mul3A_1047, %add3A_1045 : vector<16xf32>
        %swap3A_1049 = arith.index_cast %squeeze3A_995 : i32 to index
        %swap3A_1050 = arith.constant 48 : index
        %swap3A_1051 = tpu.vector_load %arg8[%swap3A_1049, %swap3A_1050] {strides = array<i32>} : memref<489x64xf32, #tpu.memory_space<vmem>>, vector<16xf32>,
        tpu.vector_store %arg8[%swap3A_1049, %swap3A_1050], %mul3A_1048 {strides = array<i32>} : memref<489x64xf32, #tpu.memory_space<vmem>>, vector<16xf32>,
      }
      %add3A_87 = arith.addi %mul3A_3, %mul3A_26 : i32
      %dma_start3A_88 = arith.constant 0 : i32
      %dma_start3A_89 = arith.constant 0 : i32
      %dma_start3A_90 = tpu.memref_slice %arg8[%dma_start3A_88, %dma_start3A_89] : memref<489x64xf32, #tpu.memory_space<vmem>> -> memref<488x64xf32, #tpu.memory_space<vmem>>
      %dma_start3A_91 = arith.constant 0 : i32
      %dma_start3A_92 = tpu.memref_slice %arg5[%add3A_87, %dma_start3A_91] : memref<500000x64xf32, #tpu.memory_space<hbm>> -> memref<488x64xf32, #tpu.memory_space<hbm>>
      %dma_start3A_93 = arith.constant 0 : i32
      %dma_start3A_94 = tpu.memref_slice %arg5[%add3A_87, %dma_start3A_93] : memref<500000x64xf32, #tpu.memory_space<hbm>> -> memref<488x64xf32, #tpu.memory_space<hbm>>
      %dma_start3A_95 = arith.constant 0 : i32
      %dma_start3A_96 = arith.constant 0 : i32
      %dma_start3A_97 = tpu.memref_slice %arg8[%dma_start3A_95, %dma_start3A_96] : memref<489x64xf32, #tpu.memory_space<vmem>> -> memref<488x64xf32, #tpu.memory_space<vmem>>
      tpu.enqueue_dma source(%dma_start3A_97 : memref<488x64xf32, #tpu.memory_space<vmem>>) target(%dma_start3A_94 : memref<488x64xf32, #tpu.memory_space<hbm>>) target_semaphore(%arg13 : memref<!tpu.dma_semaphore, #tpu.memory_space<semaphore_mem>>)
      %dma_wait3A_98 = arith.constant 0 : i32
      %dma_wait3A_99 = arith.constant 0 : i32
      %dma_wait3A_100 = tpu.memref_slice %arg8[%dma_wait3A_98, %dma_wait3A_99] : memref<489x64xf32, #tpu.memory_space<vmem>> -> memref<488x64xf32, #tpu.memory_space<vmem>>
      %dma_wait3A_101 = arith.constant 0 : i32
      %dma_wait3A_102 = tpu.memref_slice %arg5[%add3A_87, %dma_wait3A_101] : memref<500000x64xf32, #tpu.memory_space<hbm>> -> memref<488x64xf32, #tpu.memory_space<hbm>>
      %dma_wait3A_103 = arith.constant 0 : i32
      %dma_wait3A_104 = tpu.memref_slice %arg5[%add3A_87, %dma_wait3A_103] : memref<500000x64xf32, #tpu.memory_space<hbm>> -> memref<488x64xf32, #tpu.memory_space<hbm>>
      %dma_wait3A_105 = arith.constant 0 : i32
      %dma_wait3A_106 = arith.constant 0 : i32
      %dma_wait3A_107 = tpu.memref_slice %arg8[%dma_wait3A_105, %dma_wait3A_106] : memref<489x64xf32, #tpu.memory_space<vmem>> -> memref<488x64xf32, #tpu.memory_space<vmem>>
      tpu.wait_dma2 semaphore(%arg13 : memref<!tpu.dma_semaphore, #tpu.memory_space<semaphore_mem>>) src(%dma_wait3A_107 : memref<488x64xf32, #tpu.memory_space<vmem>>) dst(%dma_wait3A_104 : memref<488x64xf32, #tpu.memory_space<hbm>>)
    }
    %scan3A_18 = arith.constant 32 : i32
    %convert_element_type3A = arith.extui %eq3A_1 : i1 to i32
    %cond3A = arith.constant 0 : i32
    %cond3A_19 = arith.cmpi ne, %convert_element_type3A, %cond3A : i32
    scf.if %cond3A_19 {
      %add3A_20 = arith.constant 15616 : i32
      %add3A_21 = arith.addi %mul3A_3, %add3A_20 : i32
      %dma_start3A = arith.constant 0 : i32
      %dma_start3A_22 = arith.constant 0 : i32
      %dma_start3A_23 = tpu.memref_slice %arg8[%dma_start3A, %dma_start3A_22] : memref<489x64xf32, #tpu.memory_space<vmem>> -> memref<288x64xf32, #tpu.memory_space<vmem>>
      %dma_start3A_24 = arith.constant 0 : i32
      %dma_start3A_25 = tpu.memref_slice %arg2[%add3A_21, %dma_start3A_24] : memref<500000x64xf32, #tpu.memory_space<hbm>> -> memref<288x64xf32, #tpu.memory_space<hbm>>
      %dma_start3A_26 = arith.constant 0 : i32
      %dma_start3A_27 = arith.constant 0 : i32
      %dma_start3A_28 = tpu.memref_slice %arg8[%dma_start3A_26, %dma_start3A_27] : memref<489x64xf32, #tpu.memory_space<vmem>> -> memref<288x64xf32, #tpu.memory_space<vmem>>
      %dma_start3A_29 = arith.constant 0 : i32
      %dma_start3A_30 = tpu.memref_slice %arg2[%add3A_21, %dma_start3A_29] : memref<500000x64xf32, #tpu.memory_space<hbm>> -> memref<288x64xf32, #tpu.memory_space<hbm>>
      tpu.enqueue_dma source(%dma_start3A_30 : memref<288x64xf32, #tpu.memory_space<hbm>>) target(%dma_start3A_28 : memref<288x64xf32, #tpu.memory_space<vmem>>) target_semaphore(%arg12 : memref<!tpu.dma_semaphore, #tpu.memory_space<semaphore_mem>>)
      %dma_wait3A = arith.constant 0 : i32
      %dma_wait3A_31 = arith.constant 0 : i32
      %dma_wait3A_32 = tpu.memref_slice %arg8[%dma_wait3A, %dma_wait3A_31] : memref<489x64xf32, #tpu.memory_space<vmem>> -> memref<288x64xf32, #tpu.memory_space<vmem>>
      %dma_wait3A_33 = arith.constant 0 : i32
      %dma_wait3A_34 = tpu.memref_slice %arg2[%add3A_21, %dma_wait3A_33] : memref<500000x64xf32, #tpu.memory_space<hbm>> -> memref<288x64xf32, #tpu.memory_space<hbm>>
      %dma_wait3A_35 = arith.constant 0 : i32
      %dma_wait3A_36 = arith.constant 0 : i32
      %dma_wait3A_37 = tpu.memref_slice %arg8[%dma_wait3A_35, %dma_wait3A_36] : memref<489x64xf32, #tpu.memory_space<vmem>> -> memref<288x64xf32, #tpu.memory_space<vmem>>
      %dma_wait3A_38 = arith.constant 0 : i32
      %dma_wait3A_39 = tpu.memref_slice %arg2[%add3A_21, %dma_wait3A_38] : memref<500000x64xf32, #tpu.memory_space<hbm>> -> memref<288x64xf32, #tpu.memory_space<hbm>>
      tpu.wait_dma2 semaphore(%arg12 : memref<!tpu.dma_semaphore, #tpu.memory_space<semaphore_mem>>) src(%dma_wait3A_39 : memref<288x64xf32, #tpu.memory_space<hbm>>) dst(%dma_wait3A_37 : memref<288x64xf32, #tpu.memory_space<vmem>>)
      %scan3A_40 = arith.constant 0 : i32
      %scan3A_41 = arith.constant 0 : i32
      %scan3A_42 = arith.constant 18 : i32
      %scan3A_43 = arith.addi %scan3A_41, %scan3A_42 : i32
      %scan3A_44 = arith.constant 1 : i32
      %scan3A_45 = scf.for %scan3A_103 = %scan3A_41 to %scan3A_43 step %scan3A_44 iter_args(%scan3A_104 = %scan3A_40) -> (i32)  : i32 {
        %mul3A_105 = arith.constant 16 : i32
        %mul3A_106 = arith.muli %scan3A_103, %mul3A_105 : i32
        %add3A_107 = arith.constant 15616 : i32
        %add3A_108 = arith.addi %add3A_107, %mul3A_106 : i32
        %get3A = arith.index_cast %add3A_108 : i32 to index
        %get3A_109 = tpu.vector_load %arg6[%get3A] {strides = array<i32>} : memref<15904xi32, #tpu.memory_space<vmem>>, vector<16xi32>,
        %mul3A_110 = arith.constant 16 : i32
        %mul3A_111 = arith.muli %scan3A_103, %mul3A_110 : i32
        %iota3A_112 = tpu.iota {dimensions = array<i32: 0>} : vector<16xi32>
        %add3A_113 = vector.broadcast %mul3A_111 : i32 to vector<16xi32>
        %add3A_114 = arith.addi %add3A_113, %iota3A_112 : vector<16xi32>
        %ge3A = arith.constant 0 : i32
        %ge3A_115 = vector.broadcast %ge3A : i32 to vector<16xi32>
        %ge3A_116 = arith.cmpi sge, %get3A_109, %ge3A_115 : vector<16xi32>
        %lt3A = arith.constant 288 : i32
        %lt3A_117 = vector.broadcast %lt3A : i32 to vector<16xi32>
        %lt3A_118 = arith.cmpi slt, %add3A_114, %lt3A_117 : vector<16xi32>
        %and3A = arith.andi %ge3A_116, %lt3A_118 : vector<16xi1>
        %swap3A_119 = arith.index_cast %scan3A_104 : i32 to index
        %swap3A_120 = tpu.vector_load %arg11[%swap3A_119] masked %and3A {strides = array<i32>} : memref<504xi32, #tpu.memory_space<vmem>>, vector<16xi32>, vector<16xi1>
        tpu.vector_store %arg11[%swap3A_119], %get3A_109 masked %and3A {strides = array<i32>} : memref<504xi32, #tpu.memory_space<vmem>>, vector<16xi32>, vector<16xi1>
        %swap3A_121 = arith.index_cast %scan3A_104 : i32 to index
        %swap3A_122 = tpu.vector_load %arg10[%swap3A_121] masked %and3A {strides = array<i32>} : memref<504xi32, #tpu.memory_space<vmem>>, vector<16xi32>, vector<16xi1>
        tpu.vector_store %arg10[%swap3A_121], %add3A_114 masked %and3A {strides = array<i32>} : memref<504xi32, #tpu.memory_space<vmem>>, vector<16xi32>, vector<16xi1>
        %convert_element_type3A_123 = arith.extui %and3A : vector<16xi1> to vector<16xi32>
        %reduce_sum3A = arith.constant true
        %reduce_sum3A_124 = vector.broadcast %reduce_sum3A : i1 to vector<16xi1>
        %reduce_sum3A_125 = tpu.scan <sum>, %convert_element_type3A_123 masked %reduce_sum3A_124 : vector<16xi32>, vector<16xi1> -> vector<16xi32>
        %reduce_sum3A_126 = vector.extract %reduce_sum3A_125[15] : i32 from vector<16xi32>
        %add3A_127 = arith.addi %scan3A_104, %reduce_sum3A_126 : i32
        scf.yield %add3A_127 : i32
      }
      %scan3A_46 = arith.constant 18 : i32
      %broadcast_in_dim3A = arith.constant 488 : i32
      %broadcast_in_dim3A_47 = vector.broadcast %broadcast_in_dim3A : i32 to vector<16xi32>
      %mul3A_48 = arith.constant 2048 : i32
      %mul3A_49 = arith.muli %add3A, %mul3A_48 : i32
      %add3A_50 = arith.constant 0 : i32
      %add3A_51 = arith.addi %mul3A_49, %add3A_50 : i32
      %iota3A = tpu.iota {dimensions = array<i32: 0>} : vector<16xi32>
      %add3A_52 = vector.broadcast %add3A_51 : i32 to vector<16xi32>
      %add3A_53 = arith.addi %add3A_52, %iota3A : vector<16xi32>
      %add3A_54 = arith.constant 0 : i32
      %add3A_55 = arith.addi %scan3A_45, %add3A_54 : i32
      %swap3A = arith.index_cast %add3A_55 : i32 to index
      %swap3A_56 = tpu.vector_load %arg11[%swap3A] {strides = array<i32>} : memref<504xi32, #tpu.memory_space<vmem>>, vector<16xi32>,
      tpu.vector_store %arg11[%swap3A], %add3A_53 {strides = array<i32>} : memref<504xi32, #tpu.memory_space<vmem>>, vector<16xi32>,
      %add3A_57 = arith.constant 0 : i32
      %add3A_58 = arith.addi %scan3A_45, %add3A_57 : i32
      %swap3A_59 = arith.index_cast %add3A_58 : i32 to index
      %swap3A_60 = tpu.vector_load %arg10[%swap3A_59] {strides = array<i32>} : memref<504xi32, #tpu.memory_space<vmem>>, vector<16xi32>,
      tpu.vector_store %arg10[%swap3A_59], %broadcast_in_dim3A_47 {strides = array<i32>} : memref<504xi32, #tpu.memory_space<vmem>>, vector<16xi32>,
      %add3A_61 = arith.constant 15 : i32
      %add3A_62 = arith.addi %scan3A_45, %add3A_61 : i32
      %div3A = arith.constant 16 : i32
      %div3A_63 = arith.divsi %add3A_62, %div3A : i32
      %sub3A = arith.constant 0 : i32
      %sub3A_64 = arith.subi %div3A_63, %sub3A : i32
      %sub3A_65 = arith.constant 1 : i32
      %sub3A_66 = arith.constant 1 : i32
      %sub3A_67 = arith.subi %sub3A_65, %sub3A_66 : i32
      %add3A_68 = arith.addi %sub3A_64, %sub3A_67 : i32
      %div3A_69 = arith.constant 1 : i32
      %div3A_70 = arith.divsi %add3A_68, %div3A_69 : i32
      %while3A = arith.constant 1 : i32
      %while3A_71 = arith.constant 0 : i32
      %while3A_72 = arith.constant 0 : i32
      %while3A_73 = arith.subi %div3A_70, %while3A_72 : i32
      %while3A_74 = arith.addi %while3A_72, %while3A_73 : i32
      %while3A_75 = arith.constant 1 : i32
      %while3A_76 = arith.divsi %while3A_73, %while3A_75 : i32
      %while3A_77 = arith.muli %while3A_76, %while3A_75 : i32
      %while3A_78 = arith.addi %while3A_72, %while3A_77 : i32
      %while3A_79 = arith.constant 1 : i32
      scf.for %while3A_103 = %while3A_72 to %while3A_78 step %while3A_79  : i32 {
        %mul3A_104 = arith.muli %while3A_103, %while3A : i32
        %add3A_105 = arith.addi %while3A_71, %mul3A_104 : i32
        %mul3A_106 = arith.constant 16 : i32
        %mul3A_107 = arith.muli %add3A_105, %mul3A_106 : i32
        %dma_start3A_108 = tpu.memref_slice %arg11[%mul3A_107] : memref<504xi32, #tpu.memory_space<vmem>> -> memref<16xi32, #tpu.memory_space<vmem>>
        %dma_start3A_109 = arith.constant 0 : i32
        %dma_start3A_110 = arith.constant 0 : i32
        %dma_start3A_111 = tpu.memref_slice %arg4[%dma_start3A_109, %dma_start3A_110] : memref<65536x128xf32, #tpu.memory_space<hbm>> -> memref<65536x128xf32, #tpu.memory_space<hbm>>
        tpu.enqueue_indirect_dma source(%dma_start3A_111 : memref<65536x128xf32, #tpu.memory_space<hbm>>) target(%arg9 : memref<16x128xf32, #tpu.memory_space<vmem>>) offsets(%dma_start3A_108 : memref<16xi32, #tpu.memory_space<vmem>>) semaphore(%arg14 : memref<!tpu.dma_semaphore, #tpu.memory_space<semaphore_mem>>)
        %dma_wait3A_112 = tpu.memref_slice %arg11[%mul3A_107] : memref<504xi32, #tpu.memory_space<vmem>> -> memref<16xi32, #tpu.memory_space<vmem>>
        %dma_wait3A_113 = arith.constant 0 : i32
        %dma_wait3A_114 = arith.constant 0 : i32
        %dma_wait3A_115 = tpu.memref_slice %arg4[%dma_wait3A_113, %dma_wait3A_114] : memref<65536x128xf32, #tpu.memory_space<hbm>> -> memref<65536x128xf32, #tpu.memory_space<hbm>>
        tpu.wait_indirect_dma semaphore(%arg14 : memref<!tpu.dma_semaphore, #tpu.memory_space<semaphore_mem>>) src(%dma_wait3A_115 : memref<65536x128xf32, #tpu.memory_space<hbm>>) dst(%arg9 : memref<16x128xf32, #tpu.memory_space<vmem>>)
        %mul3A_116 = arith.constant 16 : i32
        %mul3A_117 = arith.muli %add3A_105, %mul3A_116 : i32
        %add3A_118 = arith.constant 0 : i32
        %add3A_119 = arith.addi %mul3A_117, %add3A_118 : i32
        %get3A = arith.index_cast %add3A_119 : i32 to index
        %get3A_120 = tpu.vector_load %arg10[%get3A] {strides = array<i32>} : memref<504xi32, #tpu.memory_space<vmem>>, vector<16xi32>,
        %slice3A = vector.extract_strided_slice %get3A_120 {offsets = [0], sizes = [1], strides = [1]} : vector<16xi32> to vector<1xi32>
        %squeeze3A = vector.extract %slice3A[0] : i32 from vector<1xi32>
        %get3A_121 = arith.index_cast %squeeze3A : i32 to index
        %get3A_122 = arith.constant 0 : index
        %get3A_123 = tpu.vector_load %arg8[%get3A_121, %get3A_122] {strides = array<i32>} : memref<489x64xf32, #tpu.memory_space<vmem>>, vector<16xf32>,
        %get3A_124 = arith.constant 0 : i32
        %get3A_125 = arith.index_cast %get3A_124 : i32 to index
        %get3A_126 = arith.constant 0 : index
        %get3A_127 = tpu.vector_load %arg9[%get3A_125, %get3A_126] {strides = array<i32>} : memref<16x128xf32, #tpu.memory_space<vmem>>, vector<16xf32>,
        %add3A_128 = arith.addf %get3A_123, %get3A_127 : vector<16xf32>
        %mul3A_129 = arith.constant 5.000000e-01 : f32
        %mul3A_130 = vector.broadcast %mul3A_129 : f32 to vector<16xf32>
        %mul3A_131 = arith.mulf %mul3A_130, %add3A_128 : vector<16xf32>
        %swap3A_132 = arith.index_cast %squeeze3A : i32 to index
        %swap3A_133 = arith.constant 0 : index
        %swap3A_134 = tpu.vector_load %arg8[%swap3A_132, %swap3A_133] {strides = array<i32>} : memref<489x64xf32, #tpu.memory_space<vmem>>, vector<16xf32>,
        tpu.vector_store %arg8[%swap3A_132, %swap3A_133], %mul3A_131 {strides = array<i32>} : memref<489x64xf32, #tpu.memory_space<vmem>>, vector<16xf32>,
        %get3A_135 = arith.index_cast %squeeze3A : i32 to index
        %get3A_136 = arith.constant 16 : index
        %get3A_137 = tpu.vector_load %arg8[%get3A_135, %get3A_136] {strides = array<i32>} : memref<489x64xf32, #tpu.memory_space<vmem>>, vector<16xf32>,
        %get3A_138 = arith.constant 0 : i32
        %get3A_139 = arith.index_cast %get3A_138 : i32 to index
        %get3A_140 = arith.constant 16 : index
        %get3A_141 = tpu.vector_load %arg9[%get3A_139, %get3A_140] {strides = array<i32>} : memref<16x128xf32, #tpu.memory_space<vmem>>, vector<16xf32>,
        %add3A_142 = arith.addf %get3A_137, %get3A_141 : vector<16xf32>
        %mul3A_143 = arith.constant 5.000000e-01 : f32
        %mul3A_144 = vector.broadcast %mul3A_143 : f32 to vector<16xf32>
        %mul3A_145 = arith.mulf %mul3A_144, %add3A_142 : vector<16xf32>
        %swap3A_146 = arith.index_cast %squeeze3A : i32 to index
        %swap3A_147 = arith.constant 16 : index
        %swap3A_148 = tpu.vector_load %arg8[%swap3A_146, %swap3A_147] {strides = array<i32>} : memref<489x64xf32, #tpu.memory_space<vmem>>, vector<16xf32>,
        tpu.vector_store %arg8[%swap3A_146, %swap3A_147], %mul3A_145 {strides = array<i32>} : memref<489x64xf32, #tpu.memory_space<vmem>>, vector<16xf32>,
        %get3A_149 = arith.index_cast %squeeze3A : i32 to index
        %get3A_150 = arith.constant 32 : index
        %get3A_151 = tpu.vector_load %arg8[%get3A_149, %get3A_150] {strides = array<i32>} : memref<489x64xf32, #tpu.memory_space<vmem>>, vector<16xf32>,
        %get3A_152 = arith.constant 0 : i32
        %get3A_153 = arith.index_cast %get3A_152 : i32 to index
        %get3A_154 = arith.constant 32 : index
        %get3A_155 = tpu.vector_load %arg9[%get3A_153, %get3A_154] {strides = array<i32>} : memref<16x128xf32, #tpu.memory_space<vmem>>, vector<16xf32>,
        %add3A_156 = arith.addf %get3A_151, %get3A_155 : vector<16xf32>
        %mul3A_157 = arith.constant 5.000000e-01 : f32
        %mul3A_158 = vector.broadcast %mul3A_157 : f32 to vector<16xf32>
        %mul3A_159 = arith.mulf %mul3A_158, %add3A_156 : vector<16xf32>
        %swap3A_160 = arith.index_cast %squeeze3A : i32 to index
        %swap3A_161 = arith.constant 32 : index
        %swap3A_162 = tpu.vector_load %arg8[%swap3A_160, %swap3A_161] {strides = array<i32>} : memref<489x64xf32, #tpu.memory_space<vmem>>, vector<16xf32>,
        tpu.vector_store %arg8[%swap3A_160, %swap3A_161], %mul3A_159 {strides = array<i32>} : memref<489x64xf32, #tpu.memory_space<vmem>>, vector<16xf32>,
        %get3A_163 = arith.index_cast %squeeze3A : i32 to index
        %get3A_164 = arith.constant 48 : index
        %get3A_165 = tpu.vector_load %arg8[%get3A_163, %get3A_164] {strides = array<i32>} : memref<489x64xf32, #tpu.memory_space<vmem>>, vector<16xf32>,
        %get3A_166 = arith.constant 0 : i32
        %get3A_167 = arith.index_cast %get3A_166 : i32 to index
        %get3A_168 = arith.constant 48 : index
        %get3A_169 = tpu.vector_load %arg9[%get3A_167, %get3A_168] {strides = array<i32>} : memref<16x128xf32, #tpu.memory_space<vmem>>, vector<16xf32>,
        %add3A_170 = arith.addf %get3A_165, %get3A_169 : vector<16xf32>
        %mul3A_171 = arith.constant 5.000000e-01 : f32
        %mul3A_172 = vector.broadcast %mul3A_171 : f32 to vector<16xf32>
        %mul3A_173 = arith.mulf %mul3A_172, %add3A_170 : vector<16xf32>
        %swap3A_174 = arith.index_cast %squeeze3A : i32 to index
        %swap3A_175 = arith.constant 48 : index
        %swap3A_176 = tpu.vector_load %arg8[%swap3A_174, %swap3A_175] {strides = array<i32>} : memref<489x64xf32, #tpu.memory_space<vmem>>, vector<16xf32>,
        tpu.vector_store %arg8[%swap3A_174, %swap3A_175], %mul3A_173 {strides = array<i32>} : memref<489x64xf32, #tpu.memory_space<vmem>>, vector<16xf32>,
        %slice3A_177 = vector.extract_strided_slice %get3A_120 {offsets = [1], sizes = [1], strides = [1]} : vector<16xi32> to vector<1xi32>
        %squeeze3A_178 = vector.extract %slice3A_177[0] : i32 from vector<1xi32>
        %get3A_179 = arith.index_cast %squeeze3A_178 : i32 to index
        %get3A_180 = arith.constant 0 : index
        %get3A_181 = tpu.vector_load %arg8[%get3A_179, %get3A_180] {strides = array<i32>} : memref<489x64xf32, #tpu.memory_space<vmem>>, vector<16xf32>,
        %get3A_182 = arith.constant 1 : i32
        %get3A_183 = arith.index_cast %get3A_182 : i32 to index
        %get3A_184 = arith.constant 0 : index
        %get3A_185 = tpu.vector_load %arg9[%get3A_183, %get3A_184] {strides = array<i32>} : memref<16x128xf32, #tpu.memory_space<vmem>>, vector<16xf32>,
        %add3A_186 = arith.addf %get3A_181, %get3A_185 : vector<16xf32>
        %mul3A_187 = arith.constant 5.000000e-01 : f32
        %mul3A_188 = vector.broadcast %mul3A_187 : f32 to vector<16xf32>
        %mul3A_189 = arith.mulf %mul3A_188, %add3A_186 : vector<16xf32>
        %swap3A_190 = arith.index_cast %squeeze3A_178 : i32 to index
        %swap3A_191 = arith.constant 0 : index
        %swap3A_192 = tpu.vector_load %arg8[%swap3A_190, %swap3A_191] {strides = array<i32>} : memref<489x64xf32, #tpu.memory_space<vmem>>, vector<16xf32>,
        tpu.vector_store %arg8[%swap3A_190, %swap3A_191], %mul3A_189 {strides = array<i32>} : memref<489x64xf32, #tpu.memory_space<vmem>>, vector<16xf32>,
        %get3A_193 = arith.index_cast %squeeze3A_178 : i32 to index
        %get3A_194 = arith.constant 16 : index
        %get3A_195 = tpu.vector_load %arg8[%get3A_193, %get3A_194] {strides = array<i32>} : memref<489x64xf32, #tpu.memory_space<vmem>>, vector<16xf32>,
        %get3A_196 = arith.constant 1 : i32
        %get3A_197 = arith.index_cast %get3A_196 : i32 to index
        %get3A_198 = arith.constant 16 : index
        %get3A_199 = tpu.vector_load %arg9[%get3A_197, %get3A_198] {strides = array<i32>} : memref<16x128xf32, #tpu.memory_space<vmem>>, vector<16xf32>,
        %add3A_200 = arith.addf %get3A_195, %get3A_199 : vector<16xf32>
        %mul3A_201 = arith.constant 5.000000e-01 : f32
        %mul3A_202 = vector.broadcast %mul3A_201 : f32 to vector<16xf32>
        %mul3A_203 = arith.mulf %mul3A_202, %add3A_200 : vector<16xf32>
        %swap3A_204 = arith.index_cast %squeeze3A_178 : i32 to index
        %swap3A_205 = arith.constant 16 : index
        %swap3A_206 = tpu.vector_load %arg8[%swap3A_204, %swap3A_205] {strides = array<i32>} : memref<489x64xf32, #tpu.memory_space<vmem>>, vector<16xf32>,
        tpu.vector_store %arg8[%swap3A_204, %swap3A_205], %mul3A_203 {strides = array<i32>} : memref<489x64xf32, #tpu.memory_space<vmem>>, vector<16xf32>,
        %get3A_207 = arith.index_cast %squeeze3A_178 : i32 to index
        %get3A_208 = arith.constant 32 : index
        %get3A_209 = tpu.vector_load %arg8[%get3A_207, %get3A_208] {strides = array<i32>} : memref<489x64xf32, #tpu.memory_space<vmem>>, vector<16xf32>,
        %get3A_210 = arith.constant 1 : i32
        %get3A_211 = arith.index_cast %get3A_210 : i32 to index
        %get3A_212 = arith.constant 32 : index
        %get3A_213 = tpu.vector_load %arg9[%get3A_211, %get3A_212] {strides = array<i32>} : memref<16x128xf32, #tpu.memory_space<vmem>>, vector<16xf32>,
        %add3A_214 = arith.addf %get3A_209, %get3A_213 : vector<16xf32>
        %mul3A_215 = arith.constant 5.000000e-01 : f32
        %mul3A_216 = vector.broadcast %mul3A_215 : f32 to vector<16xf32>
        %mul3A_217 = arith.mulf %mul3A_216, %add3A_214 : vector<16xf32>
        %swap3A_218 = arith.index_cast %squeeze3A_178 : i32 to index
        %swap3A_219 = arith.constant 32 : index
        %swap3A_220 = tpu.vector_load %arg8[%swap3A_218, %swap3A_219] {strides = array<i32>} : memref<489x64xf32, #tpu.memory_space<vmem>>, vector<16xf32>,
        tpu.vector_store %arg8[%swap3A_218, %swap3A_219], %mul3A_217 {strides = array<i32>} : memref<489x64xf32, #tpu.memory_space<vmem>>, vector<16xf32>,
        %get3A_221 = arith.index_cast %squeeze3A_178 : i32 to index
        %get3A_222 = arith.constant 48 : index
        %get3A_223 = tpu.vector_load %arg8[%get3A_221, %get3A_222] {strides = array<i32>} : memref<489x64xf32, #tpu.memory_space<vmem>>, vector<16xf32>,
        %get3A_224 = arith.constant 1 : i32
        %get3A_225 = arith.index_cast %get3A_224 : i32 to index
        %get3A_226 = arith.constant 48 : index
        %get3A_227 = tpu.vector_load %arg9[%get3A_225, %get3A_226] {strides = array<i32>} : memref<16x128xf32, #tpu.memory_space<vmem>>, vector<16xf32>,
        %add3A_228 = arith.addf %get3A_223, %get3A_227 : vector<16xf32>
        %mul3A_229 = arith.constant 5.000000e-01 : f32
        %mul3A_230 = vector.broadcast %mul3A_229 : f32 to vector<16xf32>
        %mul3A_231 = arith.mulf %mul3A_230, %add3A_228 : vector<16xf32>
        %swap3A_232 = arith.index_cast %squeeze3A_178 : i32 to index
        %swap3A_233 = arith.constant 48 : index
        %swap3A_234 = tpu.vector_load %arg8[%swap3A_232, %swap3A_233] {strides = array<i32>} : memref<489x64xf32, #tpu.memory_space<vmem>>, vector<16xf32>,
        tpu.vector_store %arg8[%swap3A_232, %swap3A_233], %mul3A_231 {strides = array<i32>} : memref<489x64xf32, #tpu.memory_space<vmem>>, vector<16xf32>,
        %slice3A_235 = vector.extract_strided_slice %get3A_120 {offsets = [2], sizes = [1], strides = [1]} : vector<16xi32> to vector<1xi32>
        %squeeze3A_236 = vector.extract %slice3A_235[0] : i32 from vector<1xi32>
        %get3A_237 = arith.index_cast %squeeze3A_236 : i32 to index
        %get3A_238 = arith.constant 0 : index
        %get3A_239 = tpu.vector_load %arg8[%get3A_237, %get3A_238] {strides = array<i32>} : memref<489x64xf32, #tpu.memory_space<vmem>>, vector<16xf32>,
        %get3A_240 = arith.constant 2 : i32
        %get3A_241 = arith.index_cast %get3A_240 : i32 to index
        %get3A_242 = arith.constant 0 : index
        %get3A_243 = tpu.vector_load %arg9[%get3A_241, %get3A_242] {strides = array<i32>} : memref<16x128xf32, #tpu.memory_space<vmem>>, vector<16xf32>,
        %add3A_244 = arith.addf %get3A_239, %get3A_243 : vector<16xf32>
        %mul3A_245 = arith.constant 5.000000e-01 : f32
        %mul3A_246 = vector.broadcast %mul3A_245 : f32 to vector<16xf32>
        %mul3A_247 = arith.mulf %mul3A_246, %add3A_244 : vector<16xf32>
        %swap3A_248 = arith.index_cast %squeeze3A_236 : i32 to index
        %swap3A_249 = arith.constant 0 : index
        %swap3A_250 = tpu.vector_load %arg8[%swap3A_248, %swap3A_249] {strides = array<i32>} : memref<489x64xf32, #tpu.memory_space<vmem>>, vector<16xf32>,
        tpu.vector_store %arg8[%swap3A_248, %swap3A_249], %mul3A_247 {strides = array<i32>} : memref<489x64xf32, #tpu.memory_space<vmem>>, vector<16xf32>,
        %get3A_251 = arith.index_cast %squeeze3A_236 : i32 to index
        %get3A_252 = arith.constant 16 : index
        %get3A_253 = tpu.vector_load %arg8[%get3A_251, %get3A_252] {strides = array<i32>} : memref<489x64xf32, #tpu.memory_space<vmem>>, vector<16xf32>,
        %get3A_254 = arith.constant 2 : i32
        %get3A_255 = arith.index_cast %get3A_254 : i32 to index
        %get3A_256 = arith.constant 16 : index
        %get3A_257 = tpu.vector_load %arg9[%get3A_255, %get3A_256] {strides = array<i32>} : memref<16x128xf32, #tpu.memory_space<vmem>>, vector<16xf32>,
        %add3A_258 = arith.addf %get3A_253, %get3A_257 : vector<16xf32>
        %mul3A_259 = arith.constant 5.000000e-01 : f32
        %mul3A_260 = vector.broadcast %mul3A_259 : f32 to vector<16xf32>
        %mul3A_261 = arith.mulf %mul3A_260, %add3A_258 : vector<16xf32>
        %swap3A_262 = arith.index_cast %squeeze3A_236 : i32 to index
        %swap3A_263 = arith.constant 16 : index
        %swap3A_264 = tpu.vector_load %arg8[%swap3A_262, %swap3A_263] {strides = array<i32>} : memref<489x64xf32, #tpu.memory_space<vmem>>, vector<16xf32>,
        tpu.vector_store %arg8[%swap3A_262, %swap3A_263], %mul3A_261 {strides = array<i32>} : memref<489x64xf32, #tpu.memory_space<vmem>>, vector<16xf32>,
        %get3A_265 = arith.index_cast %squeeze3A_236 : i32 to index
        %get3A_266 = arith.constant 32 : index
        %get3A_267 = tpu.vector_load %arg8[%get3A_265, %get3A_266] {strides = array<i32>} : memref<489x64xf32, #tpu.memory_space<vmem>>, vector<16xf32>,
        %get3A_268 = arith.constant 2 : i32
        %get3A_269 = arith.index_cast %get3A_268 : i32 to index
        %get3A_270 = arith.constant 32 : index
        %get3A_271 = tpu.vector_load %arg9[%get3A_269, %get3A_270] {strides = array<i32>} : memref<16x128xf32, #tpu.memory_space<vmem>>, vector<16xf32>,
        %add3A_272 = arith.addf %get3A_267, %get3A_271 : vector<16xf32>
        %mul3A_273 = arith.constant 5.000000e-01 : f32
        %mul3A_274 = vector.broadcast %mul3A_273 : f32 to vector<16xf32>
        %mul3A_275 = arith.mulf %mul3A_274, %add3A_272 : vector<16xf32>
        %swap3A_276 = arith.index_cast %squeeze3A_236 : i32 to index
        %swap3A_277 = arith.constant 32 : index
        %swap3A_278 = tpu.vector_load %arg8[%swap3A_276, %swap3A_277] {strides = array<i32>} : memref<489x64xf32, #tpu.memory_space<vmem>>, vector<16xf32>,
        tpu.vector_store %arg8[%swap3A_276, %swap3A_277], %mul3A_275 {strides = array<i32>} : memref<489x64xf32, #tpu.memory_space<vmem>>, vector<16xf32>,
        %get3A_279 = arith.index_cast %squeeze3A_236 : i32 to index
        %get3A_280 = arith.constant 48 : index
        %get3A_281 = tpu.vector_load %arg8[%get3A_279, %get3A_280] {strides = array<i32>} : memref<489x64xf32, #tpu.memory_space<vmem>>, vector<16xf32>,
        %get3A_282 = arith.constant 2 : i32
        %get3A_283 = arith.index_cast %get3A_282 : i32 to index
        %get3A_284 = arith.constant 48 : index
        %get3A_285 = tpu.vector_load %arg9[%get3A_283, %get3A_284] {strides = array<i32>} : memref<16x128xf32, #tpu.memory_space<vmem>>, vector<16xf32>,
        %add3A_286 = arith.addf %get3A_281, %get3A_285 : vector<16xf32>
        %mul3A_287 = arith.constant 5.000000e-01 : f32
        %mul3A_288 = vector.broadcast %mul3A_287 : f32 to vector<16xf32>
        %mul3A_289 = arith.mulf %mul3A_288, %add3A_286 : vector<16xf32>
        %swap3A_290 = arith.index_cast %squeeze3A_236 : i32 to index
        %swap3A_291 = arith.constant 48 : index
        %swap3A_292 = tpu.vector_load %arg8[%swap3A_290, %swap3A_291] {strides = array<i32>} : memref<489x64xf32, #tpu.memory_space<vmem>>, vector<16xf32>,
        tpu.vector_store %arg8[%swap3A_290, %swap3A_291], %mul3A_289 {strides = array<i32>} : memref<489x64xf32, #tpu.memory_space<vmem>>, vector<16xf32>,
        %slice3A_293 = vector.extract_strided_slice %get3A_120 {offsets = [3], sizes = [1], strides = [1]} : vector<16xi32> to vector<1xi32>
        %squeeze3A_294 = vector.extract %slice3A_293[0] : i32 from vector<1xi32>
        %get3A_295 = arith.index_cast %squeeze3A_294 : i32 to index
        %get3A_296 = arith.constant 0 : index
        %get3A_297 = tpu.vector_load %arg8[%get3A_295, %get3A_296] {strides = array<i32>} : memref<489x64xf32, #tpu.memory_space<vmem>>, vector<16xf32>,
        %get3A_298 = arith.constant 3 : i32
        %get3A_299 = arith.index_cast %get3A_298 : i32 to index
        %get3A_300 = arith.constant 0 : index
        %get3A_301 = tpu.vector_load %arg9[%get3A_299, %get3A_300] {strides = array<i32>} : memref<16x128xf32, #tpu.memory_space<vmem>>, vector<16xf32>,
        %add3A_302 = arith.addf %get3A_297, %get3A_301 : vector<16xf32>
        %mul3A_303 = arith.constant 5.000000e-01 : f32
        %mul3A_304 = vector.broadcast %mul3A_303 : f32 to vector<16xf32>
        %mul3A_305 = arith.mulf %mul3A_304, %add3A_302 : vector<16xf32>
        %swap3A_306 = arith.index_cast %squeeze3A_294 : i32 to index
        %swap3A_307 = arith.constant 0 : index
        %swap3A_308 = tpu.vector_load %arg8[%swap3A_306, %swap3A_307] {strides = array<i32>} : memref<489x64xf32, #tpu.memory_space<vmem>>, vector<16xf32>,
        tpu.vector_store %arg8[%swap3A_306, %swap3A_307], %mul3A_305 {strides = array<i32>} : memref<489x64xf32, #tpu.memory_space<vmem>>, vector<16xf32>,
        %get3A_309 = arith.index_cast %squeeze3A_294 : i32 to index
        %get3A_310 = arith.constant 16 : index
        %get3A_311 = tpu.vector_load %arg8[%get3A_309, %get3A_310] {strides = array<i32>} : memref<489x64xf32, #tpu.memory_space<vmem>>, vector<16xf32>,
        %get3A_312 = arith.constant 3 : i32
        %get3A_313 = arith.index_cast %get3A_312 : i32 to index
        %get3A_314 = arith.constant 16 : index
        %get3A_315 = tpu.vector_load %arg9[%get3A_313, %get3A_314] {strides = array<i32>} : memref<16x128xf32, #tpu.memory_space<vmem>>, vector<16xf32>,
        %add3A_316 = arith.addf %get3A_311, %get3A_315 : vector<16xf32>
        %mul3A_317 = arith.constant 5.000000e-01 : f32
        %mul3A_318 = vector.broadcast %mul3A_317 : f32 to vector<16xf32>
        %mul3A_319 = arith.mulf %mul3A_318, %add3A_316 : vector<16xf32>
        %swap3A_320 = arith.index_cast %squeeze3A_294 : i32 to index
        %swap3A_321 = arith.constant 16 : index
        %swap3A_322 = tpu.vector_load %arg8[%swap3A_320, %swap3A_321] {strides = array<i32>} : memref<489x64xf32, #tpu.memory_space<vmem>>, vector<16xf32>,
        tpu.vector_store %arg8[%swap3A_320, %swap3A_321], %mul3A_319 {strides = array<i32>} : memref<489x64xf32, #tpu.memory_space<vmem>>, vector<16xf32>,
        %get3A_323 = arith.index_cast %squeeze3A_294 : i32 to index
        %get3A_324 = arith.constant 32 : index
        %get3A_325 = tpu.vector_load %arg8[%get3A_323, %get3A_324] {strides = array<i32>} : memref<489x64xf32, #tpu.memory_space<vmem>>, vector<16xf32>,
        %get3A_326 = arith.constant 3 : i32
        %get3A_327 = arith.index_cast %get3A_326 : i32 to index
        %get3A_328 = arith.constant 32 : index
        %get3A_329 = tpu.vector_load %arg9[%get3A_327, %get3A_328] {strides = array<i32>} : memref<16x128xf32, #tpu.memory_space<vmem>>, vector<16xf32>,
        %add3A_330 = arith.addf %get3A_325, %get3A_329 : vector<16xf32>
        %mul3A_331 = arith.constant 5.000000e-01 : f32
        %mul3A_332 = vector.broadcast %mul3A_331 : f32 to vector<16xf32>
        %mul3A_333 = arith.mulf %mul3A_332, %add3A_330 : vector<16xf32>
        %swap3A_334 = arith.index_cast %squeeze3A_294 : i32 to index
        %swap3A_335 = arith.constant 32 : index
        %swap3A_336 = tpu.vector_load %arg8[%swap3A_334, %swap3A_335] {strides = array<i32>} : memref<489x64xf32, #tpu.memory_space<vmem>>, vector<16xf32>,
        tpu.vector_store %arg8[%swap3A_334, %swap3A_335], %mul3A_333 {strides = array<i32>} : memref<489x64xf32, #tpu.memory_space<vmem>>, vector<16xf32>,
        %get3A_337 = arith.index_cast %squeeze3A_294 : i32 to index
        %get3A_338 = arith.constant 48 : index
        %get3A_339 = tpu.vector_load %arg8[%get3A_337, %get3A_338] {strides = array<i32>} : memref<489x64xf32, #tpu.memory_space<vmem>>, vector<16xf32>,
        %get3A_340 = arith.constant 3 : i32
        %get3A_341 = arith.index_cast %get3A_340 : i32 to index
        %get3A_342 = arith.constant 48 : index
        %get3A_343 = tpu.vector_load %arg9[%get3A_341, %get3A_342] {strides = array<i32>} : memref<16x128xf32, #tpu.memory_space<vmem>>, vector<16xf32>,
        %add3A_344 = arith.addf %get3A_339, %get3A_343 : vector<16xf32>
        %mul3A_345 = arith.constant 5.000000e-01 : f32
        %mul3A_346 = vector.broadcast %mul3A_345 : f32 to vector<16xf32>
        %mul3A_347 = arith.mulf %mul3A_346, %add3A_344 : vector<16xf32>
        %swap3A_348 = arith.index_cast %squeeze3A_294 : i32 to index
        %swap3A_349 = arith.constant 48 : index
        %swap3A_350 = tpu.vector_load %arg8[%swap3A_348, %swap3A_349] {strides = array<i32>} : memref<489x64xf32, #tpu.memory_space<vmem>>, vector<16xf32>,
        tpu.vector_store %arg8[%swap3A_348, %swap3A_349], %mul3A_347 {strides = array<i32>} : memref<489x64xf32, #tpu.memory_space<vmem>>, vector<16xf32>,
        %slice3A_351 = vector.extract_strided_slice %get3A_120 {offsets = [4], sizes = [1], strides = [1]} : vector<16xi32> to vector<1xi32>
        %squeeze3A_352 = vector.extract %slice3A_351[0] : i32 from vector<1xi32>
        %get3A_353 = arith.index_cast %squeeze3A_352 : i32 to index
        %get3A_354 = arith.constant 0 : index
        %get3A_355 = tpu.vector_load %arg8[%get3A_353, %get3A_354] {strides = array<i32>} : memref<489x64xf32, #tpu.memory_space<vmem>>, vector<16xf32>,
        %get3A_356 = arith.constant 4 : i32
        %get3A_357 = arith.index_cast %get3A_356 : i32 to index
        %get3A_358 = arith.constant 0 : index
        %get3A_359 = tpu.vector_load %arg9[%get3A_357, %get3A_358] {strides = array<i32>} : memref<16x128xf32, #tpu.memory_space<vmem>>, vector<16xf32>,
        %add3A_360 = arith.addf %get3A_355, %get3A_359 : vector<16xf32>
        %mul3A_361 = arith.constant 5.000000e-01 : f32
        %mul3A_362 = vector.broadcast %mul3A_361 : f32 to vector<16xf32>
        %mul3A_363 = arith.mulf %mul3A_362, %add3A_360 : vector<16xf32>
        %swap3A_364 = arith.index_cast %squeeze3A_352 : i32 to index
        %swap3A_365 = arith.constant 0 : index
        %swap3A_366 = tpu.vector_load %arg8[%swap3A_364, %swap3A_365] {strides = array<i32>} : memref<489x64xf32, #tpu.memory_space<vmem>>, vector<16xf32>,
        tpu.vector_store %arg8[%swap3A_364, %swap3A_365], %mul3A_363 {strides = array<i32>} : memref<489x64xf32, #tpu.memory_space<vmem>>, vector<16xf32>,
        %get3A_367 = arith.index_cast %squeeze3A_352 : i32 to index
        %get3A_368 = arith.constant 16 : index
        %get3A_369 = tpu.vector_load %arg8[%get3A_367, %get3A_368] {strides = array<i32>} : memref<489x64xf32, #tpu.memory_space<vmem>>, vector<16xf32>,
        %get3A_370 = arith.constant 4 : i32
        %get3A_371 = arith.index_cast %get3A_370 : i32 to index
        %get3A_372 = arith.constant 16 : index
        %get3A_373 = tpu.vector_load %arg9[%get3A_371, %get3A_372] {strides = array<i32>} : memref<16x128xf32, #tpu.memory_space<vmem>>, vector<16xf32>,
        %add3A_374 = arith.addf %get3A_369, %get3A_373 : vector<16xf32>
        %mul3A_375 = arith.constant 5.000000e-01 : f32
        %mul3A_376 = vector.broadcast %mul3A_375 : f32 to vector<16xf32>
        %mul3A_377 = arith.mulf %mul3A_376, %add3A_374 : vector<16xf32>
        %swap3A_378 = arith.index_cast %squeeze3A_352 : i32 to index
        %swap3A_379 = arith.constant 16 : index
        %swap3A_380 = tpu.vector_load %arg8[%swap3A_378, %swap3A_379] {strides = array<i32>} : memref<489x64xf32, #tpu.memory_space<vmem>>, vector<16xf32>,
        tpu.vector_store %arg8[%swap3A_378, %swap3A_379], %mul3A_377 {strides = array<i32>} : memref<489x64xf32, #tpu.memory_space<vmem>>, vector<16xf32>,
        %get3A_381 = arith.index_cast %squeeze3A_352 : i32 to index
        %get3A_382 = arith.constant 32 : index
        %get3A_383 = tpu.vector_load %arg8[%get3A_381, %get3A_382] {strides = array<i32>} : memref<489x64xf32, #tpu.memory_space<vmem>>, vector<16xf32>,
        %get3A_384 = arith.constant 4 : i32
        %get3A_385 = arith.index_cast %get3A_384 : i32 to index
        %get3A_386 = arith.constant 32 : index
        %get3A_387 = tpu.vector_load %arg9[%get3A_385, %get3A_386] {strides = array<i32>} : memref<16x128xf32, #tpu.memory_space<vmem>>, vector<16xf32>,
        %add3A_388 = arith.addf %get3A_383, %get3A_387 : vector<16xf32>
        %mul3A_389 = arith.constant 5.000000e-01 : f32
        %mul3A_390 = vector.broadcast %mul3A_389 : f32 to vector<16xf32>
        %mul3A_391 = arith.mulf %mul3A_390, %add3A_388 : vector<16xf32>
        %swap3A_392 = arith.index_cast %squeeze3A_352 : i32 to index
        %swap3A_393 = arith.constant 32 : index
        %swap3A_394 = tpu.vector_load %arg8[%swap3A_392, %swap3A_393] {strides = array<i32>} : memref<489x64xf32, #tpu.memory_space<vmem>>, vector<16xf32>,
        tpu.vector_store %arg8[%swap3A_392, %swap3A_393], %mul3A_391 {strides = array<i32>} : memref<489x64xf32, #tpu.memory_space<vmem>>, vector<16xf32>,
        %get3A_395 = arith.index_cast %squeeze3A_352 : i32 to index
        %get3A_396 = arith.constant 48 : index
        %get3A_397 = tpu.vector_load %arg8[%get3A_395, %get3A_396] {strides = array<i32>} : memref<489x64xf32, #tpu.memory_space<vmem>>, vector<16xf32>,
        %get3A_398 = arith.constant 4 : i32
        %get3A_399 = arith.index_cast %get3A_398 : i32 to index
        %get3A_400 = arith.constant 48 : index
        %get3A_401 = tpu.vector_load %arg9[%get3A_399, %get3A_400] {strides = array<i32>} : memref<16x128xf32, #tpu.memory_space<vmem>>, vector<16xf32>,
        %add3A_402 = arith.addf %get3A_397, %get3A_401 : vector<16xf32>
        %mul3A_403 = arith.constant 5.000000e-01 : f32
        %mul3A_404 = vector.broadcast %mul3A_403 : f32 to vector<16xf32>
        %mul3A_405 = arith.mulf %mul3A_404, %add3A_402 : vector<16xf32>
        %swap3A_406 = arith.index_cast %squeeze3A_352 : i32 to index
        %swap3A_407 = arith.constant 48 : index
        %swap3A_408 = tpu.vector_load %arg8[%swap3A_406, %swap3A_407] {strides = array<i32>} : memref<489x64xf32, #tpu.memory_space<vmem>>, vector<16xf32>,
        tpu.vector_store %arg8[%swap3A_406, %swap3A_407], %mul3A_405 {strides = array<i32>} : memref<489x64xf32, #tpu.memory_space<vmem>>, vector<16xf32>,
        %slice3A_409 = vector.extract_strided_slice %get3A_120 {offsets = [5], sizes = [1], strides = [1]} : vector<16xi32> to vector<1xi32>
        %squeeze3A_410 = vector.extract %slice3A_409[0] : i32 from vector<1xi32>
        %get3A_411 = arith.index_cast %squeeze3A_410 : i32 to index
        %get3A_412 = arith.constant 0 : index
        %get3A_413 = tpu.vector_load %arg8[%get3A_411, %get3A_412] {strides = array<i32>} : memref<489x64xf32, #tpu.memory_space<vmem>>, vector<16xf32>,
        %get3A_414 = arith.constant 5 : i32
        %get3A_415 = arith.index_cast %get3A_414 : i32 to index
        %get3A_416 = arith.constant 0 : index
        %get3A_417 = tpu.vector_load %arg9[%get3A_415, %get3A_416] {strides = array<i32>} : memref<16x128xf32, #tpu.memory_space<vmem>>, vector<16xf32>,
        %add3A_418 = arith.addf %get3A_413, %get3A_417 : vector<16xf32>
        %mul3A_419 = arith.constant 5.000000e-01 : f32
        %mul3A_420 = vector.broadcast %mul3A_419 : f32 to vector<16xf32>
        %mul3A_421 = arith.mulf %mul3A_420, %add3A_418 : vector<16xf32>
        %swap3A_422 = arith.index_cast %squeeze3A_410 : i32 to index
        %swap3A_423 = arith.constant 0 : index
        %swap3A_424 = tpu.vector_load %arg8[%swap3A_422, %swap3A_423] {strides = array<i32>} : memref<489x64xf32, #tpu.memory_space<vmem>>, vector<16xf32>,
        tpu.vector_store %arg8[%swap3A_422, %swap3A_423], %mul3A_421 {strides = array<i32>} : memref<489x64xf32, #tpu.memory_space<vmem>>, vector<16xf32>,
        %get3A_425 = arith.index_cast %squeeze3A_410 : i32 to index
        %get3A_426 = arith.constant 16 : index
        %get3A_427 = tpu.vector_load %arg8[%get3A_425, %get3A_426] {strides = array<i32>} : memref<489x64xf32, #tpu.memory_space<vmem>>, vector<16xf32>,
        %get3A_428 = arith.constant 5 : i32
        %get3A_429 = arith.index_cast %get3A_428 : i32 to index
        %get3A_430 = arith.constant 16 : index
        %get3A_431 = tpu.vector_load %arg9[%get3A_429, %get3A_430] {strides = array<i32>} : memref<16x128xf32, #tpu.memory_space<vmem>>, vector<16xf32>,
        %add3A_432 = arith.addf %get3A_427, %get3A_431 : vector<16xf32>
        %mul3A_433 = arith.constant 5.000000e-01 : f32
        %mul3A_434 = vector.broadcast %mul3A_433 : f32 to vector<16xf32>
        %mul3A_435 = arith.mulf %mul3A_434, %add3A_432 : vector<16xf32>
        %swap3A_436 = arith.index_cast %squeeze3A_410 : i32 to index
        %swap3A_437 = arith.constant 16 : index
        %swap3A_438 = tpu.vector_load %arg8[%swap3A_436, %swap3A_437] {strides = array<i32>} : memref<489x64xf32, #tpu.memory_space<vmem>>, vector<16xf32>,
        tpu.vector_store %arg8[%swap3A_436, %swap3A_437], %mul3A_435 {strides = array<i32>} : memref<489x64xf32, #tpu.memory_space<vmem>>, vector<16xf32>,
        %get3A_439 = arith.index_cast %squeeze3A_410 : i32 to index
        %get3A_440 = arith.constant 32 : index
        %get3A_441 = tpu.vector_load %arg8[%get3A_439, %get3A_440] {strides = array<i32>} : memref<489x64xf32, #tpu.memory_space<vmem>>, vector<16xf32>,
        %get3A_442 = arith.constant 5 : i32
        %get3A_443 = arith.index_cast %get3A_442 : i32 to index
        %get3A_444 = arith.constant 32 : index
        %get3A_445 = tpu.vector_load %arg9[%get3A_443, %get3A_444] {strides = array<i32>} : memref<16x128xf32, #tpu.memory_space<vmem>>, vector<16xf32>,
        %add3A_446 = arith.addf %get3A_441, %get3A_445 : vector<16xf32>
        %mul3A_447 = arith.constant 5.000000e-01 : f32
        %mul3A_448 = vector.broadcast %mul3A_447 : f32 to vector<16xf32>
        %mul3A_449 = arith.mulf %mul3A_448, %add3A_446 : vector<16xf32>
        %swap3A_450 = arith.index_cast %squeeze3A_410 : i32 to index
        %swap3A_451 = arith.constant 32 : index
        %swap3A_452 = tpu.vector_load %arg8[%swap3A_450, %swap3A_451] {strides = array<i32>} : memref<489x64xf32, #tpu.memory_space<vmem>>, vector<16xf32>,
        tpu.vector_store %arg8[%swap3A_450, %swap3A_451], %mul3A_449 {strides = array<i32>} : memref<489x64xf32, #tpu.memory_space<vmem>>, vector<16xf32>,
        %get3A_453 = arith.index_cast %squeeze3A_410 : i32 to index
        %get3A_454 = arith.constant 48 : index
        %get3A_455 = tpu.vector_load %arg8[%get3A_453, %get3A_454] {strides = array<i32>} : memref<489x64xf32, #tpu.memory_space<vmem>>, vector<16xf32>,
        %get3A_456 = arith.constant 5 : i32
        %get3A_457 = arith.index_cast %get3A_456 : i32 to index
        %get3A_458 = arith.constant 48 : index
        %get3A_459 = tpu.vector_load %arg9[%get3A_457, %get3A_458] {strides = array<i32>} : memref<16x128xf32, #tpu.memory_space<vmem>>, vector<16xf32>,
        %add3A_460 = arith.addf %get3A_455, %get3A_459 : vector<16xf32>
        %mul3A_461 = arith.constant 5.000000e-01 : f32
        %mul3A_462 = vector.broadcast %mul3A_461 : f32 to vector<16xf32>
        %mul3A_463 = arith.mulf %mul3A_462, %add3A_460 : vector<16xf32>
        %swap3A_464 = arith.index_cast %squeeze3A_410 : i32 to index
        %swap3A_465 = arith.constant 48 : index
        %swap3A_466 = tpu.vector_load %arg8[%swap3A_464, %swap3A_465] {strides = array<i32>} : memref<489x64xf32, #tpu.memory_space<vmem>>, vector<16xf32>,
        tpu.vector_store %arg8[%swap3A_464, %swap3A_465], %mul3A_463 {strides = array<i32>} : memref<489x64xf32, #tpu.memory_space<vmem>>, vector<16xf32>,
        %slice3A_467 = vector.extract_strided_slice %get3A_120 {offsets = [6], sizes = [1], strides = [1]} : vector<16xi32> to vector<1xi32>
        %squeeze3A_468 = vector.extract %slice3A_467[0] : i32 from vector<1xi32>
        %get3A_469 = arith.index_cast %squeeze3A_468 : i32 to index
        %get3A_470 = arith.constant 0 : index
        %get3A_471 = tpu.vector_load %arg8[%get3A_469, %get3A_470] {strides = array<i32>} : memref<489x64xf32, #tpu.memory_space<vmem>>, vector<16xf32>,
        %get3A_472 = arith.constant 6 : i32
        %get3A_473 = arith.index_cast %get3A_472 : i32 to index
        %get3A_474 = arith.constant 0 : index
        %get3A_475 = tpu.vector_load %arg9[%get3A_473, %get3A_474] {strides = array<i32>} : memref<16x128xf32, #tpu.memory_space<vmem>>, vector<16xf32>,
        %add3A_476 = arith.addf %get3A_471, %get3A_475 : vector<16xf32>
        %mul3A_477 = arith.constant 5.000000e-01 : f32
        %mul3A_478 = vector.broadcast %mul3A_477 : f32 to vector<16xf32>
        %mul3A_479 = arith.mulf %mul3A_478, %add3A_476 : vector<16xf32>
        %swap3A_480 = arith.index_cast %squeeze3A_468 : i32 to index
        %swap3A_481 = arith.constant 0 : index
        %swap3A_482 = tpu.vector_load %arg8[%swap3A_480, %swap3A_481] {strides = array<i32>} : memref<489x64xf32, #tpu.memory_space<vmem>>, vector<16xf32>,
        tpu.vector_store %arg8[%swap3A_480, %swap3A_481], %mul3A_479 {strides = array<i32>} : memref<489x64xf32, #tpu.memory_space<vmem>>, vector<16xf32>,
        %get3A_483 = arith.index_cast %squeeze3A_468 : i32 to index
        %get3A_484 = arith.constant 16 : index
        %get3A_485 = tpu.vector_load %arg8[%get3A_483, %get3A_484] {strides = array<i32>} : memref<489x64xf32, #tpu.memory_space<vmem>>, vector<16xf32>,
        %get3A_486 = arith.constant 6 : i32
        %get3A_487 = arith.index_cast %get3A_486 : i32 to index
        %get3A_488 = arith.constant 16 : index
        %get3A_489 = tpu.vector_load %arg9[%get3A_487, %get3A_488] {strides = array<i32>} : memref<16x128xf32, #tpu.memory_space<vmem>>, vector<16xf32>,
        %add3A_490 = arith.addf %get3A_485, %get3A_489 : vector<16xf32>
        %mul3A_491 = arith.constant 5.000000e-01 : f32
        %mul3A_492 = vector.broadcast %mul3A_491 : f32 to vector<16xf32>
        %mul3A_493 = arith.mulf %mul3A_492, %add3A_490 : vector<16xf32>
        %swap3A_494 = arith.index_cast %squeeze3A_468 : i32 to index
        %swap3A_495 = arith.constant 16 : index
        %swap3A_496 = tpu.vector_load %arg8[%swap3A_494, %swap3A_495] {strides = array<i32>} : memref<489x64xf32, #tpu.memory_space<vmem>>, vector<16xf32>,
        tpu.vector_store %arg8[%swap3A_494, %swap3A_495], %mul3A_493 {strides = array<i32>} : memref<489x64xf32, #tpu.memory_space<vmem>>, vector<16xf32>,
        %get3A_497 = arith.index_cast %squeeze3A_468 : i32 to index
        %get3A_498 = arith.constant 32 : index
        %get3A_499 = tpu.vector_load %arg8[%get3A_497, %get3A_498] {strides = array<i32>} : memref<489x64xf32, #tpu.memory_space<vmem>>, vector<16xf32>,
        %get3A_500 = arith.constant 6 : i32
        %get3A_501 = arith.index_cast %get3A_500 : i32 to index
        %get3A_502 = arith.constant 32 : index
        %get3A_503 = tpu.vector_load %arg9[%get3A_501, %get3A_502] {strides = array<i32>} : memref<16x128xf32, #tpu.memory_space<vmem>>, vector<16xf32>,
        %add3A_504 = arith.addf %get3A_499, %get3A_503 : vector<16xf32>
        %mul3A_505 = arith.constant 5.000000e-01 : f32
        %mul3A_506 = vector.broadcast %mul3A_505 : f32 to vector<16xf32>
        %mul3A_507 = arith.mulf %mul3A_506, %add3A_504 : vector<16xf32>
        %swap3A_508 = arith.index_cast %squeeze3A_468 : i32 to index
        %swap3A_509 = arith.constant 32 : index
        %swap3A_510 = tpu.vector_load %arg8[%swap3A_508, %swap3A_509] {strides = array<i32>} : memref<489x64xf32, #tpu.memory_space<vmem>>, vector<16xf32>,
        tpu.vector_store %arg8[%swap3A_508, %swap3A_509], %mul3A_507 {strides = array<i32>} : memref<489x64xf32, #tpu.memory_space<vmem>>, vector<16xf32>,
        %get3A_511 = arith.index_cast %squeeze3A_468 : i32 to index
        %get3A_512 = arith.constant 48 : index
        %get3A_513 = tpu.vector_load %arg8[%get3A_511, %get3A_512] {strides = array<i32>} : memref<489x64xf32, #tpu.memory_space<vmem>>, vector<16xf32>,
        %get3A_514 = arith.constant 6 : i32
        %get3A_515 = arith.index_cast %get3A_514 : i32 to index
        %get3A_516 = arith.constant 48 : index
        %get3A_517 = tpu.vector_load %arg9[%get3A_515, %get3A_516] {strides = array<i32>} : memref<16x128xf32, #tpu.memory_space<vmem>>, vector<16xf32>,
        %add3A_518 = arith.addf %get3A_513, %get3A_517 : vector<16xf32>
        %mul3A_519 = arith.constant 5.000000e-01 : f32
        %mul3A_520 = vector.broadcast %mul3A_519 : f32 to vector<16xf32>
        %mul3A_521 = arith.mulf %mul3A_520, %add3A_518 : vector<16xf32>
        %swap3A_522 = arith.index_cast %squeeze3A_468 : i32 to index
        %swap3A_523 = arith.constant 48 : index
        %swap3A_524 = tpu.vector_load %arg8[%swap3A_522, %swap3A_523] {strides = array<i32>} : memref<489x64xf32, #tpu.memory_space<vmem>>, vector<16xf32>,
        tpu.vector_store %arg8[%swap3A_522, %swap3A_523], %mul3A_521 {strides = array<i32>} : memref<489x64xf32, #tpu.memory_space<vmem>>, vector<16xf32>,
        %slice3A_525 = vector.extract_strided_slice %get3A_120 {offsets = [7], sizes = [1], strides = [1]} : vector<16xi32> to vector<1xi32>
        %squeeze3A_526 = vector.extract %slice3A_525[0] : i32 from vector<1xi32>
        %get3A_527 = arith.index_cast %squeeze3A_526 : i32 to index
        %get3A_528 = arith.constant 0 : index
        %get3A_529 = tpu.vector_load %arg8[%get3A_527, %get3A_528] {strides = array<i32>} : memref<489x64xf32, #tpu.memory_space<vmem>>, vector<16xf32>,
        %get3A_530 = arith.constant 7 : i32
        %get3A_531 = arith.index_cast %get3A_530 : i32 to index
        %get3A_532 = arith.constant 0 : index
        %get3A_533 = tpu.vector_load %arg9[%get3A_531, %get3A_532] {strides = array<i32>} : memref<16x128xf32, #tpu.memory_space<vmem>>, vector<16xf32>,
        %add3A_534 = arith.addf %get3A_529, %get3A_533 : vector<16xf32>
        %mul3A_535 = arith.constant 5.000000e-01 : f32
        %mul3A_536 = vector.broadcast %mul3A_535 : f32 to vector<16xf32>
        %mul3A_537 = arith.mulf %mul3A_536, %add3A_534 : vector<16xf32>
        %swap3A_538 = arith.index_cast %squeeze3A_526 : i32 to index
        %swap3A_539 = arith.constant 0 : index
        %swap3A_540 = tpu.vector_load %arg8[%swap3A_538, %swap3A_539] {strides = array<i32>} : memref<489x64xf32, #tpu.memory_space<vmem>>, vector<16xf32>,
        tpu.vector_store %arg8[%swap3A_538, %swap3A_539], %mul3A_537 {strides = array<i32>} : memref<489x64xf32, #tpu.memory_space<vmem>>, vector<16xf32>,
        %get3A_541 = arith.index_cast %squeeze3A_526 : i32 to index
        %get3A_542 = arith.constant 16 : index
        %get3A_543 = tpu.vector_load %arg8[%get3A_541, %get3A_542] {strides = array<i32>} : memref<489x64xf32, #tpu.memory_space<vmem>>, vector<16xf32>,
        %get3A_544 = arith.constant 7 : i32
        %get3A_545 = arith.index_cast %get3A_544 : i32 to index
        %get3A_546 = arith.constant 16 : index
        %get3A_547 = tpu.vector_load %arg9[%get3A_545, %get3A_546] {strides = array<i32>} : memref<16x128xf32, #tpu.memory_space<vmem>>, vector<16xf32>,
        %add3A_548 = arith.addf %get3A_543, %get3A_547 : vector<16xf32>
        %mul3A_549 = arith.constant 5.000000e-01 : f32
        %mul3A_550 = vector.broadcast %mul3A_549 : f32 to vector<16xf32>
        %mul3A_551 = arith.mulf %mul3A_550, %add3A_548 : vector<16xf32>
        %swap3A_552 = arith.index_cast %squeeze3A_526 : i32 to index
        %swap3A_553 = arith.constant 16 : index
        %swap3A_554 = tpu.vector_load %arg8[%swap3A_552, %swap3A_553] {strides = array<i32>} : memref<489x64xf32, #tpu.memory_space<vmem>>, vector<16xf32>,
        tpu.vector_store %arg8[%swap3A_552, %swap3A_553], %mul3A_551 {strides = array<i32>} : memref<489x64xf32, #tpu.memory_space<vmem>>, vector<16xf32>,
        %get3A_555 = arith.index_cast %squeeze3A_526 : i32 to index
        %get3A_556 = arith.constant 32 : index
        %get3A_557 = tpu.vector_load %arg8[%get3A_555, %get3A_556] {strides = array<i32>} : memref<489x64xf32, #tpu.memory_space<vmem>>, vector<16xf32>,
        %get3A_558 = arith.constant 7 : i32
        %get3A_559 = arith.index_cast %get3A_558 : i32 to index
        %get3A_560 = arith.constant 32 : index
        %get3A_561 = tpu.vector_load %arg9[%get3A_559, %get3A_560] {strides = array<i32>} : memref<16x128xf32, #tpu.memory_space<vmem>>, vector<16xf32>,
        %add3A_562 = arith.addf %get3A_557, %get3A_561 : vector<16xf32>
        %mul3A_563 = arith.constant 5.000000e-01 : f32
        %mul3A_564 = vector.broadcast %mul3A_563 : f32 to vector<16xf32>
        %mul3A_565 = arith.mulf %mul3A_564, %add3A_562 : vector<16xf32>
        %swap3A_566 = arith.index_cast %squeeze3A_526 : i32 to index
        %swap3A_567 = arith.constant 32 : index
        %swap3A_568 = tpu.vector_load %arg8[%swap3A_566, %swap3A_567] {strides = array<i32>} : memref<489x64xf32, #tpu.memory_space<vmem>>, vector<16xf32>,
        tpu.vector_store %arg8[%swap3A_566, %swap3A_567], %mul3A_565 {strides = array<i32>} : memref<489x64xf32, #tpu.memory_space<vmem>>, vector<16xf32>,
        %get3A_569 = arith.index_cast %squeeze3A_526 : i32 to index
        %get3A_570 = arith.constant 48 : index
        %get3A_571 = tpu.vector_load %arg8[%get3A_569, %get3A_570] {strides = array<i32>} : memref<489x64xf32, #tpu.memory_space<vmem>>, vector<16xf32>,
        %get3A_572 = arith.constant 7 : i32
        %get3A_573 = arith.index_cast %get3A_572 : i32 to index
        %get3A_574 = arith.constant 48 : index
        %get3A_575 = tpu.vector_load %arg9[%get3A_573, %get3A_574] {strides = array<i32>} : memref<16x128xf32, #tpu.memory_space<vmem>>, vector<16xf32>,
        %add3A_576 = arith.addf %get3A_571, %get3A_575 : vector<16xf32>
        %mul3A_577 = arith.constant 5.000000e-01 : f32
        %mul3A_578 = vector.broadcast %mul3A_577 : f32 to vector<16xf32>
        %mul3A_579 = arith.mulf %mul3A_578, %add3A_576 : vector<16xf32>
        %swap3A_580 = arith.index_cast %squeeze3A_526 : i32 to index
        %swap3A_581 = arith.constant 48 : index
        %swap3A_582 = tpu.vector_load %arg8[%swap3A_580, %swap3A_581] {strides = array<i32>} : memref<489x64xf32, #tpu.memory_space<vmem>>, vector<16xf32>,
        tpu.vector_store %arg8[%swap3A_580, %swap3A_581], %mul3A_579 {strides = array<i32>} : memref<489x64xf32, #tpu.memory_space<vmem>>, vector<16xf32>,
        %slice3A_583 = vector.extract_strided_slice %get3A_120 {offsets = [8], sizes = [1], strides = [1]} : vector<16xi32> to vector<1xi32>
        %squeeze3A_584 = vector.extract %slice3A_583[0] : i32 from vector<1xi32>
        %get3A_585 = arith.index_cast %squeeze3A_584 : i32 to index
        %get3A_586 = arith.constant 0 : index
        %get3A_587 = tpu.vector_load %arg8[%get3A_585, %get3A_586] {strides = array<i32>} : memref<489x64xf32, #tpu.memory_space<vmem>>, vector<16xf32>,
        %get3A_588 = arith.constant 8 : i32
        %get3A_589 = arith.index_cast %get3A_588 : i32 to index
        %get3A_590 = arith.constant 0 : index
        %get3A_591 = tpu.vector_load %arg9[%get3A_589, %get3A_590] {strides = array<i32>} : memref<16x128xf32, #tpu.memory_space<vmem>>, vector<16xf32>,
        %add3A_592 = arith.addf %get3A_587, %get3A_591 : vector<16xf32>
        %mul3A_593 = arith.constant 5.000000e-01 : f32
        %mul3A_594 = vector.broadcast %mul3A_593 : f32 to vector<16xf32>
        %mul3A_595 = arith.mulf %mul3A_594, %add3A_592 : vector<16xf32>
        %swap3A_596 = arith.index_cast %squeeze3A_584 : i32 to index
        %swap3A_597 = arith.constant 0 : index
        %swap3A_598 = tpu.vector_load %arg8[%swap3A_596, %swap3A_597] {strides = array<i32>} : memref<489x64xf32, #tpu.memory_space<vmem>>, vector<16xf32>,
        tpu.vector_store %arg8[%swap3A_596, %swap3A_597], %mul3A_595 {strides = array<i32>} : memref<489x64xf32, #tpu.memory_space<vmem>>, vector<16xf32>,
        %get3A_599 = arith.index_cast %squeeze3A_584 : i32 to index
        %get3A_600 = arith.constant 16 : index
        %get3A_601 = tpu.vector_load %arg8[%get3A_599, %get3A_600] {strides = array<i32>} : memref<489x64xf32, #tpu.memory_space<vmem>>, vector<16xf32>,
        %get3A_602 = arith.constant 8 : i32
        %get3A_603 = arith.index_cast %get3A_602 : i32 to index
        %get3A_604 = arith.constant 16 : index
        %get3A_605 = tpu.vector_load %arg9[%get3A_603, %get3A_604] {strides = array<i32>} : memref<16x128xf32, #tpu.memory_space<vmem>>, vector<16xf32>,
        %add3A_606 = arith.addf %get3A_601, %get3A_605 : vector<16xf32>
        %mul3A_607 = arith.constant 5.000000e-01 : f32
        %mul3A_608 = vector.broadcast %mul3A_607 : f32 to vector<16xf32>
        %mul3A_609 = arith.mulf %mul3A_608, %add3A_606 : vector<16xf32>
        %swap3A_610 = arith.index_cast %squeeze3A_584 : i32 to index
        %swap3A_611 = arith.constant 16 : index
        %swap3A_612 = tpu.vector_load %arg8[%swap3A_610, %swap3A_611] {strides = array<i32>} : memref<489x64xf32, #tpu.memory_space<vmem>>, vector<16xf32>,
        tpu.vector_store %arg8[%swap3A_610, %swap3A_611], %mul3A_609 {strides = array<i32>} : memref<489x64xf32, #tpu.memory_space<vmem>>, vector<16xf32>,
        %get3A_613 = arith.index_cast %squeeze3A_584 : i32 to index
        %get3A_614 = arith.constant 32 : index
        %get3A_615 = tpu.vector_load %arg8[%get3A_613, %get3A_614] {strides = array<i32>} : memref<489x64xf32, #tpu.memory_space<vmem>>, vector<16xf32>,
        %get3A_616 = arith.constant 8 : i32
        %get3A_617 = arith.index_cast %get3A_616 : i32 to index
        %get3A_618 = arith.constant 32 : index
        %get3A_619 = tpu.vector_load %arg9[%get3A_617, %get3A_618] {strides = array<i32>} : memref<16x128xf32, #tpu.memory_space<vmem>>, vector<16xf32>,
        %add3A_620 = arith.addf %get3A_615, %get3A_619 : vector<16xf32>
        %mul3A_621 = arith.constant 5.000000e-01 : f32
        %mul3A_622 = vector.broadcast %mul3A_621 : f32 to vector<16xf32>
        %mul3A_623 = arith.mulf %mul3A_622, %add3A_620 : vector<16xf32>
        %swap3A_624 = arith.index_cast %squeeze3A_584 : i32 to index
        %swap3A_625 = arith.constant 32 : index
        %swap3A_626 = tpu.vector_load %arg8[%swap3A_624, %swap3A_625] {strides = array<i32>} : memref<489x64xf32, #tpu.memory_space<vmem>>, vector<16xf32>,
        tpu.vector_store %arg8[%swap3A_624, %swap3A_625], %mul3A_623 {strides = array<i32>} : memref<489x64xf32, #tpu.memory_space<vmem>>, vector<16xf32>,
        %get3A_627 = arith.index_cast %squeeze3A_584 : i32 to index
        %get3A_628 = arith.constant 48 : index
        %get3A_629 = tpu.vector_load %arg8[%get3A_627, %get3A_628] {strides = array<i32>} : memref<489x64xf32, #tpu.memory_space<vmem>>, vector<16xf32>,
        %get3A_630 = arith.constant 8 : i32
        %get3A_631 = arith.index_cast %get3A_630 : i32 to index
        %get3A_632 = arith.constant 48 : index
        %get3A_633 = tpu.vector_load %arg9[%get3A_631, %get3A_632] {strides = array<i32>} : memref<16x128xf32, #tpu.memory_space<vmem>>, vector<16xf32>,
        %add3A_634 = arith.addf %get3A_629, %get3A_633 : vector<16xf32>
        %mul3A_635 = arith.constant 5.000000e-01 : f32
        %mul3A_636 = vector.broadcast %mul3A_635 : f32 to vector<16xf32>
        %mul3A_637 = arith.mulf %mul3A_636, %add3A_634 : vector<16xf32>
        %swap3A_638 = arith.index_cast %squeeze3A_584 : i32 to index
        %swap3A_639 = arith.constant 48 : index
        %swap3A_640 = tpu.vector_load %arg8[%swap3A_638, %swap3A_639] {strides = array<i32>} : memref<489x64xf32, #tpu.memory_space<vmem>>, vector<16xf32>,
        tpu.vector_store %arg8[%swap3A_638, %swap3A_639], %mul3A_637 {strides = array<i32>} : memref<489x64xf32, #tpu.memory_space<vmem>>, vector<16xf32>,
        %slice3A_641 = vector.extract_strided_slice %get3A_120 {offsets = [9], sizes = [1], strides = [1]} : vector<16xi32> to vector<1xi32>
        %squeeze3A_642 = vector.extract %slice3A_641[0] : i32 from vector<1xi32>
        %get3A_643 = arith.index_cast %squeeze3A_642 : i32 to index
        %get3A_644 = arith.constant 0 : index
        %get3A_645 = tpu.vector_load %arg8[%get3A_643, %get3A_644] {strides = array<i32>} : memref<489x64xf32, #tpu.memory_space<vmem>>, vector<16xf32>,
        %get3A_646 = arith.constant 9 : i32
        %get3A_647 = arith.index_cast %get3A_646 : i32 to index
        %get3A_648 = arith.constant 0 : index
        %get3A_649 = tpu.vector_load %arg9[%get3A_647, %get3A_648] {strides = array<i32>} : memref<16x128xf32, #tpu.memory_space<vmem>>, vector<16xf32>,
        %add3A_650 = arith.addf %get3A_645, %get3A_649 : vector<16xf32>
        %mul3A_651 = arith.constant 5.000000e-01 : f32
        %mul3A_652 = vector.broadcast %mul3A_651 : f32 to vector<16xf32>
        %mul3A_653 = arith.mulf %mul3A_652, %add3A_650 : vector<16xf32>
        %swap3A_654 = arith.index_cast %squeeze3A_642 : i32 to index
        %swap3A_655 = arith.constant 0 : index
        %swap3A_656 = tpu.vector_load %arg8[%swap3A_654, %swap3A_655] {strides = array<i32>} : memref<489x64xf32, #tpu.memory_space<vmem>>, vector<16xf32>,
        tpu.vector_store %arg8[%swap3A_654, %swap3A_655], %mul3A_653 {strides = array<i32>} : memref<489x64xf32, #tpu.memory_space<vmem>>, vector<16xf32>,
        %get3A_657 = arith.index_cast %squeeze3A_642 : i32 to index
        %get3A_658 = arith.constant 16 : index
        %get3A_659 = tpu.vector_load %arg8[%get3A_657, %get3A_658] {strides = array<i32>} : memref<489x64xf32, #tpu.memory_space<vmem>>, vector<16xf32>,
        %get3A_660 = arith.constant 9 : i32
        %get3A_661 = arith.index_cast %get3A_660 : i32 to index
        %get3A_662 = arith.constant 16 : index
        %get3A_663 = tpu.vector_load %arg9[%get3A_661, %get3A_662] {strides = array<i32>} : memref<16x128xf32, #tpu.memory_space<vmem>>, vector<16xf32>,
        %add3A_664 = arith.addf %get3A_659, %get3A_663 : vector<16xf32>
        %mul3A_665 = arith.constant 5.000000e-01 : f32
        %mul3A_666 = vector.broadcast %mul3A_665 : f32 to vector<16xf32>
        %mul3A_667 = arith.mulf %mul3A_666, %add3A_664 : vector<16xf32>
        %swap3A_668 = arith.index_cast %squeeze3A_642 : i32 to index
        %swap3A_669 = arith.constant 16 : index
        %swap3A_670 = tpu.vector_load %arg8[%swap3A_668, %swap3A_669] {strides = array<i32>} : memref<489x64xf32, #tpu.memory_space<vmem>>, vector<16xf32>,
        tpu.vector_store %arg8[%swap3A_668, %swap3A_669], %mul3A_667 {strides = array<i32>} : memref<489x64xf32, #tpu.memory_space<vmem>>, vector<16xf32>,
        %get3A_671 = arith.index_cast %squeeze3A_642 : i32 to index
        %get3A_672 = arith.constant 32 : index
        %get3A_673 = tpu.vector_load %arg8[%get3A_671, %get3A_672] {strides = array<i32>} : memref<489x64xf32, #tpu.memory_space<vmem>>, vector<16xf32>,
        %get3A_674 = arith.constant 9 : i32
        %get3A_675 = arith.index_cast %get3A_674 : i32 to index
        %get3A_676 = arith.constant 32 : index
        %get3A_677 = tpu.vector_load %arg9[%get3A_675, %get3A_676] {strides = array<i32>} : memref<16x128xf32, #tpu.memory_space<vmem>>, vector<16xf32>,
        %add3A_678 = arith.addf %get3A_673, %get3A_677 : vector<16xf32>
        %mul3A_679 = arith.constant 5.000000e-01 : f32
        %mul3A_680 = vector.broadcast %mul3A_679 : f32 to vector<16xf32>
        %mul3A_681 = arith.mulf %mul3A_680, %add3A_678 : vector<16xf32>
        %swap3A_682 = arith.index_cast %squeeze3A_642 : i32 to index
        %swap3A_683 = arith.constant 32 : index
        %swap3A_684 = tpu.vector_load %arg8[%swap3A_682, %swap3A_683] {strides = array<i32>} : memref<489x64xf32, #tpu.memory_space<vmem>>, vector<16xf32>,
        tpu.vector_store %arg8[%swap3A_682, %swap3A_683], %mul3A_681 {strides = array<i32>} : memref<489x64xf32, #tpu.memory_space<vmem>>, vector<16xf32>,
        %get3A_685 = arith.index_cast %squeeze3A_642 : i32 to index
        %get3A_686 = arith.constant 48 : index
        %get3A_687 = tpu.vector_load %arg8[%get3A_685, %get3A_686] {strides = array<i32>} : memref<489x64xf32, #tpu.memory_space<vmem>>, vector<16xf32>,
        %get3A_688 = arith.constant 9 : i32
        %get3A_689 = arith.index_cast %get3A_688 : i32 to index
        %get3A_690 = arith.constant 48 : index
        %get3A_691 = tpu.vector_load %arg9[%get3A_689, %get3A_690] {strides = array<i32>} : memref<16x128xf32, #tpu.memory_space<vmem>>, vector<16xf32>,
        %add3A_692 = arith.addf %get3A_687, %get3A_691 : vector<16xf32>
        %mul3A_693 = arith.constant 5.000000e-01 : f32
        %mul3A_694 = vector.broadcast %mul3A_693 : f32 to vector<16xf32>
        %mul3A_695 = arith.mulf %mul3A_694, %add3A_692 : vector<16xf32>
        %swap3A_696 = arith.index_cast %squeeze3A_642 : i32 to index
        %swap3A_697 = arith.constant 48 : index
        %swap3A_698 = tpu.vector_load %arg8[%swap3A_696, %swap3A_697] {strides = array<i32>} : memref<489x64xf32, #tpu.memory_space<vmem>>, vector<16xf32>,
        tpu.vector_store %arg8[%swap3A_696, %swap3A_697], %mul3A_695 {strides = array<i32>} : memref<489x64xf32, #tpu.memory_space<vmem>>, vector<16xf32>,
        %slice3A_699 = vector.extract_strided_slice %get3A_120 {offsets = [10], sizes = [1], strides = [1]} : vector<16xi32> to vector<1xi32>
        %squeeze3A_700 = vector.extract %slice3A_699[0] : i32 from vector<1xi32>
        %get3A_701 = arith.index_cast %squeeze3A_700 : i32 to index
        %get3A_702 = arith.constant 0 : index
        %get3A_703 = tpu.vector_load %arg8[%get3A_701, %get3A_702] {strides = array<i32>} : memref<489x64xf32, #tpu.memory_space<vmem>>, vector<16xf32>,
        %get3A_704 = arith.constant 10 : i32
        %get3A_705 = arith.index_cast %get3A_704 : i32 to index
        %get3A_706 = arith.constant 0 : index
        %get3A_707 = tpu.vector_load %arg9[%get3A_705, %get3A_706] {strides = array<i32>} : memref<16x128xf32, #tpu.memory_space<vmem>>, vector<16xf32>,
        %add3A_708 = arith.addf %get3A_703, %get3A_707 : vector<16xf32>
        %mul3A_709 = arith.constant 5.000000e-01 : f32
        %mul3A_710 = vector.broadcast %mul3A_709 : f32 to vector<16xf32>
        %mul3A_711 = arith.mulf %mul3A_710, %add3A_708 : vector<16xf32>
        %swap3A_712 = arith.index_cast %squeeze3A_700 : i32 to index
        %swap3A_713 = arith.constant 0 : index
        %swap3A_714 = tpu.vector_load %arg8[%swap3A_712, %swap3A_713] {strides = array<i32>} : memref<489x64xf32, #tpu.memory_space<vmem>>, vector<16xf32>,
        tpu.vector_store %arg8[%swap3A_712, %swap3A_713], %mul3A_711 {strides = array<i32>} : memref<489x64xf32, #tpu.memory_space<vmem>>, vector<16xf32>,
        %get3A_715 = arith.index_cast %squeeze3A_700 : i32 to index
        %get3A_716 = arith.constant 16 : index
        %get3A_717 = tpu.vector_load %arg8[%get3A_715, %get3A_716] {strides = array<i32>} : memref<489x64xf32, #tpu.memory_space<vmem>>, vector<16xf32>,
        %get3A_718 = arith.constant 10 : i32
        %get3A_719 = arith.index_cast %get3A_718 : i32 to index
        %get3A_720 = arith.constant 16 : index
        %get3A_721 = tpu.vector_load %arg9[%get3A_719, %get3A_720] {strides = array<i32>} : memref<16x128xf32, #tpu.memory_space<vmem>>, vector<16xf32>,
        %add3A_722 = arith.addf %get3A_717, %get3A_721 : vector<16xf32>
        %mul3A_723 = arith.constant 5.000000e-01 : f32
        %mul3A_724 = vector.broadcast %mul3A_723 : f32 to vector<16xf32>
        %mul3A_725 = arith.mulf %mul3A_724, %add3A_722 : vector<16xf32>
        %swap3A_726 = arith.index_cast %squeeze3A_700 : i32 to index
        %swap3A_727 = arith.constant 16 : index
        %swap3A_728 = tpu.vector_load %arg8[%swap3A_726, %swap3A_727] {strides = array<i32>} : memref<489x64xf32, #tpu.memory_space<vmem>>, vector<16xf32>,
        tpu.vector_store %arg8[%swap3A_726, %swap3A_727], %mul3A_725 {strides = array<i32>} : memref<489x64xf32, #tpu.memory_space<vmem>>, vector<16xf32>,
        %get3A_729 = arith.index_cast %squeeze3A_700 : i32 to index
        %get3A_730 = arith.constant 32 : index
        %get3A_731 = tpu.vector_load %arg8[%get3A_729, %get3A_730] {strides = array<i32>} : memref<489x64xf32, #tpu.memory_space<vmem>>, vector<16xf32>,
        %get3A_732 = arith.constant 10 : i32
        %get3A_733 = arith.index_cast %get3A_732 : i32 to index
        %get3A_734 = arith.constant 32 : index
        %get3A_735 = tpu.vector_load %arg9[%get3A_733, %get3A_734] {strides = array<i32>} : memref<16x128xf32, #tpu.memory_space<vmem>>, vector<16xf32>,
        %add3A_736 = arith.addf %get3A_731, %get3A_735 : vector<16xf32>
        %mul3A_737 = arith.constant 5.000000e-01 : f32
        %mul3A_738 = vector.broadcast %mul3A_737 : f32 to vector<16xf32>
        %mul3A_739 = arith.mulf %mul3A_738, %add3A_736 : vector<16xf32>
        %swap3A_740 = arith.index_cast %squeeze3A_700 : i32 to index
        %swap3A_741 = arith.constant 32 : index
        %swap3A_742 = tpu.vector_load %arg8[%swap3A_740, %swap3A_741] {strides = array<i32>} : memref<489x64xf32, #tpu.memory_space<vmem>>, vector<16xf32>,
        tpu.vector_store %arg8[%swap3A_740, %swap3A_741], %mul3A_739 {strides = array<i32>} : memref<489x64xf32, #tpu.memory_space<vmem>>, vector<16xf32>,
        %get3A_743 = arith.index_cast %squeeze3A_700 : i32 to index
        %get3A_744 = arith.constant 48 : index
        %get3A_745 = tpu.vector_load %arg8[%get3A_743, %get3A_744] {strides = array<i32>} : memref<489x64xf32, #tpu.memory_space<vmem>>, vector<16xf32>,
        %get3A_746 = arith.constant 10 : i32
        %get3A_747 = arith.index_cast %get3A_746 : i32 to index
        %get3A_748 = arith.constant 48 : index
        %get3A_749 = tpu.vector_load %arg9[%get3A_747, %get3A_748] {strides = array<i32>} : memref<16x128xf32, #tpu.memory_space<vmem>>, vector<16xf32>,
        %add3A_750 = arith.addf %get3A_745, %get3A_749 : vector<16xf32>
        %mul3A_751 = arith.constant 5.000000e-01 : f32
        %mul3A_752 = vector.broadcast %mul3A_751 : f32 to vector<16xf32>
        %mul3A_753 = arith.mulf %mul3A_752, %add3A_750 : vector<16xf32>
        %swap3A_754 = arith.index_cast %squeeze3A_700 : i32 to index
        %swap3A_755 = arith.constant 48 : index
        %swap3A_756 = tpu.vector_load %arg8[%swap3A_754, %swap3A_755] {strides = array<i32>} : memref<489x64xf32, #tpu.memory_space<vmem>>, vector<16xf32>,
        tpu.vector_store %arg8[%swap3A_754, %swap3A_755], %mul3A_753 {strides = array<i32>} : memref<489x64xf32, #tpu.memory_space<vmem>>, vector<16xf32>,
        %slice3A_757 = vector.extract_strided_slice %get3A_120 {offsets = [11], sizes = [1], strides = [1]} : vector<16xi32> to vector<1xi32>
        %squeeze3A_758 = vector.extract %slice3A_757[0] : i32 from vector<1xi32>
        %get3A_759 = arith.index_cast %squeeze3A_758 : i32 to index
        %get3A_760 = arith.constant 0 : index
        %get3A_761 = tpu.vector_load %arg8[%get3A_759, %get3A_760] {strides = array<i32>} : memref<489x64xf32, #tpu.memory_space<vmem>>, vector<16xf32>,
        %get3A_762 = arith.constant 11 : i32
        %get3A_763 = arith.index_cast %get3A_762 : i32 to index
        %get3A_764 = arith.constant 0 : index
        %get3A_765 = tpu.vector_load %arg9[%get3A_763, %get3A_764] {strides = array<i32>} : memref<16x128xf32, #tpu.memory_space<vmem>>, vector<16xf32>,
        %add3A_766 = arith.addf %get3A_761, %get3A_765 : vector<16xf32>
        %mul3A_767 = arith.constant 5.000000e-01 : f32
        %mul3A_768 = vector.broadcast %mul3A_767 : f32 to vector<16xf32>
        %mul3A_769 = arith.mulf %mul3A_768, %add3A_766 : vector<16xf32>
        %swap3A_770 = arith.index_cast %squeeze3A_758 : i32 to index
        %swap3A_771 = arith.constant 0 : index
        %swap3A_772 = tpu.vector_load %arg8[%swap3A_770, %swap3A_771] {strides = array<i32>} : memref<489x64xf32, #tpu.memory_space<vmem>>, vector<16xf32>,
        tpu.vector_store %arg8[%swap3A_770, %swap3A_771], %mul3A_769 {strides = array<i32>} : memref<489x64xf32, #tpu.memory_space<vmem>>, vector<16xf32>,
        %get3A_773 = arith.index_cast %squeeze3A_758 : i32 to index
        %get3A_774 = arith.constant 16 : index
        %get3A_775 = tpu.vector_load %arg8[%get3A_773, %get3A_774] {strides = array<i32>} : memref<489x64xf32, #tpu.memory_space<vmem>>, vector<16xf32>,
        %get3A_776 = arith.constant 11 : i32
        %get3A_777 = arith.index_cast %get3A_776 : i32 to index
        %get3A_778 = arith.constant 16 : index
        %get3A_779 = tpu.vector_load %arg9[%get3A_777, %get3A_778] {strides = array<i32>} : memref<16x128xf32, #tpu.memory_space<vmem>>, vector<16xf32>,
        %add3A_780 = arith.addf %get3A_775, %get3A_779 : vector<16xf32>
        %mul3A_781 = arith.constant 5.000000e-01 : f32
        %mul3A_782 = vector.broadcast %mul3A_781 : f32 to vector<16xf32>
        %mul3A_783 = arith.mulf %mul3A_782, %add3A_780 : vector<16xf32>
        %swap3A_784 = arith.index_cast %squeeze3A_758 : i32 to index
        %swap3A_785 = arith.constant 16 : index
        %swap3A_786 = tpu.vector_load %arg8[%swap3A_784, %swap3A_785] {strides = array<i32>} : memref<489x64xf32, #tpu.memory_space<vmem>>, vector<16xf32>,
        tpu.vector_store %arg8[%swap3A_784, %swap3A_785], %mul3A_783 {strides = array<i32>} : memref<489x64xf32, #tpu.memory_space<vmem>>, vector<16xf32>,
        %get3A_787 = arith.index_cast %squeeze3A_758 : i32 to index
        %get3A_788 = arith.constant 32 : index
        %get3A_789 = tpu.vector_load %arg8[%get3A_787, %get3A_788] {strides = array<i32>} : memref<489x64xf32, #tpu.memory_space<vmem>>, vector<16xf32>,
        %get3A_790 = arith.constant 11 : i32
        %get3A_791 = arith.index_cast %get3A_790 : i32 to index
        %get3A_792 = arith.constant 32 : index
        %get3A_793 = tpu.vector_load %arg9[%get3A_791, %get3A_792] {strides = array<i32>} : memref<16x128xf32, #tpu.memory_space<vmem>>, vector<16xf32>,
        %add3A_794 = arith.addf %get3A_789, %get3A_793 : vector<16xf32>
        %mul3A_795 = arith.constant 5.000000e-01 : f32
        %mul3A_796 = vector.broadcast %mul3A_795 : f32 to vector<16xf32>
        %mul3A_797 = arith.mulf %mul3A_796, %add3A_794 : vector<16xf32>
        %swap3A_798 = arith.index_cast %squeeze3A_758 : i32 to index
        %swap3A_799 = arith.constant 32 : index
        %swap3A_800 = tpu.vector_load %arg8[%swap3A_798, %swap3A_799] {strides = array<i32>} : memref<489x64xf32, #tpu.memory_space<vmem>>, vector<16xf32>,
        tpu.vector_store %arg8[%swap3A_798, %swap3A_799], %mul3A_797 {strides = array<i32>} : memref<489x64xf32, #tpu.memory_space<vmem>>, vector<16xf32>,
        %get3A_801 = arith.index_cast %squeeze3A_758 : i32 to index
        %get3A_802 = arith.constant 48 : index
        %get3A_803 = tpu.vector_load %arg8[%get3A_801, %get3A_802] {strides = array<i32>} : memref<489x64xf32, #tpu.memory_space<vmem>>, vector<16xf32>,
        %get3A_804 = arith.constant 11 : i32
        %get3A_805 = arith.index_cast %get3A_804 : i32 to index
        %get3A_806 = arith.constant 48 : index
        %get3A_807 = tpu.vector_load %arg9[%get3A_805, %get3A_806] {strides = array<i32>} : memref<16x128xf32, #tpu.memory_space<vmem>>, vector<16xf32>,
        %add3A_808 = arith.addf %get3A_803, %get3A_807 : vector<16xf32>
        %mul3A_809 = arith.constant 5.000000e-01 : f32
        %mul3A_810 = vector.broadcast %mul3A_809 : f32 to vector<16xf32>
        %mul3A_811 = arith.mulf %mul3A_810, %add3A_808 : vector<16xf32>
        %swap3A_812 = arith.index_cast %squeeze3A_758 : i32 to index
        %swap3A_813 = arith.constant 48 : index
        %swap3A_814 = tpu.vector_load %arg8[%swap3A_812, %swap3A_813] {strides = array<i32>} : memref<489x64xf32, #tpu.memory_space<vmem>>, vector<16xf32>,
        tpu.vector_store %arg8[%swap3A_812, %swap3A_813], %mul3A_811 {strides = array<i32>} : memref<489x64xf32, #tpu.memory_space<vmem>>, vector<16xf32>,
        %slice3A_815 = vector.extract_strided_slice %get3A_120 {offsets = [12], sizes = [1], strides = [1]} : vector<16xi32> to vector<1xi32>
        %squeeze3A_816 = vector.extract %slice3A_815[0] : i32 from vector<1xi32>
        %get3A_817 = arith.index_cast %squeeze3A_816 : i32 to index
        %get3A_818 = arith.constant 0 : index
        %get3A_819 = tpu.vector_load %arg8[%get3A_817, %get3A_818] {strides = array<i32>} : memref<489x64xf32, #tpu.memory_space<vmem>>, vector<16xf32>,
        %get3A_820 = arith.constant 12 : i32
        %get3A_821 = arith.index_cast %get3A_820 : i32 to index
        %get3A_822 = arith.constant 0 : index
        %get3A_823 = tpu.vector_load %arg9[%get3A_821, %get3A_822] {strides = array<i32>} : memref<16x128xf32, #tpu.memory_space<vmem>>, vector<16xf32>,
        %add3A_824 = arith.addf %get3A_819, %get3A_823 : vector<16xf32>
        %mul3A_825 = arith.constant 5.000000e-01 : f32
        %mul3A_826 = vector.broadcast %mul3A_825 : f32 to vector<16xf32>
        %mul3A_827 = arith.mulf %mul3A_826, %add3A_824 : vector<16xf32>
        %swap3A_828 = arith.index_cast %squeeze3A_816 : i32 to index
        %swap3A_829 = arith.constant 0 : index
        %swap3A_830 = tpu.vector_load %arg8[%swap3A_828, %swap3A_829] {strides = array<i32>} : memref<489x64xf32, #tpu.memory_space<vmem>>, vector<16xf32>,
        tpu.vector_store %arg8[%swap3A_828, %swap3A_829], %mul3A_827 {strides = array<i32>} : memref<489x64xf32, #tpu.memory_space<vmem>>, vector<16xf32>,
        %get3A_831 = arith.index_cast %squeeze3A_816 : i32 to index
        %get3A_832 = arith.constant 16 : index
        %get3A_833 = tpu.vector_load %arg8[%get3A_831, %get3A_832] {strides = array<i32>} : memref<489x64xf32, #tpu.memory_space<vmem>>, vector<16xf32>,
        %get3A_834 = arith.constant 12 : i32
        %get3A_835 = arith.index_cast %get3A_834 : i32 to index
        %get3A_836 = arith.constant 16 : index
        %get3A_837 = tpu.vector_load %arg9[%get3A_835, %get3A_836] {strides = array<i32>} : memref<16x128xf32, #tpu.memory_space<vmem>>, vector<16xf32>,
        %add3A_838 = arith.addf %get3A_833, %get3A_837 : vector<16xf32>
        %mul3A_839 = arith.constant 5.000000e-01 : f32
        %mul3A_840 = vector.broadcast %mul3A_839 : f32 to vector<16xf32>
        %mul3A_841 = arith.mulf %mul3A_840, %add3A_838 : vector<16xf32>
        %swap3A_842 = arith.index_cast %squeeze3A_816 : i32 to index
        %swap3A_843 = arith.constant 16 : index
        %swap3A_844 = tpu.vector_load %arg8[%swap3A_842, %swap3A_843] {strides = array<i32>} : memref<489x64xf32, #tpu.memory_space<vmem>>, vector<16xf32>,
        tpu.vector_store %arg8[%swap3A_842, %swap3A_843], %mul3A_841 {strides = array<i32>} : memref<489x64xf32, #tpu.memory_space<vmem>>, vector<16xf32>,
        %get3A_845 = arith.index_cast %squeeze3A_816 : i32 to index
        %get3A_846 = arith.constant 32 : index
        %get3A_847 = tpu.vector_load %arg8[%get3A_845, %get3A_846] {strides = array<i32>} : memref<489x64xf32, #tpu.memory_space<vmem>>, vector<16xf32>,
        %get3A_848 = arith.constant 12 : i32
        %get3A_849 = arith.index_cast %get3A_848 : i32 to index
        %get3A_850 = arith.constant 32 : index
        %get3A_851 = tpu.vector_load %arg9[%get3A_849, %get3A_850] {strides = array<i32>} : memref<16x128xf32, #tpu.memory_space<vmem>>, vector<16xf32>,
        %add3A_852 = arith.addf %get3A_847, %get3A_851 : vector<16xf32>
        %mul3A_853 = arith.constant 5.000000e-01 : f32
        %mul3A_854 = vector.broadcast %mul3A_853 : f32 to vector<16xf32>
        %mul3A_855 = arith.mulf %mul3A_854, %add3A_852 : vector<16xf32>
        %swap3A_856 = arith.index_cast %squeeze3A_816 : i32 to index
        %swap3A_857 = arith.constant 32 : index
        %swap3A_858 = tpu.vector_load %arg8[%swap3A_856, %swap3A_857] {strides = array<i32>} : memref<489x64xf32, #tpu.memory_space<vmem>>, vector<16xf32>,
        tpu.vector_store %arg8[%swap3A_856, %swap3A_857], %mul3A_855 {strides = array<i32>} : memref<489x64xf32, #tpu.memory_space<vmem>>, vector<16xf32>,
        %get3A_859 = arith.index_cast %squeeze3A_816 : i32 to index
        %get3A_860 = arith.constant 48 : index
        %get3A_861 = tpu.vector_load %arg8[%get3A_859, %get3A_860] {strides = array<i32>} : memref<489x64xf32, #tpu.memory_space<vmem>>, vector<16xf32>,
        %get3A_862 = arith.constant 12 : i32
        %get3A_863 = arith.index_cast %get3A_862 : i32 to index
        %get3A_864 = arith.constant 48 : index
        %get3A_865 = tpu.vector_load %arg9[%get3A_863, %get3A_864] {strides = array<i32>} : memref<16x128xf32, #tpu.memory_space<vmem>>, vector<16xf32>,
        %add3A_866 = arith.addf %get3A_861, %get3A_865 : vector<16xf32>
        %mul3A_867 = arith.constant 5.000000e-01 : f32
        %mul3A_868 = vector.broadcast %mul3A_867 : f32 to vector<16xf32>
        %mul3A_869 = arith.mulf %mul3A_868, %add3A_866 : vector<16xf32>
        %swap3A_870 = arith.index_cast %squeeze3A_816 : i32 to index
        %swap3A_871 = arith.constant 48 : index
        %swap3A_872 = tpu.vector_load %arg8[%swap3A_870, %swap3A_871] {strides = array<i32>} : memref<489x64xf32, #tpu.memory_space<vmem>>, vector<16xf32>,
        tpu.vector_store %arg8[%swap3A_870, %swap3A_871], %mul3A_869 {strides = array<i32>} : memref<489x64xf32, #tpu.memory_space<vmem>>, vector<16xf32>,
        %slice3A_873 = vector.extract_strided_slice %get3A_120 {offsets = [13], sizes = [1], strides = [1]} : vector<16xi32> to vector<1xi32>
        %squeeze3A_874 = vector.extract %slice3A_873[0] : i32 from vector<1xi32>
        %get3A_875 = arith.index_cast %squeeze3A_874 : i32 to index
        %get3A_876 = arith.constant 0 : index
        %get3A_877 = tpu.vector_load %arg8[%get3A_875, %get3A_876] {strides = array<i32>} : memref<489x64xf32, #tpu.memory_space<vmem>>, vector<16xf32>,
        %get3A_878 = arith.constant 13 : i32
        %get3A_879 = arith.index_cast %get3A_878 : i32 to index
        %get3A_880 = arith.constant 0 : index
        %get3A_881 = tpu.vector_load %arg9[%get3A_879, %get3A_880] {strides = array<i32>} : memref<16x128xf32, #tpu.memory_space<vmem>>, vector<16xf32>,
        %add3A_882 = arith.addf %get3A_877, %get3A_881 : vector<16xf32>
        %mul3A_883 = arith.constant 5.000000e-01 : f32
        %mul3A_884 = vector.broadcast %mul3A_883 : f32 to vector<16xf32>
        %mul3A_885 = arith.mulf %mul3A_884, %add3A_882 : vector<16xf32>
        %swap3A_886 = arith.index_cast %squeeze3A_874 : i32 to index
        %swap3A_887 = arith.constant 0 : index
        %swap3A_888 = tpu.vector_load %arg8[%swap3A_886, %swap3A_887] {strides = array<i32>} : memref<489x64xf32, #tpu.memory_space<vmem>>, vector<16xf32>,
        tpu.vector_store %arg8[%swap3A_886, %swap3A_887], %mul3A_885 {strides = array<i32>} : memref<489x64xf32, #tpu.memory_space<vmem>>, vector<16xf32>,
        %get3A_889 = arith.index_cast %squeeze3A_874 : i32 to index
        %get3A_890 = arith.constant 16 : index
        %get3A_891 = tpu.vector_load %arg8[%get3A_889, %get3A_890] {strides = array<i32>} : memref<489x64xf32, #tpu.memory_space<vmem>>, vector<16xf32>,
        %get3A_892 = arith.constant 13 : i32
        %get3A_893 = arith.index_cast %get3A_892 : i32 to index
        %get3A_894 = arith.constant 16 : index
        %get3A_895 = tpu.vector_load %arg9[%get3A_893, %get3A_894] {strides = array<i32>} : memref<16x128xf32, #tpu.memory_space<vmem>>, vector<16xf32>,
        %add3A_896 = arith.addf %get3A_891, %get3A_895 : vector<16xf32>
        %mul3A_897 = arith.constant 5.000000e-01 : f32
        %mul3A_898 = vector.broadcast %mul3A_897 : f32 to vector<16xf32>
        %mul3A_899 = arith.mulf %mul3A_898, %add3A_896 : vector<16xf32>
        %swap3A_900 = arith.index_cast %squeeze3A_874 : i32 to index
        %swap3A_901 = arith.constant 16 : index
        %swap3A_902 = tpu.vector_load %arg8[%swap3A_900, %swap3A_901] {strides = array<i32>} : memref<489x64xf32, #tpu.memory_space<vmem>>, vector<16xf32>,
        tpu.vector_store %arg8[%swap3A_900, %swap3A_901], %mul3A_899 {strides = array<i32>} : memref<489x64xf32, #tpu.memory_space<vmem>>, vector<16xf32>,
        %get3A_903 = arith.index_cast %squeeze3A_874 : i32 to index
        %get3A_904 = arith.constant 32 : index
        %get3A_905 = tpu.vector_load %arg8[%get3A_903, %get3A_904] {strides = array<i32>} : memref<489x64xf32, #tpu.memory_space<vmem>>, vector<16xf32>,
        %get3A_906 = arith.constant 13 : i32
        %get3A_907 = arith.index_cast %get3A_906 : i32 to index
        %get3A_908 = arith.constant 32 : index
        %get3A_909 = tpu.vector_load %arg9[%get3A_907, %get3A_908] {strides = array<i32>} : memref<16x128xf32, #tpu.memory_space<vmem>>, vector<16xf32>,
        %add3A_910 = arith.addf %get3A_905, %get3A_909 : vector<16xf32>
        %mul3A_911 = arith.constant 5.000000e-01 : f32
        %mul3A_912 = vector.broadcast %mul3A_911 : f32 to vector<16xf32>
        %mul3A_913 = arith.mulf %mul3A_912, %add3A_910 : vector<16xf32>
        %swap3A_914 = arith.index_cast %squeeze3A_874 : i32 to index
        %swap3A_915 = arith.constant 32 : index
        %swap3A_916 = tpu.vector_load %arg8[%swap3A_914, %swap3A_915] {strides = array<i32>} : memref<489x64xf32, #tpu.memory_space<vmem>>, vector<16xf32>,
        tpu.vector_store %arg8[%swap3A_914, %swap3A_915], %mul3A_913 {strides = array<i32>} : memref<489x64xf32, #tpu.memory_space<vmem>>, vector<16xf32>,
        %get3A_917 = arith.index_cast %squeeze3A_874 : i32 to index
        %get3A_918 = arith.constant 48 : index
        %get3A_919 = tpu.vector_load %arg8[%get3A_917, %get3A_918] {strides = array<i32>} : memref<489x64xf32, #tpu.memory_space<vmem>>, vector<16xf32>,
        %get3A_920 = arith.constant 13 : i32
        %get3A_921 = arith.index_cast %get3A_920 : i32 to index
        %get3A_922 = arith.constant 48 : index
        %get3A_923 = tpu.vector_load %arg9[%get3A_921, %get3A_922] {strides = array<i32>} : memref<16x128xf32, #tpu.memory_space<vmem>>, vector<16xf32>,
        %add3A_924 = arith.addf %get3A_919, %get3A_923 : vector<16xf32>
        %mul3A_925 = arith.constant 5.000000e-01 : f32
        %mul3A_926 = vector.broadcast %mul3A_925 : f32 to vector<16xf32>
        %mul3A_927 = arith.mulf %mul3A_926, %add3A_924 : vector<16xf32>
        %swap3A_928 = arith.index_cast %squeeze3A_874 : i32 to index
        %swap3A_929 = arith.constant 48 : index
        %swap3A_930 = tpu.vector_load %arg8[%swap3A_928, %swap3A_929] {strides = array<i32>} : memref<489x64xf32, #tpu.memory_space<vmem>>, vector<16xf32>,
        tpu.vector_store %arg8[%swap3A_928, %swap3A_929], %mul3A_927 {strides = array<i32>} : memref<489x64xf32, #tpu.memory_space<vmem>>, vector<16xf32>,
        %slice3A_931 = vector.extract_strided_slice %get3A_120 {offsets = [14], sizes = [1], strides = [1]} : vector<16xi32> to vector<1xi32>
        %squeeze3A_932 = vector.extract %slice3A_931[0] : i32 from vector<1xi32>
        %get3A_933 = arith.index_cast %squeeze3A_932 : i32 to index
        %get3A_934 = arith.constant 0 : index
        %get3A_935 = tpu.vector_load %arg8[%get3A_933, %get3A_934] {strides = array<i32>} : memref<489x64xf32, #tpu.memory_space<vmem>>, vector<16xf32>,
        %get3A_936 = arith.constant 14 : i32
        %get3A_937 = arith.index_cast %get3A_936 : i32 to index
        %get3A_938 = arith.constant 0 : index
        %get3A_939 = tpu.vector_load %arg9[%get3A_937, %get3A_938] {strides = array<i32>} : memref<16x128xf32, #tpu.memory_space<vmem>>, vector<16xf32>,
        %add3A_940 = arith.addf %get3A_935, %get3A_939 : vector<16xf32>
        %mul3A_941 = arith.constant 5.000000e-01 : f32
        %mul3A_942 = vector.broadcast %mul3A_941 : f32 to vector<16xf32>
        %mul3A_943 = arith.mulf %mul3A_942, %add3A_940 : vector<16xf32>
        %swap3A_944 = arith.index_cast %squeeze3A_932 : i32 to index
        %swap3A_945 = arith.constant 0 : index
        %swap3A_946 = tpu.vector_load %arg8[%swap3A_944, %swap3A_945] {strides = array<i32>} : memref<489x64xf32, #tpu.memory_space<vmem>>, vector<16xf32>,
        tpu.vector_store %arg8[%swap3A_944, %swap3A_945], %mul3A_943 {strides = array<i32>} : memref<489x64xf32, #tpu.memory_space<vmem>>, vector<16xf32>,
        %get3A_947 = arith.index_cast %squeeze3A_932 : i32 to index
        %get3A_948 = arith.constant 16 : index
        %get3A_949 = tpu.vector_load %arg8[%get3A_947, %get3A_948] {strides = array<i32>} : memref<489x64xf32, #tpu.memory_space<vmem>>, vector<16xf32>,
        %get3A_950 = arith.constant 14 : i32
        %get3A_951 = arith.index_cast %get3A_950 : i32 to index
        %get3A_952 = arith.constant 16 : index
        %get3A_953 = tpu.vector_load %arg9[%get3A_951, %get3A_952] {strides = array<i32>} : memref<16x128xf32, #tpu.memory_space<vmem>>, vector<16xf32>,
        %add3A_954 = arith.addf %get3A_949, %get3A_953 : vector<16xf32>
        %mul3A_955 = arith.constant 5.000000e-01 : f32
        %mul3A_956 = vector.broadcast %mul3A_955 : f32 to vector<16xf32>
        %mul3A_957 = arith.mulf %mul3A_956, %add3A_954 : vector<16xf32>
        %swap3A_958 = arith.index_cast %squeeze3A_932 : i32 to index
        %swap3A_959 = arith.constant 16 : index
        %swap3A_960 = tpu.vector_load %arg8[%swap3A_958, %swap3A_959] {strides = array<i32>} : memref<489x64xf32, #tpu.memory_space<vmem>>, vector<16xf32>,
        tpu.vector_store %arg8[%swap3A_958, %swap3A_959], %mul3A_957 {strides = array<i32>} : memref<489x64xf32, #tpu.memory_space<vmem>>, vector<16xf32>,
        %get3A_961 = arith.index_cast %squeeze3A_932 : i32 to index
        %get3A_962 = arith.constant 32 : index
        %get3A_963 = tpu.vector_load %arg8[%get3A_961, %get3A_962] {strides = array<i32>} : memref<489x64xf32, #tpu.memory_space<vmem>>, vector<16xf32>,
        %get3A_964 = arith.constant 14 : i32
        %get3A_965 = arith.index_cast %get3A_964 : i32 to index
        %get3A_966 = arith.constant 32 : index
        %get3A_967 = tpu.vector_load %arg9[%get3A_965, %get3A_966] {strides = array<i32>} : memref<16x128xf32, #tpu.memory_space<vmem>>, vector<16xf32>,
        %add3A_968 = arith.addf %get3A_963, %get3A_967 : vector<16xf32>
        %mul3A_969 = arith.constant 5.000000e-01 : f32
        %mul3A_970 = vector.broadcast %mul3A_969 : f32 to vector<16xf32>
        %mul3A_971 = arith.mulf %mul3A_970, %add3A_968 : vector<16xf32>
        %swap3A_972 = arith.index_cast %squeeze3A_932 : i32 to index
        %swap3A_973 = arith.constant 32 : index
        %swap3A_974 = tpu.vector_load %arg8[%swap3A_972, %swap3A_973] {strides = array<i32>} : memref<489x64xf32, #tpu.memory_space<vmem>>, vector<16xf32>,
        tpu.vector_store %arg8[%swap3A_972, %swap3A_973], %mul3A_971 {strides = array<i32>} : memref<489x64xf32, #tpu.memory_space<vmem>>, vector<16xf32>,
        %get3A_975 = arith.index_cast %squeeze3A_932 : i32 to index
        %get3A_976 = arith.constant 48 : index
        %get3A_977 = tpu.vector_load %arg8[%get3A_975, %get3A_976] {strides = array<i32>} : memref<489x64xf32, #tpu.memory_space<vmem>>, vector<16xf32>,
        %get3A_978 = arith.constant 14 : i32
        %get3A_979 = arith.index_cast %get3A_978 : i32 to index
        %get3A_980 = arith.constant 48 : index
        %get3A_981 = tpu.vector_load %arg9[%get3A_979, %get3A_980] {strides = array<i32>} : memref<16x128xf32, #tpu.memory_space<vmem>>, vector<16xf32>,
        %add3A_982 = arith.addf %get3A_977, %get3A_981 : vector<16xf32>
        %mul3A_983 = arith.constant 5.000000e-01 : f32
        %mul3A_984 = vector.broadcast %mul3A_983 : f32 to vector<16xf32>
        %mul3A_985 = arith.mulf %mul3A_984, %add3A_982 : vector<16xf32>
        %swap3A_986 = arith.index_cast %squeeze3A_932 : i32 to index
        %swap3A_987 = arith.constant 48 : index
        %swap3A_988 = tpu.vector_load %arg8[%swap3A_986, %swap3A_987] {strides = array<i32>} : memref<489x64xf32, #tpu.memory_space<vmem>>, vector<16xf32>,
        tpu.vector_store %arg8[%swap3A_986, %swap3A_987], %mul3A_985 {strides = array<i32>} : memref<489x64xf32, #tpu.memory_space<vmem>>, vector<16xf32>,
        %slice3A_989 = vector.extract_strided_slice %get3A_120 {offsets = [15], sizes = [1], strides = [1]} : vector<16xi32> to vector<1xi32>
        %squeeze3A_990 = vector.extract %slice3A_989[0] : i32 from vector<1xi32>
        %get3A_991 = arith.index_cast %squeeze3A_990 : i32 to index
        %get3A_992 = arith.constant 0 : index
        %get3A_993 = tpu.vector_load %arg8[%get3A_991, %get3A_992] {strides = array<i32>} : memref<489x64xf32, #tpu.memory_space<vmem>>, vector<16xf32>,
        %get3A_994 = arith.constant 15 : i32
        %get3A_995 = arith.index_cast %get3A_994 : i32 to index
        %get3A_996 = arith.constant 0 : index
        %get3A_997 = tpu.vector_load %arg9[%get3A_995, %get3A_996] {strides = array<i32>} : memref<16x128xf32, #tpu.memory_space<vmem>>, vector<16xf32>,
        %add3A_998 = arith.addf %get3A_993, %get3A_997 : vector<16xf32>
        %mul3A_999 = arith.constant 5.000000e-01 : f32
        %mul3A_1000 = vector.broadcast %mul3A_999 : f32 to vector<16xf32>
        %mul3A_1001 = arith.mulf %mul3A_1000, %add3A_998 : vector<16xf32>
        %swap3A_1002 = arith.index_cast %squeeze3A_990 : i32 to index
        %swap3A_1003 = arith.constant 0 : index
        %swap3A_1004 = tpu.vector_load %arg8[%swap3A_1002, %swap3A_1003] {strides = array<i32>} : memref<489x64xf32, #tpu.memory_space<vmem>>, vector<16xf32>,
        tpu.vector_store %arg8[%swap3A_1002, %swap3A_1003], %mul3A_1001 {strides = array<i32>} : memref<489x64xf32, #tpu.memory_space<vmem>>, vector<16xf32>,
        %get3A_1005 = arith.index_cast %squeeze3A_990 : i32 to index
        %get3A_1006 = arith.constant 16 : index
        %get3A_1007 = tpu.vector_load %arg8[%get3A_1005, %get3A_1006] {strides = array<i32>} : memref<489x64xf32, #tpu.memory_space<vmem>>, vector<16xf32>,
        %get3A_1008 = arith.constant 15 : i32
        %get3A_1009 = arith.index_cast %get3A_1008 : i32 to index
        %get3A_1010 = arith.constant 16 : index
        %get3A_1011 = tpu.vector_load %arg9[%get3A_1009, %get3A_1010] {strides = array<i32>} : memref<16x128xf32, #tpu.memory_space<vmem>>, vector<16xf32>,
        %add3A_1012 = arith.addf %get3A_1007, %get3A_1011 : vector<16xf32>
        %mul3A_1013 = arith.constant 5.000000e-01 : f32
        %mul3A_1014 = vector.broadcast %mul3A_1013 : f32 to vector<16xf32>
        %mul3A_1015 = arith.mulf %mul3A_1014, %add3A_1012 : vector<16xf32>
        %swap3A_1016 = arith.index_cast %squeeze3A_990 : i32 to index
        %swap3A_1017 = arith.constant 16 : index
        %swap3A_1018 = tpu.vector_load %arg8[%swap3A_1016, %swap3A_1017] {strides = array<i32>} : memref<489x64xf32, #tpu.memory_space<vmem>>, vector<16xf32>,
        tpu.vector_store %arg8[%swap3A_1016, %swap3A_1017], %mul3A_1015 {strides = array<i32>} : memref<489x64xf32, #tpu.memory_space<vmem>>, vector<16xf32>,
        %get3A_1019 = arith.index_cast %squeeze3A_990 : i32 to index
        %get3A_1020 = arith.constant 32 : index
        %get3A_1021 = tpu.vector_load %arg8[%get3A_1019, %get3A_1020] {strides = array<i32>} : memref<489x64xf32, #tpu.memory_space<vmem>>, vector<16xf32>,
        %get3A_1022 = arith.constant 15 : i32
        %get3A_1023 = arith.index_cast %get3A_1022 : i32 to index
        %get3A_1024 = arith.constant 32 : index
        %get3A_1025 = tpu.vector_load %arg9[%get3A_1023, %get3A_1024] {strides = array<i32>} : memref<16x128xf32, #tpu.memory_space<vmem>>, vector<16xf32>,
        %add3A_1026 = arith.addf %get3A_1021, %get3A_1025 : vector<16xf32>
        %mul3A_1027 = arith.constant 5.000000e-01 : f32
        %mul3A_1028 = vector.broadcast %mul3A_1027 : f32 to vector<16xf32>
        %mul3A_1029 = arith.mulf %mul3A_1028, %add3A_1026 : vector<16xf32>
        %swap3A_1030 = arith.index_cast %squeeze3A_990 : i32 to index
        %swap3A_1031 = arith.constant 32 : index
        %swap3A_1032 = tpu.vector_load %arg8[%swap3A_1030, %swap3A_1031] {strides = array<i32>} : memref<489x64xf32, #tpu.memory_space<vmem>>, vector<16xf32>,
        tpu.vector_store %arg8[%swap3A_1030, %swap3A_1031], %mul3A_1029 {strides = array<i32>} : memref<489x64xf32, #tpu.memory_space<vmem>>, vector<16xf32>,
        %get3A_1033 = arith.index_cast %squeeze3A_990 : i32 to index
        %get3A_1034 = arith.constant 48 : index
        %get3A_1035 = tpu.vector_load %arg8[%get3A_1033, %get3A_1034] {strides = array<i32>} : memref<489x64xf32, #tpu.memory_space<vmem>>, vector<16xf32>,
        %get3A_1036 = arith.constant 15 : i32
        %get3A_1037 = arith.index_cast %get3A_1036 : i32 to index
        %get3A_1038 = arith.constant 48 : index
        %get3A_1039 = tpu.vector_load %arg9[%get3A_1037, %get3A_1038] {strides = array<i32>} : memref<16x128xf32, #tpu.memory_space<vmem>>, vector<16xf32>,
        %add3A_1040 = arith.addf %get3A_1035, %get3A_1039 : vector<16xf32>
        %mul3A_1041 = arith.constant 5.000000e-01 : f32
        %mul3A_1042 = vector.broadcast %mul3A_1041 : f32 to vector<16xf32>
        %mul3A_1043 = arith.mulf %mul3A_1042, %add3A_1040 : vector<16xf32>
        %swap3A_1044 = arith.index_cast %squeeze3A_990 : i32 to index
        %swap3A_1045 = arith.constant 48 : index
        %swap3A_1046 = tpu.vector_load %arg8[%swap3A_1044, %swap3A_1045] {strides = array<i32>} : memref<489x64xf32, #tpu.memory_space<vmem>>, vector<16xf32>,
        tpu.vector_store %arg8[%swap3A_1044, %swap3A_1045], %mul3A_1043 {strides = array<i32>} : memref<489x64xf32, #tpu.memory_space<vmem>>, vector<16xf32>,
      }
      %while3A_80 = arith.constant 1 : i32
      scf.for %while3A_103 = %while3A_78 to %while3A_74 step %while3A_80  : i32 {
        %mul3A_104 = arith.muli %while3A_103, %while3A : i32
        %add3A_105 = arith.addi %while3A_71, %mul3A_104 : i32
        %mul3A_106 = arith.constant 16 : i32
        %mul3A_107 = arith.muli %add3A_105, %mul3A_106 : i32
        %dma_start3A_108 = tpu.memref_slice %arg11[%mul3A_107] : memref<504xi32, #tpu.memory_space<vmem>> -> memref<16xi32, #tpu.memory_space<vmem>>
        %dma_start3A_109 = arith.constant 0 : i32
        %dma_start3A_110 = arith.constant 0 : i32
        %dma_start3A_111 = tpu.memref_slice %arg4[%dma_start3A_109, %dma_start3A_110] : memref<65536x128xf32, #tpu.memory_space<hbm>> -> memref<65536x128xf32, #tpu.memory_space<hbm>>
        tpu.enqueue_indirect_dma source(%dma_start3A_111 : memref<65536x128xf32, #tpu.memory_space<hbm>>) target(%arg9 : memref<16x128xf32, #tpu.memory_space<vmem>>) offsets(%dma_start3A_108 : memref<16xi32, #tpu.memory_space<vmem>>) semaphore(%arg14 : memref<!tpu.dma_semaphore, #tpu.memory_space<semaphore_mem>>)
        %dma_wait3A_112 = tpu.memref_slice %arg11[%mul3A_107] : memref<504xi32, #tpu.memory_space<vmem>> -> memref<16xi32, #tpu.memory_space<vmem>>
        %dma_wait3A_113 = arith.constant 0 : i32
        %dma_wait3A_114 = arith.constant 0 : i32
        %dma_wait3A_115 = tpu.memref_slice %arg4[%dma_wait3A_113, %dma_wait3A_114] : memref<65536x128xf32, #tpu.memory_space<hbm>> -> memref<65536x128xf32, #tpu.memory_space<hbm>>
        tpu.wait_indirect_dma semaphore(%arg14 : memref<!tpu.dma_semaphore, #tpu.memory_space<semaphore_mem>>) src(%dma_wait3A_115 : memref<65536x128xf32, #tpu.memory_space<hbm>>) dst(%arg9 : memref<16x128xf32, #tpu.memory_space<vmem>>)
        %mul3A_116 = arith.constant 16 : i32
        %mul3A_117 = arith.muli %add3A_105, %mul3A_116 : i32
        %add3A_118 = arith.constant 0 : i32
        %add3A_119 = arith.addi %mul3A_117, %add3A_118 : i32
        %get3A = arith.index_cast %add3A_119 : i32 to index
        %get3A_120 = tpu.vector_load %arg10[%get3A] {strides = array<i32>} : memref<504xi32, #tpu.memory_space<vmem>>, vector<16xi32>,
        %slice3A = vector.extract_strided_slice %get3A_120 {offsets = [0], sizes = [1], strides = [1]} : vector<16xi32> to vector<1xi32>
        %squeeze3A = vector.extract %slice3A[0] : i32 from vector<1xi32>
        %get3A_121 = arith.index_cast %squeeze3A : i32 to index
        %get3A_122 = arith.constant 0 : index
        %get3A_123 = tpu.vector_load %arg8[%get3A_121, %get3A_122] {strides = array<i32>} : memref<489x64xf32, #tpu.memory_space<vmem>>, vector<16xf32>,
        %get3A_124 = arith.constant 0 : i32
        %get3A_125 = arith.index_cast %get3A_124 : i32 to index
        %get3A_126 = arith.constant 0 : index
        %get3A_127 = tpu.vector_load %arg9[%get3A_125, %get3A_126] {strides = array<i32>} : memref<16x128xf32, #tpu.memory_space<vmem>>, vector<16xf32>,
        %add3A_128 = arith.addf %get3A_123, %get3A_127 : vector<16xf32>
        %mul3A_129 = arith.constant 5.000000e-01 : f32
        %mul3A_130 = vector.broadcast %mul3A_129 : f32 to vector<16xf32>
        %mul3A_131 = arith.mulf %mul3A_130, %add3A_128 : vector<16xf32>
        %swap3A_132 = arith.index_cast %squeeze3A : i32 to index
        %swap3A_133 = arith.constant 0 : index
        %swap3A_134 = tpu.vector_load %arg8[%swap3A_132, %swap3A_133] {strides = array<i32>} : memref<489x64xf32, #tpu.memory_space<vmem>>, vector<16xf32>,
        tpu.vector_store %arg8[%swap3A_132, %swap3A_133], %mul3A_131 {strides = array<i32>} : memref<489x64xf32, #tpu.memory_space<vmem>>, vector<16xf32>,
        %get3A_135 = arith.index_cast %squeeze3A : i32 to index
        %get3A_136 = arith.constant 16 : index
        %get3A_137 = tpu.vector_load %arg8[%get3A_135, %get3A_136] {strides = array<i32>} : memref<489x64xf32, #tpu.memory_space<vmem>>, vector<16xf32>,
        %get3A_138 = arith.constant 0 : i32
        %get3A_139 = arith.index_cast %get3A_138 : i32 to index
        %get3A_140 = arith.constant 16 : index
        %get3A_141 = tpu.vector_load %arg9[%get3A_139, %get3A_140] {strides = array<i32>} : memref<16x128xf32, #tpu.memory_space<vmem>>, vector<16xf32>,
        %add3A_142 = arith.addf %get3A_137, %get3A_141 : vector<16xf32>
        %mul3A_143 = arith.constant 5.000000e-01 : f32
        %mul3A_144 = vector.broadcast %mul3A_143 : f32 to vector<16xf32>
        %mul3A_145 = arith.mulf %mul3A_144, %add3A_142 : vector<16xf32>
        %swap3A_146 = arith.index_cast %squeeze3A : i32 to index
        %swap3A_147 = arith.constant 16 : index
        %swap3A_148 = tpu.vector_load %arg8[%swap3A_146, %swap3A_147] {strides = array<i32>} : memref<489x64xf32, #tpu.memory_space<vmem>>, vector<16xf32>,
        tpu.vector_store %arg8[%swap3A_146, %swap3A_147], %mul3A_145 {strides = array<i32>} : memref<489x64xf32, #tpu.memory_space<vmem>>, vector<16xf32>,
        %get3A_149 = arith.index_cast %squeeze3A : i32 to index
        %get3A_150 = arith.constant 32 : index
        %get3A_151 = tpu.vector_load %arg8[%get3A_149, %get3A_150] {strides = array<i32>} : memref<489x64xf32, #tpu.memory_space<vmem>>, vector<16xf32>,
        %get3A_152 = arith.constant 0 : i32
        %get3A_153 = arith.index_cast %get3A_152 : i32 to index
        %get3A_154 = arith.constant 32 : index
        %get3A_155 = tpu.vector_load %arg9[%get3A_153, %get3A_154] {strides = array<i32>} : memref<16x128xf32, #tpu.memory_space<vmem>>, vector<16xf32>,
        %add3A_156 = arith.addf %get3A_151, %get3A_155 : vector<16xf32>
        %mul3A_157 = arith.constant 5.000000e-01 : f32
        %mul3A_158 = vector.broadcast %mul3A_157 : f32 to vector<16xf32>
        %mul3A_159 = arith.mulf %mul3A_158, %add3A_156 : vector<16xf32>
        %swap3A_160 = arith.index_cast %squeeze3A : i32 to index
        %swap3A_161 = arith.constant 32 : index
        %swap3A_162 = tpu.vector_load %arg8[%swap3A_160, %swap3A_161] {strides = array<i32>} : memref<489x64xf32, #tpu.memory_space<vmem>>, vector<16xf32>,
        tpu.vector_store %arg8[%swap3A_160, %swap3A_161], %mul3A_159 {strides = array<i32>} : memref<489x64xf32, #tpu.memory_space<vmem>>, vector<16xf32>,
        %get3A_163 = arith.index_cast %squeeze3A : i32 to index
        %get3A_164 = arith.constant 48 : index
        %get3A_165 = tpu.vector_load %arg8[%get3A_163, %get3A_164] {strides = array<i32>} : memref<489x64xf32, #tpu.memory_space<vmem>>, vector<16xf32>,
        %get3A_166 = arith.constant 0 : i32
        %get3A_167 = arith.index_cast %get3A_166 : i32 to index
        %get3A_168 = arith.constant 48 : index
        %get3A_169 = tpu.vector_load %arg9[%get3A_167, %get3A_168] {strides = array<i32>} : memref<16x128xf32, #tpu.memory_space<vmem>>, vector<16xf32>,
        %add3A_170 = arith.addf %get3A_165, %get3A_169 : vector<16xf32>
        %mul3A_171 = arith.constant 5.000000e-01 : f32
        %mul3A_172 = vector.broadcast %mul3A_171 : f32 to vector<16xf32>
        %mul3A_173 = arith.mulf %mul3A_172, %add3A_170 : vector<16xf32>
        %swap3A_174 = arith.index_cast %squeeze3A : i32 to index
        %swap3A_175 = arith.constant 48 : index
        %swap3A_176 = tpu.vector_load %arg8[%swap3A_174, %swap3A_175] {strides = array<i32>} : memref<489x64xf32, #tpu.memory_space<vmem>>, vector<16xf32>,
        tpu.vector_store %arg8[%swap3A_174, %swap3A_175], %mul3A_173 {strides = array<i32>} : memref<489x64xf32, #tpu.memory_space<vmem>>, vector<16xf32>,
        %slice3A_177 = vector.extract_strided_slice %get3A_120 {offsets = [1], sizes = [1], strides = [1]} : vector<16xi32> to vector<1xi32>
        %squeeze3A_178 = vector.extract %slice3A_177[0] : i32 from vector<1xi32>
        %get3A_179 = arith.index_cast %squeeze3A_178 : i32 to index
        %get3A_180 = arith.constant 0 : index
        %get3A_181 = tpu.vector_load %arg8[%get3A_179, %get3A_180] {strides = array<i32>} : memref<489x64xf32, #tpu.memory_space<vmem>>, vector<16xf32>,
        %get3A_182 = arith.constant 1 : i32
        %get3A_183 = arith.index_cast %get3A_182 : i32 to index
        %get3A_184 = arith.constant 0 : index
        %get3A_185 = tpu.vector_load %arg9[%get3A_183, %get3A_184] {strides = array<i32>} : memref<16x128xf32, #tpu.memory_space<vmem>>, vector<16xf32>,
        %add3A_186 = arith.addf %get3A_181, %get3A_185 : vector<16xf32>
        %mul3A_187 = arith.constant 5.000000e-01 : f32
        %mul3A_188 = vector.broadcast %mul3A_187 : f32 to vector<16xf32>
        %mul3A_189 = arith.mulf %mul3A_188, %add3A_186 : vector<16xf32>
        %swap3A_190 = arith.index_cast %squeeze3A_178 : i32 to index
        %swap3A_191 = arith.constant 0 : index
        %swap3A_192 = tpu.vector_load %arg8[%swap3A_190, %swap3A_191] {strides = array<i32>} : memref<489x64xf32, #tpu.memory_space<vmem>>, vector<16xf32>,
        tpu.vector_store %arg8[%swap3A_190, %swap3A_191], %mul3A_189 {strides = array<i32>} : memref<489x64xf32, #tpu.memory_space<vmem>>, vector<16xf32>,
        %get3A_193 = arith.index_cast %squeeze3A_178 : i32 to index
        %get3A_194 = arith.constant 16 : index
        %get3A_195 = tpu.vector_load %arg8[%get3A_193, %get3A_194] {strides = array<i32>} : memref<489x64xf32, #tpu.memory_space<vmem>>, vector<16xf32>,
        %get3A_196 = arith.constant 1 : i32
        %get3A_197 = arith.index_cast %get3A_196 : i32 to index
        %get3A_198 = arith.constant 16 : index
        %get3A_199 = tpu.vector_load %arg9[%get3A_197, %get3A_198] {strides = array<i32>} : memref<16x128xf32, #tpu.memory_space<vmem>>, vector<16xf32>,
        %add3A_200 = arith.addf %get3A_195, %get3A_199 : vector<16xf32>
        %mul3A_201 = arith.constant 5.000000e-01 : f32
        %mul3A_202 = vector.broadcast %mul3A_201 : f32 to vector<16xf32>
        %mul3A_203 = arith.mulf %mul3A_202, %add3A_200 : vector<16xf32>
        %swap3A_204 = arith.index_cast %squeeze3A_178 : i32 to index
        %swap3A_205 = arith.constant 16 : index
        %swap3A_206 = tpu.vector_load %arg8[%swap3A_204, %swap3A_205] {strides = array<i32>} : memref<489x64xf32, #tpu.memory_space<vmem>>, vector<16xf32>,
        tpu.vector_store %arg8[%swap3A_204, %swap3A_205], %mul3A_203 {strides = array<i32>} : memref<489x64xf32, #tpu.memory_space<vmem>>, vector<16xf32>,
        %get3A_207 = arith.index_cast %squeeze3A_178 : i32 to index
        %get3A_208 = arith.constant 32 : index
        %get3A_209 = tpu.vector_load %arg8[%get3A_207, %get3A_208] {strides = array<i32>} : memref<489x64xf32, #tpu.memory_space<vmem>>, vector<16xf32>,
        %get3A_210 = arith.constant 1 : i32
        %get3A_211 = arith.index_cast %get3A_210 : i32 to index
        %get3A_212 = arith.constant 32 : index
        %get3A_213 = tpu.vector_load %arg9[%get3A_211, %get3A_212] {strides = array<i32>} : memref<16x128xf32, #tpu.memory_space<vmem>>, vector<16xf32>,
        %add3A_214 = arith.addf %get3A_209, %get3A_213 : vector<16xf32>
        %mul3A_215 = arith.constant 5.000000e-01 : f32
        %mul3A_216 = vector.broadcast %mul3A_215 : f32 to vector<16xf32>
        %mul3A_217 = arith.mulf %mul3A_216, %add3A_214 : vector<16xf32>
        %swap3A_218 = arith.index_cast %squeeze3A_178 : i32 to index
        %swap3A_219 = arith.constant 32 : index
        %swap3A_220 = tpu.vector_load %arg8[%swap3A_218, %swap3A_219] {strides = array<i32>} : memref<489x64xf32, #tpu.memory_space<vmem>>, vector<16xf32>,
        tpu.vector_store %arg8[%swap3A_218, %swap3A_219], %mul3A_217 {strides = array<i32>} : memref<489x64xf32, #tpu.memory_space<vmem>>, vector<16xf32>,
        %get3A_221 = arith.index_cast %squeeze3A_178 : i32 to index
        %get3A_222 = arith.constant 48 : index
        %get3A_223 = tpu.vector_load %arg8[%get3A_221, %get3A_222] {strides = array<i32>} : memref<489x64xf32, #tpu.memory_space<vmem>>, vector<16xf32>,
        %get3A_224 = arith.constant 1 : i32
        %get3A_225 = arith.index_cast %get3A_224 : i32 to index
        %get3A_226 = arith.constant 48 : index
        %get3A_227 = tpu.vector_load %arg9[%get3A_225, %get3A_226] {strides = array<i32>} : memref<16x128xf32, #tpu.memory_space<vmem>>, vector<16xf32>,
        %add3A_228 = arith.addf %get3A_223, %get3A_227 : vector<16xf32>
        %mul3A_229 = arith.constant 5.000000e-01 : f32
        %mul3A_230 = vector.broadcast %mul3A_229 : f32 to vector<16xf32>
        %mul3A_231 = arith.mulf %mul3A_230, %add3A_228 : vector<16xf32>
        %swap3A_232 = arith.index_cast %squeeze3A_178 : i32 to index
        %swap3A_233 = arith.constant 48 : index
        %swap3A_234 = tpu.vector_load %arg8[%swap3A_232, %swap3A_233] {strides = array<i32>} : memref<489x64xf32, #tpu.memory_space<vmem>>, vector<16xf32>,
        tpu.vector_store %arg8[%swap3A_232, %swap3A_233], %mul3A_231 {strides = array<i32>} : memref<489x64xf32, #tpu.memory_space<vmem>>, vector<16xf32>,
        %slice3A_235 = vector.extract_strided_slice %get3A_120 {offsets = [2], sizes = [1], strides = [1]} : vector<16xi32> to vector<1xi32>
        %squeeze3A_236 = vector.extract %slice3A_235[0] : i32 from vector<1xi32>
        %get3A_237 = arith.index_cast %squeeze3A_236 : i32 to index
        %get3A_238 = arith.constant 0 : index
        %get3A_239 = tpu.vector_load %arg8[%get3A_237, %get3A_238] {strides = array<i32>} : memref<489x64xf32, #tpu.memory_space<vmem>>, vector<16xf32>,
        %get3A_240 = arith.constant 2 : i32
        %get3A_241 = arith.index_cast %get3A_240 : i32 to index
        %get3A_242 = arith.constant 0 : index
        %get3A_243 = tpu.vector_load %arg9[%get3A_241, %get3A_242] {strides = array<i32>} : memref<16x128xf32, #tpu.memory_space<vmem>>, vector<16xf32>,
        %add3A_244 = arith.addf %get3A_239, %get3A_243 : vector<16xf32>
        %mul3A_245 = arith.constant 5.000000e-01 : f32
        %mul3A_246 = vector.broadcast %mul3A_245 : f32 to vector<16xf32>
        %mul3A_247 = arith.mulf %mul3A_246, %add3A_244 : vector<16xf32>
        %swap3A_248 = arith.index_cast %squeeze3A_236 : i32 to index
        %swap3A_249 = arith.constant 0 : index
        %swap3A_250 = tpu.vector_load %arg8[%swap3A_248, %swap3A_249] {strides = array<i32>} : memref<489x64xf32, #tpu.memory_space<vmem>>, vector<16xf32>,
        tpu.vector_store %arg8[%swap3A_248, %swap3A_249], %mul3A_247 {strides = array<i32>} : memref<489x64xf32, #tpu.memory_space<vmem>>, vector<16xf32>,
        %get3A_251 = arith.index_cast %squeeze3A_236 : i32 to index
        %get3A_252 = arith.constant 16 : index
        %get3A_253 = tpu.vector_load %arg8[%get3A_251, %get3A_252] {strides = array<i32>} : memref<489x64xf32, #tpu.memory_space<vmem>>, vector<16xf32>,
        %get3A_254 = arith.constant 2 : i32
        %get3A_255 = arith.index_cast %get3A_254 : i32 to index
        %get3A_256 = arith.constant 16 : index
        %get3A_257 = tpu.vector_load %arg9[%get3A_255, %get3A_256] {strides = array<i32>} : memref<16x128xf32, #tpu.memory_space<vmem>>, vector<16xf32>,
        %add3A_258 = arith.addf %get3A_253, %get3A_257 : vector<16xf32>
        %mul3A_259 = arith.constant 5.000000e-01 : f32
        %mul3A_260 = vector.broadcast %mul3A_259 : f32 to vector<16xf32>
        %mul3A_261 = arith.mulf %mul3A_260, %add3A_258 : vector<16xf32>
        %swap3A_262 = arith.index_cast %squeeze3A_236 : i32 to index
        %swap3A_263 = arith.constant 16 : index
        %swap3A_264 = tpu.vector_load %arg8[%swap3A_262, %swap3A_263] {strides = array<i32>} : memref<489x64xf32, #tpu.memory_space<vmem>>, vector<16xf32>,
        tpu.vector_store %arg8[%swap3A_262, %swap3A_263], %mul3A_261 {strides = array<i32>} : memref<489x64xf32, #tpu.memory_space<vmem>>, vector<16xf32>,
        %get3A_265 = arith.index_cast %squeeze3A_236 : i32 to index
        %get3A_266 = arith.constant 32 : index
        %get3A_267 = tpu.vector_load %arg8[%get3A_265, %get3A_266] {strides = array<i32>} : memref<489x64xf32, #tpu.memory_space<vmem>>, vector<16xf32>,
        %get3A_268 = arith.constant 2 : i32
        %get3A_269 = arith.index_cast %get3A_268 : i32 to index
        %get3A_270 = arith.constant 32 : index
        %get3A_271 = tpu.vector_load %arg9[%get3A_269, %get3A_270] {strides = array<i32>} : memref<16x128xf32, #tpu.memory_space<vmem>>, vector<16xf32>,
        %add3A_272 = arith.addf %get3A_267, %get3A_271 : vector<16xf32>
        %mul3A_273 = arith.constant 5.000000e-01 : f32
        %mul3A_274 = vector.broadcast %mul3A_273 : f32 to vector<16xf32>
        %mul3A_275 = arith.mulf %mul3A_274, %add3A_272 : vector<16xf32>
        %swap3A_276 = arith.index_cast %squeeze3A_236 : i32 to index
        %swap3A_277 = arith.constant 32 : index
        %swap3A_278 = tpu.vector_load %arg8[%swap3A_276, %swap3A_277] {strides = array<i32>} : memref<489x64xf32, #tpu.memory_space<vmem>>, vector<16xf32>,
        tpu.vector_store %arg8[%swap3A_276, %swap3A_277], %mul3A_275 {strides = array<i32>} : memref<489x64xf32, #tpu.memory_space<vmem>>, vector<16xf32>,
        %get3A_279 = arith.index_cast %squeeze3A_236 : i32 to index
        %get3A_280 = arith.constant 48 : index
        %get3A_281 = tpu.vector_load %arg8[%get3A_279, %get3A_280] {strides = array<i32>} : memref<489x64xf32, #tpu.memory_space<vmem>>, vector<16xf32>,
        %get3A_282 = arith.constant 2 : i32
        %get3A_283 = arith.index_cast %get3A_282 : i32 to index
        %get3A_284 = arith.constant 48 : index
        %get3A_285 = tpu.vector_load %arg9[%get3A_283, %get3A_284] {strides = array<i32>} : memref<16x128xf32, #tpu.memory_space<vmem>>, vector<16xf32>,
        %add3A_286 = arith.addf %get3A_281, %get3A_285 : vector<16xf32>
        %mul3A_287 = arith.constant 5.000000e-01 : f32
        %mul3A_288 = vector.broadcast %mul3A_287 : f32 to vector<16xf32>
        %mul3A_289 = arith.mulf %mul3A_288, %add3A_286 : vector<16xf32>
        %swap3A_290 = arith.index_cast %squeeze3A_236 : i32 to index
        %swap3A_291 = arith.constant 48 : index
        %swap3A_292 = tpu.vector_load %arg8[%swap3A_290, %swap3A_291] {strides = array<i32>} : memref<489x64xf32, #tpu.memory_space<vmem>>, vector<16xf32>,
        tpu.vector_store %arg8[%swap3A_290, %swap3A_291], %mul3A_289 {strides = array<i32>} : memref<489x64xf32, #tpu.memory_space<vmem>>, vector<16xf32>,
        %slice3A_293 = vector.extract_strided_slice %get3A_120 {offsets = [3], sizes = [1], strides = [1]} : vector<16xi32> to vector<1xi32>
        %squeeze3A_294 = vector.extract %slice3A_293[0] : i32 from vector<1xi32>
        %get3A_295 = arith.index_cast %squeeze3A_294 : i32 to index
        %get3A_296 = arith.constant 0 : index
        %get3A_297 = tpu.vector_load %arg8[%get3A_295, %get3A_296] {strides = array<i32>} : memref<489x64xf32, #tpu.memory_space<vmem>>, vector<16xf32>,
        %get3A_298 = arith.constant 3 : i32
        %get3A_299 = arith.index_cast %get3A_298 : i32 to index
        %get3A_300 = arith.constant 0 : index
        %get3A_301 = tpu.vector_load %arg9[%get3A_299, %get3A_300] {strides = array<i32>} : memref<16x128xf32, #tpu.memory_space<vmem>>, vector<16xf32>,
        %add3A_302 = arith.addf %get3A_297, %get3A_301 : vector<16xf32>
        %mul3A_303 = arith.constant 5.000000e-01 : f32
        %mul3A_304 = vector.broadcast %mul3A_303 : f32 to vector<16xf32>
        %mul3A_305 = arith.mulf %mul3A_304, %add3A_302 : vector<16xf32>
        %swap3A_306 = arith.index_cast %squeeze3A_294 : i32 to index
        %swap3A_307 = arith.constant 0 : index
        %swap3A_308 = tpu.vector_load %arg8[%swap3A_306, %swap3A_307] {strides = array<i32>} : memref<489x64xf32, #tpu.memory_space<vmem>>, vector<16xf32>,
        tpu.vector_store %arg8[%swap3A_306, %swap3A_307], %mul3A_305 {strides = array<i32>} : memref<489x64xf32, #tpu.memory_space<vmem>>, vector<16xf32>,
        %get3A_309 = arith.index_cast %squeeze3A_294 : i32 to index
        %get3A_310 = arith.constant 16 : index
        %get3A_311 = tpu.vector_load %arg8[%get3A_309, %get3A_310] {strides = array<i32>} : memref<489x64xf32, #tpu.memory_space<vmem>>, vector<16xf32>,
        %get3A_312 = arith.constant 3 : i32
        %get3A_313 = arith.index_cast %get3A_312 : i32 to index
        %get3A_314 = arith.constant 16 : index
        %get3A_315 = tpu.vector_load %arg9[%get3A_313, %get3A_314] {strides = array<i32>} : memref<16x128xf32, #tpu.memory_space<vmem>>, vector<16xf32>,
        %add3A_316 = arith.addf %get3A_311, %get3A_315 : vector<16xf32>
        %mul3A_317 = arith.constant 5.000000e-01 : f32
        %mul3A_318 = vector.broadcast %mul3A_317 : f32 to vector<16xf32>
        %mul3A_319 = arith.mulf %mul3A_318, %add3A_316 : vector<16xf32>
        %swap3A_320 = arith.index_cast %squeeze3A_294 : i32 to index
        %swap3A_321 = arith.constant 16 : index
        %swap3A_322 = tpu.vector_load %arg8[%swap3A_320, %swap3A_321] {strides = array<i32>} : memref<489x64xf32, #tpu.memory_space<vmem>>, vector<16xf32>,
        tpu.vector_store %arg8[%swap3A_320, %swap3A_321], %mul3A_319 {strides = array<i32>} : memref<489x64xf32, #tpu.memory_space<vmem>>, vector<16xf32>,
        %get3A_323 = arith.index_cast %squeeze3A_294 : i32 to index
        %get3A_324 = arith.constant 32 : index
        %get3A_325 = tpu.vector_load %arg8[%get3A_323, %get3A_324] {strides = array<i32>} : memref<489x64xf32, #tpu.memory_space<vmem>>, vector<16xf32>,
        %get3A_326 = arith.constant 3 : i32
        %get3A_327 = arith.index_cast %get3A_326 : i32 to index
        %get3A_328 = arith.constant 32 : index
        %get3A_329 = tpu.vector_load %arg9[%get3A_327, %get3A_328] {strides = array<i32>} : memref<16x128xf32, #tpu.memory_space<vmem>>, vector<16xf32>,
        %add3A_330 = arith.addf %get3A_325, %get3A_329 : vector<16xf32>
        %mul3A_331 = arith.constant 5.000000e-01 : f32
        %mul3A_332 = vector.broadcast %mul3A_331 : f32 to vector<16xf32>
        %mul3A_333 = arith.mulf %mul3A_332, %add3A_330 : vector<16xf32>
        %swap3A_334 = arith.index_cast %squeeze3A_294 : i32 to index
        %swap3A_335 = arith.constant 32 : index
        %swap3A_336 = tpu.vector_load %arg8[%swap3A_334, %swap3A_335] {strides = array<i32>} : memref<489x64xf32, #tpu.memory_space<vmem>>, vector<16xf32>,
        tpu.vector_store %arg8[%swap3A_334, %swap3A_335], %mul3A_333 {strides = array<i32>} : memref<489x64xf32, #tpu.memory_space<vmem>>, vector<16xf32>,
        %get3A_337 = arith.index_cast %squeeze3A_294 : i32 to index
        %get3A_338 = arith.constant 48 : index
        %get3A_339 = tpu.vector_load %arg8[%get3A_337, %get3A_338] {strides = array<i32>} : memref<489x64xf32, #tpu.memory_space<vmem>>, vector<16xf32>,
        %get3A_340 = arith.constant 3 : i32
        %get3A_341 = arith.index_cast %get3A_340 : i32 to index
        %get3A_342 = arith.constant 48 : index
        %get3A_343 = tpu.vector_load %arg9[%get3A_341, %get3A_342] {strides = array<i32>} : memref<16x128xf32, #tpu.memory_space<vmem>>, vector<16xf32>,
        %add3A_344 = arith.addf %get3A_339, %get3A_343 : vector<16xf32>
        %mul3A_345 = arith.constant 5.000000e-01 : f32
        %mul3A_346 = vector.broadcast %mul3A_345 : f32 to vector<16xf32>
        %mul3A_347 = arith.mulf %mul3A_346, %add3A_344 : vector<16xf32>
        %swap3A_348 = arith.index_cast %squeeze3A_294 : i32 to index
        %swap3A_349 = arith.constant 48 : index
        %swap3A_350 = tpu.vector_load %arg8[%swap3A_348, %swap3A_349] {strides = array<i32>} : memref<489x64xf32, #tpu.memory_space<vmem>>, vector<16xf32>,
        tpu.vector_store %arg8[%swap3A_348, %swap3A_349], %mul3A_347 {strides = array<i32>} : memref<489x64xf32, #tpu.memory_space<vmem>>, vector<16xf32>,
        %slice3A_351 = vector.extract_strided_slice %get3A_120 {offsets = [4], sizes = [1], strides = [1]} : vector<16xi32> to vector<1xi32>
        %squeeze3A_352 = vector.extract %slice3A_351[0] : i32 from vector<1xi32>
        %get3A_353 = arith.index_cast %squeeze3A_352 : i32 to index
        %get3A_354 = arith.constant 0 : index
        %get3A_355 = tpu.vector_load %arg8[%get3A_353, %get3A_354] {strides = array<i32>} : memref<489x64xf32, #tpu.memory_space<vmem>>, vector<16xf32>,
        %get3A_356 = arith.constant 4 : i32
        %get3A_357 = arith.index_cast %get3A_356 : i32 to index
        %get3A_358 = arith.constant 0 : index
        %get3A_359 = tpu.vector_load %arg9[%get3A_357, %get3A_358] {strides = array<i32>} : memref<16x128xf32, #tpu.memory_space<vmem>>, vector<16xf32>,
        %add3A_360 = arith.addf %get3A_355, %get3A_359 : vector<16xf32>
        %mul3A_361 = arith.constant 5.000000e-01 : f32
        %mul3A_362 = vector.broadcast %mul3A_361 : f32 to vector<16xf32>
        %mul3A_363 = arith.mulf %mul3A_362, %add3A_360 : vector<16xf32>
        %swap3A_364 = arith.index_cast %squeeze3A_352 : i32 to index
        %swap3A_365 = arith.constant 0 : index
        %swap3A_366 = tpu.vector_load %arg8[%swap3A_364, %swap3A_365] {strides = array<i32>} : memref<489x64xf32, #tpu.memory_space<vmem>>, vector<16xf32>,
        tpu.vector_store %arg8[%swap3A_364, %swap3A_365], %mul3A_363 {strides = array<i32>} : memref<489x64xf32, #tpu.memory_space<vmem>>, vector<16xf32>,
        %get3A_367 = arith.index_cast %squeeze3A_352 : i32 to index
        %get3A_368 = arith.constant 16 : index
        %get3A_369 = tpu.vector_load %arg8[%get3A_367, %get3A_368] {strides = array<i32>} : memref<489x64xf32, #tpu.memory_space<vmem>>, vector<16xf32>,
        %get3A_370 = arith.constant 4 : i32
        %get3A_371 = arith.index_cast %get3A_370 : i32 to index
        %get3A_372 = arith.constant 16 : index
        %get3A_373 = tpu.vector_load %arg9[%get3A_371, %get3A_372] {strides = array<i32>} : memref<16x128xf32, #tpu.memory_space<vmem>>, vector<16xf32>,
        %add3A_374 = arith.addf %get3A_369, %get3A_373 : vector<16xf32>
        %mul3A_375 = arith.constant 5.000000e-01 : f32
        %mul3A_376 = vector.broadcast %mul3A_375 : f32 to vector<16xf32>
        %mul3A_377 = arith.mulf %mul3A_376, %add3A_374 : vector<16xf32>
        %swap3A_378 = arith.index_cast %squeeze3A_352 : i32 to index
        %swap3A_379 = arith.constant 16 : index
        %swap3A_380 = tpu.vector_load %arg8[%swap3A_378, %swap3A_379] {strides = array<i32>} : memref<489x64xf32, #tpu.memory_space<vmem>>, vector<16xf32>,
        tpu.vector_store %arg8[%swap3A_378, %swap3A_379], %mul3A_377 {strides = array<i32>} : memref<489x64xf32, #tpu.memory_space<vmem>>, vector<16xf32>,
        %get3A_381 = arith.index_cast %squeeze3A_352 : i32 to index
        %get3A_382 = arith.constant 32 : index
        %get3A_383 = tpu.vector_load %arg8[%get3A_381, %get3A_382] {strides = array<i32>} : memref<489x64xf32, #tpu.memory_space<vmem>>, vector<16xf32>,
        %get3A_384 = arith.constant 4 : i32
        %get3A_385 = arith.index_cast %get3A_384 : i32 to index
        %get3A_386 = arith.constant 32 : index
        %get3A_387 = tpu.vector_load %arg9[%get3A_385, %get3A_386] {strides = array<i32>} : memref<16x128xf32, #tpu.memory_space<vmem>>, vector<16xf32>,
        %add3A_388 = arith.addf %get3A_383, %get3A_387 : vector<16xf32>
        %mul3A_389 = arith.constant 5.000000e-01 : f32
        %mul3A_390 = vector.broadcast %mul3A_389 : f32 to vector<16xf32>
        %mul3A_391 = arith.mulf %mul3A_390, %add3A_388 : vector<16xf32>
        %swap3A_392 = arith.index_cast %squeeze3A_352 : i32 to index
        %swap3A_393 = arith.constant 32 : index
        %swap3A_394 = tpu.vector_load %arg8[%swap3A_392, %swap3A_393] {strides = array<i32>} : memref<489x64xf32, #tpu.memory_space<vmem>>, vector<16xf32>,
        tpu.vector_store %arg8[%swap3A_392, %swap3A_393], %mul3A_391 {strides = array<i32>} : memref<489x64xf32, #tpu.memory_space<vmem>>, vector<16xf32>,
        %get3A_395 = arith.index_cast %squeeze3A_352 : i32 to index
        %get3A_396 = arith.constant 48 : index
        %get3A_397 = tpu.vector_load %arg8[%get3A_395, %get3A_396] {strides = array<i32>} : memref<489x64xf32, #tpu.memory_space<vmem>>, vector<16xf32>,
        %get3A_398 = arith.constant 4 : i32
        %get3A_399 = arith.index_cast %get3A_398 : i32 to index
        %get3A_400 = arith.constant 48 : index
        %get3A_401 = tpu.vector_load %arg9[%get3A_399, %get3A_400] {strides = array<i32>} : memref<16x128xf32, #tpu.memory_space<vmem>>, vector<16xf32>,
        %add3A_402 = arith.addf %get3A_397, %get3A_401 : vector<16xf32>
        %mul3A_403 = arith.constant 5.000000e-01 : f32
        %mul3A_404 = vector.broadcast %mul3A_403 : f32 to vector<16xf32>
        %mul3A_405 = arith.mulf %mul3A_404, %add3A_402 : vector<16xf32>
        %swap3A_406 = arith.index_cast %squeeze3A_352 : i32 to index
        %swap3A_407 = arith.constant 48 : index
        %swap3A_408 = tpu.vector_load %arg8[%swap3A_406, %swap3A_407] {strides = array<i32>} : memref<489x64xf32, #tpu.memory_space<vmem>>, vector<16xf32>,
        tpu.vector_store %arg8[%swap3A_406, %swap3A_407], %mul3A_405 {strides = array<i32>} : memref<489x64xf32, #tpu.memory_space<vmem>>, vector<16xf32>,
        %slice3A_409 = vector.extract_strided_slice %get3A_120 {offsets = [5], sizes = [1], strides = [1]} : vector<16xi32> to vector<1xi32>
        %squeeze3A_410 = vector.extract %slice3A_409[0] : i32 from vector<1xi32>
        %get3A_411 = arith.index_cast %squeeze3A_410 : i32 to index
        %get3A_412 = arith.constant 0 : index
        %get3A_413 = tpu.vector_load %arg8[%get3A_411, %get3A_412] {strides = array<i32>} : memref<489x64xf32, #tpu.memory_space<vmem>>, vector<16xf32>,
        %get3A_414 = arith.constant 5 : i32
        %get3A_415 = arith.index_cast %get3A_414 : i32 to index
        %get3A_416 = arith.constant 0 : index
        %get3A_417 = tpu.vector_load %arg9[%get3A_415, %get3A_416] {strides = array<i32>} : memref<16x128xf32, #tpu.memory_space<vmem>>, vector<16xf32>,
        %add3A_418 = arith.addf %get3A_413, %get3A_417 : vector<16xf32>
        %mul3A_419 = arith.constant 5.000000e-01 : f32
        %mul3A_420 = vector.broadcast %mul3A_419 : f32 to vector<16xf32>
        %mul3A_421 = arith.mulf %mul3A_420, %add3A_418 : vector<16xf32>
        %swap3A_422 = arith.index_cast %squeeze3A_410 : i32 to index
        %swap3A_423 = arith.constant 0 : index
        %swap3A_424 = tpu.vector_load %arg8[%swap3A_422, %swap3A_423] {strides = array<i32>} : memref<489x64xf32, #tpu.memory_space<vmem>>, vector<16xf32>,
        tpu.vector_store %arg8[%swap3A_422, %swap3A_423], %mul3A_421 {strides = array<i32>} : memref<489x64xf32, #tpu.memory_space<vmem>>, vector<16xf32>,
        %get3A_425 = arith.index_cast %squeeze3A_410 : i32 to index
        %get3A_426 = arith.constant 16 : index
        %get3A_427 = tpu.vector_load %arg8[%get3A_425, %get3A_426] {strides = array<i32>} : memref<489x64xf32, #tpu.memory_space<vmem>>, vector<16xf32>,
        %get3A_428 = arith.constant 5 : i32
        %get3A_429 = arith.index_cast %get3A_428 : i32 to index
        %get3A_430 = arith.constant 16 : index
        %get3A_431 = tpu.vector_load %arg9[%get3A_429, %get3A_430] {strides = array<i32>} : memref<16x128xf32, #tpu.memory_space<vmem>>, vector<16xf32>,
        %add3A_432 = arith.addf %get3A_427, %get3A_431 : vector<16xf32>
        %mul3A_433 = arith.constant 5.000000e-01 : f32
        %mul3A_434 = vector.broadcast %mul3A_433 : f32 to vector<16xf32>
        %mul3A_435 = arith.mulf %mul3A_434, %add3A_432 : vector<16xf32>
        %swap3A_436 = arith.index_cast %squeeze3A_410 : i32 to index
        %swap3A_437 = arith.constant 16 : index
        %swap3A_438 = tpu.vector_load %arg8[%swap3A_436, %swap3A_437] {strides = array<i32>} : memref<489x64xf32, #tpu.memory_space<vmem>>, vector<16xf32>,
        tpu.vector_store %arg8[%swap3A_436, %swap3A_437], %mul3A_435 {strides = array<i32>} : memref<489x64xf32, #tpu.memory_space<vmem>>, vector<16xf32>,
        %get3A_439 = arith.index_cast %squeeze3A_410 : i32 to index
        %get3A_440 = arith.constant 32 : index
        %get3A_441 = tpu.vector_load %arg8[%get3A_439, %get3A_440] {strides = array<i32>} : memref<489x64xf32, #tpu.memory_space<vmem>>, vector<16xf32>,
        %get3A_442 = arith.constant 5 : i32
        %get3A_443 = arith.index_cast %get3A_442 : i32 to index
        %get3A_444 = arith.constant 32 : index
        %get3A_445 = tpu.vector_load %arg9[%get3A_443, %get3A_444] {strides = array<i32>} : memref<16x128xf32, #tpu.memory_space<vmem>>, vector<16xf32>,
        %add3A_446 = arith.addf %get3A_441, %get3A_445 : vector<16xf32>
        %mul3A_447 = arith.constant 5.000000e-01 : f32
        %mul3A_448 = vector.broadcast %mul3A_447 : f32 to vector<16xf32>
        %mul3A_449 = arith.mulf %mul3A_448, %add3A_446 : vector<16xf32>
        %swap3A_450 = arith.index_cast %squeeze3A_410 : i32 to index
        %swap3A_451 = arith.constant 32 : index
        %swap3A_452 = tpu.vector_load %arg8[%swap3A_450, %swap3A_451] {strides = array<i32>} : memref<489x64xf32, #tpu.memory_space<vmem>>, vector<16xf32>,
        tpu.vector_store %arg8[%swap3A_450, %swap3A_451], %mul3A_449 {strides = array<i32>} : memref<489x64xf32, #tpu.memory_space<vmem>>, vector<16xf32>,
        %get3A_453 = arith.index_cast %squeeze3A_410 : i32 to index
        %get3A_454 = arith.constant 48 : index
        %get3A_455 = tpu.vector_load %arg8[%get3A_453, %get3A_454] {strides = array<i32>} : memref<489x64xf32, #tpu.memory_space<vmem>>, vector<16xf32>,
        %get3A_456 = arith.constant 5 : i32
        %get3A_457 = arith.index_cast %get3A_456 : i32 to index
        %get3A_458 = arith.constant 48 : index
        %get3A_459 = tpu.vector_load %arg9[%get3A_457, %get3A_458] {strides = array<i32>} : memref<16x128xf32, #tpu.memory_space<vmem>>, vector<16xf32>,
        %add3A_460 = arith.addf %get3A_455, %get3A_459 : vector<16xf32>
        %mul3A_461 = arith.constant 5.000000e-01 : f32
        %mul3A_462 = vector.broadcast %mul3A_461 : f32 to vector<16xf32>
        %mul3A_463 = arith.mulf %mul3A_462, %add3A_460 : vector<16xf32>
        %swap3A_464 = arith.index_cast %squeeze3A_410 : i32 to index
        %swap3A_465 = arith.constant 48 : index
        %swap3A_466 = tpu.vector_load %arg8[%swap3A_464, %swap3A_465] {strides = array<i32>} : memref<489x64xf32, #tpu.memory_space<vmem>>, vector<16xf32>,
        tpu.vector_store %arg8[%swap3A_464, %swap3A_465], %mul3A_463 {strides = array<i32>} : memref<489x64xf32, #tpu.memory_space<vmem>>, vector<16xf32>,
        %slice3A_467 = vector.extract_strided_slice %get3A_120 {offsets = [6], sizes = [1], strides = [1]} : vector<16xi32> to vector<1xi32>
        %squeeze3A_468 = vector.extract %slice3A_467[0] : i32 from vector<1xi32>
        %get3A_469 = arith.index_cast %squeeze3A_468 : i32 to index
        %get3A_470 = arith.constant 0 : index
        %get3A_471 = tpu.vector_load %arg8[%get3A_469, %get3A_470] {strides = array<i32>} : memref<489x64xf32, #tpu.memory_space<vmem>>, vector<16xf32>,
        %get3A_472 = arith.constant 6 : i32
        %get3A_473 = arith.index_cast %get3A_472 : i32 to index
        %get3A_474 = arith.constant 0 : index
        %get3A_475 = tpu.vector_load %arg9[%get3A_473, %get3A_474] {strides = array<i32>} : memref<16x128xf32, #tpu.memory_space<vmem>>, vector<16xf32>,
        %add3A_476 = arith.addf %get3A_471, %get3A_475 : vector<16xf32>
        %mul3A_477 = arith.constant 5.000000e-01 : f32
        %mul3A_478 = vector.broadcast %mul3A_477 : f32 to vector<16xf32>
        %mul3A_479 = arith.mulf %mul3A_478, %add3A_476 : vector<16xf32>
        %swap3A_480 = arith.index_cast %squeeze3A_468 : i32 to index
        %swap3A_481 = arith.constant 0 : index
        %swap3A_482 = tpu.vector_load %arg8[%swap3A_480, %swap3A_481] {strides = array<i32>} : memref<489x64xf32, #tpu.memory_space<vmem>>, vector<16xf32>,
        tpu.vector_store %arg8[%swap3A_480, %swap3A_481], %mul3A_479 {strides = array<i32>} : memref<489x64xf32, #tpu.memory_space<vmem>>, vector<16xf32>,
        %get3A_483 = arith.index_cast %squeeze3A_468 : i32 to index
        %get3A_484 = arith.constant 16 : index
        %get3A_485 = tpu.vector_load %arg8[%get3A_483, %get3A_484] {strides = array<i32>} : memref<489x64xf32, #tpu.memory_space<vmem>>, vector<16xf32>,
        %get3A_486 = arith.constant 6 : i32
        %get3A_487 = arith.index_cast %get3A_486 : i32 to index
        %get3A_488 = arith.constant 16 : index
        %get3A_489 = tpu.vector_load %arg9[%get3A_487, %get3A_488] {strides = array<i32>} : memref<16x128xf32, #tpu.memory_space<vmem>>, vector<16xf32>,
        %add3A_490 = arith.addf %get3A_485, %get3A_489 : vector<16xf32>
        %mul3A_491 = arith.constant 5.000000e-01 : f32
        %mul3A_492 = vector.broadcast %mul3A_491 : f32 to vector<16xf32>
        %mul3A_493 = arith.mulf %mul3A_492, %add3A_490 : vector<16xf32>
        %swap3A_494 = arith.index_cast %squeeze3A_468 : i32 to index
        %swap3A_495 = arith.constant 16 : index
        %swap3A_496 = tpu.vector_load %arg8[%swap3A_494, %swap3A_495] {strides = array<i32>} : memref<489x64xf32, #tpu.memory_space<vmem>>, vector<16xf32>,
        tpu.vector_store %arg8[%swap3A_494, %swap3A_495], %mul3A_493 {strides = array<i32>} : memref<489x64xf32, #tpu.memory_space<vmem>>, vector<16xf32>,
        %get3A_497 = arith.index_cast %squeeze3A_468 : i32 to index
        %get3A_498 = arith.constant 32 : index
        %get3A_499 = tpu.vector_load %arg8[%get3A_497, %get3A_498] {strides = array<i32>} : memref<489x64xf32, #tpu.memory_space<vmem>>, vector<16xf32>,
        %get3A_500 = arith.constant 6 : i32
        %get3A_501 = arith.index_cast %get3A_500 : i32 to index
        %get3A_502 = arith.constant 32 : index
        %get3A_503 = tpu.vector_load %arg9[%get3A_501, %get3A_502] {strides = array<i32>} : memref<16x128xf32, #tpu.memory_space<vmem>>, vector<16xf32>,
        %add3A_504 = arith.addf %get3A_499, %get3A_503 : vector<16xf32>
        %mul3A_505 = arith.constant 5.000000e-01 : f32
        %mul3A_506 = vector.broadcast %mul3A_505 : f32 to vector<16xf32>
        %mul3A_507 = arith.mulf %mul3A_506, %add3A_504 : vector<16xf32>
        %swap3A_508 = arith.index_cast %squeeze3A_468 : i32 to index
        %swap3A_509 = arith.constant 32 : index
        %swap3A_510 = tpu.vector_load %arg8[%swap3A_508, %swap3A_509] {strides = array<i32>} : memref<489x64xf32, #tpu.memory_space<vmem>>, vector<16xf32>,
        tpu.vector_store %arg8[%swap3A_508, %swap3A_509], %mul3A_507 {strides = array<i32>} : memref<489x64xf32, #tpu.memory_space<vmem>>, vector<16xf32>,
        %get3A_511 = arith.index_cast %squeeze3A_468 : i32 to index
        %get3A_512 = arith.constant 48 : index
        %get3A_513 = tpu.vector_load %arg8[%get3A_511, %get3A_512] {strides = array<i32>} : memref<489x64xf32, #tpu.memory_space<vmem>>, vector<16xf32>,
        %get3A_514 = arith.constant 6 : i32
        %get3A_515 = arith.index_cast %get3A_514 : i32 to index
        %get3A_516 = arith.constant 48 : index
        %get3A_517 = tpu.vector_load %arg9[%get3A_515, %get3A_516] {strides = array<i32>} : memref<16x128xf32, #tpu.memory_space<vmem>>, vector<16xf32>,
        %add3A_518 = arith.addf %get3A_513, %get3A_517 : vector<16xf32>
        %mul3A_519 = arith.constant 5.000000e-01 : f32
        %mul3A_520 = vector.broadcast %mul3A_519 : f32 to vector<16xf32>
        %mul3A_521 = arith.mulf %mul3A_520, %add3A_518 : vector<16xf32>
        %swap3A_522 = arith.index_cast %squeeze3A_468 : i32 to index
        %swap3A_523 = arith.constant 48 : index
        %swap3A_524 = tpu.vector_load %arg8[%swap3A_522, %swap3A_523] {strides = array<i32>} : memref<489x64xf32, #tpu.memory_space<vmem>>, vector<16xf32>,
        tpu.vector_store %arg8[%swap3A_522, %swap3A_523], %mul3A_521 {strides = array<i32>} : memref<489x64xf32, #tpu.memory_space<vmem>>, vector<16xf32>,
        %slice3A_525 = vector.extract_strided_slice %get3A_120 {offsets = [7], sizes = [1], strides = [1]} : vector<16xi32> to vector<1xi32>
        %squeeze3A_526 = vector.extract %slice3A_525[0] : i32 from vector<1xi32>
        %get3A_527 = arith.index_cast %squeeze3A_526 : i32 to index
        %get3A_528 = arith.constant 0 : index
        %get3A_529 = tpu.vector_load %arg8[%get3A_527, %get3A_528] {strides = array<i32>} : memref<489x64xf32, #tpu.memory_space<vmem>>, vector<16xf32>,
        %get3A_530 = arith.constant 7 : i32
        %get3A_531 = arith.index_cast %get3A_530 : i32 to index
        %get3A_532 = arith.constant 0 : index
        %get3A_533 = tpu.vector_load %arg9[%get3A_531, %get3A_532] {strides = array<i32>} : memref<16x128xf32, #tpu.memory_space<vmem>>, vector<16xf32>,
        %add3A_534 = arith.addf %get3A_529, %get3A_533 : vector<16xf32>
        %mul3A_535 = arith.constant 5.000000e-01 : f32
        %mul3A_536 = vector.broadcast %mul3A_535 : f32 to vector<16xf32>
        %mul3A_537 = arith.mulf %mul3A_536, %add3A_534 : vector<16xf32>
        %swap3A_538 = arith.index_cast %squeeze3A_526 : i32 to index
        %swap3A_539 = arith.constant 0 : index
        %swap3A_540 = tpu.vector_load %arg8[%swap3A_538, %swap3A_539] {strides = array<i32>} : memref<489x64xf32, #tpu.memory_space<vmem>>, vector<16xf32>,
        tpu.vector_store %arg8[%swap3A_538, %swap3A_539], %mul3A_537 {strides = array<i32>} : memref<489x64xf32, #tpu.memory_space<vmem>>, vector<16xf32>,
        %get3A_541 = arith.index_cast %squeeze3A_526 : i32 to index
        %get3A_542 = arith.constant 16 : index
        %get3A_543 = tpu.vector_load %arg8[%get3A_541, %get3A_542] {strides = array<i32>} : memref<489x64xf32, #tpu.memory_space<vmem>>, vector<16xf32>,
        %get3A_544 = arith.constant 7 : i32
        %get3A_545 = arith.index_cast %get3A_544 : i32 to index
        %get3A_546 = arith.constant 16 : index
        %get3A_547 = tpu.vector_load %arg9[%get3A_545, %get3A_546] {strides = array<i32>} : memref<16x128xf32, #tpu.memory_space<vmem>>, vector<16xf32>,
        %add3A_548 = arith.addf %get3A_543, %get3A_547 : vector<16xf32>
        %mul3A_549 = arith.constant 5.000000e-01 : f32
        %mul3A_550 = vector.broadcast %mul3A_549 : f32 to vector<16xf32>
        %mul3A_551 = arith.mulf %mul3A_550, %add3A_548 : vector<16xf32>
        %swap3A_552 = arith.index_cast %squeeze3A_526 : i32 to index
        %swap3A_553 = arith.constant 16 : index
        %swap3A_554 = tpu.vector_load %arg8[%swap3A_552, %swap3A_553] {strides = array<i32>} : memref<489x64xf32, #tpu.memory_space<vmem>>, vector<16xf32>,
        tpu.vector_store %arg8[%swap3A_552, %swap3A_553], %mul3A_551 {strides = array<i32>} : memref<489x64xf32, #tpu.memory_space<vmem>>, vector<16xf32>,
        %get3A_555 = arith.index_cast %squeeze3A_526 : i32 to index
        %get3A_556 = arith.constant 32 : index
        %get3A_557 = tpu.vector_load %arg8[%get3A_555, %get3A_556] {strides = array<i32>} : memref<489x64xf32, #tpu.memory_space<vmem>>, vector<16xf32>,
        %get3A_558 = arith.constant 7 : i32
        %get3A_559 = arith.index_cast %get3A_558 : i32 to index
        %get3A_560 = arith.constant 32 : index
        %get3A_561 = tpu.vector_load %arg9[%get3A_559, %get3A_560] {strides = array<i32>} : memref<16x128xf32, #tpu.memory_space<vmem>>, vector<16xf32>,
        %add3A_562 = arith.addf %get3A_557, %get3A_561 : vector<16xf32>
        %mul3A_563 = arith.constant 5.000000e-01 : f32
        %mul3A_564 = vector.broadcast %mul3A_563 : f32 to vector<16xf32>
        %mul3A_565 = arith.mulf %mul3A_564, %add3A_562 : vector<16xf32>
        %swap3A_566 = arith.index_cast %squeeze3A_526 : i32 to index
        %swap3A_567 = arith.constant 32 : index
        %swap3A_568 = tpu.vector_load %arg8[%swap3A_566, %swap3A_567] {strides = array<i32>} : memref<489x64xf32, #tpu.memory_space<vmem>>, vector<16xf32>,
        tpu.vector_store %arg8[%swap3A_566, %swap3A_567], %mul3A_565 {strides = array<i32>} : memref<489x64xf32, #tpu.memory_space<vmem>>, vector<16xf32>,
        %get3A_569 = arith.index_cast %squeeze3A_526 : i32 to index
        %get3A_570 = arith.constant 48 : index
        %get3A_571 = tpu.vector_load %arg8[%get3A_569, %get3A_570] {strides = array<i32>} : memref<489x64xf32, #tpu.memory_space<vmem>>, vector<16xf32>,
        %get3A_572 = arith.constant 7 : i32
        %get3A_573 = arith.index_cast %get3A_572 : i32 to index
        %get3A_574 = arith.constant 48 : index
        %get3A_575 = tpu.vector_load %arg9[%get3A_573, %get3A_574] {strides = array<i32>} : memref<16x128xf32, #tpu.memory_space<vmem>>, vector<16xf32>,
        %add3A_576 = arith.addf %get3A_571, %get3A_575 : vector<16xf32>
        %mul3A_577 = arith.constant 5.000000e-01 : f32
        %mul3A_578 = vector.broadcast %mul3A_577 : f32 to vector<16xf32>
        %mul3A_579 = arith.mulf %mul3A_578, %add3A_576 : vector<16xf32>
        %swap3A_580 = arith.index_cast %squeeze3A_526 : i32 to index
        %swap3A_581 = arith.constant 48 : index
        %swap3A_582 = tpu.vector_load %arg8[%swap3A_580, %swap3A_581] {strides = array<i32>} : memref<489x64xf32, #tpu.memory_space<vmem>>, vector<16xf32>,
        tpu.vector_store %arg8[%swap3A_580, %swap3A_581], %mul3A_579 {strides = array<i32>} : memref<489x64xf32, #tpu.memory_space<vmem>>, vector<16xf32>,
        %slice3A_583 = vector.extract_strided_slice %get3A_120 {offsets = [8], sizes = [1], strides = [1]} : vector<16xi32> to vector<1xi32>
        %squeeze3A_584 = vector.extract %slice3A_583[0] : i32 from vector<1xi32>
        %get3A_585 = arith.index_cast %squeeze3A_584 : i32 to index
        %get3A_586 = arith.constant 0 : index
        %get3A_587 = tpu.vector_load %arg8[%get3A_585, %get3A_586] {strides = array<i32>} : memref<489x64xf32, #tpu.memory_space<vmem>>, vector<16xf32>,
        %get3A_588 = arith.constant 8 : i32
        %get3A_589 = arith.index_cast %get3A_588 : i32 to index
        %get3A_590 = arith.constant 0 : index
        %get3A_591 = tpu.vector_load %arg9[%get3A_589, %get3A_590] {strides = array<i32>} : memref<16x128xf32, #tpu.memory_space<vmem>>, vector<16xf32>,
        %add3A_592 = arith.addf %get3A_587, %get3A_591 : vector<16xf32>
        %mul3A_593 = arith.constant 5.000000e-01 : f32
        %mul3A_594 = vector.broadcast %mul3A_593 : f32 to vector<16xf32>
        %mul3A_595 = arith.mulf %mul3A_594, %add3A_592 : vector<16xf32>
        %swap3A_596 = arith.index_cast %squeeze3A_584 : i32 to index
        %swap3A_597 = arith.constant 0 : index
        %swap3A_598 = tpu.vector_load %arg8[%swap3A_596, %swap3A_597] {strides = array<i32>} : memref<489x64xf32, #tpu.memory_space<vmem>>, vector<16xf32>,
        tpu.vector_store %arg8[%swap3A_596, %swap3A_597], %mul3A_595 {strides = array<i32>} : memref<489x64xf32, #tpu.memory_space<vmem>>, vector<16xf32>,
        %get3A_599 = arith.index_cast %squeeze3A_584 : i32 to index
        %get3A_600 = arith.constant 16 : index
        %get3A_601 = tpu.vector_load %arg8[%get3A_599, %get3A_600] {strides = array<i32>} : memref<489x64xf32, #tpu.memory_space<vmem>>, vector<16xf32>,
        %get3A_602 = arith.constant 8 : i32
        %get3A_603 = arith.index_cast %get3A_602 : i32 to index
        %get3A_604 = arith.constant 16 : index
        %get3A_605 = tpu.vector_load %arg9[%get3A_603, %get3A_604] {strides = array<i32>} : memref<16x128xf32, #tpu.memory_space<vmem>>, vector<16xf32>,
        %add3A_606 = arith.addf %get3A_601, %get3A_605 : vector<16xf32>
        %mul3A_607 = arith.constant 5.000000e-01 : f32
        %mul3A_608 = vector.broadcast %mul3A_607 : f32 to vector<16xf32>
        %mul3A_609 = arith.mulf %mul3A_608, %add3A_606 : vector<16xf32>
        %swap3A_610 = arith.index_cast %squeeze3A_584 : i32 to index
        %swap3A_611 = arith.constant 16 : index
        %swap3A_612 = tpu.vector_load %arg8[%swap3A_610, %swap3A_611] {strides = array<i32>} : memref<489x64xf32, #tpu.memory_space<vmem>>, vector<16xf32>,
        tpu.vector_store %arg8[%swap3A_610, %swap3A_611], %mul3A_609 {strides = array<i32>} : memref<489x64xf32, #tpu.memory_space<vmem>>, vector<16xf32>,
        %get3A_613 = arith.index_cast %squeeze3A_584 : i32 to index
        %get3A_614 = arith.constant 32 : index
        %get3A_615 = tpu.vector_load %arg8[%get3A_613, %get3A_614] {strides = array<i32>} : memref<489x64xf32, #tpu.memory_space<vmem>>, vector<16xf32>,
        %get3A_616 = arith.constant 8 : i32
        %get3A_617 = arith.index_cast %get3A_616 : i32 to index
        %get3A_618 = arith.constant 32 : index
        %get3A_619 = tpu.vector_load %arg9[%get3A_617, %get3A_618] {strides = array<i32>} : memref<16x128xf32, #tpu.memory_space<vmem>>, vector<16xf32>,
        %add3A_620 = arith.addf %get3A_615, %get3A_619 : vector<16xf32>
        %mul3A_621 = arith.constant 5.000000e-01 : f32
        %mul3A_622 = vector.broadcast %mul3A_621 : f32 to vector<16xf32>
        %mul3A_623 = arith.mulf %mul3A_622, %add3A_620 : vector<16xf32>
        %swap3A_624 = arith.index_cast %squeeze3A_584 : i32 to index
        %swap3A_625 = arith.constant 32 : index
        %swap3A_626 = tpu.vector_load %arg8[%swap3A_624, %swap3A_625] {strides = array<i32>} : memref<489x64xf32, #tpu.memory_space<vmem>>, vector<16xf32>,
        tpu.vector_store %arg8[%swap3A_624, %swap3A_625], %mul3A_623 {strides = array<i32>} : memref<489x64xf32, #tpu.memory_space<vmem>>, vector<16xf32>,
        %get3A_627 = arith.index_cast %squeeze3A_584 : i32 to index
        %get3A_628 = arith.constant 48 : index
        %get3A_629 = tpu.vector_load %arg8[%get3A_627, %get3A_628] {strides = array<i32>} : memref<489x64xf32, #tpu.memory_space<vmem>>, vector<16xf32>,
        %get3A_630 = arith.constant 8 : i32
        %get3A_631 = arith.index_cast %get3A_630 : i32 to index
        %get3A_632 = arith.constant 48 : index
        %get3A_633 = tpu.vector_load %arg9[%get3A_631, %get3A_632] {strides = array<i32>} : memref<16x128xf32, #tpu.memory_space<vmem>>, vector<16xf32>,
        %add3A_634 = arith.addf %get3A_629, %get3A_633 : vector<16xf32>
        %mul3A_635 = arith.constant 5.000000e-01 : f32
        %mul3A_636 = vector.broadcast %mul3A_635 : f32 to vector<16xf32>
        %mul3A_637 = arith.mulf %mul3A_636, %add3A_634 : vector<16xf32>
        %swap3A_638 = arith.index_cast %squeeze3A_584 : i32 to index
        %swap3A_639 = arith.constant 48 : index
        %swap3A_640 = tpu.vector_load %arg8[%swap3A_638, %swap3A_639] {strides = array<i32>} : memref<489x64xf32, #tpu.memory_space<vmem>>, vector<16xf32>,
        tpu.vector_store %arg8[%swap3A_638, %swap3A_639], %mul3A_637 {strides = array<i32>} : memref<489x64xf32, #tpu.memory_space<vmem>>, vector<16xf32>,
        %slice3A_641 = vector.extract_strided_slice %get3A_120 {offsets = [9], sizes = [1], strides = [1]} : vector<16xi32> to vector<1xi32>
        %squeeze3A_642 = vector.extract %slice3A_641[0] : i32 from vector<1xi32>
        %get3A_643 = arith.index_cast %squeeze3A_642 : i32 to index
        %get3A_644 = arith.constant 0 : index
        %get3A_645 = tpu.vector_load %arg8[%get3A_643, %get3A_644] {strides = array<i32>} : memref<489x64xf32, #tpu.memory_space<vmem>>, vector<16xf32>,
        %get3A_646 = arith.constant 9 : i32
        %get3A_647 = arith.index_cast %get3A_646 : i32 to index
        %get3A_648 = arith.constant 0 : index
        %get3A_649 = tpu.vector_load %arg9[%get3A_647, %get3A_648] {strides = array<i32>} : memref<16x128xf32, #tpu.memory_space<vmem>>, vector<16xf32>,
        %add3A_650 = arith.addf %get3A_645, %get3A_649 : vector<16xf32>
        %mul3A_651 = arith.constant 5.000000e-01 : f32
        %mul3A_652 = vector.broadcast %mul3A_651 : f32 to vector<16xf32>
        %mul3A_653 = arith.mulf %mul3A_652, %add3A_650 : vector<16xf32>
        %swap3A_654 = arith.index_cast %squeeze3A_642 : i32 to index
        %swap3A_655 = arith.constant 0 : index
        %swap3A_656 = tpu.vector_load %arg8[%swap3A_654, %swap3A_655] {strides = array<i32>} : memref<489x64xf32, #tpu.memory_space<vmem>>, vector<16xf32>,
        tpu.vector_store %arg8[%swap3A_654, %swap3A_655], %mul3A_653 {strides = array<i32>} : memref<489x64xf32, #tpu.memory_space<vmem>>, vector<16xf32>,
        %get3A_657 = arith.index_cast %squeeze3A_642 : i32 to index
        %get3A_658 = arith.constant 16 : index
        %get3A_659 = tpu.vector_load %arg8[%get3A_657, %get3A_658] {strides = array<i32>} : memref<489x64xf32, #tpu.memory_space<vmem>>, vector<16xf32>,
        %get3A_660 = arith.constant 9 : i32
        %get3A_661 = arith.index_cast %get3A_660 : i32 to index
        %get3A_662 = arith.constant 16 : index
        %get3A_663 = tpu.vector_load %arg9[%get3A_661, %get3A_662] {strides = array<i32>} : memref<16x128xf32, #tpu.memory_space<vmem>>, vector<16xf32>,
        %add3A_664 = arith.addf %get3A_659, %get3A_663 : vector<16xf32>
        %mul3A_665 = arith.constant 5.000000e-01 : f32
        %mul3A_666 = vector.broadcast %mul3A_665 : f32 to vector<16xf32>
        %mul3A_667 = arith.mulf %mul3A_666, %add3A_664 : vector<16xf32>
        %swap3A_668 = arith.index_cast %squeeze3A_642 : i32 to index
        %swap3A_669 = arith.constant 16 : index
        %swap3A_670 = tpu.vector_load %arg8[%swap3A_668, %swap3A_669] {strides = array<i32>} : memref<489x64xf32, #tpu.memory_space<vmem>>, vector<16xf32>,
        tpu.vector_store %arg8[%swap3A_668, %swap3A_669], %mul3A_667 {strides = array<i32>} : memref<489x64xf32, #tpu.memory_space<vmem>>, vector<16xf32>,
        %get3A_671 = arith.index_cast %squeeze3A_642 : i32 to index
        %get3A_672 = arith.constant 32 : index
        %get3A_673 = tpu.vector_load %arg8[%get3A_671, %get3A_672] {strides = array<i32>} : memref<489x64xf32, #tpu.memory_space<vmem>>, vector<16xf32>,
        %get3A_674 = arith.constant 9 : i32
        %get3A_675 = arith.index_cast %get3A_674 : i32 to index
        %get3A_676 = arith.constant 32 : index
        %get3A_677 = tpu.vector_load %arg9[%get3A_675, %get3A_676] {strides = array<i32>} : memref<16x128xf32, #tpu.memory_space<vmem>>, vector<16xf32>,
        %add3A_678 = arith.addf %get3A_673, %get3A_677 : vector<16xf32>
        %mul3A_679 = arith.constant 5.000000e-01 : f32
        %mul3A_680 = vector.broadcast %mul3A_679 : f32 to vector<16xf32>
        %mul3A_681 = arith.mulf %mul3A_680, %add3A_678 : vector<16xf32>
        %swap3A_682 = arith.index_cast %squeeze3A_642 : i32 to index
        %swap3A_683 = arith.constant 32 : index
        %swap3A_684 = tpu.vector_load %arg8[%swap3A_682, %swap3A_683] {strides = array<i32>} : memref<489x64xf32, #tpu.memory_space<vmem>>, vector<16xf32>,
        tpu.vector_store %arg8[%swap3A_682, %swap3A_683], %mul3A_681 {strides = array<i32>} : memref<489x64xf32, #tpu.memory_space<vmem>>, vector<16xf32>,
        %get3A_685 = arith.index_cast %squeeze3A_642 : i32 to index
        %get3A_686 = arith.constant 48 : index
        %get3A_687 = tpu.vector_load %arg8[%get3A_685, %get3A_686] {strides = array<i32>} : memref<489x64xf32, #tpu.memory_space<vmem>>, vector<16xf32>,
        %get3A_688 = arith.constant 9 : i32
        %get3A_689 = arith.index_cast %get3A_688 : i32 to index
        %get3A_690 = arith.constant 48 : index
        %get3A_691 = tpu.vector_load %arg9[%get3A_689, %get3A_690] {strides = array<i32>} : memref<16x128xf32, #tpu.memory_space<vmem>>, vector<16xf32>,
        %add3A_692 = arith.addf %get3A_687, %get3A_691 : vector<16xf32>
        %mul3A_693 = arith.constant 5.000000e-01 : f32
        %mul3A_694 = vector.broadcast %mul3A_693 : f32 to vector<16xf32>
        %mul3A_695 = arith.mulf %mul3A_694, %add3A_692 : vector<16xf32>
        %swap3A_696 = arith.index_cast %squeeze3A_642 : i32 to index
        %swap3A_697 = arith.constant 48 : index
        %swap3A_698 = tpu.vector_load %arg8[%swap3A_696, %swap3A_697] {strides = array<i32>} : memref<489x64xf32, #tpu.memory_space<vmem>>, vector<16xf32>,
        tpu.vector_store %arg8[%swap3A_696, %swap3A_697], %mul3A_695 {strides = array<i32>} : memref<489x64xf32, #tpu.memory_space<vmem>>, vector<16xf32>,
        %slice3A_699 = vector.extract_strided_slice %get3A_120 {offsets = [10], sizes = [1], strides = [1]} : vector<16xi32> to vector<1xi32>
        %squeeze3A_700 = vector.extract %slice3A_699[0] : i32 from vector<1xi32>
        %get3A_701 = arith.index_cast %squeeze3A_700 : i32 to index
        %get3A_702 = arith.constant 0 : index
        %get3A_703 = tpu.vector_load %arg8[%get3A_701, %get3A_702] {strides = array<i32>} : memref<489x64xf32, #tpu.memory_space<vmem>>, vector<16xf32>,
        %get3A_704 = arith.constant 10 : i32
        %get3A_705 = arith.index_cast %get3A_704 : i32 to index
        %get3A_706 = arith.constant 0 : index
        %get3A_707 = tpu.vector_load %arg9[%get3A_705, %get3A_706] {strides = array<i32>} : memref<16x128xf32, #tpu.memory_space<vmem>>, vector<16xf32>,
        %add3A_708 = arith.addf %get3A_703, %get3A_707 : vector<16xf32>
        %mul3A_709 = arith.constant 5.000000e-01 : f32
        %mul3A_710 = vector.broadcast %mul3A_709 : f32 to vector<16xf32>
        %mul3A_711 = arith.mulf %mul3A_710, %add3A_708 : vector<16xf32>
        %swap3A_712 = arith.index_cast %squeeze3A_700 : i32 to index
        %swap3A_713 = arith.constant 0 : index
        %swap3A_714 = tpu.vector_load %arg8[%swap3A_712, %swap3A_713] {strides = array<i32>} : memref<489x64xf32, #tpu.memory_space<vmem>>, vector<16xf32>,
        tpu.vector_store %arg8[%swap3A_712, %swap3A_713], %mul3A_711 {strides = array<i32>} : memref<489x64xf32, #tpu.memory_space<vmem>>, vector<16xf32>,
        %get3A_715 = arith.index_cast %squeeze3A_700 : i32 to index
        %get3A_716 = arith.constant 16 : index
        %get3A_717 = tpu.vector_load %arg8[%get3A_715, %get3A_716] {strides = array<i32>} : memref<489x64xf32, #tpu.memory_space<vmem>>, vector<16xf32>,
        %get3A_718 = arith.constant 10 : i32
        %get3A_719 = arith.index_cast %get3A_718 : i32 to index
        %get3A_720 = arith.constant 16 : index
        %get3A_721 = tpu.vector_load %arg9[%get3A_719, %get3A_720] {strides = array<i32>} : memref<16x128xf32, #tpu.memory_space<vmem>>, vector<16xf32>,
        %add3A_722 = arith.addf %get3A_717, %get3A_721 : vector<16xf32>
        %mul3A_723 = arith.constant 5.000000e-01 : f32
        %mul3A_724 = vector.broadcast %mul3A_723 : f32 to vector<16xf32>
        %mul3A_725 = arith.mulf %mul3A_724, %add3A_722 : vector<16xf32>
        %swap3A_726 = arith.index_cast %squeeze3A_700 : i32 to index
        %swap3A_727 = arith.constant 16 : index
        %swap3A_728 = tpu.vector_load %arg8[%swap3A_726, %swap3A_727] {strides = array<i32>} : memref<489x64xf32, #tpu.memory_space<vmem>>, vector<16xf32>,
        tpu.vector_store %arg8[%swap3A_726, %swap3A_727], %mul3A_725 {strides = array<i32>} : memref<489x64xf32, #tpu.memory_space<vmem>>, vector<16xf32>,
        %get3A_729 = arith.index_cast %squeeze3A_700 : i32 to index
        %get3A_730 = arith.constant 32 : index
        %get3A_731 = tpu.vector_load %arg8[%get3A_729, %get3A_730] {strides = array<i32>} : memref<489x64xf32, #tpu.memory_space<vmem>>, vector<16xf32>,
        %get3A_732 = arith.constant 10 : i32
        %get3A_733 = arith.index_cast %get3A_732 : i32 to index
        %get3A_734 = arith.constant 32 : index
        %get3A_735 = tpu.vector_load %arg9[%get3A_733, %get3A_734] {strides = array<i32>} : memref<16x128xf32, #tpu.memory_space<vmem>>, vector<16xf32>,
        %add3A_736 = arith.addf %get3A_731, %get3A_735 : vector<16xf32>
        %mul3A_737 = arith.constant 5.000000e-01 : f32
        %mul3A_738 = vector.broadcast %mul3A_737 : f32 to vector<16xf32>
        %mul3A_739 = arith.mulf %mul3A_738, %add3A_736 : vector<16xf32>
        %swap3A_740 = arith.index_cast %squeeze3A_700 : i32 to index
        %swap3A_741 = arith.constant 32 : index
        %swap3A_742 = tpu.vector_load %arg8[%swap3A_740, %swap3A_741] {strides = array<i32>} : memref<489x64xf32, #tpu.memory_space<vmem>>, vector<16xf32>,
        tpu.vector_store %arg8[%swap3A_740, %swap3A_741], %mul3A_739 {strides = array<i32>} : memref<489x64xf32, #tpu.memory_space<vmem>>, vector<16xf32>,
        %get3A_743 = arith.index_cast %squeeze3A_700 : i32 to index
        %get3A_744 = arith.constant 48 : index
        %get3A_745 = tpu.vector_load %arg8[%get3A_743, %get3A_744] {strides = array<i32>} : memref<489x64xf32, #tpu.memory_space<vmem>>, vector<16xf32>,
        %get3A_746 = arith.constant 10 : i32
        %get3A_747 = arith.index_cast %get3A_746 : i32 to index
        %get3A_748 = arith.constant 48 : index
        %get3A_749 = tpu.vector_load %arg9[%get3A_747, %get3A_748] {strides = array<i32>} : memref<16x128xf32, #tpu.memory_space<vmem>>, vector<16xf32>,
        %add3A_750 = arith.addf %get3A_745, %get3A_749 : vector<16xf32>
        %mul3A_751 = arith.constant 5.000000e-01 : f32
        %mul3A_752 = vector.broadcast %mul3A_751 : f32 to vector<16xf32>
        %mul3A_753 = arith.mulf %mul3A_752, %add3A_750 : vector<16xf32>
        %swap3A_754 = arith.index_cast %squeeze3A_700 : i32 to index
        %swap3A_755 = arith.constant 48 : index
        %swap3A_756 = tpu.vector_load %arg8[%swap3A_754, %swap3A_755] {strides = array<i32>} : memref<489x64xf32, #tpu.memory_space<vmem>>, vector<16xf32>,
        tpu.vector_store %arg8[%swap3A_754, %swap3A_755], %mul3A_753 {strides = array<i32>} : memref<489x64xf32, #tpu.memory_space<vmem>>, vector<16xf32>,
        %slice3A_757 = vector.extract_strided_slice %get3A_120 {offsets = [11], sizes = [1], strides = [1]} : vector<16xi32> to vector<1xi32>
        %squeeze3A_758 = vector.extract %slice3A_757[0] : i32 from vector<1xi32>
        %get3A_759 = arith.index_cast %squeeze3A_758 : i32 to index
        %get3A_760 = arith.constant 0 : index
        %get3A_761 = tpu.vector_load %arg8[%get3A_759, %get3A_760] {strides = array<i32>} : memref<489x64xf32, #tpu.memory_space<vmem>>, vector<16xf32>,
        %get3A_762 = arith.constant 11 : i32
        %get3A_763 = arith.index_cast %get3A_762 : i32 to index
        %get3A_764 = arith.constant 0 : index
        %get3A_765 = tpu.vector_load %arg9[%get3A_763, %get3A_764] {strides = array<i32>} : memref<16x128xf32, #tpu.memory_space<vmem>>, vector<16xf32>,
        %add3A_766 = arith.addf %get3A_761, %get3A_765 : vector<16xf32>
        %mul3A_767 = arith.constant 5.000000e-01 : f32
        %mul3A_768 = vector.broadcast %mul3A_767 : f32 to vector<16xf32>
        %mul3A_769 = arith.mulf %mul3A_768, %add3A_766 : vector<16xf32>
        %swap3A_770 = arith.index_cast %squeeze3A_758 : i32 to index
        %swap3A_771 = arith.constant 0 : index
        %swap3A_772 = tpu.vector_load %arg8[%swap3A_770, %swap3A_771] {strides = array<i32>} : memref<489x64xf32, #tpu.memory_space<vmem>>, vector<16xf32>,
        tpu.vector_store %arg8[%swap3A_770, %swap3A_771], %mul3A_769 {strides = array<i32>} : memref<489x64xf32, #tpu.memory_space<vmem>>, vector<16xf32>,
        %get3A_773 = arith.index_cast %squeeze3A_758 : i32 to index
        %get3A_774 = arith.constant 16 : index
        %get3A_775 = tpu.vector_load %arg8[%get3A_773, %get3A_774] {strides = array<i32>} : memref<489x64xf32, #tpu.memory_space<vmem>>, vector<16xf32>,
        %get3A_776 = arith.constant 11 : i32
        %get3A_777 = arith.index_cast %get3A_776 : i32 to index
        %get3A_778 = arith.constant 16 : index
        %get3A_779 = tpu.vector_load %arg9[%get3A_777, %get3A_778] {strides = array<i32>} : memref<16x128xf32, #tpu.memory_space<vmem>>, vector<16xf32>,
        %add3A_780 = arith.addf %get3A_775, %get3A_779 : vector<16xf32>
        %mul3A_781 = arith.constant 5.000000e-01 : f32
        %mul3A_782 = vector.broadcast %mul3A_781 : f32 to vector<16xf32>
        %mul3A_783 = arith.mulf %mul3A_782, %add3A_780 : vector<16xf32>
        %swap3A_784 = arith.index_cast %squeeze3A_758 : i32 to index
        %swap3A_785 = arith.constant 16 : index
        %swap3A_786 = tpu.vector_load %arg8[%swap3A_784, %swap3A_785] {strides = array<i32>} : memref<489x64xf32, #tpu.memory_space<vmem>>, vector<16xf32>,
        tpu.vector_store %arg8[%swap3A_784, %swap3A_785], %mul3A_783 {strides = array<i32>} : memref<489x64xf32, #tpu.memory_space<vmem>>, vector<16xf32>,
        %get3A_787 = arith.index_cast %squeeze3A_758 : i32 to index
        %get3A_788 = arith.constant 32 : index
        %get3A_789 = tpu.vector_load %arg8[%get3A_787, %get3A_788] {strides = array<i32>} : memref<489x64xf32, #tpu.memory_space<vmem>>, vector<16xf32>,
        %get3A_790 = arith.constant 11 : i32
        %get3A_791 = arith.index_cast %get3A_790 : i32 to index
        %get3A_792 = arith.constant 32 : index
        %get3A_793 = tpu.vector_load %arg9[%get3A_791, %get3A_792] {strides = array<i32>} : memref<16x128xf32, #tpu.memory_space<vmem>>, vector<16xf32>,
        %add3A_794 = arith.addf %get3A_789, %get3A_793 : vector<16xf32>
        %mul3A_795 = arith.constant 5.000000e-01 : f32
        %mul3A_796 = vector.broadcast %mul3A_795 : f32 to vector<16xf32>
        %mul3A_797 = arith.mulf %mul3A_796, %add3A_794 : vector<16xf32>
        %swap3A_798 = arith.index_cast %squeeze3A_758 : i32 to index
        %swap3A_799 = arith.constant 32 : index
        %swap3A_800 = tpu.vector_load %arg8[%swap3A_798, %swap3A_799] {strides = array<i32>} : memref<489x64xf32, #tpu.memory_space<vmem>>, vector<16xf32>,
        tpu.vector_store %arg8[%swap3A_798, %swap3A_799], %mul3A_797 {strides = array<i32>} : memref<489x64xf32, #tpu.memory_space<vmem>>, vector<16xf32>,
        %get3A_801 = arith.index_cast %squeeze3A_758 : i32 to index
        %get3A_802 = arith.constant 48 : index
        %get3A_803 = tpu.vector_load %arg8[%get3A_801, %get3A_802] {strides = array<i32>} : memref<489x64xf32, #tpu.memory_space<vmem>>, vector<16xf32>,
        %get3A_804 = arith.constant 11 : i32
        %get3A_805 = arith.index_cast %get3A_804 : i32 to index
        %get3A_806 = arith.constant 48 : index
        %get3A_807 = tpu.vector_load %arg9[%get3A_805, %get3A_806] {strides = array<i32>} : memref<16x128xf32, #tpu.memory_space<vmem>>, vector<16xf32>,
        %add3A_808 = arith.addf %get3A_803, %get3A_807 : vector<16xf32>
        %mul3A_809 = arith.constant 5.000000e-01 : f32
        %mul3A_810 = vector.broadcast %mul3A_809 : f32 to vector<16xf32>
        %mul3A_811 = arith.mulf %mul3A_810, %add3A_808 : vector<16xf32>
        %swap3A_812 = arith.index_cast %squeeze3A_758 : i32 to index
        %swap3A_813 = arith.constant 48 : index
        %swap3A_814 = tpu.vector_load %arg8[%swap3A_812, %swap3A_813] {strides = array<i32>} : memref<489x64xf32, #tpu.memory_space<vmem>>, vector<16xf32>,
        tpu.vector_store %arg8[%swap3A_812, %swap3A_813], %mul3A_811 {strides = array<i32>} : memref<489x64xf32, #tpu.memory_space<vmem>>, vector<16xf32>,
        %slice3A_815 = vector.extract_strided_slice %get3A_120 {offsets = [12], sizes = [1], strides = [1]} : vector<16xi32> to vector<1xi32>
        %squeeze3A_816 = vector.extract %slice3A_815[0] : i32 from vector<1xi32>
        %get3A_817 = arith.index_cast %squeeze3A_816 : i32 to index
        %get3A_818 = arith.constant 0 : index
        %get3A_819 = tpu.vector_load %arg8[%get3A_817, %get3A_818] {strides = array<i32>} : memref<489x64xf32, #tpu.memory_space<vmem>>, vector<16xf32>,
        %get3A_820 = arith.constant 12 : i32
        %get3A_821 = arith.index_cast %get3A_820 : i32 to index
        %get3A_822 = arith.constant 0 : index
        %get3A_823 = tpu.vector_load %arg9[%get3A_821, %get3A_822] {strides = array<i32>} : memref<16x128xf32, #tpu.memory_space<vmem>>, vector<16xf32>,
        %add3A_824 = arith.addf %get3A_819, %get3A_823 : vector<16xf32>
        %mul3A_825 = arith.constant 5.000000e-01 : f32
        %mul3A_826 = vector.broadcast %mul3A_825 : f32 to vector<16xf32>
        %mul3A_827 = arith.mulf %mul3A_826, %add3A_824 : vector<16xf32>
        %swap3A_828 = arith.index_cast %squeeze3A_816 : i32 to index
        %swap3A_829 = arith.constant 0 : index
        %swap3A_830 = tpu.vector_load %arg8[%swap3A_828, %swap3A_829] {strides = array<i32>} : memref<489x64xf32, #tpu.memory_space<vmem>>, vector<16xf32>,
        tpu.vector_store %arg8[%swap3A_828, %swap3A_829], %mul3A_827 {strides = array<i32>} : memref<489x64xf32, #tpu.memory_space<vmem>>, vector<16xf32>,
        %get3A_831 = arith.index_cast %squeeze3A_816 : i32 to index
        %get3A_832 = arith.constant 16 : index
        %get3A_833 = tpu.vector_load %arg8[%get3A_831, %get3A_832] {strides = array<i32>} : memref<489x64xf32, #tpu.memory_space<vmem>>, vector<16xf32>,
        %get3A_834 = arith.constant 12 : i32
        %get3A_835 = arith.index_cast %get3A_834 : i32 to index
        %get3A_836 = arith.constant 16 : index
        %get3A_837 = tpu.vector_load %arg9[%get3A_835, %get3A_836] {strides = array<i32>} : memref<16x128xf32, #tpu.memory_space<vmem>>, vector<16xf32>,
        %add3A_838 = arith.addf %get3A_833, %get3A_837 : vector<16xf32>
        %mul3A_839 = arith.constant 5.000000e-01 : f32
        %mul3A_840 = vector.broadcast %mul3A_839 : f32 to vector<16xf32>
        %mul3A_841 = arith.mulf %mul3A_840, %add3A_838 : vector<16xf32>
        %swap3A_842 = arith.index_cast %squeeze3A_816 : i32 to index
        %swap3A_843 = arith.constant 16 : index
        %swap3A_844 = tpu.vector_load %arg8[%swap3A_842, %swap3A_843] {strides = array<i32>} : memref<489x64xf32, #tpu.memory_space<vmem>>, vector<16xf32>,
        tpu.vector_store %arg8[%swap3A_842, %swap3A_843], %mul3A_841 {strides = array<i32>} : memref<489x64xf32, #tpu.memory_space<vmem>>, vector<16xf32>,
        %get3A_845 = arith.index_cast %squeeze3A_816 : i32 to index
        %get3A_846 = arith.constant 32 : index
        %get3A_847 = tpu.vector_load %arg8[%get3A_845, %get3A_846] {strides = array<i32>} : memref<489x64xf32, #tpu.memory_space<vmem>>, vector<16xf32>,
        %get3A_848 = arith.constant 12 : i32
        %get3A_849 = arith.index_cast %get3A_848 : i32 to index
        %get3A_850 = arith.constant 32 : index
        %get3A_851 = tpu.vector_load %arg9[%get3A_849, %get3A_850] {strides = array<i32>} : memref<16x128xf32, #tpu.memory_space<vmem>>, vector<16xf32>,
        %add3A_852 = arith.addf %get3A_847, %get3A_851 : vector<16xf32>
        %mul3A_853 = arith.constant 5.000000e-01 : f32
        %mul3A_854 = vector.broadcast %mul3A_853 : f32 to vector<16xf32>
        %mul3A_855 = arith.mulf %mul3A_854, %add3A_852 : vector<16xf32>
        %swap3A_856 = arith.index_cast %squeeze3A_816 : i32 to index
        %swap3A_857 = arith.constant 32 : index
        %swap3A_858 = tpu.vector_load %arg8[%swap3A_856, %swap3A_857] {strides = array<i32>} : memref<489x64xf32, #tpu.memory_space<vmem>>, vector<16xf32>,
        tpu.vector_store %arg8[%swap3A_856, %swap3A_857], %mul3A_855 {strides = array<i32>} : memref<489x64xf32, #tpu.memory_space<vmem>>, vector<16xf32>,
        %get3A_859 = arith.index_cast %squeeze3A_816 : i32 to index
        %get3A_860 = arith.constant 48 : index
        %get3A_861 = tpu.vector_load %arg8[%get3A_859, %get3A_860] {strides = array<i32>} : memref<489x64xf32, #tpu.memory_space<vmem>>, vector<16xf32>,
        %get3A_862 = arith.constant 12 : i32
        %get3A_863 = arith.index_cast %get3A_862 : i32 to index
        %get3A_864 = arith.constant 48 : index
        %get3A_865 = tpu.vector_load %arg9[%get3A_863, %get3A_864] {strides = array<i32>} : memref<16x128xf32, #tpu.memory_space<vmem>>, vector<16xf32>,
        %add3A_866 = arith.addf %get3A_861, %get3A_865 : vector<16xf32>
        %mul3A_867 = arith.constant 5.000000e-01 : f32
        %mul3A_868 = vector.broadcast %mul3A_867 : f32 to vector<16xf32>
        %mul3A_869 = arith.mulf %mul3A_868, %add3A_866 : vector<16xf32>
        %swap3A_870 = arith.index_cast %squeeze3A_816 : i32 to index
        %swap3A_871 = arith.constant 48 : index
        %swap3A_872 = tpu.vector_load %arg8[%swap3A_870, %swap3A_871] {strides = array<i32>} : memref<489x64xf32, #tpu.memory_space<vmem>>, vector<16xf32>,
        tpu.vector_store %arg8[%swap3A_870, %swap3A_871], %mul3A_869 {strides = array<i32>} : memref<489x64xf32, #tpu.memory_space<vmem>>, vector<16xf32>,
        %slice3A_873 = vector.extract_strided_slice %get3A_120 {offsets = [13], sizes = [1], strides = [1]} : vector<16xi32> to vector<1xi32>
        %squeeze3A_874 = vector.extract %slice3A_873[0] : i32 from vector<1xi32>
        %get3A_875 = arith.index_cast %squeeze3A_874 : i32 to index
        %get3A_876 = arith.constant 0 : index
        %get3A_877 = tpu.vector_load %arg8[%get3A_875, %get3A_876] {strides = array<i32>} : memref<489x64xf32, #tpu.memory_space<vmem>>, vector<16xf32>,
        %get3A_878 = arith.constant 13 : i32
        %get3A_879 = arith.index_cast %get3A_878 : i32 to index
        %get3A_880 = arith.constant 0 : index
        %get3A_881 = tpu.vector_load %arg9[%get3A_879, %get3A_880] {strides = array<i32>} : memref<16x128xf32, #tpu.memory_space<vmem>>, vector<16xf32>,
        %add3A_882 = arith.addf %get3A_877, %get3A_881 : vector<16xf32>
        %mul3A_883 = arith.constant 5.000000e-01 : f32
        %mul3A_884 = vector.broadcast %mul3A_883 : f32 to vector<16xf32>
        %mul3A_885 = arith.mulf %mul3A_884, %add3A_882 : vector<16xf32>
        %swap3A_886 = arith.index_cast %squeeze3A_874 : i32 to index
        %swap3A_887 = arith.constant 0 : index
        %swap3A_888 = tpu.vector_load %arg8[%swap3A_886, %swap3A_887] {strides = array<i32>} : memref<489x64xf32, #tpu.memory_space<vmem>>, vector<16xf32>,
        tpu.vector_store %arg8[%swap3A_886, %swap3A_887], %mul3A_885 {strides = array<i32>} : memref<489x64xf32, #tpu.memory_space<vmem>>, vector<16xf32>,
        %get3A_889 = arith.index_cast %squeeze3A_874 : i32 to index
        %get3A_890 = arith.constant 16 : index
        %get3A_891 = tpu.vector_load %arg8[%get3A_889, %get3A_890] {strides = array<i32>} : memref<489x64xf32, #tpu.memory_space<vmem>>, vector<16xf32>,
        %get3A_892 = arith.constant 13 : i32
        %get3A_893 = arith.index_cast %get3A_892 : i32 to index
        %get3A_894 = arith.constant 16 : index
        %get3A_895 = tpu.vector_load %arg9[%get3A_893, %get3A_894] {strides = array<i32>} : memref<16x128xf32, #tpu.memory_space<vmem>>, vector<16xf32>,
        %add3A_896 = arith.addf %get3A_891, %get3A_895 : vector<16xf32>
        %mul3A_897 = arith.constant 5.000000e-01 : f32
        %mul3A_898 = vector.broadcast %mul3A_897 : f32 to vector<16xf32>
        %mul3A_899 = arith.mulf %mul3A_898, %add3A_896 : vector<16xf32>
        %swap3A_900 = arith.index_cast %squeeze3A_874 : i32 to index
        %swap3A_901 = arith.constant 16 : index
        %swap3A_902 = tpu.vector_load %arg8[%swap3A_900, %swap3A_901] {strides = array<i32>} : memref<489x64xf32, #tpu.memory_space<vmem>>, vector<16xf32>,
        tpu.vector_store %arg8[%swap3A_900, %swap3A_901], %mul3A_899 {strides = array<i32>} : memref<489x64xf32, #tpu.memory_space<vmem>>, vector<16xf32>,
        %get3A_903 = arith.index_cast %squeeze3A_874 : i32 to index
        %get3A_904 = arith.constant 32 : index
        %get3A_905 = tpu.vector_load %arg8[%get3A_903, %get3A_904] {strides = array<i32>} : memref<489x64xf32, #tpu.memory_space<vmem>>, vector<16xf32>,
        %get3A_906 = arith.constant 13 : i32
        %get3A_907 = arith.index_cast %get3A_906 : i32 to index
        %get3A_908 = arith.constant 32 : index
        %get3A_909 = tpu.vector_load %arg9[%get3A_907, %get3A_908] {strides = array<i32>} : memref<16x128xf32, #tpu.memory_space<vmem>>, vector<16xf32>,
        %add3A_910 = arith.addf %get3A_905, %get3A_909 : vector<16xf32>
        %mul3A_911 = arith.constant 5.000000e-01 : f32
        %mul3A_912 = vector.broadcast %mul3A_911 : f32 to vector<16xf32>
        %mul3A_913 = arith.mulf %mul3A_912, %add3A_910 : vector<16xf32>
        %swap3A_914 = arith.index_cast %squeeze3A_874 : i32 to index
        %swap3A_915 = arith.constant 32 : index
        %swap3A_916 = tpu.vector_load %arg8[%swap3A_914, %swap3A_915] {strides = array<i32>} : memref<489x64xf32, #tpu.memory_space<vmem>>, vector<16xf32>,
        tpu.vector_store %arg8[%swap3A_914, %swap3A_915], %mul3A_913 {strides = array<i32>} : memref<489x64xf32, #tpu.memory_space<vmem>>, vector<16xf32>,
        %get3A_917 = arith.index_cast %squeeze3A_874 : i32 to index
        %get3A_918 = arith.constant 48 : index
        %get3A_919 = tpu.vector_load %arg8[%get3A_917, %get3A_918] {strides = array<i32>} : memref<489x64xf32, #tpu.memory_space<vmem>>, vector<16xf32>,
        %get3A_920 = arith.constant 13 : i32
        %get3A_921 = arith.index_cast %get3A_920 : i32 to index
        %get3A_922 = arith.constant 48 : index
        %get3A_923 = tpu.vector_load %arg9[%get3A_921, %get3A_922] {strides = array<i32>} : memref<16x128xf32, #tpu.memory_space<vmem>>, vector<16xf32>,
        %add3A_924 = arith.addf %get3A_919, %get3A_923 : vector<16xf32>
        %mul3A_925 = arith.constant 5.000000e-01 : f32
        %mul3A_926 = vector.broadcast %mul3A_925 : f32 to vector<16xf32>
        %mul3A_927 = arith.mulf %mul3A_926, %add3A_924 : vector<16xf32>
        %swap3A_928 = arith.index_cast %squeeze3A_874 : i32 to index
        %swap3A_929 = arith.constant 48 : index
        %swap3A_930 = tpu.vector_load %arg8[%swap3A_928, %swap3A_929] {strides = array<i32>} : memref<489x64xf32, #tpu.memory_space<vmem>>, vector<16xf32>,
        tpu.vector_store %arg8[%swap3A_928, %swap3A_929], %mul3A_927 {strides = array<i32>} : memref<489x64xf32, #tpu.memory_space<vmem>>, vector<16xf32>,
        %slice3A_931 = vector.extract_strided_slice %get3A_120 {offsets = [14], sizes = [1], strides = [1]} : vector<16xi32> to vector<1xi32>
        %squeeze3A_932 = vector.extract %slice3A_931[0] : i32 from vector<1xi32>
        %get3A_933 = arith.index_cast %squeeze3A_932 : i32 to index
        %get3A_934 = arith.constant 0 : index
        %get3A_935 = tpu.vector_load %arg8[%get3A_933, %get3A_934] {strides = array<i32>} : memref<489x64xf32, #tpu.memory_space<vmem>>, vector<16xf32>,
        %get3A_936 = arith.constant 14 : i32
        %get3A_937 = arith.index_cast %get3A_936 : i32 to index
        %get3A_938 = arith.constant 0 : index
        %get3A_939 = tpu.vector_load %arg9[%get3A_937, %get3A_938] {strides = array<i32>} : memref<16x128xf32, #tpu.memory_space<vmem>>, vector<16xf32>,
        %add3A_940 = arith.addf %get3A_935, %get3A_939 : vector<16xf32>
        %mul3A_941 = arith.constant 5.000000e-01 : f32
        %mul3A_942 = vector.broadcast %mul3A_941 : f32 to vector<16xf32>
        %mul3A_943 = arith.mulf %mul3A_942, %add3A_940 : vector<16xf32>
        %swap3A_944 = arith.index_cast %squeeze3A_932 : i32 to index
        %swap3A_945 = arith.constant 0 : index
        %swap3A_946 = tpu.vector_load %arg8[%swap3A_944, %swap3A_945] {strides = array<i32>} : memref<489x64xf32, #tpu.memory_space<vmem>>, vector<16xf32>,
        tpu.vector_store %arg8[%swap3A_944, %swap3A_945], %mul3A_943 {strides = array<i32>} : memref<489x64xf32, #tpu.memory_space<vmem>>, vector<16xf32>,
        %get3A_947 = arith.index_cast %squeeze3A_932 : i32 to index
        %get3A_948 = arith.constant 16 : index
        %get3A_949 = tpu.vector_load %arg8[%get3A_947, %get3A_948] {strides = array<i32>} : memref<489x64xf32, #tpu.memory_space<vmem>>, vector<16xf32>,
        %get3A_950 = arith.constant 14 : i32
        %get3A_951 = arith.index_cast %get3A_950 : i32 to index
        %get3A_952 = arith.constant 16 : index
        %get3A_953 = tpu.vector_load %arg9[%get3A_951, %get3A_952] {strides = array<i32>} : memref<16x128xf32, #tpu.memory_space<vmem>>, vector<16xf32>,
        %add3A_954 = arith.addf %get3A_949, %get3A_953 : vector<16xf32>
        %mul3A_955 = arith.constant 5.000000e-01 : f32
        %mul3A_956 = vector.broadcast %mul3A_955 : f32 to vector<16xf32>
        %mul3A_957 = arith.mulf %mul3A_956, %add3A_954 : vector<16xf32>
        %swap3A_958 = arith.index_cast %squeeze3A_932 : i32 to index
        %swap3A_959 = arith.constant 16 : index
        %swap3A_960 = tpu.vector_load %arg8[%swap3A_958, %swap3A_959] {strides = array<i32>} : memref<489x64xf32, #tpu.memory_space<vmem>>, vector<16xf32>,
        tpu.vector_store %arg8[%swap3A_958, %swap3A_959], %mul3A_957 {strides = array<i32>} : memref<489x64xf32, #tpu.memory_space<vmem>>, vector<16xf32>,
        %get3A_961 = arith.index_cast %squeeze3A_932 : i32 to index
        %get3A_962 = arith.constant 32 : index
        %get3A_963 = tpu.vector_load %arg8[%get3A_961, %get3A_962] {strides = array<i32>} : memref<489x64xf32, #tpu.memory_space<vmem>>, vector<16xf32>,
        %get3A_964 = arith.constant 14 : i32
        %get3A_965 = arith.index_cast %get3A_964 : i32 to index
        %get3A_966 = arith.constant 32 : index
        %get3A_967 = tpu.vector_load %arg9[%get3A_965, %get3A_966] {strides = array<i32>} : memref<16x128xf32, #tpu.memory_space<vmem>>, vector<16xf32>,
        %add3A_968 = arith.addf %get3A_963, %get3A_967 : vector<16xf32>
        %mul3A_969 = arith.constant 5.000000e-01 : f32
        %mul3A_970 = vector.broadcast %mul3A_969 : f32 to vector<16xf32>
        %mul3A_971 = arith.mulf %mul3A_970, %add3A_968 : vector<16xf32>
        %swap3A_972 = arith.index_cast %squeeze3A_932 : i32 to index
        %swap3A_973 = arith.constant 32 : index
        %swap3A_974 = tpu.vector_load %arg8[%swap3A_972, %swap3A_973] {strides = array<i32>} : memref<489x64xf32, #tpu.memory_space<vmem>>, vector<16xf32>,
        tpu.vector_store %arg8[%swap3A_972, %swap3A_973], %mul3A_971 {strides = array<i32>} : memref<489x64xf32, #tpu.memory_space<vmem>>, vector<16xf32>,
        %get3A_975 = arith.index_cast %squeeze3A_932 : i32 to index
        %get3A_976 = arith.constant 48 : index
        %get3A_977 = tpu.vector_load %arg8[%get3A_975, %get3A_976] {strides = array<i32>} : memref<489x64xf32, #tpu.memory_space<vmem>>, vector<16xf32>,
        %get3A_978 = arith.constant 14 : i32
        %get3A_979 = arith.index_cast %get3A_978 : i32 to index
        %get3A_980 = arith.constant 48 : index
        %get3A_981 = tpu.vector_load %arg9[%get3A_979, %get3A_980] {strides = array<i32>} : memref<16x128xf32, #tpu.memory_space<vmem>>, vector<16xf32>,
        %add3A_982 = arith.addf %get3A_977, %get3A_981 : vector<16xf32>
        %mul3A_983 = arith.constant 5.000000e-01 : f32
        %mul3A_984 = vector.broadcast %mul3A_983 : f32 to vector<16xf32>
        %mul3A_985 = arith.mulf %mul3A_984, %add3A_982 : vector<16xf32>
        %swap3A_986 = arith.index_cast %squeeze3A_932 : i32 to index
        %swap3A_987 = arith.constant 48 : index
        %swap3A_988 = tpu.vector_load %arg8[%swap3A_986, %swap3A_987] {strides = array<i32>} : memref<489x64xf32, #tpu.memory_space<vmem>>, vector<16xf32>,
        tpu.vector_store %arg8[%swap3A_986, %swap3A_987], %mul3A_985 {strides = array<i32>} : memref<489x64xf32, #tpu.memory_space<vmem>>, vector<16xf32>,
        %slice3A_989 = vector.extract_strided_slice %get3A_120 {offsets = [15], sizes = [1], strides = [1]} : vector<16xi32> to vector<1xi32>
        %squeeze3A_990 = vector.extract %slice3A_989[0] : i32 from vector<1xi32>
        %get3A_991 = arith.index_cast %squeeze3A_990 : i32 to index
        %get3A_992 = arith.constant 0 : index
        %get3A_993 = tpu.vector_load %arg8[%get3A_991, %get3A_992] {strides = array<i32>} : memref<489x64xf32, #tpu.memory_space<vmem>>, vector<16xf32>,
        %get3A_994 = arith.constant 15 : i32
        %get3A_995 = arith.index_cast %get3A_994 : i32 to index
        %get3A_996 = arith.constant 0 : index
        %get3A_997 = tpu.vector_load %arg9[%get3A_995, %get3A_996] {strides = array<i32>} : memref<16x128xf32, #tpu.memory_space<vmem>>, vector<16xf32>,
        %add3A_998 = arith.addf %get3A_993, %get3A_997 : vector<16xf32>
        %mul3A_999 = arith.constant 5.000000e-01 : f32
        %mul3A_1000 = vector.broadcast %mul3A_999 : f32 to vector<16xf32>
        %mul3A_1001 = arith.mulf %mul3A_1000, %add3A_998 : vector<16xf32>
        %swap3A_1002 = arith.index_cast %squeeze3A_990 : i32 to index
        %swap3A_1003 = arith.constant 0 : index
        %swap3A_1004 = tpu.vector_load %arg8[%swap3A_1002, %swap3A_1003] {strides = array<i32>} : memref<489x64xf32, #tpu.memory_space<vmem>>, vector<16xf32>,
        tpu.vector_store %arg8[%swap3A_1002, %swap3A_1003], %mul3A_1001 {strides = array<i32>} : memref<489x64xf32, #tpu.memory_space<vmem>>, vector<16xf32>,
        %get3A_1005 = arith.index_cast %squeeze3A_990 : i32 to index
        %get3A_1006 = arith.constant 16 : index
        %get3A_1007 = tpu.vector_load %arg8[%get3A_1005, %get3A_1006] {strides = array<i32>} : memref<489x64xf32, #tpu.memory_space<vmem>>, vector<16xf32>,
        %get3A_1008 = arith.constant 15 : i32
        %get3A_1009 = arith.index_cast %get3A_1008 : i32 to index
        %get3A_1010 = arith.constant 16 : index
        %get3A_1011 = tpu.vector_load %arg9[%get3A_1009, %get3A_1010] {strides = array<i32>} : memref<16x128xf32, #tpu.memory_space<vmem>>, vector<16xf32>,
        %add3A_1012 = arith.addf %get3A_1007, %get3A_1011 : vector<16xf32>
        %mul3A_1013 = arith.constant 5.000000e-01 : f32
        %mul3A_1014 = vector.broadcast %mul3A_1013 : f32 to vector<16xf32>
        %mul3A_1015 = arith.mulf %mul3A_1014, %add3A_1012 : vector<16xf32>
        %swap3A_1016 = arith.index_cast %squeeze3A_990 : i32 to index
        %swap3A_1017 = arith.constant 16 : index
        %swap3A_1018 = tpu.vector_load %arg8[%swap3A_1016, %swap3A_1017] {strides = array<i32>} : memref<489x64xf32, #tpu.memory_space<vmem>>, vector<16xf32>,
        tpu.vector_store %arg8[%swap3A_1016, %swap3A_1017], %mul3A_1015 {strides = array<i32>} : memref<489x64xf32, #tpu.memory_space<vmem>>, vector<16xf32>,
        %get3A_1019 = arith.index_cast %squeeze3A_990 : i32 to index
        %get3A_1020 = arith.constant 32 : index
        %get3A_1021 = tpu.vector_load %arg8[%get3A_1019, %get3A_1020] {strides = array<i32>} : memref<489x64xf32, #tpu.memory_space<vmem>>, vector<16xf32>,
        %get3A_1022 = arith.constant 15 : i32
        %get3A_1023 = arith.index_cast %get3A_1022 : i32 to index
        %get3A_1024 = arith.constant 32 : index
        %get3A_1025 = tpu.vector_load %arg9[%get3A_1023, %get3A_1024] {strides = array<i32>} : memref<16x128xf32, #tpu.memory_space<vmem>>, vector<16xf32>,
        %add3A_1026 = arith.addf %get3A_1021, %get3A_1025 : vector<16xf32>
        %mul3A_1027 = arith.constant 5.000000e-01 : f32
        %mul3A_1028 = vector.broadcast %mul3A_1027 : f32 to vector<16xf32>
        %mul3A_1029 = arith.mulf %mul3A_1028, %add3A_1026 : vector<16xf32>
        %swap3A_1030 = arith.index_cast %squeeze3A_990 : i32 to index
        %swap3A_1031 = arith.constant 32 : index
        %swap3A_1032 = tpu.vector_load %arg8[%swap3A_1030, %swap3A_1031] {strides = array<i32>} : memref<489x64xf32, #tpu.memory_space<vmem>>, vector<16xf32>,
        tpu.vector_store %arg8[%swap3A_1030, %swap3A_1031], %mul3A_1029 {strides = array<i32>} : memref<489x64xf32, #tpu.memory_space<vmem>>, vector<16xf32>,
        %get3A_1033 = arith.index_cast %squeeze3A_990 : i32 to index
        %get3A_1034 = arith.constant 48 : index
        %get3A_1035 = tpu.vector_load %arg8[%get3A_1033, %get3A_1034] {strides = array<i32>} : memref<489x64xf32, #tpu.memory_space<vmem>>, vector<16xf32>,
        %get3A_1036 = arith.constant 15 : i32
        %get3A_1037 = arith.index_cast %get3A_1036 : i32 to index
        %get3A_1038 = arith.constant 48 : index
        %get3A_1039 = tpu.vector_load %arg9[%get3A_1037, %get3A_1038] {strides = array<i32>} : memref<16x128xf32, #tpu.memory_space<vmem>>, vector<16xf32>,
        %add3A_1040 = arith.addf %get3A_1035, %get3A_1039 : vector<16xf32>
        %mul3A_1041 = arith.constant 5.000000e-01 : f32
        %mul3A_1042 = vector.broadcast %mul3A_1041 : f32 to vector<16xf32>
        %mul3A_1043 = arith.mulf %mul3A_1042, %add3A_1040 : vector<16xf32>
        %swap3A_1044 = arith.index_cast %squeeze3A_990 : i32 to index
        %swap3A_1045 = arith.constant 48 : index
        %swap3A_1046 = tpu.vector_load %arg8[%swap3A_1044, %swap3A_1045] {strides = array<i32>} : memref<489x64xf32, #tpu.memory_space<vmem>>, vector<16xf32>,
        tpu.vector_store %arg8[%swap3A_1044, %swap3A_1045], %mul3A_1043 {strides = array<i32>} : memref<489x64xf32, #tpu.memory_space<vmem>>, vector<16xf32>,
      }
      %add3A_81 = arith.constant 15616 : i32
      %add3A_82 = arith.addi %mul3A_3, %add3A_81 : i32
      %dma_start3A_83 = arith.constant 0 : i32
      %dma_start3A_84 = arith.constant 0 : i32
      %dma_start3A_85 = tpu.memref_slice %arg8[%dma_start3A_83, %dma_start3A_84] : memref<489x64xf32, #tpu.memory_space<vmem>> -> memref<288x64xf32, #tpu.memory_space<vmem>>
      %dma_start3A_86 = arith.constant 0 : i32
      %dma_start3A_87 = tpu.memref_slice %arg5[%add3A_82, %dma_start3A_86] : memref<500000x64xf32, #tpu.memory_space<hbm>> -> memref<288x64xf32, #tpu.memory_space<hbm>>
      %dma_start3A_88 = arith.constant 0 : i32
      %dma_start3A_89 = tpu.memref_slice %arg5[%add3A_82, %dma_start3A_88] : memref<500000x64xf32, #tpu.memory_space<hbm>> -> memref<288x64xf32, #tpu.memory_space<hbm>>
      %dma_start3A_90 = arith.constant 0 : i32
      %dma_start3A_91 = arith.constant 0 : i32
      %dma_start3A_92 = tpu.memref_slice %arg8[%dma_start3A_90, %dma_start3A_91] : memref<489x64xf32, #tpu.memory_space<vmem>> -> memref<288x64xf32, #tpu.memory_space<vmem>>
      tpu.enqueue_dma source(%dma_start3A_92 : memref<288x64xf32, #tpu.memory_space<vmem>>) target(%dma_start3A_89 : memref<288x64xf32, #tpu.memory_space<hbm>>) target_semaphore(%arg13 : memref<!tpu.dma_semaphore, #tpu.memory_space<semaphore_mem>>)
      %dma_wait3A_93 = arith.constant 0 : i32
      %dma_wait3A_94 = arith.constant 0 : i32
      %dma_wait3A_95 = tpu.memref_slice %arg8[%dma_wait3A_93, %dma_wait3A_94] : memref<489x64xf32, #tpu.memory_space<vmem>> -> memref<288x64xf32, #tpu.memory_space<vmem>>
      %dma_wait3A_96 = arith.constant 0 : i32
      %dma_wait3A_97 = tpu.memref_slice %arg5[%add3A_82, %dma_wait3A_96] : memref<500000x64xf32, #tpu.memory_space<hbm>> -> memref<288x64xf32, #tpu.memory_space<hbm>>
      %dma_wait3A_98 = arith.constant 0 : i32
      %dma_wait3A_99 = tpu.memref_slice %arg5[%add3A_82, %dma_wait3A_98] : memref<500000x64xf32, #tpu.memory_space<hbm>> -> memref<288x64xf32, #tpu.memory_space<hbm>>
      %dma_wait3A_100 = arith.constant 0 : i32
      %dma_wait3A_101 = arith.constant 0 : i32
      %dma_wait3A_102 = tpu.memref_slice %arg8[%dma_wait3A_100, %dma_wait3A_101] : memref<489x64xf32, #tpu.memory_space<vmem>> -> memref<288x64xf32, #tpu.memory_space<vmem>>
      tpu.wait_dma2 semaphore(%arg13 : memref<!tpu.dma_semaphore, #tpu.memory_space<semaphore_mem>>) src(%dma_wait3A_102 : memref<288x64xf32, #tpu.memory_space<vmem>>) dst(%dma_wait3A_99 : memref<288x64xf32, #tpu.memory_space<hbm>>)
    } else {
    }
    return
  }
}

</mosaic_0001>

<sc_bundles>
// kernel: kernel.3.cloned.1.call-start
scs
__scs_entry_jumppad:
0x0: {  	(pc) =	sbr.rel $0x88, $3  }
0x1: {  	(tag) =	ssettag $0x0;
	lr =	simm.s32 $0x1  }
0x2: {  	[smem:$0x3F9E] =	sst lr;
	_ =	strace $0xD0000000  }
0x3: {  	_ = 	snop  }
0x4: {  	_ = 	snop  }
0x5: {  	_ = 	snop  }
0x6: {  	_ = 	snop  }
0x7: {  	_ = 	snop  }
__scs_overlays_trampoline_lowered:
0x8: {  	[smem:$0x3FAD] =	sst s0  }
0x9: {  	[smem:$0x3FAE] =	sst s1  }
0xa: {  	[smem:$0x3FAF] =	sst s2  }
0xb: {  	[smem:$0x3FB0] =	sst s3  }
0xc: {  	[smem:$0x3FB1] =	sst s4  }
0xd: {  	[smem:$0x3FB2] =	sst s5  }
0xe: {  	[smem:$0x3FB3] =	sst s6  }
0xf: {  	[smem:$0x3FB4] =	sst s7  }
0x10: {  	[smem:$0x3FB5] =	sst s8  }
0x11: {  	[smem:$0x3FB6] =	sst s9;
	s0 =	simm.s32 @!p0 $0x0  }
0x12: {  	s1 =	sld [smem:$0x3F9C];
	s0 =	simm.s32 @p0 $0x1  }
0x13: {  	[smem:$0x3FB7] =	sst s0;
	s0 =	simm.s32 @!p1 $0x0  }
0x14: {  	s2 =	sld [smem:$0x3F9B];
	s0 =	simm.s32 @p1 $0x1  }
0x15: {  	[smem:$0x3FB8] =	sst s0;
	s0 =	simm.s32 @!p2 $0x0  }
0x16: {  	s3 =	sld [smem:$0x3FDB];
	s0 =	simm.s32 @p2 $0x1  }
0x17: {  	s4 =	simm.s32 $0x1BF5;
	[smem:$0x3FBA] =	sst s0  }
0x18: {  	s0 =	sld [smem:$0x3F9D];
	_ =	swait.ge [sflag:s4], $0x0  }
0x19: {  	s7 =	sld [smem:$0x3F9E]  }
0x1a: {  	s8 =	sadd.s32 $0xFFFFE003, lr  }
0x1b: {  	s9 =	sadd.s32 $0xFFFFFEF7, lr;
	s5 =	simm.s32 $0xFFFFFFFF;
	p2 =	slt.u32 s8, $0xFFFFF086  }
0x1c: {  	p1 =	slt.u32 s9, $0xF7A;
	s5 =	simm.s32 @!p2 $0x0  }
0x1d: {  	s5 =	simm.s32 @p1 $0x1;
	p0 =	seq.s32 s7, s2  }
0x1e: {  	s7 =	smul.u32 @!p0 $0xF7A, s2;
	p2 =	seq.s32 @!p0 s5, $0x0  }
0x1f: {  	s9 =	smul.u32 $0xF7A, s1;
	s8 =	simm.s32 @!p0 $0x1BF5;
	p2 =	por !p2, p0  }
0x20: {  	[sflag:s8] =	ssyncset.s32 @!p0 $0xFFFFF086;
	s6 =	sadd.s32 @!p0 s3, s7;
	s7 =	simm.s32 @!p0 $0x108  }
0x21: {  	s3 =	sadd.s32 s3, s9;
	s6 =	sadd.s32 @!p0 $0x88, s6;
	s7 =	simm.s32 @p2 $0x1082  }
0x22: {  	[simem:s7], [sflag:s8] =	dma.local @!p0 [hbm:s6], $0xF7A  }
0x23: {  	s9 =	sor.u32 $0xD0000000, s2;
	s6 =	simm.s32 $0x108;
	_ =	swait.ge @!p0 [sflag:s8], $0x0  }
0x24: {  	s3 =	sadd.s32 $0x88, s3;
	s6 =	simm.s32 @!p1 $0x1082;
	[sflag:s4] =	ssyncset.s32 $0xFFFFF086  }
0x25: {  	[simem:s6], [sflag:s4] =	dma.local [hbm:s3], $0xF7A  }
0x26: {  	[smem:$0x3F9E] =	sst s1;
	(tag) =	ssettag s2;
	_ =	strace s9  }
0x27: {  	s1 =	sld [smem:$0x3FAE]  }
0x28: {  	s2 =	sld [smem:$0x3FAF]  }
0x29: {  	s4 =	sld [smem:$0x3FB1]  }
0x2a: {  	p0 =	seq.s32 s5, $0x0;
	s5 =	sld [smem:$0x3FB2]  }
0x2b: {  	s6 =	sld [smem:$0x3FB3]  }
0x2c: {  	s7 =	sld [smem:$0x3FB4]  }
0x2d: {  	s3 =	simm.s32 $0x108;
	s8 =	sld [smem:$0x3FB5]  }
0x2e: {  	s3 =	simm.s32 @!p0 $0x1082;
	s9 =	sld [smem:$0x3FB6]  }
0x2f: {  	lr =	sadd.s32 s0, s3;
	s0 =	sld [smem:$0x3FAD]  }
0x30: {  	s3 =	sld [smem:$0x3FB0]  }
0x31: {  	[smem:$0x3FB9] =	sst s10  }
0x32: {  	s10 =	sld [smem:$0x3FB7];
	_ =	sdelay $0x3  }
0x33: {  	p0 =	seq.s32 s10, $0x1;
	s10 =	sld [smem:$0x3FB9];
	_ =	sdelay $0x3  }
0x34: {  	[smem:$0x3FB9] =	sst s10  }
0x35: {  	s10 =	sld [smem:$0x3FB8];
	_ =	sdelay $0x3  }
0x36: {  	p1 =	seq.s32 s10, $0x1;
	s10 =	sld [smem:$0x3FB9];
	_ =	sdelay $0x3  }
0x37: {  	[smem:$0x3FB9] =	sst s10  }
0x38: {  	s10 =	sld [smem:$0x3FBA]  }
0x39: {  	_ = 	snop;
	(pc) =	sbr.ind lr, $3  }
0x3a: {  	_ = 	snop  }
0x3b: {  	_ = 	snop  }
0x3c: {  	p2 =	seq.s32 s10, $0x1;
	s10 =	sld [smem:$0x3FB9]  }
0x3d: {  	_ =	shalt  }
0x3e: {  	_ =	shalt  }
0x3f: {  	_ =	shalt  }
0x40: {  	_ =	shalt  }
0x41: {  	_ =	shalt  }
0x42: {  	_ =	shalt  }
0x43: {  	_ =	shalt  }
0x44: {  	_ =	shalt  }
0x45: {  	_ =	shalt  }
0x46: {  	_ =	shalt  }
0x47: {  	_ =	shalt  }
0x48: {  	_ =	shalt  }
0x49: {  	_ =	shalt  }
0x4a: {  	_ =	shalt  }
0x4b: {  	_ =	shalt  }
0x4c: {  	_ =	shalt  }
0x4d: {  	_ =	shalt  }
0x4e: {  	_ =	shalt  }
0x4f: {  	_ =	shalt  }
0x50: {  	_ =	shalt  }
0x51: {  	_ =	shalt  }
0x52: {  	_ =	shalt  }
0x53: {  	_ =	shalt  }
0x54: {  	_ =	shalt  }
0x55: {  	_ =	shalt  }
0x56: {  	_ =	shalt  }
0x57: {  	_ =	shalt  }
0x58: {  	_ =	shalt  }
0x59: {  	_ =	shalt  }
0x5a: {  	_ =	shalt  }
0x5b: {  	_ =	shalt  }
0x5c: {  	_ =	shalt  }
0x5d: {  	_ =	shalt  }
0x5e: {  	_ =	shalt  }
0x5f: {  	_ =	shalt  }
0x60: {  	_ =	shalt  }
0x61: {  	_ =	shalt  }
0x62: {  	_ =	shalt  }
0x63: {  	_ =	shalt  }
0x64: {  	_ =	shalt  }
0x65: {  	_ =	shalt  }
0x66: {  	_ =	shalt  }
0x67: {  	_ =	shalt  }
0x68: {  	_ =	shalt  }
0x69: {  	_ =	shalt  }
0x6a: {  	_ =	shalt  }
0x6b: {  	_ =	shalt  }
0x6c: {  	_ =	shalt  }
0x6d: {  	_ =	shalt  }
0x6e: {  	_ =	shalt  }
0x6f: {  	_ =	shalt  }
0x70: {  	_ =	shalt  }
0x71: {  	_ =	shalt  }
0x72: {  	_ =	shalt  }
0x73: {  	_ =	shalt  }
0x74: {  	_ =	shalt  }
0x75: {  	_ =	shalt  }
0x76: {  	_ =	shalt  }
0x77: {  	_ =	shalt  }
0x78: {  	_ =	shalt  }
0x79: {  	_ =	shalt  }
0x7a: {  	_ =	shalt  }
0x7b: {  	_ =	shalt  }
0x7c: {  	_ =	shalt  }
0x7d: {  	_ =	shalt  }
0x7e: {  	_ =	shalt  }
0x7f: {  	_ =	shalt  }
0x80: {  	_ =	shalt  }
0x81: {  	_ =	shalt  }
0x82: {  	_ =	shalt  }
0x83: {  	_ =	shalt  }
0x84: {  	_ =	shalt  }
0x85: {  	_ =	shalt  }
0x86: {  	_ =	shalt  }
0x87: {  	_ =	shalt  }
.Lfunc_end0:
.L_simem_size_0:
called_computation_lowered:
.L_overlay_start_0:
0x88: {  	s2 =	sld [smem:$0x3FD9]  }
0x89: {  	s3 =	sld [smem:$0x3FFE];
	_ =	sdelay $0x1  }
0x8a: {  	s1 =	srdreg.scid  }
0x8b: {  	s0 =	sand.u32 $0x1, s1  }
0x8c: {  	s17 =	sshll.u32 s0, $0xA;
	s2 =	sadd.s32 s3, s2  }
0x8d: {  	s2 =	sadd.s32 s2, s17  }
0x8e: {  	[smem:$0x3FC5] =	sst s2  }
0x8f: {  	_ = 	snop  }
0x90: {  	s2 =	sld [smem:$0x3FC8];
	(tm) =	ssettm $0x1  }
0x91: {  	s18 =	sld [smem:$0x3FFB];
	_ =	sdelay $0x3  }
0x92: {  	_ =	strace s18  }
0x93: {  	s3 =	sld [smem:$0x3FFC];
	_ =	sdelay $0x3  }
0x94: {  	_ =	strace s3  }
0x95: {  	s3 =	sld [smem:$0x3FFD];
	_ =	sdelay $0x3  }
0x96: {  	_ =	strace s3  }
0x97: {  	_ =	strace $0x8FFFFFFF  }
0x98: {  	s19 =	sld [smem:$0x3FDB];
	_ =	sdelay $0x1  }
0x99: {  	s4 =	simm.s32 $_scs_section_size  }
0x9a: {  	s5 =	simm.s32 $_size__tile_overlayer_lowered;
	s6 =	simm.s32 $_tile_overlayer_lowered  }
0x9b: {  	s22 =	simm.s32 $0x1BFF;
	s21 =	sshll.u32 s6, $0x1;
	s3 =	sadd.s32 s4, s19  }
0x9c: {  	s7 =	simm.s32 $0x0;
	s20 =	sshll.u32 s5, $0x1;
	s5 =	sadd.s32 s21, s3  }
0x9d: {  	[timem:s7], [sflag:s22] =	dma.local [hbm:s5], s20  }
0x9e: {  	_ =	swait.ge [sflag:s22], s20  }
0x9f: {  	s4 =	ssub.s32 $0x0, s20;
	[sflag:s22] =	ssyncset.done $0x0  }
0xa0: {  	[sflag:s22] =	ssyncadd.s32 s4;
	_ =	sdelay $0x1  }
0xa1: {  	s23 =	simm.s32 $0x1B8B  }
0xa2: {  	_ =	swait.ge [sflag:s23], $0x1  }
0xa3: {  	[sflag:s23] =	ssyncset.done $0x0  }
0xa4: {  	s25 =	simm.s32 $0x1B8E;
	s24 =	sld [smem:$0x3FFE];
	[sflag:s23] =	ssyncadd.s32 $0xFFFFFFFF  }
0xa5: {  	s26 =	simm.s32 $execute0_lowered;
	[smem:$0x3FD2] =	sst s25  }
0xa6: {  	s5 =	sshll.u32 s26, $0x1;
	_ =	strace $0x80000046;
	[dreg:$0x1] =	wrdreg $0xFFFFFFFF  }
0xa7: {  	s28 =	simm.s32 $_size_execute0_lowered;
	s3 =	sadd.s32 s3, s5;
	[dreg:$0x0] =	wrdreg $0x0  }
0xa8: {  	s5 =	sshll.u32 s28, $0x1;
	[dreg:$0x2] =	wrdreg s3  }
0xa9: {  	[dreg:$0x3] =	wrdreg s5  }
0xaa: {  	[dreg:$0x4] =	wrdreg $0xC0  }
0xab: {  	_ =	task [dreg:s7], $0x5FFFF  }
0xac: {  	[dreg:$0x1] =	wrdreg $0xFFFFFFFF  }
0xad: {  	[dreg:$0x0] =	wrdreg $0x60  }
0xae: {  	[dreg:$0x2] =	wrdreg s24  }
0xaf: {  	[dreg:$0x3] =	wrdreg s2  }
0xb0: {  	[dreg:$0x4] =	wrdreg $0x9  }
0xb1: {  	_ =	task.clear_ibuf [dreg:s7], $0x5FFFF;
	_ =	strace $0x90000046  }
0xb2: {  	s29 =	simm.s32 $0x9;
	_ =	strace $0x80000048  }
0xb3: {  	_ =	swait.ge [sflag:s29], $0x1  }
0xb4: {  	[sflag:s29] =	ssyncadd.s32 $0xFFFFFFFF  }
0xb5: {  	_ =	strace $0x90000048  }
0xb6: {  	_ =	sfence  }
0xb7: {  	s30 =	sld [smem:$0x0];
	_ =	sdelay $0x2  }
0xb8: {  	s31 =	sshll.u32 s1, $0xD;
	s1 =	sshrl.u32 s1, $0x2  }
0xb9: {  	s3 =	sand.u32 $0x4000, s31;
	s1 =	sadd.s32 s1, s30  }
0xba: {  	s0 =	sor.u32 s3, s0;
	s1 =	sshll.u32 s1, $0x11  }
0xbb: {  	s0 =	sor.u32 s1, s0  }
0xbc: {  	s0 =	sadd.s32 $0x8F2B, s0  }
0xbd: {  	[sflag:s0] =	ssyncadd.remote.s32 $0x1  }
0xbe: {  	_ =	sfence.sel $0xFFFF  }
0xbf: {  	[dreg:$0x0] =	wrdreg $0xFFFFFFFF;
	(pc) =	sbr.abs _section_cstart, $3  }
0xc0: {  	[dreg:$0x1] =	wrdreg $0xFFFFFFFF  }
0xc1: {  	_ =	task.clear_ibuf [dreg:s7], $0x2FFFF;
	_ =	strace $0x9FFFFFFF  }
0xc2: {  	(tm) =	ssettm $0x7FFFFFFF  }
0xc3: {  	_ =	shalt  }
tec
execute0_lowered:
.L_overlay_start_1:
0x0: {  	(tag) =	ssettag $0x1  }
0x1: {  	s9 =	rddreg [dreg:$0x0]  }
0x2: {  	s1 =	rddreg [dreg:$0x1]  }
0x3: {  	s0 =	rddreg [dreg:$0x2]  }
0x4: {  	s2 =	simm.s32 $0x0;
	s3 =	srdreg.scid;
	s15 =	simm.s32 $0x3E20  }
0x5: {  	s12 =	simm.s32 $0x4;
	s13 =	simm.s32 $0x4680;
	s14 =	simm.s32 $0x1  }
0x6: {  	s17 =	simm.s32 $0x3;
	s18 =	simm.s32 $0x2;
	[smem:$0x7FF] =	sst s2  }
0x7: {  	s7 =	sand.u32 $0x1, s3;
	s4 =	sadd.s32 $0x400, s9;
	s3 =	stileid.u32  }
0x8: {  	s5 =	sadd.s32 $0x7A1600, s9;
	s6 =	sadd.s32 $0x8A1600, s9;
	s8 =	ssub.s32 $0x2, s7  }
0x9: {  	_ =	strace $0x80000047;
	s11 =	sshll.u32 s3, $0x1;
	s10 =	sshrl.u32 s8, $0x1  }
.Ltmp0:
0xa: {  	s19 =	sor.u32 s7, s11;
	s11 =	simm.s32 $0x3E80;
	(pc) =	sbr.rel .LBB2_1-.Ltmp0, $4  }
0xb: {  	p0 =	seq.s32 s19, $0x1F;
	s7 =	smul.u32 $0x3D00, s19;
	s16 =	sshll.u32 s19, $0xB  }
0xc: {  	v1 =	vlaneseq.u32;
	v4 =	vimm.s32 $0xFFFFFFFF;
	s10 =	ssub.s32 s8, s10;
	s8 =	sadd.s32 $0x7A0400, s9;
	s9 =	sadd.s32 $0x1041600, s9  }
0xd: {  	v5 =	vimm.s32 $0x0;
	v6 =	vimm.s32 $0x1E8;
	s15 =	simm.s32 @!p0 $0x3D00;
	s10 =	smax.u32 s10, $0x1;
	v3 =	vor.u32 s16, v1;
	s16 =	simm.s32 $0x13E80  }
0xe: {  	v7 =	vor.u32 $0xF800, v1;
	p0 =	sne.s32 s19, $0x1F;
	s19 =	simm.s32 $0x0;
	v0 =	vmov s7;
	v2 =	vmov s15;
	s15 =	simm.s32 $0x10  }
.LBB2_20:
0xf: {  	[hbm4b:s9+s2] =	stream.linear.scatter [tilespmem:s13], [sflag:$0x2], $0x9000, $0x38;
	[tilespmem:$0x14A80] =	vst v63  }
0x10: {  	_ =	swait.ge [sflag:s18], $0x9000  }
0x11: {  	[sflag:s18] =	ssyncset.done $0x0  }
0x12: {  	[sflag:s18] =	ssyncadd.s32 $0xFFFF7000  }
.LBB2_21:
0x13: {  	s19 =	sadd.s32 $0x1, s19  }
0x14: {  	p1 =	sne.s32 s19, s10  }
.Ltmp1:
0x15: {  	_ = 	snop;
	(pc) =	sbr.rel @!p1 .LBB2_22-.Ltmp1, $1  }
0x16: {  	_ =	sdelay $0x3  }
.LBB2_1:
0x17: {  	s20 =	simm.s32 $0x40;
	s21 =	simm.s32 $0x0  }
.LBB2_2:
0x18: {  	p1 =	sne.s32 s20, $0xF840;
	[tilespmem:s21+$0x0] =	vst v4;
	s21 =	smov.u32 s20;
	s20 =	sadd.s32 $0x40, s20  }
.Ltmp2:
0x19: {  	(pc) =	sbr.rel @p1 .LBB2_2-.Ltmp2, $2  }
0x1a: {  	_ =	sdelay $0x2  }
0x1b: {  	s21 =	sshra.s32 s21, $0x2  }
0x1c: {  	[tilespmem:s21+$0x0] =	vst v4;
	s21 =	simm.s32 $0x0;
	s22 =	simm.s32 $0x0;
	s23 =	simm.s32 $0x0  }
.LBB2_4:
0x1d: {  	s20 =	sshll.u32 s23, $0x8  }
0x1e: {  	s20 =	sadd.s32 s1, s20  }
0x1f: {  	[tilespmem:s11], [sflag:$0x4] =	stream.linear.gather [hbm4b:s20+s21], $0x800, $0x38;
	[tilespmem:$0x14A80] =	vst v63  }
0x20: {  	_ =	swait.ge [sflag:s12], $0x800  }
0x21: {  	[sflag:s12] =	ssyncset.done $0x0  }
0x22: {  	s31 =	simm.s32 $0x0;
	[sflag:s12] =	ssyncadd.s32 $0xFFFFF800  }
0x23: {  	v8 =	vld [tilespmem:s31+$0x3E80];
	_ =	sdelay $0x4  }
0x24: {  	v8 =	vsub.s32 v8, v0  }
0x25: {  	vm0 =	vgt.s32 v8, $0xFFFFFFFF;
	vm1 =	vlt.s32 v8, v2  }
0x26: {  	vm0 =	vmand vm0, vm1  }
0x27: {  	v8 =	vnsel vm0, $0x0, v8;
	_ =	sdelay $0x4  }
0x28: {  	v9 =	vld.idx.msk [tilespmem:v8+s2+$0x0], vm0;
	_ =	sdelay $0x3  }
0x29: {  	v10 =	vor.u32 s22, v1  }
0x2a: {  	vm15 =	vgt.s32 v9, v10  }
0x2b: {  	v9 =	vsel vm15, v9, v10  }
0x2c: {  	s25 =	simm.s32 $0x10;
	s24 =	simm.s32 $0x80;
	s20 =	smov.u32 s22;
	[tilespmem:v8+s2+$0x0] =	vst.idx.msk vm0, v9  }
.LBB2_5:
0x2d: {  	p1 =	sne.s32 s24, $0x1FC0;
	v8 =	vld [tilespmem:s25+$0x3E80];
	_ =	sdelay $0x4  }
0x2e: {  	v8 =	vsub.s32 v8, v0  }
0x2f: {  	vm0 =	vgt.s32 v8, $0xFFFFFFFF;
	vm1 =	vlt.s32 v8, v2  }
0x30: {  	vm0 =	vmand vm0, vm1  }
0x31: {  	v8 =	vnsel vm0, $0x0, v8;
	_ =	sdelay $0x4  }
0x32: {  	v9 =	vld.idx.msk [tilespmem:v8+s2+$0x0], vm0;
	_ =	sdelay $0x3  }
.Ltmp3:
0x33: {  	s20 =	sadd.s32 $0x10, s20;
	(pc) =	sbr.rel @p1 .LBB2_5-.Ltmp3, $4  }
0x34: {  	v10 =	vor.u32 s20, v1  }
0x35: {  	vm1 =	vgt.s32 v9, v10  }
0x36: {  	v9 =	vsel vm1, v9, v10  }
0x37: {  	s25 =	sshra.s32 s24, $0x2;
	s24 =	sadd.s32 $0x40, s24;
	[tilespmem:v8+s2+$0x0] =	vst.idx.msk vm0, v9  }
0x38: {  	v8 =	vld [tilespmem:s25+$0x3E80];
	_ =	sdelay $0x4  }
0x39: {  	v8 =	vsub.s32 v8, v0  }
0x3a: {  	vm0 =	vgt.s32 v8, $0xFFFFFFFF;
	vm1 =	vlt.s32 v8, v2  }
0x3b: {  	vm0 =	vmand vm0, vm1  }
0x3c: {  	v8 =	vnsel vm0, $0x0, v8;
	_ =	sdelay $0x4  }
0x3d: {  	v9 =	vld.idx.msk [tilespmem:v8+s2+$0x0], vm0  }
0x3e: {  	s23 =	sadd.s32 $0x1, s23  }
0x3f: {  	p1 =	sne.s32 s23, $0x20  }
.Ltmp4:
0x40: {  	s20 =	sadd.s32 $0x10, s20;
	(pc) =	sbr.rel @p1 .LBB2_4-.Ltmp4, $4  }
0x41: {  	v10 =	vor.u32 s20, v1  }
0x42: {  	vm15 =	vgt.s32 v9, v10  }
0x43: {  	v9 =	vsel vm15, v9, v10  }
0x44: {  	s22 =	sadd.s32 $0x800, s22;
	s20 =	simm.s32 $0x0;
	[tilespmem:v8+s2+$0x0] =	vst.idx.msk vm0, v9  }
.Ltmp5:
0x45: {  	(pc) =	sbr.rel .LBB2_8-.Ltmp5, $2  }
0x46: {  	_ =	sdelay $0x2  }
0x47: {  	s21 =	simm.s32 $0x0;
	s22 =	simm.s32 $0x0  }
.LBB2_13:
0x48: {  	s22 =	sadd.s32 $0x1, s22  }
0x49: {  	p1 =	sne.s32 s22, $0x20  }
.Ltmp6:
0x4a: {  	s23 =	sadd.s32 s6, s23;
	(pc) =	sbr.rel @!p1 .LBB2_14-.Ltmp6, $4  }
0x4b: {  	[hbm4b:s23+s2] =	stream.linear.scatter [tilespmem:s13], [sflag:$0x2], $0xF400, $0x38;
	[tilespmem:$0x14A80] =	vst v63  }
0x4c: {  	_ =	swait.ge [sflag:s18], $0xF400  }
0x4d: {  	[sflag:s18] =	ssyncset.done $0x0  }
0x4e: {  	s21 =	sadd.s32 $0x1E8, s21;
	[sflag:s18] =	ssyncadd.s32 $0xFFFF0C00  }
.LBB2_8:
0x4f: {  	s23 =	smul.u32 $0x1E8, s22;
	_ =	sdelay $0x1  }
0x50: {  	s23 =	sadd.s32 s7, s23  }
0x51: {  	s23 =	sshll.u32 s23, $0x4  }
0x52: {  	s24 =	sadd.s32 s4, s23  }
0x53: {  	[tilespmem:s13], [sflag:$0x1] =	stream.linear.gather [hbm4b:s24+s20], $0xF400, $0x38;
	[tilespmem:$0x14A80] =	vst v63  }
0x54: {  	_ =	swait.ge [sflag:s14], $0xF400  }
0x55: {  	[sflag:s14] =	ssyncset.done $0x0  }
0x56: {  	[sflag:s14] =	ssyncadd.s32 $0xFFFF0C00  }
0x57: {  	v8 =	vld [tilespmem:s21+$0x0];
	_ =	sdelay $0x3  }
0x58: {  	v9 =	vor.u32 s20, v1  }
0x59: {  	vm1 =	vlt.u32 v9, $0x1E8;
	vm0 =	vgt.s32 v8, $0xFFFFFFFF  }
0x5a: {  	vm0 =	vmand vm1, vm0  }
0x5b: {  	v10 =	vsel vm0, $0x1, v5  }
0x5c: {  	(xrf0) =	vadd.scan.msk.s32 $0xffff, v10;
	_ =	sdelay $0x5  }
0x5d: {  	[tilespmem:s20+$0x14880] =	vst.msk vm0, v8;
	v8, _, _ =	vpop (xrf0)  }
0x5e: {  	(v2sf) =	vpush v8, $0xF  }
0x5f: {  	s25 =	sadd.s32 $0x10, s21;
	[tilespmem:s20+$0x14680] =	vst.msk vm0, v9  }
0x60: {  	s26 =	simm.s32 $0x10;
	s28 =	simm.s32 $0x20;
	s24 =	simm.s32 $0x0;
	v8 =	vld [tilespmem:s25+$0x0]  }
.LBB2_9:
0x61: {  	p1 =	sne.s32 s28, $0x1E0;
	_ =	sdelay $0x2  }
0x62: {  	v9 =	vor.u32 s26, v1;
	s26 =	smov.u32 s28  }
0x63: {  	vm1 =	vlt.u32 v9, $0x1E8;
	vm0 =	vgt.s32 v8, $0xFFFFFFFF  }
0x64: {  	vm0 =	vmand vm1, vm0  }
0x65: {  	v10 =	vsel vm0, $0x1, v5  }
0x66: {  	(xrf0) =	vadd.scan.msk.s32 $0xffff, v10;
	_ =	sdelay $0x4  }
.Ltmp7:
0x67: {  	s29 =	spop (v2sf);
	(pc) =	sbr.rel @p1 .LBB2_9-.Ltmp7, $4  }
0x68: {  	v10, _, _ =	vpop (xrf0);
	s24 =	sadd.s32 s24, s29  }
0x69: {  	[tilespmem:s24+$0x14880] =	vst.msk vm0, v8;
	(v2sf) =	vpush v10, $0xF  }
0x6a: {  	s25 =	sadd.s32 $0x10, s25;
	[tilespmem:s24+$0x14680] =	vst.msk vm0, v9  }
0x6b: {  	s28 =	sadd.s32 $0x10, s28;
	v8 =	vld [tilespmem:s25+$0x0]  }
0x6c: {  	_ =	sdelay $0x2  }
0x6d: {  	v9 =	vor.u32 s26, v1  }
0x6e: {  	vm1 =	vlt.u32 v9, $0x1E8;
	vm0 =	vgt.s32 v8, $0xFFFFFFFF  }
0x6f: {  	vm0 =	vmand vm1, vm0  }
0x70: {  	v10 =	vsel vm0, $0x1, v5  }
0x71: {  	(xrf0) =	vadd.scan.msk.s32 $0xffff, v10;
	_ =	sdelay $0x5  }
0x72: {  	v10, _, _ =	vpop (xrf0)  }
0x73: {  	(v2sf) =	vpush v10, $0xF;
	_ =	sdelay $0xd  }
0x74: {  	s25 =	spop (v2sf)  }
0x75: {  	s24 =	sadd.s32 s24, s25;
	s31 =	spop (v2sf)  }
0x76: {  	[tilespmem:s24+$0x14880] =	vst.msk vm0, v8;
	s25 =	sadd.s32 s24, s31  }
0x77: {  	[tilespmem:s24+$0x14680] =	vst.msk vm0, v9;
	s24 =	sadd.s32 $0xF, s25  }
0x78: {  	p1 =	slt.s32 s24, $0x10  }
.Ltmp8:
0x79: {  	_ = 	snop;
	(pc) =	sbr.rel @p1 .LBB2_13-.Ltmp8, $3  }
0x7a: {  	_ =	sdelay $0x1  }
0x7b: {  	[tilespmem:s25+$0x14880] =	vst v3  }
0x7c: {  	[tilespmem:s25+$0x14680] =	vst v6  }
0x7d: {  	s25 =	sshra.s32 s24, $0x1F  }
0x7e: {  	s25 =	sshrl.u32 s25, $0x1C  }
0x7f: {  	s31 =	sadd.s32 s25, s24  }
0x80: {  	s26 =	simm.s32 $0x14880;
	s25 =	simm.s32 $0x14680;
	s24 =	sshra.s32 s31, $0x4  }
.LBB2_12:
0x81: {  	[tilespmem:s16], [sflag:$0x3] =	stream.indirect.gather [hbm4b:s5+s15], $0x80, s26, s15, $0xb8;
	[tilespmem:$0x14A80] =	vst v63  }
0x82: {  	_ =	swait.ge [sflag:s17], $0x800  }
0x83: {  	[sflag:s17] =	ssyncset.done $0x0  }
0x84: {  	[sflag:s17] =	ssyncadd.s32 $0xFFFFF800  }
0x85: {  	v8 =	vld [tilespmem:s25+$0x0];
	_ =	sdelay $0x4  }
0x86: {  	v8 =	vshll.u32 v8, $0x9  }
0x87: {  	v8 =	vshra.s32 v8, $0x2  }
0x88: {  	(v2sf) =	vpush v8, $0x0;
	_ =	sdelay $0xe  }
0x89: {  	v10 =	vld [tilespmem:$0x13E80];
	s28 =	spop (v2sf)  }
0x8a: {  	v9 =	vld [tilespmem:s28+$0x4680];
	_ =	sdelay $0x4  }
0x8b: {  	v9 =	vadd.f32 v10, v9;
	_ =	sdelay $0x1  }
0x8c: {  	v9 =	vmul.f32 $5.000000000e-01, v9;
	_ =	sdelay $0x1  }
0x8d: {  	v61 =	vld [tilespmem:s28+$0x4690];
	[tilespmem:s28+$0x4680] =	vst v9  }
0x8e: {  	v62 =	vld [tilespmem:$0x13E90];
	_ =	sdelay $0x4  }
0x8f: {  	v9 =	vadd.f32 v62, v61;
	_ =	sdelay $0x1  }
0x90: {  	v9 =	vmul.f32 $5.000000000e-01, v9;
	_ =	sdelay $0x1  }
0x91: {  	v63 =	vld [tilespmem:s28+$0x46A0];
	[tilespmem:s28+$0x4690] =	vst v9  }
0x92: {  	v12 =	vld [tilespmem:$0x13EA0];
	_ =	sdelay $0x3  }
0x93: {  	(v2sf) =	vpush v8, $0x1  }
0x94: {  	v9 =	vadd.f32 v12, v63;
	_ =	sdelay $0x1  }
0x95: {  	v9 =	vmul.f32 $5.000000000e-01, v9;
	_ =	sdelay $0x1  }
0x96: {  	v13 =	vld [tilespmem:s28+$0x46B0];
	[tilespmem:s28+$0x46A0] =	vst v9  }
0x97: {  	v14 =	vld [tilespmem:$0x13EB0];
	_ =	sdelay $0x4  }
0x98: {  	v9 =	vadd.f32 v14, v13;
	_ =	sdelay $0x1  }
0x99: {  	v9 =	vmul.f32 $5.000000000e-01, v9;
	_ =	sdelay $0x1  }
0x9a: {  	s29 =	spop (v2sf);
	[tilespmem:s28+$0x46B0] =	vst v9  }
0x9b: {  	v9 =	vld [tilespmem:s29+$0x4680]  }
0x9c: {  	v15 =	vld [tilespmem:$0x13F00];
	_ =	sdelay $0x4  }
0x9d: {  	v9 =	vadd.f32 v15, v9;
	_ =	sdelay $0x1  }
0x9e: {  	v9 =	vmul.f32 $5.000000000e-01, v9;
	_ =	sdelay $0x1  }
0x9f: {  	v16 =	vld [tilespmem:s29+$0x4690];
	[tilespmem:s29+$0x4680] =	vst v9  }
0xa0: {  	v17 =	vld [tilespmem:$0x13F10];
	_ =	sdelay $0x4  }
0xa1: {  	v9 =	vadd.f32 v17, v16;
	_ =	sdelay $0x1  }
0xa2: {  	v9 =	vmul.f32 $5.000000000e-01, v9;
	_ =	sdelay $0x1  }
0xa3: {  	v18 =	vld [tilespmem:s29+$0x46A0];
	[tilespmem:s29+$0x4690] =	vst v9  }
0xa4: {  	v19 =	vld [tilespmem:$0x13F20];
	_ =	sdelay $0x3  }
0xa5: {  	(v2sf) =	vpush v8, $0x2  }
0xa6: {  	v9 =	vadd.f32 v19, v18;
	_ =	sdelay $0x1  }
0xa7: {  	v9 =	vmul.f32 $5.000000000e-01, v9;
	_ =	sdelay $0x1  }
0xa8: {  	v20 =	vld [tilespmem:s29+$0x46B0];
	[tilespmem:s29+$0x46A0] =	vst v9  }
0xa9: {  	v21 =	vld [tilespmem:$0x13F30];
	_ =	sdelay $0x4  }
0xaa: {  	v9 =	vadd.f32 v21, v20;
	_ =	sdelay $0x1  }
0xab: {  	v9 =	vmul.f32 $5.000000000e-01, v9;
	_ =	sdelay $0x1  }
0xac: {  	s30 =	spop (v2sf);
	[tilespmem:s29+$0x46B0] =	vst v9  }
0xad: {  	v9 =	vld [tilespmem:s30+$0x4680]  }
0xae: {  	v22 =	vld [tilespmem:$0x13F80];
	_ =	sdelay $0x4  }
0xaf: {  	v9 =	vadd.f32 v22, v9;
	_ =	sdelay $0x1  }
0xb0: {  	v9 =	vmul.f32 $5.000000000e-01, v9;
	_ =	sdelay $0x1  }
0xb1: {  	v23 =	vld [tilespmem:s30+$0x4690];
	[tilespmem:s30+$0x4680] =	vst v9  }
0xb2: {  	v24 =	vld [tilespmem:$0x13F90];
	_ =	sdelay $0x4  }
0xb3: {  	v9 =	vadd.f32 v24, v23;
	_ =	sdelay $0x1  }
0xb4: {  	v9 =	vmul.f32 $5.000000000e-01, v9;
	_ =	sdelay $0x1  }
0xb5: {  	v25 =	vld [tilespmem:s30+$0x46A0];
	[tilespmem:s30+$0x4690] =	vst v9  }
0xb6: {  	v26 =	vld [tilespmem:$0x13FA0];
	_ =	sdelay $0x3  }
0xb7: {  	(v2sf) =	vpush v8, $0x3  }
0xb8: {  	v9 =	vadd.f32 v26, v25;
	_ =	sdelay $0x1  }
0xb9: {  	v9 =	vmul.f32 $5.000000000e-01, v9;
	_ =	sdelay $0x1  }
0xba: {  	v27 =	vld [tilespmem:s30+$0x46B0];
	[tilespmem:s30+$0x46A0] =	vst v9  }
0xbb: {  	v28 =	vld [tilespmem:$0x13FB0];
	_ =	sdelay $0x4  }
0xbc: {  	v9 =	vadd.f32 v28, v27;
	_ =	sdelay $0x1  }
0xbd: {  	v9 =	vmul.f32 $5.000000000e-01, v9;
	_ =	sdelay $0x1  }
0xbe: {  	s31 =	spop (v2sf);
	[tilespmem:s30+$0x46B0] =	vst v9  }
0xbf: {  	v9 =	vld [tilespmem:s31+$0x4680]  }
0xc0: {  	v29 =	vld [tilespmem:$0x14000];
	_ =	sdelay $0x4  }
0xc1: {  	v9 =	vadd.f32 v29, v9;
	_ =	sdelay $0x1  }
0xc2: {  	v9 =	vmul.f32 $5.000000000e-01, v9;
	_ =	sdelay $0x1  }
0xc3: {  	v30 =	vld [tilespmem:s31+$0x4690];
	[tilespmem:s31+$0x4680] =	vst v9  }
0xc4: {  	v31 =	vld [tilespmem:$0x14010];
	_ =	sdelay $0x4  }
0xc5: {  	v9 =	vadd.f32 v31, v30;
	_ =	sdelay $0x1  }
0xc6: {  	v9 =	vmul.f32 $5.000000000e-01, v9;
	_ =	sdelay $0x1  }
0xc7: {  	v32 =	vld [tilespmem:s31+$0x46A0];
	[tilespmem:s31+$0x4690] =	vst v9  }
0xc8: {  	v33 =	vld [tilespmem:$0x14020];
	_ =	sdelay $0x3  }
0xc9: {  	(v2sf) =	vpush v8, $0x4  }
0xca: {  	v9 =	vadd.f32 v33, v32;
	_ =	sdelay $0x1  }
0xcb: {  	v9 =	vmul.f32 $5.000000000e-01, v9;
	_ =	sdelay $0x1  }
0xcc: {  	v34 =	vld [tilespmem:s31+$0x46B0];
	[tilespmem:s31+$0x46A0] =	vst v9  }
0xcd: {  	v35 =	vld [tilespmem:$0x14030];
	_ =	sdelay $0x4  }
0xce: {  	v9 =	vadd.f32 v35, v34;
	_ =	sdelay $0x1  }
0xcf: {  	v9 =	vmul.f32 $5.000000000e-01, v9;
	_ =	sdelay $0x1  }
0xd0: {  	s29 =	spop (v2sf);
	[tilespmem:s31+$0x46B0] =	vst v9  }
0xd1: {  	v9 =	vld [tilespmem:s29+$0x4680]  }
0xd2: {  	v36 =	vld [tilespmem:$0x14080];
	_ =	sdelay $0x4  }
0xd3: {  	v9 =	vadd.f32 v36, v9;
	_ =	sdelay $0x1  }
0xd4: {  	v9 =	vmul.f32 $5.000000000e-01, v9;
	_ =	sdelay $0x1  }
0xd5: {  	v37 =	vld [tilespmem:s29+$0x4690];
	[tilespmem:s29+$0x4680] =	vst v9  }
0xd6: {  	v38 =	vld [tilespmem:$0x14090];
	_ =	sdelay $0x4  }
0xd7: {  	v9 =	vadd.f32 v38, v37;
	_ =	sdelay $0x1  }
0xd8: {  	v9 =	vmul.f32 $5.000000000e-01, v9;
	_ =	sdelay $0x1  }
0xd9: {  	v39 =	vld [tilespmem:s29+$0x46A0];
	[tilespmem:s29+$0x4690] =	vst v9  }
0xda: {  	v40 =	vld [tilespmem:$0x140A0];
	_ =	sdelay $0x3  }
0xdb: {  	(v2sf) =	vpush v8, $0x5  }
0xdc: {  	v9 =	vadd.f32 v40, v39;
	_ =	sdelay $0x1  }
0xdd: {  	v9 =	vmul.f32 $5.000000000e-01, v9;
	_ =	sdelay $0x1  }
0xde: {  	v41 =	vld [tilespmem:s29+$0x46B0];
	[tilespmem:s29+$0x46A0] =	vst v9  }
0xdf: {  	v42 =	vld [tilespmem:$0x140B0];
	_ =	sdelay $0x4  }
0xe0: {  	v9 =	vadd.f32 v42, v41;
	_ =	sdelay $0x1  }
0xe1: {  	v9 =	vmul.f32 $5.000000000e-01, v9;
	_ =	sdelay $0x1  }
0xe2: {  	s30 =	spop (v2sf);
	[tilespmem:s29+$0x46B0] =	vst v9  }
0xe3: {  	v9 =	vld [tilespmem:s30+$0x4680]  }
0xe4: {  	v43 =	vld [tilespmem:$0x14100];
	_ =	sdelay $0x4  }
0xe5: {  	v9 =	vadd.f32 v43, v9;
	_ =	sdelay $0x1  }
0xe6: {  	v9 =	vmul.f32 $5.000000000e-01, v9;
	_ =	sdelay $0x1  }
0xe7: {  	v44 =	vld [tilespmem:s30+$0x4690];
	[tilespmem:s30+$0x4680] =	vst v9  }
0xe8: {  	v45 =	vld [tilespmem:$0x14110];
	_ =	sdelay $0x4  }
0xe9: {  	v9 =	vadd.f32 v45, v44;
	_ =	sdelay $0x1  }
0xea: {  	v9 =	vmul.f32 $5.000000000e-01, v9;
	_ =	sdelay $0x1  }
0xeb: {  	v46 =	vld [tilespmem:s30+$0x46A0];
	[tilespmem:s30+$0x4690] =	vst v9  }
0xec: {  	v47 =	vld [tilespmem:$0x14120];
	_ =	sdelay $0x3  }
0xed: {  	(v2sf) =	vpush v8, $0x6  }
0xee: {  	v9 =	vadd.f32 v47, v46;
	_ =	sdelay $0x1  }
0xef: {  	v9 =	vmul.f32 $5.000000000e-01, v9;
	_ =	sdelay $0x1  }
0xf0: {  	v48 =	vld [tilespmem:s30+$0x46B0];
	[tilespmem:s30+$0x46A0] =	vst v9  }
0xf1: {  	v49 =	vld [tilespmem:$0x14130];
	_ =	sdelay $0x4  }
0xf2: {  	v9 =	vadd.f32 v49, v48;
	_ =	sdelay $0x1  }
0xf3: {  	v9 =	vmul.f32 $5.000000000e-01, v9;
	_ =	sdelay $0x1  }
0xf4: {  	s31 =	spop (v2sf);
	[tilespmem:s30+$0x46B0] =	vst v9  }
0xf5: {  	v9 =	vld [tilespmem:s31+$0x4680]  }
0xf6: {  	v50 =	vld [tilespmem:$0x14180];
	_ =	sdelay $0x4  }
0xf7: {  	v9 =	vadd.f32 v50, v9;
	_ =	sdelay $0x1  }
0xf8: {  	v9 =	vmul.f32 $5.000000000e-01, v9;
	_ =	sdelay $0x1  }
0xf9: {  	v51 =	vld [tilespmem:s31+$0x4690];
	[tilespmem:s31+$0x4680] =	vst v9  }
0xfa: {  	v52 =	vld [tilespmem:$0x14190];
	_ =	sdelay $0x4  }
0xfb: {  	v9 =	vadd.f32 v52, v51;
	_ =	sdelay $0x1  }
0xfc: {  	v9 =	vmul.f32 $5.000000000e-01, v9;
	_ =	sdelay $0x1  }
0xfd: {  	v53 =	vld [tilespmem:s31+$0x46A0];
	[tilespmem:s31+$0x4690] =	vst v9  }
0xfe: {  	v54 =	vld [tilespmem:$0x141A0];
	_ =	sdelay $0x3  }
0xff: {  	(v2sf) =	vpush v8, $0x7  }
0x100: {  	v9 =	vadd.f32 v54, v53;
	_ =	sdelay $0x1  }
0x101: {  	v9 =	vmul.f32 $5.000000000e-01, v9;
	_ =	sdelay $0x1  }
0x102: {  	v55 =	vld [tilespmem:s31+$0x46B0];
	[tilespmem:s31+$0x46A0] =	vst v9  }
0x103: {  	v56 =	vld [tilespmem:$0x141B0];
	_ =	sdelay $0x4  }
0x104: {  	v9 =	vadd.f32 v56, v55;
	_ =	sdelay $0x1  }
0x105: {  	v9 =	vmul.f32 $5.000000000e-01, v9;
	_ =	sdelay $0x1  }
0x106: {  	s29 =	spop (v2sf);
	[tilespmem:s31+$0x46B0] =	vst v9  }
0x107: {  	v9 =	vld [tilespmem:s29+$0x4680]  }
0x108: {  	v57 =	vld [tilespmem:$0x14200];
	_ =	sdelay $0x4  }
0x109: {  	v9 =	vadd.f32 v57, v9;
	_ =	sdelay $0x1  }
0x10a: {  	v9 =	vmul.f32 $5.000000000e-01, v9;
	_ =	sdelay $0x1  }
0x10b: {  	v58 =	vld [tilespmem:s29+$0x4690];
	[tilespmem:s29+$0x4680] =	vst v9  }
0x10c: {  	v59 =	vld [tilespmem:$0x14210];
	_ =	sdelay $0x4  }
0x10d: {  	v9 =	vadd.f32 v59, v58;
	_ =	sdelay $0x1  }
0x10e: {  	v9 =	vmul.f32 $5.000000000e-01, v9;
	_ =	sdelay $0x1  }
0x10f: {  	v60 =	vld [tilespmem:s29+$0x46A0];
	[tilespmem:s29+$0x4690] =	vst v9  }
0x110: {  	v61 =	vld [tilespmem:$0x14220];
	_ =	sdelay $0x3  }
0x111: {  	(v2sf) =	vpush v8, $0x8  }
0x112: {  	v9 =	vadd.f32 v61, v60;
	_ =	sdelay $0x1  }
0x113: {  	v9 =	vmul.f32 $5.000000000e-01, v9;
	_ =	sdelay $0x1  }
0x114: {  	v62 =	vld [tilespmem:s29+$0x46B0];
	[tilespmem:s29+$0x46A0] =	vst v9  }
0x115: {  	v63 =	vld [tilespmem:$0x14230];
	_ =	sdelay $0x4  }
0x116: {  	v9 =	vadd.f32 v63, v62;
	_ =	sdelay $0x1  }
0x117: {  	v9 =	vmul.f32 $5.000000000e-01, v9;
	_ =	sdelay $0x1  }
0x118: {  	s30 =	spop (v2sf);
	[tilespmem:s29+$0x46B0] =	vst v9  }
0x119: {  	v9 =	vld [tilespmem:s30+$0x4680]  }
0x11a: {  	v12 =	vld [tilespmem:$0x14280];
	_ =	sdelay $0x4  }
0x11b: {  	v9 =	vadd.f32 v12, v9;
	_ =	sdelay $0x1  }
0x11c: {  	v9 =	vmul.f32 $5.000000000e-01, v9;
	_ =	sdelay $0x1  }
0x11d: {  	v13 =	vld [tilespmem:s30+$0x4690];
	[tilespmem:s30+$0x4680] =	vst v9  }
0x11e: {  	v14 =	vld [tilespmem:$0x14290];
	_ =	sdelay $0x4  }
0x11f: {  	v9 =	vadd.f32 v14, v13;
	_ =	sdelay $0x1  }
0x120: {  	v9 =	vmul.f32 $5.000000000e-01, v9;
	_ =	sdelay $0x1  }
0x121: {  	v15 =	vld [tilespmem:s30+$0x46A0];
	[tilespmem:s30+$0x4690] =	vst v9  }
0x122: {  	v16 =	vld [tilespmem:$0x142A0];
	_ =	sdelay $0x3  }
0x123: {  	(v2sf) =	vpush v8, $0x9  }
0x124: {  	v9 =	vadd.f32 v16, v15;
	_ =	sdelay $0x1  }
0x125: {  	v9 =	vmul.f32 $5.000000000e-01, v9;
	_ =	sdelay $0x1  }
0x126: {  	v17 =	vld [tilespmem:s30+$0x46B0];
	[tilespmem:s30+$0x46A0] =	vst v9  }
0x127: {  	v18 =	vld [tilespmem:$0x142B0];
	_ =	sdelay $0x4  }
0x128: {  	v9 =	vadd.f32 v18, v17;
	_ =	sdelay $0x1  }
0x129: {  	v9 =	vmul.f32 $5.000000000e-01, v9;
	_ =	sdelay $0x1  }
0x12a: {  	s31 =	spop (v2sf);
	[tilespmem:s30+$0x46B0] =	vst v9  }
0x12b: {  	v9 =	vld [tilespmem:s31+$0x4680]  }
0x12c: {  	v19 =	vld [tilespmem:$0x14300];
	_ =	sdelay $0x4  }
0x12d: {  	v9 =	vadd.f32 v19, v9;
	_ =	sdelay $0x1  }
0x12e: {  	v9 =	vmul.f32 $5.000000000e-01, v9;
	_ =	sdelay $0x1  }
0x12f: {  	v20 =	vld [tilespmem:s31+$0x4690];
	[tilespmem:s31+$0x4680] =	vst v9  }
0x130: {  	v21 =	vld [tilespmem:$0x14310];
	_ =	sdelay $0x4  }
0x131: {  	v9 =	vadd.f32 v21, v20;
	_ =	sdelay $0x1  }
0x132: {  	v9 =	vmul.f32 $5.000000000e-01, v9;
	_ =	sdelay $0x1  }
0x133: {  	v22 =	vld [tilespmem:s31+$0x46A0];
	[tilespmem:s31+$0x4690] =	vst v9  }
0x134: {  	v23 =	vld [tilespmem:$0x14320];
	_ =	sdelay $0x3  }
0x135: {  	(v2sf) =	vpush v8, $0xA  }
0x136: {  	v9 =	vadd.f32 v23, v22;
	_ =	sdelay $0x1  }
0x137: {  	v9 =	vmul.f32 $5.000000000e-01, v9;
	_ =	sdelay $0x1  }
0x138: {  	v24 =	vld [tilespmem:s31+$0x46B0];
	[tilespmem:s31+$0x46A0] =	vst v9  }
0x139: {  	v25 =	vld [tilespmem:$0x14330];
	_ =	sdelay $0x4  }
0x13a: {  	v9 =	vadd.f32 v25, v24;
	_ =	sdelay $0x1  }
0x13b: {  	v9 =	vmul.f32 $5.000000000e-01, v9;
	_ =	sdelay $0x1  }
0x13c: {  	s29 =	spop (v2sf);
	[tilespmem:s31+$0x46B0] =	vst v9  }
0x13d: {  	v9 =	vld [tilespmem:s29+$0x4680]  }
0x13e: {  	v26 =	vld [tilespmem:$0x14380];
	_ =	sdelay $0x4  }
0x13f: {  	v9 =	vadd.f32 v26, v9;
	_ =	sdelay $0x1  }
0x140: {  	v9 =	vmul.f32 $5.000000000e-01, v9;
	_ =	sdelay $0x1  }
0x141: {  	v27 =	vld [tilespmem:s29+$0x4690];
	[tilespmem:s29+$0x4680] =	vst v9  }
0x142: {  	v28 =	vld [tilespmem:$0x14390];
	_ =	sdelay $0x4  }
0x143: {  	v9 =	vadd.f32 v28, v27;
	_ =	sdelay $0x1  }
0x144: {  	v9 =	vmul.f32 $5.000000000e-01, v9;
	_ =	sdelay $0x1  }
0x145: {  	v29 =	vld [tilespmem:s29+$0x46A0];
	[tilespmem:s29+$0x4690] =	vst v9  }
0x146: {  	v30 =	vld [tilespmem:$0x143A0];
	_ =	sdelay $0x3  }
0x147: {  	(v2sf) =	vpush v8, $0xB  }
0x148: {  	v9 =	vadd.f32 v30, v29;
	_ =	sdelay $0x1  }
0x149: {  	v9 =	vmul.f32 $5.000000000e-01, v9;
	_ =	sdelay $0x1  }
0x14a: {  	v31 =	vld [tilespmem:s29+$0x46B0];
	[tilespmem:s29+$0x46A0] =	vst v9  }
0x14b: {  	v32 =	vld [tilespmem:$0x143B0];
	_ =	sdelay $0x4  }
0x14c: {  	v9 =	vadd.f32 v32, v31;
	_ =	sdelay $0x1  }
0x14d: {  	v9 =	vmul.f32 $5.000000000e-01, v9;
	_ =	sdelay $0x1  }
0x14e: {  	s30 =	spop (v2sf);
	[tilespmem:s29+$0x46B0] =	vst v9  }
0x14f: {  	v9 =	vld [tilespmem:s30+$0x4680]  }
0x150: {  	v33 =	vld [tilespmem:$0x14400];
	_ =	sdelay $0x4  }
0x151: {  	v9 =	vadd.f32 v33, v9;
	_ =	sdelay $0x1  }
0x152: {  	v9 =	vmul.f32 $5.000000000e-01, v9;
	_ =	sdelay $0x1  }
0x153: {  	v34 =	vld [tilespmem:s30+$0x4690];
	[tilespmem:s30+$0x4680] =	vst v9  }
0x154: {  	v35 =	vld [tilespmem:$0x14410];
	_ =	sdelay $0x4  }
0x155: {  	v9 =	vadd.f32 v35, v34;
	_ =	sdelay $0x1  }
0x156: {  	v9 =	vmul.f32 $5.000000000e-01, v9;
	_ =	sdelay $0x1  }
0x157: {  	v36 =	vld [tilespmem:s30+$0x46A0];
	[tilespmem:s30+$0x4690] =	vst v9  }
0x158: {  	v37 =	vld [tilespmem:$0x14420];
	_ =	sdelay $0x3  }
0x159: {  	(v2sf) =	vpush v8, $0xC  }
0x15a: {  	v9 =	vadd.f32 v37, v36;
	_ =	sdelay $0x1  }
0x15b: {  	v9 =	vmul.f32 $5.000000000e-01, v9;
	_ =	sdelay $0x1  }
0x15c: {  	v38 =	vld [tilespmem:s30+$0x46B0];
	[tilespmem:s30+$0x46A0] =	vst v9  }
0x15d: {  	v39 =	vld [tilespmem:$0x14430];
	_ =	sdelay $0x4  }
0x15e: {  	v9 =	vadd.f32 v39, v38;
	_ =	sdelay $0x1  }
0x15f: {  	v9 =	vmul.f32 $5.000000000e-01, v9;
	_ =	sdelay $0x1  }
0x160: {  	s31 =	spop (v2sf);
	[tilespmem:s30+$0x46B0] =	vst v9  }
0x161: {  	v9 =	vld [tilespmem:s31+$0x4680]  }
0x162: {  	v40 =	vld [tilespmem:$0x14480];
	_ =	sdelay $0x4  }
0x163: {  	v9 =	vadd.f32 v40, v9;
	_ =	sdelay $0x1  }
0x164: {  	v9 =	vmul.f32 $5.000000000e-01, v9;
	_ =	sdelay $0x1  }
0x165: {  	v41 =	vld [tilespmem:s31+$0x4690];
	[tilespmem:s31+$0x4680] =	vst v9  }
0x166: {  	v42 =	vld [tilespmem:$0x14490];
	_ =	sdelay $0x4  }
0x167: {  	v9 =	vadd.f32 v42, v41;
	_ =	sdelay $0x1  }
0x168: {  	v9 =	vmul.f32 $5.000000000e-01, v9;
	_ =	sdelay $0x1  }
0x169: {  	v43 =	vld [tilespmem:s31+$0x46A0];
	[tilespmem:s31+$0x4690] =	vst v9  }
0x16a: {  	v44 =	vld [tilespmem:$0x144A0];
	_ =	sdelay $0x3  }
0x16b: {  	(v2sf) =	vpush v8, $0xD  }
0x16c: {  	v9 =	vadd.f32 v44, v43;
	_ =	sdelay $0x1  }
0x16d: {  	v9 =	vmul.f32 $5.000000000e-01, v9;
	_ =	sdelay $0x1  }
0x16e: {  	v45 =	vld [tilespmem:s31+$0x46B0];
	[tilespmem:s31+$0x46A0] =	vst v9  }
0x16f: {  	v46 =	vld [tilespmem:$0x144B0];
	_ =	sdelay $0x4  }
0x170: {  	v9 =	vadd.f32 v46, v45;
	_ =	sdelay $0x1  }
0x171: {  	v9 =	vmul.f32 $5.000000000e-01, v9;
	_ =	sdelay $0x1  }
0x172: {  	s29 =	spop (v2sf);
	[tilespmem:s31+$0x46B0] =	vst v9  }
0x173: {  	v9 =	vld [tilespmem:s29+$0x4680]  }
0x174: {  	v47 =	vld [tilespmem:$0x14500];
	_ =	sdelay $0x4  }
0x175: {  	v9 =	vadd.f32 v47, v9;
	_ =	sdelay $0x1  }
0x176: {  	v9 =	vmul.f32 $5.000000000e-01, v9;
	_ =	sdelay $0x1  }
0x177: {  	v48 =	vld [tilespmem:s29+$0x4690];
	[tilespmem:s29+$0x4680] =	vst v9  }
0x178: {  	v49 =	vld [tilespmem:$0x14510];
	_ =	sdelay $0x4  }
0x179: {  	v9 =	vadd.f32 v49, v48;
	_ =	sdelay $0x1  }
0x17a: {  	v9 =	vmul.f32 $5.000000000e-01, v9;
	_ =	sdelay $0x1  }
0x17b: {  	v50 =	vld [tilespmem:s29+$0x46A0];
	[tilespmem:s29+$0x4690] =	vst v9  }
0x17c: {  	v51 =	vld [tilespmem:$0x14520];
	_ =	sdelay $0x3  }
0x17d: {  	(v2sf) =	vpush v8, $0xE  }
0x17e: {  	v9 =	vadd.f32 v51, v50;
	_ =	sdelay $0x1  }
0x17f: {  	v9 =	vmul.f32 $5.000000000e-01, v9;
	_ =	sdelay $0x1  }
0x180: {  	v52 =	vld [tilespmem:s29+$0x46B0];
	[tilespmem:s29+$0x46A0] =	vst v9  }
0x181: {  	v53 =	vld [tilespmem:$0x14530];
	_ =	sdelay $0x4  }
0x182: {  	v9 =	vadd.f32 v53, v52;
	_ =	sdelay $0x1  }
0x183: {  	v9 =	vmul.f32 $5.000000000e-01, v9;
	_ =	sdelay $0x1  }
0x184: {  	s30 =	spop (v2sf);
	[tilespmem:s29+$0x46B0] =	vst v9  }
0x185: {  	v9 =	vld [tilespmem:s30+$0x4680]  }
0x186: {  	v54 =	vld [tilespmem:$0x14580];
	_ =	sdelay $0x4  }
0x187: {  	v9 =	vadd.f32 v54, v9;
	_ =	sdelay $0x1  }
0x188: {  	v9 =	vmul.f32 $5.000000000e-01, v9;
	_ =	sdelay $0x1  }
0x189: {  	v55 =	vld [tilespmem:s30+$0x4690];
	[tilespmem:s30+$0x4680] =	vst v9  }
0x18a: {  	v56 =	vld [tilespmem:$0x14590];
	_ =	sdelay $0x4  }
0x18b: {  	v9 =	vadd.f32 v56, v55;
	_ =	sdelay $0x1  }
0x18c: {  	v9 =	vmul.f32 $5.000000000e-01, v9;
	_ =	sdelay $0x1  }
0x18d: {  	v57 =	vld [tilespmem:s30+$0x46A0];
	[tilespmem:s30+$0x4690] =	vst v9  }
0x18e: {  	v58 =	vld [tilespmem:$0x145A0];
	_ =	sdelay $0x3  }
0x18f: {  	(v2sf) =	vpush v8, $0xF  }
0x190: {  	v8 =	vadd.f32 v58, v57;
	_ =	sdelay $0x1  }
0x191: {  	v8 =	vmul.f32 $5.000000000e-01, v8;
	_ =	sdelay $0x1  }
0x192: {  	[tilespmem:s30+$0x46A0] =	vst v8;
	v8 =	vld [tilespmem:s30+$0x46B0]  }
0x193: {  	v59 =	vld [tilespmem:$0x145B0];
	_ =	sdelay $0x4  }
0x194: {  	v8 =	vadd.f32 v59, v8;
	_ =	sdelay $0x1  }
0x195: {  	v8 =	vmul.f32 $5.000000000e-01, v8;
	_ =	sdelay $0x1  }
0x196: {  	s31 =	spop (v2sf);
	[tilespmem:s30+$0x46B0] =	vst v8  }
0x197: {  	v8 =	vld [tilespmem:s31+$0x4680]  }
0x198: {  	v60 =	vld [tilespmem:$0x14600];
	_ =	sdelay $0x4  }
0x199: {  	v8 =	vadd.f32 v60, v8;
	_ =	sdelay $0x1  }
0x19a: {  	v8 =	vmul.f32 $5.000000000e-01, v8;
	_ =	sdelay $0x1  }
0x19b: {  	[tilespmem:s31+$0x4680] =	vst v8;
	v8 =	vld [tilespmem:s31+$0x4690]  }
0x19c: {  	v61 =	vld [tilespmem:$0x14610];
	_ =	sdelay $0x4  }
0x19d: {  	v8 =	vadd.f32 v61, v8;
	_ =	sdelay $0x1  }
0x19e: {  	v8 =	vmul.f32 $5.000000000e-01, v8;
	_ =	sdelay $0x1  }
0x19f: {  	[tilespmem:s31+$0x4690] =	vst v8;
	v8 =	vld [tilespmem:s31+$0x46A0]  }
0x1a0: {  	v62 =	vld [tilespmem:$0x14620];
	_ =	sdelay $0x4  }
0x1a1: {  	v8 =	vadd.f32 v62, v8;
	_ =	sdelay $0x1  }
0x1a2: {  	v8 =	vmul.f32 $5.000000000e-01, v8;
	_ =	sdelay $0x1  }
0x1a3: {  	[tilespmem:s31+$0x46A0] =	vst v8;
	v8 =	vld [tilespmem:s31+$0x46B0]  }
0x1a4: {  	v63 =	vld [tilespmem:$0x14630];
	_ =	sdelay $0x3  }
0x1a5: {  	p1 =	sne.s32 s24, $0x1  }
.Ltmp9:
0x1a6: {  	v8 =	vadd.f32 v63, v8;
	(pc) =	sbr.rel @p1 .LBB2_12-.Ltmp9, $3  }
0x1a7: {  	_ = 	snop  }
0x1a8: {  	v8 =	vmul.f32 $5.000000000e-01, v8;
	_ =	sdelay $0x1  }
0x1a9: {  	s26 =	sadd.s32 $0x10, s26;
	s24 =	sadd.s32 $0xFFFFFFFF, s24;
	s25 =	sadd.s32 $0x10, s25;
	[tilespmem:s31+$0x46B0] =	vst v8  }
.Ltmp10:
0x1aa: {  	_ = 	snop;
	(pc) =	sbr.rel .LBB2_13-.Ltmp10, $1  }
0x1ab: {  	_ =	sdelay $0x3  }
.LBB2_14:
.Ltmp11:
0x1ac: {  	(pc) =	sbr.rel @p0 .LBB2_21-.Ltmp11, $1  }
0x1ad: {  	_ =	sdelay $0x3  }
0x1ae: {  	s20 =	simm.s32 $0x0  }
0x1af: {  	[tilespmem:s13], [sflag:$0x1] =	stream.linear.gather [hbm4b:s8+s20], $0x9000, $0x38;
	[tilespmem:$0x14A80] =	vst v63  }
0x1b0: {  	_ =	swait.ge [sflag:s14], $0x9000  }
0x1b1: {  	[sflag:s14] =	ssyncset.done $0x0  }
0x1b2: {  	s21 =	sand.u32 $0x1F0, s20;
	[sflag:s14] =	ssyncadd.s32 $0xFFFF7000  }
0x1b3: {  	v8 =	vld [tilespmem:s21+$0x3D00];
	_ =	sdelay $0x3  }
0x1b4: {  	v9 =	vmov s20  }
0x1b5: {  	vm1 =	vlt.u32 v9, $0x120;
	vm0 =	vgt.s32 v8, $0xFFFFFFFF  }
0x1b6: {  	vm0 =	vmand vm1, vm0  }
0x1b7: {  	v63 =	vsel vm0, $0x1, v5  }
0x1b8: {  	(xrf0) =	vadd.scan.msk.s32 $0xffff, v63;
	_ =	sdelay $0x5  }
0x1b9: {  	v9, _, _ =	vpop (xrf0)  }
0x1ba: {  	v10 =	vor.u32 s20, v1;
	s21 =	simm.s32 $0x10;
	[tilespmem:s20+$0x14880] =	vst.msk vm0, v8;
	(v2sf) =	vpush v9, $0xF  }
0x1bb: {  	s22 =	simm.s32 $0x20;
	s23 =	sand.u32 $0x1F0, s21;
	[tilespmem:s20+$0x14680] =	vst.msk vm0, v10  }
.LBB2_16:
0x1bc: {  	p1 =	sne.s32 s22, $0x110;
	v8 =	vld [tilespmem:s23+$0x3D00];
	_ =	sdelay $0x3  }
0x1bd: {  	v9 =	vmov s21  }
0x1be: {  	vm1 =	vlt.u32 v9, $0x120;
	vm0 =	vgt.s32 v8, $0xFFFFFFFF  }
0x1bf: {  	vm0 =	vmand vm1, vm0  }
0x1c0: {  	v9 =	vsel vm0, $0x1, v5  }
0x1c1: {  	(xrf0) =	vadd.scan.msk.s32 $0xffff, v9;
	_ =	sdelay $0x3  }
.Ltmp12:
0x1c2: {  	(pc) =	sbr.rel @p1 .LBB2_16-.Ltmp12, $4  }
0x1c3: {  	s23 =	spop (v2sf)  }
0x1c4: {  	v9, _, _ =	vpop (xrf0);
	s20 =	sadd.s32 s20, s23  }
0x1c5: {  	v10 =	vor.u32 s21, v1;
	s21 =	smov.u32 s22;
	[tilespmem:s20+$0x14880] =	vst.msk vm0, v8;
	(v2sf) =	vpush v9, $0xF  }
0x1c6: {  	s22 =	sadd.s32 $0x10, s22;
	s23 =	sand.u32 $0x1F0, s21;
	[tilespmem:s20+$0x14680] =	vst.msk vm0, v10  }
0x1c7: {  	v8 =	vld [tilespmem:s23+$0x3D00];
	_ =	sdelay $0x3  }
0x1c8: {  	v9 =	vmov s21  }
0x1c9: {  	vm1 =	vlt.u32 v9, $0x120;
	vm0 =	vgt.s32 v8, $0xFFFFFFFF  }
0x1ca: {  	vm0 =	vmand vm1, vm0  }
0x1cb: {  	v62 =	vsel vm0, $0x1, v5  }
0x1cc: {  	(xrf0) =	vadd.scan.msk.s32 $0xffff, v62;
	_ =	sdelay $0x5  }
0x1cd: {  	v9, _, _ =	vpop (xrf0)  }
0x1ce: {  	(v2sf) =	vpush v9, $0xF;
	_ =	sdelay $0xd  }
0x1cf: {  	s22 =	spop (v2sf)  }
0x1d0: {  	s20 =	sadd.s32 s20, s22;
	s30 =	spop (v2sf)  }
0x1d1: {  	v63 =	vor.u32 s21, v1;
	[tilespmem:s20+$0x14880] =	vst.msk vm0, v8;
	s31 =	sadd.s32 s20, s30  }
0x1d2: {  	[tilespmem:s20+$0x14680] =	vst.msk vm0, v63;
	s20 =	sadd.s32 $0xF, s31  }
0x1d3: {  	p1 =	slt.s32 s20, $0x10  }
.Ltmp13:
0x1d4: {  	_ = 	snop;
	(pc) =	sbr.rel @p1 .LBB2_20-.Ltmp13, $3  }
0x1d5: {  	_ =	sdelay $0x1  }
0x1d6: {  	[tilespmem:s31+$0x14880] =	vst v7  }
0x1d7: {  	[tilespmem:s31+$0x14680] =	vst v6  }
0x1d8: {  	s21 =	sshra.s32 s20, $0x1F  }
0x1d9: {  	s21 =	sshrl.u32 s21, $0x1C  }
0x1da: {  	s31 =	sadd.s32 s21, s20  }
0x1db: {  	s22 =	simm.s32 $0x14880;
	s21 =	simm.s32 $0x14680;
	s20 =	sshra.s32 s31, $0x4  }
.LBB2_19:
0x1dc: {  	[tilespmem:s16], [sflag:$0x3] =	stream.indirect.gather [hbm4b:s5+s15], $0x80, s22, s15, $0xb8;
	[tilespmem:$0x14A80] =	vst v63  }
0x1dd: {  	_ =	swait.ge [sflag:s17], $0x800  }
0x1de: {  	[sflag:s17] =	ssyncset.done $0x0  }
0x1df: {  	[sflag:s17] =	ssyncadd.s32 $0xFFFFF800  }
0x1e0: {  	v8 =	vld [tilespmem:s21+$0x0];
	_ =	sdelay $0x4  }
0x1e1: {  	v8 =	vshll.u32 v8, $0x9  }
0x1e2: {  	v8 =	vshra.s32 v8, $0x2  }
0x1e3: {  	(v2sf) =	vpush v8, $0x0;
	_ =	sdelay $0xe  }
0x1e4: {  	v10 =	vld [tilespmem:$0x13E80];
	s23 =	spop (v2sf)  }
0x1e5: {  	v9 =	vld [tilespmem:s23+$0x4680];
	_ =	sdelay $0x4  }
0x1e6: {  	v9 =	vadd.f32 v10, v9;
	_ =	sdelay $0x1  }
0x1e7: {  	v9 =	vmul.f32 $5.000000000e-01, v9;
	_ =	sdelay $0x1  }
0x1e8: {  	v61 =	vld [tilespmem:s23+$0x4690];
	[tilespmem:s23+$0x4680] =	vst v9  }
0x1e9: {  	v62 =	vld [tilespmem:$0x13E90];
	_ =	sdelay $0x4  }
0x1ea: {  	v9 =	vadd.f32 v62, v61;
	_ =	sdelay $0x1  }
0x1eb: {  	v9 =	vmul.f32 $5.000000000e-01, v9;
	_ =	sdelay $0x1  }
0x1ec: {  	v63 =	vld [tilespmem:s23+$0x46A0];
	[tilespmem:s23+$0x4690] =	vst v9  }
0x1ed: {  	v12 =	vld [tilespmem:$0x13EA0];
	_ =	sdelay $0x3  }
0x1ee: {  	(v2sf) =	vpush v8, $0x1  }
0x1ef: {  	v9 =	vadd.f32 v12, v63;
	_ =	sdelay $0x1  }
0x1f0: {  	v9 =	vmul.f32 $5.000000000e-01, v9;
	_ =	sdelay $0x1  }
0x1f1: {  	v13 =	vld [tilespmem:s23+$0x46B0];
	[tilespmem:s23+$0x46A0] =	vst v9  }
0x1f2: {  	v14 =	vld [tilespmem:$0x13EB0];
	_ =	sdelay $0x4  }
0x1f3: {  	v9 =	vadd.f32 v14, v13;
	_ =	sdelay $0x1  }
0x1f4: {  	v9 =	vmul.f32 $5.000000000e-01, v9;
	_ =	sdelay $0x1  }
0x1f5: {  	s31 =	spop (v2sf);
	[tilespmem:s23+$0x46B0] =	vst v9  }
0x1f6: {  	v9 =	vld [tilespmem:s31+$0x4680]  }
0x1f7: {  	v15 =	vld [tilespmem:$0x13F00];
	_ =	sdelay $0x4  }
0x1f8: {  	v9 =	vadd.f32 v15, v9;
	_ =	sdelay $0x1  }
0x1f9: {  	v9 =	vmul.f32 $5.000000000e-01, v9;
	_ =	sdelay $0x1  }
0x1fa: {  	v16 =	vld [tilespmem:s31+$0x4690];
	[tilespmem:s31+$0x4680] =	vst v9  }
0x1fb: {  	v17 =	vld [tilespmem:$0x13F10];
	_ =	sdelay $0x4  }
0x1fc: {  	v9 =	vadd.f32 v17, v16;
	_ =	sdelay $0x1  }
0x1fd: {  	v9 =	vmul.f32 $5.000000000e-01, v9;
	_ =	sdelay $0x1  }
0x1fe: {  	v18 =	vld [tilespmem:s31+$0x46A0];
	[tilespmem:s31+$0x4690] =	vst v9  }
0x1ff: {  	v19 =	vld [tilespmem:$0x13F20];
	_ =	sdelay $0x3  }
0x200: {  	(v2sf) =	vpush v8, $0x2  }
0x201: {  	v9 =	vadd.f32 v19, v18;
	_ =	sdelay $0x1  }
0x202: {  	v9 =	vmul.f32 $5.000000000e-01, v9;
	_ =	sdelay $0x1  }
0x203: {  	v20 =	vld [tilespmem:s31+$0x46B0];
	[tilespmem:s31+$0x46A0] =	vst v9  }
0x204: {  	v21 =	vld [tilespmem:$0x13F30];
	_ =	sdelay $0x4  }
0x205: {  	v9 =	vadd.f32 v21, v20;
	_ =	sdelay $0x1  }
0x206: {  	v9 =	vmul.f32 $5.000000000e-01, v9;
	_ =	sdelay $0x1  }
0x207: {  	s24 =	spop (v2sf);
	[tilespmem:s31+$0x46B0] =	vst v9  }
0x208: {  	v9 =	vld [tilespmem:s24+$0x4680]  }
0x209: {  	v22 =	vld [tilespmem:$0x13F80];
	_ =	sdelay $0x4  }
0x20a: {  	v9 =	vadd.f32 v22, v9;
	_ =	sdelay $0x1  }
0x20b: {  	v9 =	vmul.f32 $5.000000000e-01, v9;
	_ =	sdelay $0x1  }
0x20c: {  	v23 =	vld [tilespmem:s24+$0x4690];
	[tilespmem:s24+$0x4680] =	vst v9  }
0x20d: {  	v24 =	vld [tilespmem:$0x13F90];
	_ =	sdelay $0x4  }
0x20e: {  	v9 =	vadd.f32 v24, v23;
	_ =	sdelay $0x1  }
0x20f: {  	v9 =	vmul.f32 $5.000000000e-01, v9;
	_ =	sdelay $0x1  }
0x210: {  	v25 =	vld [tilespmem:s24+$0x46A0];
	[tilespmem:s24+$0x4690] =	vst v9  }
0x211: {  	v26 =	vld [tilespmem:$0x13FA0];
	_ =	sdelay $0x3  }
0x212: {  	(v2sf) =	vpush v8, $0x3  }
0x213: {  	v9 =	vadd.f32 v26, v25;
	_ =	sdelay $0x1  }
0x214: {  	v9 =	vmul.f32 $5.000000000e-01, v9;
	_ =	sdelay $0x1  }
0x215: {  	v27 =	vld [tilespmem:s24+$0x46B0];
	[tilespmem:s24+$0x46A0] =	vst v9  }
0x216: {  	v28 =	vld [tilespmem:$0x13FB0];
	_ =	sdelay $0x4  }
0x217: {  	v9 =	vadd.f32 v28, v27;
	_ =	sdelay $0x1  }
0x218: {  	v9 =	vmul.f32 $5.000000000e-01, v9;
	_ =	sdelay $0x1  }
0x219: {  	s25 =	spop (v2sf);
	[tilespmem:s24+$0x46B0] =	vst v9  }
0x21a: {  	v9 =	vld [tilespmem:s25+$0x4680]  }
0x21b: {  	v29 =	vld [tilespmem:$0x14000];
	_ =	sdelay $0x4  }
0x21c: {  	v9 =	vadd.f32 v29, v9;
	_ =	sdelay $0x1  }
0x21d: {  	v9 =	vmul.f32 $5.000000000e-01, v9;
	_ =	sdelay $0x1  }
0x21e: {  	v30 =	vld [tilespmem:s25+$0x4690];
	[tilespmem:s25+$0x4680] =	vst v9  }
0x21f: {  	v31 =	vld [tilespmem:$0x14010];
	_ =	sdelay $0x4  }
0x220: {  	v9 =	vadd.f32 v31, v30;
	_ =	sdelay $0x1  }
0x221: {  	v9 =	vmul.f32 $5.000000000e-01, v9;
	_ =	sdelay $0x1  }
0x222: {  	v32 =	vld [tilespmem:s25+$0x46A0];
	[tilespmem:s25+$0x4690] =	vst v9  }
0x223: {  	v33 =	vld [tilespmem:$0x14020];
	_ =	sdelay $0x3  }
0x224: {  	(v2sf) =	vpush v8, $0x4  }
0x225: {  	v9 =	vadd.f32 v33, v32;
	_ =	sdelay $0x1  }
0x226: {  	v9 =	vmul.f32 $5.000000000e-01, v9;
	_ =	sdelay $0x1  }
0x227: {  	v34 =	vld [tilespmem:s25+$0x46B0];
	[tilespmem:s25+$0x46A0] =	vst v9  }
0x228: {  	v35 =	vld [tilespmem:$0x14030];
	_ =	sdelay $0x4  }
0x229: {  	v9 =	vadd.f32 v35, v34;
	_ =	sdelay $0x1  }
0x22a: {  	v9 =	vmul.f32 $5.000000000e-01, v9;
	_ =	sdelay $0x1  }
0x22b: {  	s26 =	spop (v2sf);
	[tilespmem:s25+$0x46B0] =	vst v9  }
0x22c: {  	v9 =	vld [tilespmem:s26+$0x4680]  }
0x22d: {  	v36 =	vld [tilespmem:$0x14080];
	_ =	sdelay $0x4  }
0x22e: {  	v9 =	vadd.f32 v36, v9;
	_ =	sdelay $0x1  }
0x22f: {  	v9 =	vmul.f32 $5.000000000e-01, v9;
	_ =	sdelay $0x1  }
0x230: {  	v37 =	vld [tilespmem:s26+$0x4690];
	[tilespmem:s26+$0x4680] =	vst v9  }
0x231: {  	v38 =	vld [tilespmem:$0x14090];
	_ =	sdelay $0x4  }
0x232: {  	v9 =	vadd.f32 v38, v37;
	_ =	sdelay $0x1  }
0x233: {  	v9 =	vmul.f32 $5.000000000e-01, v9;
	_ =	sdelay $0x1  }
0x234: {  	v39 =	vld [tilespmem:s26+$0x46A0];
	[tilespmem:s26+$0x4690] =	vst v9  }
0x235: {  	v40 =	vld [tilespmem:$0x140A0];
	_ =	sdelay $0x3  }
0x236: {  	(v2sf) =	vpush v8, $0x5  }
0x237: {  	v9 =	vadd.f32 v40, v39;
	_ =	sdelay $0x1  }
0x238: {  	v9 =	vmul.f32 $5.000000000e-01, v9;
	_ =	sdelay $0x1  }
0x239: {  	v41 =	vld [tilespmem:s26+$0x46B0];
	[tilespmem:s26+$0x46A0] =	vst v9  }
0x23a: {  	v42 =	vld [tilespmem:$0x140B0];
	_ =	sdelay $0x4  }
0x23b: {  	v9 =	vadd.f32 v42, v41;
	_ =	sdelay $0x1  }
0x23c: {  	v9 =	vmul.f32 $5.000000000e-01, v9;
	_ =	sdelay $0x1  }
0x23d: {  	s28 =	spop (v2sf);
	[tilespmem:s26+$0x46B0] =	vst v9  }
0x23e: {  	v9 =	vld [tilespmem:s28+$0x4680]  }
0x23f: {  	v43 =	vld [tilespmem:$0x14100];
	_ =	sdelay $0x4  }
0x240: {  	v9 =	vadd.f32 v43, v9;
	_ =	sdelay $0x1  }
0x241: {  	v9 =	vmul.f32 $5.000000000e-01, v9;
	_ =	sdelay $0x1  }
0x242: {  	v44 =	vld [tilespmem:s28+$0x4690];
	[tilespmem:s28+$0x4680] =	vst v9  }
0x243: {  	v45 =	vld [tilespmem:$0x14110];
	_ =	sdelay $0x4  }
0x244: {  	v9 =	vadd.f32 v45, v44;
	_ =	sdelay $0x1  }
0x245: {  	v9 =	vmul.f32 $5.000000000e-01, v9;
	_ =	sdelay $0x1  }
0x246: {  	v46 =	vld [tilespmem:s28+$0x46A0];
	[tilespmem:s28+$0x4690] =	vst v9  }
0x247: {  	v47 =	vld [tilespmem:$0x14120];
	_ =	sdelay $0x3  }
0x248: {  	(v2sf) =	vpush v8, $0x6  }
0x249: {  	v9 =	vadd.f32 v47, v46;
	_ =	sdelay $0x1  }
0x24a: {  	v9 =	vmul.f32 $5.000000000e-01, v9;
	_ =	sdelay $0x1  }
0x24b: {  	v48 =	vld [tilespmem:s28+$0x46B0];
	[tilespmem:s28+$0x46A0] =	vst v9  }
0x24c: {  	v49 =	vld [tilespmem:$0x14130];
	_ =	sdelay $0x4  }
0x24d: {  	v9 =	vadd.f32 v49, v48;
	_ =	sdelay $0x1  }
0x24e: {  	v9 =	vmul.f32 $5.000000000e-01, v9;
	_ =	sdelay $0x1  }
0x24f: {  	s29 =	spop (v2sf);
	[tilespmem:s28+$0x46B0] =	vst v9  }
0x250: {  	v9 =	vld [tilespmem:s29+$0x4680]  }
0x251: {  	v50 =	vld [tilespmem:$0x14180];
	_ =	sdelay $0x4  }
0x252: {  	v9 =	vadd.f32 v50, v9;
	_ =	sdelay $0x1  }
0x253: {  	v9 =	vmul.f32 $5.000000000e-01, v9;
	_ =	sdelay $0x1  }
0x254: {  	v51 =	vld [tilespmem:s29+$0x4690];
	[tilespmem:s29+$0x4680] =	vst v9  }
0x255: {  	v52 =	vld [tilespmem:$0x14190];
	_ =	sdelay $0x4  }
0x256: {  	v9 =	vadd.f32 v52, v51;
	_ =	sdelay $0x1  }
0x257: {  	v9 =	vmul.f32 $5.000000000e-01, v9;
	_ =	sdelay $0x1  }
0x258: {  	v53 =	vld [tilespmem:s29+$0x46A0];
	[tilespmem:s29+$0x4690] =	vst v9  }
0x259: {  	v54 =	vld [tilespmem:$0x141A0];
	_ =	sdelay $0x3  }
0x25a: {  	(v2sf) =	vpush v8, $0x7  }
0x25b: {  	v9 =	vadd.f32 v54, v53;
	_ =	sdelay $0x1  }
0x25c: {  	v9 =	vmul.f32 $5.000000000e-01, v9;
	_ =	sdelay $0x1  }
0x25d: {  	v55 =	vld [tilespmem:s29+$0x46B0];
	[tilespmem:s29+$0x46A0] =	vst v9  }
0x25e: {  	v56 =	vld [tilespmem:$0x141B0];
	_ =	sdelay $0x4  }
0x25f: {  	v9 =	vadd.f32 v56, v55;
	_ =	sdelay $0x1  }
0x260: {  	v9 =	vmul.f32 $5.000000000e-01, v9;
	_ =	sdelay $0x1  }
0x261: {  	s30 =	spop (v2sf);
	[tilespmem:s29+$0x46B0] =	vst v9  }
0x262: {  	v9 =	vld [tilespmem:s30+$0x4680]  }
0x263: {  	v57 =	vld [tilespmem:$0x14200];
	_ =	sdelay $0x4  }
0x264: {  	v9 =	vadd.f32 v57, v9;
	_ =	sdelay $0x1  }
0x265: {  	v9 =	vmul.f32 $5.000000000e-01, v9;
	_ =	sdelay $0x1  }
0x266: {  	v58 =	vld [tilespmem:s30+$0x4690];
	[tilespmem:s30+$0x4680] =	vst v9  }
0x267: {  	v59 =	vld [tilespmem:$0x14210];
	_ =	sdelay $0x4  }
0x268: {  	v9 =	vadd.f32 v59, v58;
	_ =	sdelay $0x1  }
0x269: {  	v9 =	vmul.f32 $5.000000000e-01, v9;
	_ =	sdelay $0x1  }
0x26a: {  	v60 =	vld [tilespmem:s30+$0x46A0];
	[tilespmem:s30+$0x4690] =	vst v9  }
0x26b: {  	v61 =	vld [tilespmem:$0x14220];
	_ =	sdelay $0x3  }
0x26c: {  	(v2sf) =	vpush v8, $0x8  }
0x26d: {  	v9 =	vadd.f32 v61, v60;
	_ =	sdelay $0x1  }
0x26e: {  	v9 =	vmul.f32 $5.000000000e-01, v9;
	_ =	sdelay $0x1  }
0x26f: {  	v62 =	vld [tilespmem:s30+$0x46B0];
	[tilespmem:s30+$0x46A0] =	vst v9  }
0x270: {  	v63 =	vld [tilespmem:$0x14230];
	_ =	sdelay $0x4  }
0x271: {  	v9 =	vadd.f32 v63, v62;
	_ =	sdelay $0x1  }
0x272: {  	v9 =	vmul.f32 $5.000000000e-01, v9;
	_ =	sdelay $0x1  }
0x273: {  	s31 =	spop (v2sf);
	[tilespmem:s30+$0x46B0] =	vst v9  }
0x274: {  	v9 =	vld [tilespmem:s31+$0x4680]  }
0x275: {  	v12 =	vld [tilespmem:$0x14280];
	_ =	sdelay $0x4  }
0x276: {  	v9 =	vadd.f32 v12, v9;
	_ =	sdelay $0x1  }
0x277: {  	v9 =	vmul.f32 $5.000000000e-01, v9;
	_ =	sdelay $0x1  }
0x278: {  	v13 =	vld [tilespmem:s31+$0x4690];
	[tilespmem:s31+$0x4680] =	vst v9  }
0x279: {  	v14 =	vld [tilespmem:$0x14290];
	_ =	sdelay $0x4  }
0x27a: {  	v9 =	vadd.f32 v14, v13;
	_ =	sdelay $0x1  }
0x27b: {  	v9 =	vmul.f32 $5.000000000e-01, v9;
	_ =	sdelay $0x1  }
0x27c: {  	v15 =	vld [tilespmem:s31+$0x46A0];
	[tilespmem:s31+$0x4690] =	vst v9  }
0x27d: {  	v16 =	vld [tilespmem:$0x142A0];
	_ =	sdelay $0x3  }
0x27e: {  	(v2sf) =	vpush v8, $0x9  }
0x27f: {  	v9 =	vadd.f32 v16, v15;
	_ =	sdelay $0x1  }
0x280: {  	v9 =	vmul.f32 $5.000000000e-01, v9;
	_ =	sdelay $0x1  }
0x281: {  	v17 =	vld [tilespmem:s31+$0x46B0];
	[tilespmem:s31+$0x46A0] =	vst v9  }
0x282: {  	v18 =	vld [tilespmem:$0x142B0];
	_ =	sdelay $0x4  }
0x283: {  	v9 =	vadd.f32 v18, v17;
	_ =	sdelay $0x1  }
0x284: {  	v9 =	vmul.f32 $5.000000000e-01, v9;
	_ =	sdelay $0x1  }
0x285: {  	s24 =	spop (v2sf);
	[tilespmem:s31+$0x46B0] =	vst v9  }
0x286: {  	v9 =	vld [tilespmem:s24+$0x4680]  }
0x287: {  	v19 =	vld [tilespmem:$0x14300];
	_ =	sdelay $0x4  }
0x288: {  	v9 =	vadd.f32 v19, v9;
	_ =	sdelay $0x1  }
0x289: {  	v9 =	vmul.f32 $5.000000000e-01, v9;
	_ =	sdelay $0x1  }
0x28a: {  	v20 =	vld [tilespmem:s24+$0x4690];
	[tilespmem:s24+$0x4680] =	vst v9  }
0x28b: {  	v21 =	vld [tilespmem:$0x14310];
	_ =	sdelay $0x4  }
0x28c: {  	v9 =	vadd.f32 v21, v20;
	_ =	sdelay $0x1  }
0x28d: {  	v9 =	vmul.f32 $5.000000000e-01, v9;
	_ =	sdelay $0x1  }
0x28e: {  	v22 =	vld [tilespmem:s24+$0x46A0];
	[tilespmem:s24+$0x4690] =	vst v9  }
0x28f: {  	v23 =	vld [tilespmem:$0x14320];
	_ =	sdelay $0x3  }
0x290: {  	(v2sf) =	vpush v8, $0xA  }
0x291: {  	v9 =	vadd.f32 v23, v22;
	_ =	sdelay $0x1  }
0x292: {  	v9 =	vmul.f32 $5.000000000e-01, v9;
	_ =	sdelay $0x1  }
0x293: {  	v24 =	vld [tilespmem:s24+$0x46B0];
	[tilespmem:s24+$0x46A0] =	vst v9  }
0x294: {  	v25 =	vld [tilespmem:$0x14330];
	_ =	sdelay $0x4  }
0x295: {  	v9 =	vadd.f32 v25, v24;
	_ =	sdelay $0x1  }
0x296: {  	v9 =	vmul.f32 $5.000000000e-01, v9;
	_ =	sdelay $0x1  }
0x297: {  	s25 =	spop (v2sf);
	[tilespmem:s24+$0x46B0] =	vst v9  }
0x298: {  	v9 =	vld [tilespmem:s25+$0x4680]  }
0x299: {  	v26 =	vld [tilespmem:$0x14380];
	_ =	sdelay $0x4  }
0x29a: {  	v9 =	vadd.f32 v26, v9;
	_ =	sdelay $0x1  }
0x29b: {  	v9 =	vmul.f32 $5.000000000e-01, v9;
	_ =	sdelay $0x1  }
0x29c: {  	v27 =	vld [tilespmem:s25+$0x4690];
	[tilespmem:s25+$0x4680] =	vst v9  }
0x29d: {  	v28 =	vld [tilespmem:$0x14390];
	_ =	sdelay $0x4  }
0x29e: {  	v9 =	vadd.f32 v28, v27;
	_ =	sdelay $0x1  }
0x29f: {  	v9 =	vmul.f32 $5.000000000e-01, v9;
	_ =	sdelay $0x1  }
0x2a0: {  	v29 =	vld [tilespmem:s25+$0x46A0];
	[tilespmem:s25+$0x4690] =	vst v9  }
0x2a1: {  	v30 =	vld [tilespmem:$0x143A0];
	_ =	sdelay $0x3  }
0x2a2: {  	(v2sf) =	vpush v8, $0xB  }
0x2a3: {  	v9 =	vadd.f32 v30, v29;
	_ =	sdelay $0x1  }
0x2a4: {  	v9 =	vmul.f32 $5.000000000e-01, v9;
	_ =	sdelay $0x1  }
0x2a5: {  	v31 =	vld [tilespmem:s25+$0x46B0];
	[tilespmem:s25+$0x46A0] =	vst v9  }
0x2a6: {  	v32 =	vld [tilespmem:$0x143B0];
	_ =	sdelay $0x4  }
0x2a7: {  	v9 =	vadd.f32 v32, v31;
	_ =	sdelay $0x1  }
0x2a8: {  	v9 =	vmul.f32 $5.000000000e-01, v9;
	_ =	sdelay $0x1  }
0x2a9: {  	s26 =	spop (v2sf);
	[tilespmem:s25+$0x46B0] =	vst v9  }
0x2aa: {  	v9 =	vld [tilespmem:s26+$0x4680]  }
0x2ab: {  	v33 =	vld [tilespmem:$0x14400];
	_ =	sdelay $0x4  }
0x2ac: {  	v9 =	vadd.f32 v33, v9;
	_ =	sdelay $0x1  }
0x2ad: {  	v9 =	vmul.f32 $5.000000000e-01, v9;
	_ =	sdelay $0x1  }
0x2ae: {  	v34 =	vld [tilespmem:s26+$0x4690];
	[tilespmem:s26+$0x4680] =	vst v9  }
0x2af: {  	v35 =	vld [tilespmem:$0x14410];
	_ =	sdelay $0x4  }
0x2b0: {  	v9 =	vadd.f32 v35, v34;
	_ =	sdelay $0x1  }
0x2b1: {  	v9 =	vmul.f32 $5.000000000e-01, v9;
	_ =	sdelay $0x1  }
0x2b2: {  	v36 =	vld [tilespmem:s26+$0x46A0];
	[tilespmem:s26+$0x4690] =	vst v9  }
0x2b3: {  	v37 =	vld [tilespmem:$0x14420];
	_ =	sdelay $0x3  }
0x2b4: {  	(v2sf) =	vpush v8, $0xC  }
0x2b5: {  	v9 =	vadd.f32 v37, v36;
	_ =	sdelay $0x1  }
0x2b6: {  	v9 =	vmul.f32 $5.000000000e-01, v9;
	_ =	sdelay $0x1  }
0x2b7: {  	v38 =	vld [tilespmem:s26+$0x46B0];
	[tilespmem:s26+$0x46A0] =	vst v9  }
0x2b8: {  	v39 =	vld [tilespmem:$0x14430];
	_ =	sdelay $0x4  }
0x2b9: {  	v9 =	vadd.f32 v39, v38;
	_ =	sdelay $0x1  }
0x2ba: {  	v9 =	vmul.f32 $5.000000000e-01, v9;
	_ =	sdelay $0x1  }
0x2bb: {  	s28 =	spop (v2sf);
	[tilespmem:s26+$0x46B0] =	vst v9  }
0x2bc: {  	v9 =	vld [tilespmem:s28+$0x4680]  }
0x2bd: {  	v40 =	vld [tilespmem:$0x14480];
	_ =	sdelay $0x4  }
0x2be: {  	v9 =	vadd.f32 v40, v9;
	_ =	sdelay $0x1  }
0x2bf: {  	v9 =	vmul.f32 $5.000000000e-01, v9;
	_ =	sdelay $0x1  }
0x2c0: {  	v41 =	vld [tilespmem:s28+$0x4690];
	[tilespmem:s28+$0x4680] =	vst v9  }
0x2c1: {  	v42 =	vld [tilespmem:$0x14490];
	_ =	sdelay $0x4  }
0x2c2: {  	v9 =	vadd.f32 v42, v41;
	_ =	sdelay $0x1  }
0x2c3: {  	v9 =	vmul.f32 $5.000000000e-01, v9;
	_ =	sdelay $0x1  }
0x2c4: {  	v43 =	vld [tilespmem:s28+$0x46A0];
	[tilespmem:s28+$0x4690] =	vst v9  }
0x2c5: {  	v44 =	vld [tilespmem:$0x144A0];
	_ =	sdelay $0x3  }
0x2c6: {  	(v2sf) =	vpush v8, $0xD  }
0x2c7: {  	v9 =	vadd.f32 v44, v43;
	_ =	sdelay $0x1  }
0x2c8: {  	v9 =	vmul.f32 $5.000000000e-01, v9;
	_ =	sdelay $0x1  }
0x2c9: {  	v45 =	vld [tilespmem:s28+$0x46B0];
	[tilespmem:s28+$0x46A0] =	vst v9  }
0x2ca: {  	v46 =	vld [tilespmem:$0x144B0];
	_ =	sdelay $0x4  }
0x2cb: {  	v9 =	vadd.f32 v46, v45;
	_ =	sdelay $0x1  }
0x2cc: {  	v9 =	vmul.f32 $5.000000000e-01, v9;
	_ =	sdelay $0x1  }
0x2cd: {  	s29 =	spop (v2sf);
	[tilespmem:s28+$0x46B0] =	vst v9  }
0x2ce: {  	v9 =	vld [tilespmem:s29+$0x4680]  }
0x2cf: {  	v47 =	vld [tilespmem:$0x14500];
	_ =	sdelay $0x4  }
0x2d0: {  	v9 =	vadd.f32 v47, v9;
	_ =	sdelay $0x1  }
0x2d1: {  	v9 =	vmul.f32 $5.000000000e-01, v9;
	_ =	sdelay $0x1  }
0x2d2: {  	v48 =	vld [tilespmem:s29+$0x4690];
	[tilespmem:s29+$0x4680] =	vst v9  }
0x2d3: {  	v49 =	vld [tilespmem:$0x14510];
	_ =	sdelay $0x4  }
0x2d4: {  	v9 =	vadd.f32 v49, v48;
	_ =	sdelay $0x1  }
0x2d5: {  	v9 =	vmul.f32 $5.000000000e-01, v9;
	_ =	sdelay $0x1  }
0x2d6: {  	v50 =	vld [tilespmem:s29+$0x46A0];
	[tilespmem:s29+$0x4690] =	vst v9  }
0x2d7: {  	v51 =	vld [tilespmem:$0x14520];
	_ =	sdelay $0x3  }
0x2d8: {  	(v2sf) =	vpush v8, $0xE  }
0x2d9: {  	v9 =	vadd.f32 v51, v50;
	_ =	sdelay $0x1  }
0x2da: {  	v9 =	vmul.f32 $5.000000000e-01, v9;
	_ =	sdelay $0x1  }
0x2db: {  	v52 =	vld [tilespmem:s29+$0x46B0];
	[tilespmem:s29+$0x46A0] =	vst v9  }
0x2dc: {  	v53 =	vld [tilespmem:$0x14530];
	_ =	sdelay $0x4  }
0x2dd: {  	v9 =	vadd.f32 v53, v52;
	_ =	sdelay $0x1  }
0x2de: {  	v9 =	vmul.f32 $5.000000000e-01, v9;
	_ =	sdelay $0x1  }
0x2df: {  	s30 =	spop (v2sf);
	[tilespmem:s29+$0x46B0] =	vst v9  }
0x2e0: {  	v9 =	vld [tilespmem:s30+$0x4680]  }
0x2e1: {  	v54 =	vld [tilespmem:$0x14580];
	_ =	sdelay $0x4  }
0x2e2: {  	v9 =	vadd.f32 v54, v9;
	_ =	sdelay $0x1  }
0x2e3: {  	v9 =	vmul.f32 $5.000000000e-01, v9;
	_ =	sdelay $0x1  }
0x2e4: {  	v55 =	vld [tilespmem:s30+$0x4690];
	[tilespmem:s30+$0x4680] =	vst v9  }
0x2e5: {  	v56 =	vld [tilespmem:$0x14590];
	_ =	sdelay $0x4  }
0x2e6: {  	v9 =	vadd.f32 v56, v55;
	_ =	sdelay $0x1  }
0x2e7: {  	v9 =	vmul.f32 $5.000000000e-01, v9;
	_ =	sdelay $0x1  }
0x2e8: {  	v57 =	vld [tilespmem:s30+$0x46A0];
	[tilespmem:s30+$0x4690] =	vst v9  }
0x2e9: {  	v58 =	vld [tilespmem:$0x145A0];
	_ =	sdelay $0x3  }
0x2ea: {  	(v2sf) =	vpush v8, $0xF  }
0x2eb: {  	v8 =	vadd.f32 v58, v57;
	_ =	sdelay $0x1  }
0x2ec: {  	v8 =	vmul.f32 $5.000000000e-01, v8;
	_ =	sdelay $0x1  }
0x2ed: {  	[tilespmem:s30+$0x46A0] =	vst v8;
	v8 =	vld [tilespmem:s30+$0x46B0]  }
0x2ee: {  	v59 =	vld [tilespmem:$0x145B0];
	_ =	sdelay $0x4  }
0x2ef: {  	v8 =	vadd.f32 v59, v8;
	_ =	sdelay $0x1  }
0x2f0: {  	v8 =	vmul.f32 $5.000000000e-01, v8;
	_ =	sdelay $0x1  }
0x2f1: {  	s31 =	spop (v2sf);
	[tilespmem:s30+$0x46B0] =	vst v8  }
0x2f2: {  	v8 =	vld [tilespmem:s31+$0x4680]  }
0x2f3: {  	v60 =	vld [tilespmem:$0x14600];
	_ =	sdelay $0x4  }
0x2f4: {  	v8 =	vadd.f32 v60, v8;
	_ =	sdelay $0x1  }
0x2f5: {  	v8 =	vmul.f32 $5.000000000e-01, v8;
	_ =	sdelay $0x1  }
0x2f6: {  	[tilespmem:s31+$0x4680] =	vst v8;
	v8 =	vld [tilespmem:s31+$0x4690]  }
0x2f7: {  	v61 =	vld [tilespmem:$0x14610];
	_ =	sdelay $0x4  }
0x2f8: {  	v8 =	vadd.f32 v61, v8;
	_ =	sdelay $0x1  }
0x2f9: {  	v8 =	vmul.f32 $5.000000000e-01, v8;
	_ =	sdelay $0x1  }
0x2fa: {  	[tilespmem:s31+$0x4690] =	vst v8;
	v8 =	vld [tilespmem:s31+$0x46A0]  }
0x2fb: {  	v62 =	vld [tilespmem:$0x14620];
	_ =	sdelay $0x4  }
0x2fc: {  	v8 =	vadd.f32 v62, v8;
	_ =	sdelay $0x1  }
0x2fd: {  	v8 =	vmul.f32 $5.000000000e-01, v8;
	_ =	sdelay $0x1  }
0x2fe: {  	[tilespmem:s31+$0x46A0] =	vst v8;
	v8 =	vld [tilespmem:s31+$0x46B0]  }
0x2ff: {  	v63 =	vld [tilespmem:$0x14630];
	_ =	sdelay $0x3  }
0x300: {  	p1 =	sne.s32 s20, $0x1  }
.Ltmp14:
0x301: {  	v8 =	vadd.f32 v63, v8;
	(pc) =	sbr.rel @p1 .LBB2_19-.Ltmp14, $3  }
0x302: {  	_ = 	snop  }
0x303: {  	v8 =	vmul.f32 $5.000000000e-01, v8;
	_ =	sdelay $0x1  }
0x304: {  	s22 =	sadd.s32 $0x10, s22;
	s20 =	sadd.s32 $0xFFFFFFFF, s20;
	s21 =	sadd.s32 $0x10, s21;
	[tilespmem:s31+$0x46B0] =	vst v8  }
.Ltmp15:
0x305: {  	_ = 	snop;
	(pc) =	sbr.rel .LBB2_20-.Ltmp15, $1  }
0x306: {  	_ =	sdelay $0x3  }
.LBB2_22:
0x307: {  	_ =	sfence.sel $0x180000  }
0x308: {  	[bflag:$0x0] =	sbarrier.arrive $0xFFFF  }
0x309: {  	p0 =	sne.s32 s3, $0x0;
	_ =	strace $0x90000047  }
0x30a: {  	s0 =	sadd.s32 @!p0 $0x100000, s0;
	[bflag:$0x2] =	sbarrier.arrive $0xFFFF  }
0x30b: {  	[sflag:s0] =	ssyncadd.tile.s32 @!p0 $0x1;
	_ =	shalt  }
.Lfunc_end2:
_tile_overlayer_lowered:
.L_overlay_start_2:
0x30c: {  	(tag) =	ssettag $0x2  }
0x30d: {  	s0 =	rddreg [dreg:$0x0];
	s2 =	stileid.u32  }
0x30e: {  	s1 =	rddreg [dreg:$0x1];
	p0 =	sne.s32 s2, $0x0  }
0x30f: {  	s3 =	rddreg [dreg:$0x2];
	[bflag:$0x3] =	sbarrier.arrive $0xFFFF;
	s2 =	simm.s32 @!p0 $0x1C04  }
0x310: {  	[timem:s3], [sflag:s2] =	dma.local @!p0 [hbm:s0], s1  }
0x311: {  	s0 =	simm.s32 @!p0 $0x4  }
0x312: {  	_ =	swait.ge @!p0 [sflag:s0], s1  }
0x313: {  	s1 =	ssub.s32 @!p0 $0x0, s1;
	[sflag:s0] =	ssyncset.done @!p0 $0x0  }
0x314: {  	[sflag:s0] =	ssyncadd.s32 @!p0 s1  }
0x315: {  	[bflag:$0x3] =	sbarrier.arrive $0xFFFF  }
0x316: {  	_ =	shalt  }

</sc_bundles>
